<compile_context>
chip_gen: v7x
topology: tpu7x:2x2x1
jax: 0.10.2.dev20260603
libtpu: 0.0.44.dev20260713+nightly
codegen_flags: <defaults>
</compile_context>

<pallas_src>
import functools

import jax
import jax.numpy as jnp
from jax import lax
from jax.experimental import pallas as pl
from jax.experimental.pallas import tpu as pltpu
from jax.experimental.pallas import tpu_sc as plsc

_CHUNK = 64
_NBUF = 4


@jax.jit
def _gather_rows(idx, table3):
    C, V, D = table3.shape
    B = idx.shape[0]

    info = plsc.get_sparse_core_info()
    num_workers = info.num_cores * info.num_subcores
    b_per_w = B // num_workers
    n_chunks = b_per_w // _CHUNK

    mesh = plsc.VectorSubcoreMesh(core_axis_name="c", subcore_axis_name="s")

    @functools.partial(
        pl.kernel,
        mesh=mesh,
        out_type=jax.ShapeDtypeStruct((C, B, D), jnp.float32),
        scratch_types=[
            pltpu.VMEM((b_per_w,), jnp.int32),
            pltpu.VMEM((_NBUF, _CHUNK, D), jnp.float32),
            pltpu.VMEM_SHARED((info.num_subcores, 2, _CHUNK, D), jnp.float32),
            pltpu.SemaphoreType.DMA,
            pltpu.SemaphoreType.DMA,
        ],
    )
    def k(idx_hbm, table_hbm, out_hbm, idx_v, rows_v, stage_sh, gsem, ssem):
        sid = lax.axis_index("s")
        wid = sid * info.num_cores + lax.axis_index("c")
        base = wid * b_per_w
        pltpu.sync_copy(idx_hbm.at[pl.ds(base, b_per_w)], idx_v)

        tasks = [(p, g) for p in range(C) for g in range(n_chunks)]
        T = len(tasks)

        def gather(t):
            p, g = tasks[t]
            return pltpu.async_copy(
                table_hbm.at[p].at[idx_v.at[pl.ds(g * _CHUNK, _CHUNK)]],
                rows_v.at[t % _NBUF],
                gsem,
            )

        gathers = {t: gather(t) for t in range(_NBUF - 1)}
        stores = {}
        for t in range(T):
            gathers[t].wait()
            if t - 2 >= 0:
                stores[t - 2].wait()
            pltpu.sync_copy(rows_v.at[t % _NBUF], stage_sh.at[sid, t % 2])
            if t + _NBUF - 1 < T:
                gathers[t + _NBUF - 1] = gather(t + _NBUF - 1)
            p, g = tasks[t]
            stores[t] = pltpu.async_copy(
                stage_sh.at[sid, t % 2],
                out_hbm.at[p].at[pl.ds(base + g * _CHUNK, _CHUNK)],
                ssem,
            )
        stores[T - 2].wait()
        stores[T - 1].wait()

    return k(idx, table3)


def kernel(class_number, multi_vector_embedding):
    table3 = jnp.transpose(multi_vector_embedding, (2, 0, 1))
    out3 = _gather_rows(class_number.astype(jnp.int32), table3)
    return jnp.transpose(out3, (1, 2, 0))

# --- scband reference (transcript-rebuilt; emitter-appended) ---
"""Pipeline reference for scband-multi-vector-embedding-88399016886555 (READ-ONLY COPY).

The authoritative reference and input builder live on the scoring server;
editing this copy changes nothing except your own understanding.
"""

import jax, jax.numpy as jnp
import numpy as np

NUM_CLASSES = 100000
NUM_LATENT_POINTS = 256
BATCH = 16384


def setup_inputs(seed: int = 0) -> dict:
    key = jax.random.key(seed)
    k_idx, k_tbl = jax.random.split(key)
    class_number = jax.random.randint(k_idx, (BATCH,), 0, NUM_CLASSES, dtype=jnp.int64 if jax.config.jax_enable_x64 else jnp.int32)
    # learned parameter: multi_vector_embedding, init uniform(-1, 1) per nn.init.uniform_
    multi_vector_embedding = jax.random.uniform(
        k_tbl, (NUM_CLASSES, NUM_LATENT_POINTS, 3), dtype=jnp.float32, minval=-1.0, maxval=1.0
    )
    return {"class_number": class_number, "multi_vector_embedding": multi_vector_embedding}


def reference(class_number, multi_vector_embedding):
    # forward: self.multi_vector_embedding[class_number]
    return jnp.take(multi_vector_embedding, class_number, axis=0)

if __name__ == "__main__":
    import jax
    _d = setup_inputs()
    print(jax.jit(kernel)(*tuple(_d.values())))

</pallas_src>

<mosaic_0001>
#map = affine_map<(d0, d1) -> (0)>
#map1 = affine_map<(d0, d1) -> (0, 0, 0)>
module attributes {stable_mosaic.version = 14 : i64} {
  func.func @k(%arg0: i32, %arg1: i32, %arg2: memref<16384xi32, #tpu.memory_space<hbm>>, %arg3: memref<3x100000x256xf32, #tpu.memory_space<hbm>>, %arg4: memref<3x16384x256xf32, #tpu.memory_space<hbm>>, %arg5: memref<512xi32, #tpu.memory_space<vmem>>, %arg6: memref<4x64x256xf32, #tpu.memory_space<vmem>>, %arg7: memref<16x2x64x256xf32, #tpu.memory_space<vmem_shared>>, %arg8: memref<!tpu.dma_semaphore, #tpu.memory_space<semaphore_mem>>, %arg9: memref<!tpu.dma_semaphore, #tpu.memory_space<semaphore_mem>>) attributes {dimension_semantics = [#tpu.dimension_semantics<core_parallel>, #tpu.dimension_semantics<subcore_parallel>], iteration_bounds = array<i64: 2, 16>, scalar_prefetch = 0 : i64, scratch_operands = 5 : i64, tpu.core_type = #tpu.core_type<sc_vector_subcore>, window_params = [{transform_indices = #map}, {transform_indices = #map1}, {transform_indices = #map1}]} {
    %mul3A = arith.constant 2 : i32
    %mul3A_0 = arith.muli %arg1, %mul3A : i32
    %add3A = arith.addi %mul3A_0, %arg0 : i32
    %mul3A_1 = arith.constant 512 : i32
    %mul3A_2 = arith.muli %add3A, %mul3A_1 : i32
    "tpu.region"() ({
      %run_scoped3A_1392 = tpu.sem_alloc : memref<!tpu.dma_semaphore, #tpu.memory_space<semaphore_mem>>
      %dma_start3A_1393 = tpu.memref_slice %arg2[%mul3A_2] : memref<16384xi32, #tpu.memory_space<hbm>> -> memref<512xi32, #tpu.memory_space<hbm>>
      %dma_start3A_1394 = tpu.memref_slice %arg2[%mul3A_2] : memref<16384xi32, #tpu.memory_space<hbm>> -> memref<512xi32, #tpu.memory_space<hbm>>
      tpu.enqueue_dma source(%dma_start3A_1394 : memref<512xi32, #tpu.memory_space<hbm>>) target(%arg5 : memref<512xi32, #tpu.memory_space<vmem>>) target_semaphore(%run_scoped3A_1392 : memref<!tpu.dma_semaphore, #tpu.memory_space<semaphore_mem>>)
      %dma_wait3A_1395 = tpu.memref_slice %arg2[%mul3A_2] : memref<16384xi32, #tpu.memory_space<hbm>> -> memref<512xi32, #tpu.memory_space<hbm>>
      %dma_wait3A_1396 = tpu.memref_slice %arg2[%mul3A_2] : memref<16384xi32, #tpu.memory_space<hbm>> -> memref<512xi32, #tpu.memory_space<hbm>>
      tpu.wait_dma2 semaphore(%run_scoped3A_1392 : memref<!tpu.dma_semaphore, #tpu.memory_space<semaphore_mem>>) src(%dma_wait3A_1396 : memref<512xi32, #tpu.memory_space<hbm>>) dst(%arg5 : memref<512xi32, #tpu.memory_space<vmem>>)
      tpu.yield
    }) : () -> ()
    %dma_start3A = arith.constant 0 : i32
    %dma_start3A_3 = arith.constant 0 : i32
    %dma_start3A_4 = arith.constant 0 : i32
    %dma_start3A_5 = arith.constant 0 : i32
    %dma_start3A_6 = tpu.memref_slice %arg6[%dma_start3A_3, %dma_start3A_4, %dma_start3A_5] : memref<4x64x256xf32, #tpu.memory_space<vmem>> -> memref<1x64x256xf32, #tpu.memory_space<vmem>>
    %dma_start3A_7 = tpu.memref_squeeze %dma_start3A_6 : memref<1x64x256xf32, #tpu.memory_space<vmem>> -> memref<64x256xf32, #tpu.memory_space<vmem>>
    %dma_start3A_8 = arith.constant 0 : i32
    %dma_start3A_9 = tpu.memref_slice %arg5[%dma_start3A_8] : memref<512xi32, #tpu.memory_space<vmem>> -> memref<64xi32, #tpu.memory_space<vmem>>
    %dma_start3A_10 = arith.constant 0 : i32
    %dma_start3A_11 = arith.constant 0 : i32
    %dma_start3A_12 = tpu.memref_slice %arg3[%dma_start3A, %dma_start3A_10, %dma_start3A_11] : memref<3x100000x256xf32, #tpu.memory_space<hbm>> -> memref<1x100000x256xf32, #tpu.memory_space<hbm>>
    %dma_start3A_13 = tpu.memref_squeeze %dma_start3A_12 : memref<1x100000x256xf32, #tpu.memory_space<hbm>> -> memref<100000x256xf32, #tpu.memory_space<hbm>>
    %dma_start3A_14 = arith.constant 0 : i32
    %dma_start3A_15 = arith.constant 0 : i32
    %dma_start3A_16 = tpu.memref_slice %dma_start3A_13[%dma_start3A_14, %dma_start3A_15] : memref<100000x256xf32, #tpu.memory_space<hbm>> -> memref<100000x256xf32, #tpu.memory_space<hbm>>
    tpu.enqueue_indirect_dma source(%dma_start3A_16 : memref<100000x256xf32, #tpu.memory_space<hbm>>) target(%dma_start3A_7 : memref<64x256xf32, #tpu.memory_space<vmem>>) offsets(%dma_start3A_9 : memref<64xi32, #tpu.memory_space<vmem>>) semaphore(%arg8 : memref<!tpu.dma_semaphore, #tpu.memory_space<semaphore_mem>>)
    %dma_start3A_17 = arith.constant 0 : i32
    %dma_start3A_18 = arith.constant 1 : i32
    %dma_start3A_19 = arith.constant 0 : i32
    %dma_start3A_20 = arith.constant 0 : i32
    %dma_start3A_21 = tpu.memref_slice %arg6[%dma_start3A_18, %dma_start3A_19, %dma_start3A_20] : memref<4x64x256xf32, #tpu.memory_space<vmem>> -> memref<1x64x256xf32, #tpu.memory_space<vmem>>
    %dma_start3A_22 = tpu.memref_squeeze %dma_start3A_21 : memref<1x64x256xf32, #tpu.memory_space<vmem>> -> memref<64x256xf32, #tpu.memory_space<vmem>>
    %dma_start3A_23 = arith.constant 64 : i32
    %dma_start3A_24 = tpu.memref_slice %arg5[%dma_start3A_23] : memref<512xi32, #tpu.memory_space<vmem>> -> memref<64xi32, #tpu.memory_space<vmem>>
    %dma_start3A_25 = arith.constant 0 : i32
    %dma_start3A_26 = arith.constant 0 : i32
    %dma_start3A_27 = tpu.memref_slice %arg3[%dma_start3A_17, %dma_start3A_25, %dma_start3A_26] : memref<3x100000x256xf32, #tpu.memory_space<hbm>> -> memref<1x100000x256xf32, #tpu.memory_space<hbm>>
    %dma_start3A_28 = tpu.memref_squeeze %dma_start3A_27 : memref<1x100000x256xf32, #tpu.memory_space<hbm>> -> memref<100000x256xf32, #tpu.memory_space<hbm>>
    %dma_start3A_29 = arith.constant 0 : i32
    %dma_start3A_30 = arith.constant 0 : i32
    %dma_start3A_31 = tpu.memref_slice %dma_start3A_28[%dma_start3A_29, %dma_start3A_30] : memref<100000x256xf32, #tpu.memory_space<hbm>> -> memref<100000x256xf32, #tpu.memory_space<hbm>>
    tpu.enqueue_indirect_dma source(%dma_start3A_31 : memref<100000x256xf32, #tpu.memory_space<hbm>>) target(%dma_start3A_22 : memref<64x256xf32, #tpu.memory_space<vmem>>) offsets(%dma_start3A_24 : memref<64xi32, #tpu.memory_space<vmem>>) semaphore(%arg8 : memref<!tpu.dma_semaphore, #tpu.memory_space<semaphore_mem>>)
    %dma_start3A_32 = arith.constant 0 : i32
    %dma_start3A_33 = arith.constant 2 : i32
    %dma_start3A_34 = arith.constant 0 : i32
    %dma_start3A_35 = arith.constant 0 : i32
    %dma_start3A_36 = tpu.memref_slice %arg6[%dma_start3A_33, %dma_start3A_34, %dma_start3A_35] : memref<4x64x256xf32, #tpu.memory_space<vmem>> -> memref<1x64x256xf32, #tpu.memory_space<vmem>>
    %dma_start3A_37 = tpu.memref_squeeze %dma_start3A_36 : memref<1x64x256xf32, #tpu.memory_space<vmem>> -> memref<64x256xf32, #tpu.memory_space<vmem>>
    %dma_start3A_38 = arith.constant 128 : i32
    %dma_start3A_39 = tpu.memref_slice %arg5[%dma_start3A_38] : memref<512xi32, #tpu.memory_space<vmem>> -> memref<64xi32, #tpu.memory_space<vmem>>
    %dma_start3A_40 = arith.constant 0 : i32
    %dma_start3A_41 = arith.constant 0 : i32
    %dma_start3A_42 = tpu.memref_slice %arg3[%dma_start3A_32, %dma_start3A_40, %dma_start3A_41] : memref<3x100000x256xf32, #tpu.memory_space<hbm>> -> memref<1x100000x256xf32, #tpu.memory_space<hbm>>
    %dma_start3A_43 = tpu.memref_squeeze %dma_start3A_42 : memref<1x100000x256xf32, #tpu.memory_space<hbm>> -> memref<100000x256xf32, #tpu.memory_space<hbm>>
    %dma_start3A_44 = arith.constant 0 : i32
    %dma_start3A_45 = arith.constant 0 : i32
    %dma_start3A_46 = tpu.memref_slice %dma_start3A_43[%dma_start3A_44, %dma_start3A_45] : memref<100000x256xf32, #tpu.memory_space<hbm>> -> memref<100000x256xf32, #tpu.memory_space<hbm>>
    tpu.enqueue_indirect_dma source(%dma_start3A_46 : memref<100000x256xf32, #tpu.memory_space<hbm>>) target(%dma_start3A_37 : memref<64x256xf32, #tpu.memory_space<vmem>>) offsets(%dma_start3A_39 : memref<64xi32, #tpu.memory_space<vmem>>) semaphore(%arg8 : memref<!tpu.dma_semaphore, #tpu.memory_space<semaphore_mem>>)
    %dma_wait3A = arith.constant 0 : i32
    %dma_wait3A_47 = arith.constant 0 : i32
    %dma_wait3A_48 = arith.constant 0 : i32
    %dma_wait3A_49 = arith.constant 0 : i32
    %dma_wait3A_50 = tpu.memref_slice %arg6[%dma_wait3A_47, %dma_wait3A_48, %dma_wait3A_49] : memref<4x64x256xf32, #tpu.memory_space<vmem>> -> memref<1x64x256xf32, #tpu.memory_space<vmem>>
    %dma_wait3A_51 = tpu.memref_squeeze %dma_wait3A_50 : memref<1x64x256xf32, #tpu.memory_space<vmem>> -> memref<64x256xf32, #tpu.memory_space<vmem>>
    %dma_wait3A_52 = arith.constant 0 : i32
    %dma_wait3A_53 = tpu.memref_slice %arg5[%dma_wait3A_52] : memref<512xi32, #tpu.memory_space<vmem>> -> memref<64xi32, #tpu.memory_space<vmem>>
    %dma_wait3A_54 = arith.constant 0 : i32
    %dma_wait3A_55 = arith.constant 0 : i32
    %dma_wait3A_56 = tpu.memref_slice %arg3[%dma_wait3A, %dma_wait3A_54, %dma_wait3A_55] : memref<3x100000x256xf32, #tpu.memory_space<hbm>> -> memref<1x100000x256xf32, #tpu.memory_space<hbm>>
    %dma_wait3A_57 = tpu.memref_squeeze %dma_wait3A_56 : memref<1x100000x256xf32, #tpu.memory_space<hbm>> -> memref<100000x256xf32, #tpu.memory_space<hbm>>
    %dma_wait3A_58 = arith.constant 0 : i32
    %dma_wait3A_59 = arith.constant 0 : i32
    %dma_wait3A_60 = tpu.memref_slice %dma_wait3A_57[%dma_wait3A_58, %dma_wait3A_59] : memref<100000x256xf32, #tpu.memory_space<hbm>> -> memref<100000x256xf32, #tpu.memory_space<hbm>>
    tpu.wait_indirect_dma semaphore(%arg8 : memref<!tpu.dma_semaphore, #tpu.memory_space<semaphore_mem>>) src(%dma_wait3A_60 : memref<100000x256xf32, #tpu.memory_space<hbm>>) dst(%dma_wait3A_51 : memref<64x256xf32, #tpu.memory_space<vmem>>)
    %run_scoped3A = arith.constant 0 : i32
    %run_scoped3A_61 = arith.constant 0 : i32
    "tpu.region"() ({
      %run_scoped3A_1392 = tpu.sem_alloc : memref<!tpu.dma_semaphore, #tpu.memory_space<semaphore_mem>>
      %dma_start3A_1393 = arith.constant 0 : i32
      %dma_start3A_1394 = arith.constant 0 : i32
      %dma_start3A_1395 = tpu.memref_slice %arg6[%run_scoped3A, %dma_start3A_1393, %dma_start3A_1394] : memref<4x64x256xf32, #tpu.memory_space<vmem>> -> memref<1x64x256xf32, #tpu.memory_space<vmem>>
      %dma_start3A_1396 = tpu.memref_squeeze %dma_start3A_1395 : memref<1x64x256xf32, #tpu.memory_space<vmem>> -> memref<64x256xf32, #tpu.memory_space<vmem>>
      %dma_start3A_1397 = arith.constant 0 : i32
      %dma_start3A_1398 = arith.constant 0 : i32
      %dma_start3A_1399 = tpu.memref_slice %arg7[%arg1, %run_scoped3A_61, %dma_start3A_1397, %dma_start3A_1398] : memref<16x2x64x256xf32, #tpu.memory_space<vmem_shared>> -> memref<1x1x64x256xf32, #tpu.memory_space<vmem_shared>>
      %dma_start3A_1400 = tpu.memref_squeeze %dma_start3A_1399 : memref<1x1x64x256xf32, #tpu.memory_space<vmem_shared>> -> memref<64x256xf32, #tpu.memory_space<vmem_shared>>
      %dma_start3A_1401 = arith.constant 0 : i32
      %dma_start3A_1402 = arith.constant 0 : i32
      %dma_start3A_1403 = tpu.memref_slice %arg7[%arg1, %run_scoped3A_61, %dma_start3A_1401, %dma_start3A_1402] : memref<16x2x64x256xf32, #tpu.memory_space<vmem_shared>> -> memref<1x1x64x256xf32, #tpu.memory_space<vmem_shared>>
      %dma_start3A_1404 = tpu.memref_squeeze %dma_start3A_1403 : memref<1x1x64x256xf32, #tpu.memory_space<vmem_shared>> -> memref<64x256xf32, #tpu.memory_space<vmem_shared>>
      %dma_start3A_1405 = arith.constant 0 : i32
      %dma_start3A_1406 = arith.constant 0 : i32
      %dma_start3A_1407 = tpu.memref_slice %arg6[%run_scoped3A, %dma_start3A_1405, %dma_start3A_1406] : memref<4x64x256xf32, #tpu.memory_space<vmem>> -> memref<1x64x256xf32, #tpu.memory_space<vmem>>
      %dma_start3A_1408 = tpu.memref_squeeze %dma_start3A_1407 : memref<1x64x256xf32, #tpu.memory_space<vmem>> -> memref<64x256xf32, #tpu.memory_space<vmem>>
      tpu.enqueue_dma source(%dma_start3A_1408 : memref<64x256xf32, #tpu.memory_space<vmem>>) target(%dma_start3A_1404 : memref<64x256xf32, #tpu.memory_space<vmem_shared>>) target_semaphore(%run_scoped3A_1392 : memref<!tpu.dma_semaphore, #tpu.memory_space<semaphore_mem>>)
      %dma_wait3A_1409 = arith.constant 0 : i32
      %dma_wait3A_1410 = arith.constant 0 : i32
      %dma_wait3A_1411 = tpu.memref_slice %arg6[%run_scoped3A, %dma_wait3A_1409, %dma_wait3A_1410] : memref<4x64x256xf32, #tpu.memory_space<vmem>> -> memref<1x64x256xf32, #tpu.memory_space<vmem>>
      %dma_wait3A_1412 = tpu.memref_squeeze %dma_wait3A_1411 : memref<1x64x256xf32, #tpu.memory_space<vmem>> -> memref<64x256xf32, #tpu.memory_space<vmem>>
      %dma_wait3A_1413 = arith.constant 0 : i32
      %dma_wait3A_1414 = arith.constant 0 : i32
      %dma_wait3A_1415 = tpu.memref_slice %arg7[%arg1, %run_scoped3A_61, %dma_wait3A_1413, %dma_wait3A_1414] : memref<16x2x64x256xf32, #tpu.memory_space<vmem_shared>> -> memref<1x1x64x256xf32, #tpu.memory_space<vmem_shared>>
      %dma_wait3A_1416 = tpu.memref_squeeze %dma_wait3A_1415 : memref<1x1x64x256xf32, #tpu.memory_space<vmem_shared>> -> memref<64x256xf32, #tpu.memory_space<vmem_shared>>
      %dma_wait3A_1417 = arith.constant 0 : i32
      %dma_wait3A_1418 = arith.constant 0 : i32
      %dma_wait3A_1419 = tpu.memref_slice %arg7[%arg1, %run_scoped3A_61, %dma_wait3A_1417, %dma_wait3A_1418] : memref<16x2x64x256xf32, #tpu.memory_space<vmem_shared>> -> memref<1x1x64x256xf32, #tpu.memory_space<vmem_shared>>
      %dma_wait3A_1420 = tpu.memref_squeeze %dma_wait3A_1419 : memref<1x1x64x256xf32, #tpu.memory_space<vmem_shared>> -> memref<64x256xf32, #tpu.memory_space<vmem_shared>>
      %dma_wait3A_1421 = arith.constant 0 : i32
      %dma_wait3A_1422 = arith.constant 0 : i32
      %dma_wait3A_1423 = tpu.memref_slice %arg6[%run_scoped3A, %dma_wait3A_1421, %dma_wait3A_1422] : memref<4x64x256xf32, #tpu.memory_space<vmem>> -> memref<1x64x256xf32, #tpu.memory_space<vmem>>
      %dma_wait3A_1424 = tpu.memref_squeeze %dma_wait3A_1423 : memref<1x64x256xf32, #tpu.memory_space<vmem>> -> memref<64x256xf32, #tpu.memory_space<vmem>>
      tpu.wait_dma2 semaphore(%run_scoped3A_1392 : memref<!tpu.dma_semaphore, #tpu.memory_space<semaphore_mem>>) src(%dma_wait3A_1424 : memref<64x256xf32, #tpu.memory_space<vmem>>) dst(%dma_wait3A_1420 : memref<64x256xf32, #tpu.memory_space<vmem_shared>>)
      tpu.yield
    }) : () -> ()
    %dma_start3A_62 = arith.constant 0 : i32
    %dma_start3A_63 = arith.constant 3 : i32
    %dma_start3A_64 = arith.constant 0 : i32
    %dma_start3A_65 = arith.constant 0 : i32
    %dma_start3A_66 = tpu.memref_slice %arg6[%dma_start3A_63, %dma_start3A_64, %dma_start3A_65] : memref<4x64x256xf32, #tpu.memory_space<vmem>> -> memref<1x64x256xf32, #tpu.memory_space<vmem>>
    %dma_start3A_67 = tpu.memref_squeeze %dma_start3A_66 : memref<1x64x256xf32, #tpu.memory_space<vmem>> -> memref<64x256xf32, #tpu.memory_space<vmem>>
    %dma_start3A_68 = arith.constant 192 : i32
    %dma_start3A_69 = tpu.memref_slice %arg5[%dma_start3A_68] : memref<512xi32, #tpu.memory_space<vmem>> -> memref<64xi32, #tpu.memory_space<vmem>>
    %dma_start3A_70 = arith.constant 0 : i32
    %dma_start3A_71 = arith.constant 0 : i32
    %dma_start3A_72 = tpu.memref_slice %arg3[%dma_start3A_62, %dma_start3A_70, %dma_start3A_71] : memref<3x100000x256xf32, #tpu.memory_space<hbm>> -> memref<1x100000x256xf32, #tpu.memory_space<hbm>>
    %dma_start3A_73 = tpu.memref_squeeze %dma_start3A_72 : memref<1x100000x256xf32, #tpu.memory_space<hbm>> -> memref<100000x256xf32, #tpu.memory_space<hbm>>
    %dma_start3A_74 = arith.constant 0 : i32
    %dma_start3A_75 = arith.constant 0 : i32
    %dma_start3A_76 = tpu.memref_slice %dma_start3A_73[%dma_start3A_74, %dma_start3A_75] : memref<100000x256xf32, #tpu.memory_space<hbm>> -> memref<100000x256xf32, #tpu.memory_space<hbm>>
    tpu.enqueue_indirect_dma source(%dma_start3A_76 : memref<100000x256xf32, #tpu.memory_space<hbm>>) target(%dma_start3A_67 : memref<64x256xf32, #tpu.memory_space<vmem>>) offsets(%dma_start3A_69 : memref<64xi32, #tpu.memory_space<vmem>>) semaphore(%arg8 : memref<!tpu.dma_semaphore, #tpu.memory_space<semaphore_mem>>)
    %add3A_77 = arith.constant 0 : i32
    %add3A_78 = arith.addi %mul3A_2, %add3A_77 : i32
    %dma_start3A_79 = arith.constant 0 : i32
    %dma_start3A_80 = arith.constant 0 : i32
    %dma_start3A_81 = arith.constant 0 : i32
    %dma_start3A_82 = arith.constant 0 : i32
    %dma_start3A_83 = tpu.memref_slice %arg4[%dma_start3A_80, %dma_start3A_81, %dma_start3A_82] : memref<3x16384x256xf32, #tpu.memory_space<hbm>> -> memref<1x16384x256xf32, #tpu.memory_space<hbm>>
    %dma_start3A_84 = tpu.memref_squeeze %dma_start3A_83 : memref<1x16384x256xf32, #tpu.memory_space<hbm>> -> memref<16384x256xf32, #tpu.memory_space<hbm>>
    %dma_start3A_85 = arith.constant 0 : i32
    %dma_start3A_86 = tpu.memref_slice %dma_start3A_84[%add3A_78, %dma_start3A_85] : memref<16384x256xf32, #tpu.memory_space<hbm>> -> memref<64x256xf32, #tpu.memory_space<hbm>>
    %dma_start3A_87 = arith.constant 0 : i32
    %dma_start3A_88 = arith.constant 0 : i32
    %dma_start3A_89 = tpu.memref_slice %arg7[%arg1, %dma_start3A_79, %dma_start3A_87, %dma_start3A_88] : memref<16x2x64x256xf32, #tpu.memory_space<vmem_shared>> -> memref<1x1x64x256xf32, #tpu.memory_space<vmem_shared>>
    %dma_start3A_90 = tpu.memref_squeeze %dma_start3A_89 : memref<1x1x64x256xf32, #tpu.memory_space<vmem_shared>> -> memref<64x256xf32, #tpu.memory_space<vmem_shared>>
    tpu.enqueue_dma source(%dma_start3A_90 : memref<64x256xf32, #tpu.memory_space<vmem_shared>>) target(%dma_start3A_86 : memref<64x256xf32, #tpu.memory_space<hbm>>) target_semaphore(%arg9 : memref<!tpu.dma_semaphore, #tpu.memory_space<semaphore_mem>>)
    %dma_wait3A_91 = arith.constant 0 : i32
    %dma_wait3A_92 = arith.constant 1 : i32
    %dma_wait3A_93 = arith.constant 0 : i32
    %dma_wait3A_94 = arith.constant 0 : i32
    %dma_wait3A_95 = tpu.memref_slice %arg6[%dma_wait3A_92, %dma_wait3A_93, %dma_wait3A_94] : memref<4x64x256xf32, #tpu.memory_space<vmem>> -> memref<1x64x256xf32, #tpu.memory_space<vmem>>
    %dma_wait3A_96 = tpu.memref_squeeze %dma_wait3A_95 : memref<1x64x256xf32, #tpu.memory_space<vmem>> -> memref<64x256xf32, #tpu.memory_space<vmem>>
    %dma_wait3A_97 = arith.constant 64 : i32
    %dma_wait3A_98 = tpu.memref_slice %arg5[%dma_wait3A_97] : memref<512xi32, #tpu.memory_space<vmem>> -> memref<64xi32, #tpu.memory_space<vmem>>
    %dma_wait3A_99 = arith.constant 0 : i32
    %dma_wait3A_100 = arith.constant 0 : i32
    %dma_wait3A_101 = tpu.memref_slice %arg3[%dma_wait3A_91, %dma_wait3A_99, %dma_wait3A_100] : memref<3x100000x256xf32, #tpu.memory_space<hbm>> -> memref<1x100000x256xf32, #tpu.memory_space<hbm>>
    %dma_wait3A_102 = tpu.memref_squeeze %dma_wait3A_101 : memref<1x100000x256xf32, #tpu.memory_space<hbm>> -> memref<100000x256xf32, #tpu.memory_space<hbm>>
    %dma_wait3A_103 = arith.constant 0 : i32
    %dma_wait3A_104 = arith.constant 0 : i32
    %dma_wait3A_105 = tpu.memref_slice %dma_wait3A_102[%dma_wait3A_103, %dma_wait3A_104] : memref<100000x256xf32, #tpu.memory_space<hbm>> -> memref<100000x256xf32, #tpu.memory_space<hbm>>
    tpu.wait_indirect_dma semaphore(%arg8 : memref<!tpu.dma_semaphore, #tpu.memory_space<semaphore_mem>>) src(%dma_wait3A_105 : memref<100000x256xf32, #tpu.memory_space<hbm>>) dst(%dma_wait3A_96 : memref<64x256xf32, #tpu.memory_space<vmem>>)
    %run_scoped3A_106 = arith.constant 1 : i32
    %run_scoped3A_107 = arith.constant 1 : i32
    "tpu.region"() ({
      %run_scoped3A_1392 = tpu.sem_alloc : memref<!tpu.dma_semaphore, #tpu.memory_space<semaphore_mem>>
      %dma_start3A_1393 = arith.constant 0 : i32
      %dma_start3A_1394 = arith.constant 0 : i32
      %dma_start3A_1395 = tpu.memref_slice %arg6[%run_scoped3A_106, %dma_start3A_1393, %dma_start3A_1394] : memref<4x64x256xf32, #tpu.memory_space<vmem>> -> memref<1x64x256xf32, #tpu.memory_space<vmem>>
      %dma_start3A_1396 = tpu.memref_squeeze %dma_start3A_1395 : memref<1x64x256xf32, #tpu.memory_space<vmem>> -> memref<64x256xf32, #tpu.memory_space<vmem>>
      %dma_start3A_1397 = arith.constant 0 : i32
      %dma_start3A_1398 = arith.constant 0 : i32
      %dma_start3A_1399 = tpu.memref_slice %arg7[%arg1, %run_scoped3A_107, %dma_start3A_1397, %dma_start3A_1398] : memref<16x2x64x256xf32, #tpu.memory_space<vmem_shared>> -> memref<1x1x64x256xf32, #tpu.memory_space<vmem_shared>>
      %dma_start3A_1400 = tpu.memref_squeeze %dma_start3A_1399 : memref<1x1x64x256xf32, #tpu.memory_space<vmem_shared>> -> memref<64x256xf32, #tpu.memory_space<vmem_shared>>
      %dma_start3A_1401 = arith.constant 0 : i32
      %dma_start3A_1402 = arith.constant 0 : i32
      %dma_start3A_1403 = tpu.memref_slice %arg7[%arg1, %run_scoped3A_107, %dma_start3A_1401, %dma_start3A_1402] : memref<16x2x64x256xf32, #tpu.memory_space<vmem_shared>> -> memref<1x1x64x256xf32, #tpu.memory_space<vmem_shared>>
      %dma_start3A_1404 = tpu.memref_squeeze %dma_start3A_1403 : memref<1x1x64x256xf32, #tpu.memory_space<vmem_shared>> -> memref<64x256xf32, #tpu.memory_space<vmem_shared>>
      %dma_start3A_1405 = arith.constant 0 : i32
      %dma_start3A_1406 = arith.constant 0 : i32
      %dma_start3A_1407 = tpu.memref_slice %arg6[%run_scoped3A_106, %dma_start3A_1405, %dma_start3A_1406] : memref<4x64x256xf32, #tpu.memory_space<vmem>> -> memref<1x64x256xf32, #tpu.memory_space<vmem>>
      %dma_start3A_1408 = tpu.memref_squeeze %dma_start3A_1407 : memref<1x64x256xf32, #tpu.memory_space<vmem>> -> memref<64x256xf32, #tpu.memory_space<vmem>>
      tpu.enqueue_dma source(%dma_start3A_1408 : memref<64x256xf32, #tpu.memory_space<vmem>>) target(%dma_start3A_1404 : memref<64x256xf32, #tpu.memory_space<vmem_shared>>) target_semaphore(%run_scoped3A_1392 : memref<!tpu.dma_semaphore, #tpu.memory_space<semaphore_mem>>)
      %dma_wait3A_1409 = arith.constant 0 : i32
      %dma_wait3A_1410 = arith.constant 0 : i32
      %dma_wait3A_1411 = tpu.memref_slice %arg6[%run_scoped3A_106, %dma_wait3A_1409, %dma_wait3A_1410] : memref<4x64x256xf32, #tpu.memory_space<vmem>> -> memref<1x64x256xf32, #tpu.memory_space<vmem>>
      %dma_wait3A_1412 = tpu.memref_squeeze %dma_wait3A_1411 : memref<1x64x256xf32, #tpu.memory_space<vmem>> -> memref<64x256xf32, #tpu.memory_space<vmem>>
      %dma_wait3A_1413 = arith.constant 0 : i32
      %dma_wait3A_1414 = arith.constant 0 : i32
      %dma_wait3A_1415 = tpu.memref_slice %arg7[%arg1, %run_scoped3A_107, %dma_wait3A_1413, %dma_wait3A_1414] : memref<16x2x64x256xf32, #tpu.memory_space<vmem_shared>> -> memref<1x1x64x256xf32, #tpu.memory_space<vmem_shared>>
      %dma_wait3A_1416 = tpu.memref_squeeze %dma_wait3A_1415 : memref<1x1x64x256xf32, #tpu.memory_space<vmem_shared>> -> memref<64x256xf32, #tpu.memory_space<vmem_shared>>
      %dma_wait3A_1417 = arith.constant 0 : i32
      %dma_wait3A_1418 = arith.constant 0 : i32
      %dma_wait3A_1419 = tpu.memref_slice %arg7[%arg1, %run_scoped3A_107, %dma_wait3A_1417, %dma_wait3A_1418] : memref<16x2x64x256xf32, #tpu.memory_space<vmem_shared>> -> memref<1x1x64x256xf32, #tpu.memory_space<vmem_shared>>
      %dma_wait3A_1420 = tpu.memref_squeeze %dma_wait3A_1419 : memref<1x1x64x256xf32, #tpu.memory_space<vmem_shared>> -> memref<64x256xf32, #tpu.memory_space<vmem_shared>>
      %dma_wait3A_1421 = arith.constant 0 : i32
      %dma_wait3A_1422 = arith.constant 0 : i32
      %dma_wait3A_1423 = tpu.memref_slice %arg6[%run_scoped3A_106, %dma_wait3A_1421, %dma_wait3A_1422] : memref<4x64x256xf32, #tpu.memory_space<vmem>> -> memref<1x64x256xf32, #tpu.memory_space<vmem>>
      %dma_wait3A_1424 = tpu.memref_squeeze %dma_wait3A_1423 : memref<1x64x256xf32, #tpu.memory_space<vmem>> -> memref<64x256xf32, #tpu.memory_space<vmem>>
      tpu.wait_dma2 semaphore(%run_scoped3A_1392 : memref<!tpu.dma_semaphore, #tpu.memory_space<semaphore_mem>>) src(%dma_wait3A_1424 : memref<64x256xf32, #tpu.memory_space<vmem>>) dst(%dma_wait3A_1420 : memref<64x256xf32, #tpu.memory_space<vmem_shared>>)
      tpu.yield
    }) : () -> ()
    %dma_start3A_108 = arith.constant 0 : i32
    %dma_start3A_109 = arith.constant 0 : i32
    %dma_start3A_110 = arith.constant 0 : i32
    %dma_start3A_111 = arith.constant 0 : i32
    %dma_start3A_112 = tpu.memref_slice %arg6[%dma_start3A_109, %dma_start3A_110, %dma_start3A_111] : memref<4x64x256xf32, #tpu.memory_space<vmem>> -> memref<1x64x256xf32, #tpu.memory_space<vmem>>
    %dma_start3A_113 = tpu.memref_squeeze %dma_start3A_112 : memref<1x64x256xf32, #tpu.memory_space<vmem>> -> memref<64x256xf32, #tpu.memory_space<vmem>>
    %dma_start3A_114 = arith.constant 256 : i32
    %dma_start3A_115 = tpu.memref_slice %arg5[%dma_start3A_114] : memref<512xi32, #tpu.memory_space<vmem>> -> memref<64xi32, #tpu.memory_space<vmem>>
    %dma_start3A_116 = arith.constant 0 : i32
    %dma_start3A_117 = arith.constant 0 : i32
    %dma_start3A_118 = tpu.memref_slice %arg3[%dma_start3A_108, %dma_start3A_116, %dma_start3A_117] : memref<3x100000x256xf32, #tpu.memory_space<hbm>> -> memref<1x100000x256xf32, #tpu.memory_space<hbm>>
    %dma_start3A_119 = tpu.memref_squeeze %dma_start3A_118 : memref<1x100000x256xf32, #tpu.memory_space<hbm>> -> memref<100000x256xf32, #tpu.memory_space<hbm>>
    %dma_start3A_120 = arith.constant 0 : i32
    %dma_start3A_121 = arith.constant 0 : i32
    %dma_start3A_122 = tpu.memref_slice %dma_start3A_119[%dma_start3A_120, %dma_start3A_121] : memref<100000x256xf32, #tpu.memory_space<hbm>> -> memref<100000x256xf32, #tpu.memory_space<hbm>>
    tpu.enqueue_indirect_dma source(%dma_start3A_122 : memref<100000x256xf32, #tpu.memory_space<hbm>>) target(%dma_start3A_113 : memref<64x256xf32, #tpu.memory_space<vmem>>) offsets(%dma_start3A_115 : memref<64xi32, #tpu.memory_space<vmem>>) semaphore(%arg8 : memref<!tpu.dma_semaphore, #tpu.memory_space<semaphore_mem>>)
    %add3A_123 = arith.constant 64 : i32
    %add3A_124 = arith.addi %mul3A_2, %add3A_123 : i32
    %dma_start3A_125 = arith.constant 1 : i32
    %dma_start3A_126 = arith.constant 0 : i32
    %dma_start3A_127 = arith.constant 0 : i32
    %dma_start3A_128 = arith.constant 0 : i32
    %dma_start3A_129 = tpu.memref_slice %arg4[%dma_start3A_126, %dma_start3A_127, %dma_start3A_128] : memref<3x16384x256xf32, #tpu.memory_space<hbm>> -> memref<1x16384x256xf32, #tpu.memory_space<hbm>>
    %dma_start3A_130 = tpu.memref_squeeze %dma_start3A_129 : memref<1x16384x256xf32, #tpu.memory_space<hbm>> -> memref<16384x256xf32, #tpu.memory_space<hbm>>
    %dma_start3A_131 = arith.constant 0 : i32
    %dma_start3A_132 = tpu.memref_slice %dma_start3A_130[%add3A_124, %dma_start3A_131] : memref<16384x256xf32, #tpu.memory_space<hbm>> -> memref<64x256xf32, #tpu.memory_space<hbm>>
    %dma_start3A_133 = arith.constant 0 : i32
    %dma_start3A_134 = arith.constant 0 : i32
    %dma_start3A_135 = tpu.memref_slice %arg7[%arg1, %dma_start3A_125, %dma_start3A_133, %dma_start3A_134] : memref<16x2x64x256xf32, #tpu.memory_space<vmem_shared>> -> memref<1x1x64x256xf32, #tpu.memory_space<vmem_shared>>
    %dma_start3A_136 = tpu.memref_squeeze %dma_start3A_135 : memref<1x1x64x256xf32, #tpu.memory_space<vmem_shared>> -> memref<64x256xf32, #tpu.memory_space<vmem_shared>>
    tpu.enqueue_dma source(%dma_start3A_136 : memref<64x256xf32, #tpu.memory_space<vmem_shared>>) target(%dma_start3A_132 : memref<64x256xf32, #tpu.memory_space<hbm>>) target_semaphore(%arg9 : memref<!tpu.dma_semaphore, #tpu.memory_space<semaphore_mem>>)
    %dma_wait3A_137 = arith.constant 0 : i32
    %dma_wait3A_138 = arith.constant 2 : i32
    %dma_wait3A_139 = arith.constant 0 : i32
    %dma_wait3A_140 = arith.constant 0 : i32
    %dma_wait3A_141 = tpu.memref_slice %arg6[%dma_wait3A_138, %dma_wait3A_139, %dma_wait3A_140] : memref<4x64x256xf32, #tpu.memory_space<vmem>> -> memref<1x64x256xf32, #tpu.memory_space<vmem>>
    %dma_wait3A_142 = tpu.memref_squeeze %dma_wait3A_141 : memref<1x64x256xf32, #tpu.memory_space<vmem>> -> memref<64x256xf32, #tpu.memory_space<vmem>>
    %dma_wait3A_143 = arith.constant 128 : i32
    %dma_wait3A_144 = tpu.memref_slice %arg5[%dma_wait3A_143] : memref<512xi32, #tpu.memory_space<vmem>> -> memref<64xi32, #tpu.memory_space<vmem>>
    %dma_wait3A_145 = arith.constant 0 : i32
    %dma_wait3A_146 = arith.constant 0 : i32
    %dma_wait3A_147 = tpu.memref_slice %arg3[%dma_wait3A_137, %dma_wait3A_145, %dma_wait3A_146] : memref<3x100000x256xf32, #tpu.memory_space<hbm>> -> memref<1x100000x256xf32, #tpu.memory_space<hbm>>
    %dma_wait3A_148 = tpu.memref_squeeze %dma_wait3A_147 : memref<1x100000x256xf32, #tpu.memory_space<hbm>> -> memref<100000x256xf32, #tpu.memory_space<hbm>>
    %dma_wait3A_149 = arith.constant 0 : i32
    %dma_wait3A_150 = arith.constant 0 : i32
    %dma_wait3A_151 = tpu.memref_slice %dma_wait3A_148[%dma_wait3A_149, %dma_wait3A_150] : memref<100000x256xf32, #tpu.memory_space<hbm>> -> memref<100000x256xf32, #tpu.memory_space<hbm>>
    tpu.wait_indirect_dma semaphore(%arg8 : memref<!tpu.dma_semaphore, #tpu.memory_space<semaphore_mem>>) src(%dma_wait3A_151 : memref<100000x256xf32, #tpu.memory_space<hbm>>) dst(%dma_wait3A_142 : memref<64x256xf32, #tpu.memory_space<vmem>>)
    %dma_wait3A_152 = arith.constant 0 : i32
    %dma_wait3A_153 = arith.constant 0 : i32
    %dma_wait3A_154 = arith.constant 0 : i32
    %dma_wait3A_155 = arith.constant 0 : i32
    %dma_wait3A_156 = tpu.memref_slice %arg4[%dma_wait3A_153, %dma_wait3A_154, %dma_wait3A_155] : memref<3x16384x256xf32, #tpu.memory_space<hbm>> -> memref<1x16384x256xf32, #tpu.memory_space<hbm>>
    %dma_wait3A_157 = tpu.memref_squeeze %dma_wait3A_156 : memref<1x16384x256xf32, #tpu.memory_space<hbm>> -> memref<16384x256xf32, #tpu.memory_space<hbm>>
    %dma_wait3A_158 = arith.constant 0 : i32
    %dma_wait3A_159 = tpu.memref_slice %dma_wait3A_157[%add3A_78, %dma_wait3A_158] : memref<16384x256xf32, #tpu.memory_space<hbm>> -> memref<64x256xf32, #tpu.memory_space<hbm>>
    %dma_wait3A_160 = arith.constant 0 : i32
    %dma_wait3A_161 = arith.constant 0 : i32
    %dma_wait3A_162 = tpu.memref_slice %arg7[%arg1, %dma_wait3A_152, %dma_wait3A_160, %dma_wait3A_161] : memref<16x2x64x256xf32, #tpu.memory_space<vmem_shared>> -> memref<1x1x64x256xf32, #tpu.memory_space<vmem_shared>>
    %dma_wait3A_163 = tpu.memref_squeeze %dma_wait3A_162 : memref<1x1x64x256xf32, #tpu.memory_space<vmem_shared>> -> memref<64x256xf32, #tpu.memory_space<vmem_shared>>
    tpu.wait_dma2 semaphore(%arg9 : memref<!tpu.dma_semaphore, #tpu.memory_space<semaphore_mem>>) src(%dma_wait3A_163 : memref<64x256xf32, #tpu.memory_space<vmem_shared>>) dst(%dma_wait3A_159 : memref<64x256xf32, #tpu.memory_space<hbm>>)
    %run_scoped3A_164 = arith.constant 2 : i32
    %run_scoped3A_165 = arith.constant 0 : i32
    "tpu.region"() ({
      %run_scoped3A_1392 = tpu.sem_alloc : memref<!tpu.dma_semaphore, #tpu.memory_space<semaphore_mem>>
      %dma_start3A_1393 = arith.constant 0 : i32
      %dma_start3A_1394 = arith.constant 0 : i32
      %dma_start3A_1395 = tpu.memref_slice %arg6[%run_scoped3A_164, %dma_start3A_1393, %dma_start3A_1394] : memref<4x64x256xf32, #tpu.memory_space<vmem>> -> memref<1x64x256xf32, #tpu.memory_space<vmem>>
      %dma_start3A_1396 = tpu.memref_squeeze %dma_start3A_1395 : memref<1x64x256xf32, #tpu.memory_space<vmem>> -> memref<64x256xf32, #tpu.memory_space<vmem>>
      %dma_start3A_1397 = arith.constant 0 : i32
      %dma_start3A_1398 = arith.constant 0 : i32
      %dma_start3A_1399 = tpu.memref_slice %arg7[%arg1, %run_scoped3A_165, %dma_start3A_1397, %dma_start3A_1398] : memref<16x2x64x256xf32, #tpu.memory_space<vmem_shared>> -> memref<1x1x64x256xf32, #tpu.memory_space<vmem_shared>>
      %dma_start3A_1400 = tpu.memref_squeeze %dma_start3A_1399 : memref<1x1x64x256xf32, #tpu.memory_space<vmem_shared>> -> memref<64x256xf32, #tpu.memory_space<vmem_shared>>
      %dma_start3A_1401 = arith.constant 0 : i32
      %dma_start3A_1402 = arith.constant 0 : i32
      %dma_start3A_1403 = tpu.memref_slice %arg7[%arg1, %run_scoped3A_165, %dma_start3A_1401, %dma_start3A_1402] : memref<16x2x64x256xf32, #tpu.memory_space<vmem_shared>> -> memref<1x1x64x256xf32, #tpu.memory_space<vmem_shared>>
      %dma_start3A_1404 = tpu.memref_squeeze %dma_start3A_1403 : memref<1x1x64x256xf32, #tpu.memory_space<vmem_shared>> -> memref<64x256xf32, #tpu.memory_space<vmem_shared>>
      %dma_start3A_1405 = arith.constant 0 : i32
      %dma_start3A_1406 = arith.constant 0 : i32
      %dma_start3A_1407 = tpu.memref_slice %arg6[%run_scoped3A_164, %dma_start3A_1405, %dma_start3A_1406] : memref<4x64x256xf32, #tpu.memory_space<vmem>> -> memref<1x64x256xf32, #tpu.memory_space<vmem>>
      %dma_start3A_1408 = tpu.memref_squeeze %dma_start3A_1407 : memref<1x64x256xf32, #tpu.memory_space<vmem>> -> memref<64x256xf32, #tpu.memory_space<vmem>>
      tpu.enqueue_dma source(%dma_start3A_1408 : memref<64x256xf32, #tpu.memory_space<vmem>>) target(%dma_start3A_1404 : memref<64x256xf32, #tpu.memory_space<vmem_shared>>) target_semaphore(%run_scoped3A_1392 : memref<!tpu.dma_semaphore, #tpu.memory_space<semaphore_mem>>)
      %dma_wait3A_1409 = arith.constant 0 : i32
      %dma_wait3A_1410 = arith.constant 0 : i32
      %dma_wait3A_1411 = tpu.memref_slice %arg6[%run_scoped3A_164, %dma_wait3A_1409, %dma_wait3A_1410] : memref<4x64x256xf32, #tpu.memory_space<vmem>> -> memref<1x64x256xf32, #tpu.memory_space<vmem>>
      %dma_wait3A_1412 = tpu.memref_squeeze %dma_wait3A_1411 : memref<1x64x256xf32, #tpu.memory_space<vmem>> -> memref<64x256xf32, #tpu.memory_space<vmem>>
      %dma_wait3A_1413 = arith.constant 0 : i32
      %dma_wait3A_1414 = arith.constant 0 : i32
      %dma_wait3A_1415 = tpu.memref_slice %arg7[%arg1, %run_scoped3A_165, %dma_wait3A_1413, %dma_wait3A_1414] : memref<16x2x64x256xf32, #tpu.memory_space<vmem_shared>> -> memref<1x1x64x256xf32, #tpu.memory_space<vmem_shared>>
      %dma_wait3A_1416 = tpu.memref_squeeze %dma_wait3A_1415 : memref<1x1x64x256xf32, #tpu.memory_space<vmem_shared>> -> memref<64x256xf32, #tpu.memory_space<vmem_shared>>
      %dma_wait3A_1417 = arith.constant 0 : i32
      %dma_wait3A_1418 = arith.constant 0 : i32
      %dma_wait3A_1419 = tpu.memref_slice %arg7[%arg1, %run_scoped3A_165, %dma_wait3A_1417, %dma_wait3A_1418] : memref<16x2x64x256xf32, #tpu.memory_space<vmem_shared>> -> memref<1x1x64x256xf32, #tpu.memory_space<vmem_shared>>
      %dma_wait3A_1420 = tpu.memref_squeeze %dma_wait3A_1419 : memref<1x1x64x256xf32, #tpu.memory_space<vmem_shared>> -> memref<64x256xf32, #tpu.memory_space<vmem_shared>>
      %dma_wait3A_1421 = arith.constant 0 : i32
      %dma_wait3A_1422 = arith.constant 0 : i32
      %dma_wait3A_1423 = tpu.memref_slice %arg6[%run_scoped3A_164, %dma_wait3A_1421, %dma_wait3A_1422] : memref<4x64x256xf32, #tpu.memory_space<vmem>> -> memref<1x64x256xf32, #tpu.memory_space<vmem>>
      %dma_wait3A_1424 = tpu.memref_squeeze %dma_wait3A_1423 : memref<1x64x256xf32, #tpu.memory_space<vmem>> -> memref<64x256xf32, #tpu.memory_space<vmem>>
      tpu.wait_dma2 semaphore(%run_scoped3A_1392 : memref<!tpu.dma_semaphore, #tpu.memory_space<semaphore_mem>>) src(%dma_wait3A_1424 : memref<64x256xf32, #tpu.memory_space<vmem>>) dst(%dma_wait3A_1420 : memref<64x256xf32, #tpu.memory_space<vmem_shared>>)
      tpu.yield
    }) : () -> ()
    %dma_start3A_166 = arith.constant 0 : i32
    %dma_start3A_167 = arith.constant 1 : i32
    %dma_start3A_168 = arith.constant 0 : i32
    %dma_start3A_169 = arith.constant 0 : i32
    %dma_start3A_170 = tpu.memref_slice %arg6[%dma_start3A_167, %dma_start3A_168, %dma_start3A_169] : memref<4x64x256xf32, #tpu.memory_space<vmem>> -> memref<1x64x256xf32, #tpu.memory_space<vmem>>
    %dma_start3A_171 = tpu.memref_squeeze %dma_start3A_170 : memref<1x64x256xf32, #tpu.memory_space<vmem>> -> memref<64x256xf32, #tpu.memory_space<vmem>>
    %dma_start3A_172 = arith.constant 320 : i32
    %dma_start3A_173 = tpu.memref_slice %arg5[%dma_start3A_172] : memref<512xi32, #tpu.memory_space<vmem>> -> memref<64xi32, #tpu.memory_space<vmem>>
    %dma_start3A_174 = arith.constant 0 : i32
    %dma_start3A_175 = arith.constant 0 : i32
    %dma_start3A_176 = tpu.memref_slice %arg3[%dma_start3A_166, %dma_start3A_174, %dma_start3A_175] : memref<3x100000x256xf32, #tpu.memory_space<hbm>> -> memref<1x100000x256xf32, #tpu.memory_space<hbm>>
    %dma_start3A_177 = tpu.memref_squeeze %dma_start3A_176 : memref<1x100000x256xf32, #tpu.memory_space<hbm>> -> memref<100000x256xf32, #tpu.memory_space<hbm>>
    %dma_start3A_178 = arith.constant 0 : i32
    %dma_start3A_179 = arith.constant 0 : i32
    %dma_start3A_180 = tpu.memref_slice %dma_start3A_177[%dma_start3A_178, %dma_start3A_179] : memref<100000x256xf32, #tpu.memory_space<hbm>> -> memref<100000x256xf32, #tpu.memory_space<hbm>>
    tpu.enqueue_indirect_dma source(%dma_start3A_180 : memref<100000x256xf32, #tpu.memory_space<hbm>>) target(%dma_start3A_171 : memref<64x256xf32, #tpu.memory_space<vmem>>) offsets(%dma_start3A_173 : memref<64xi32, #tpu.memory_space<vmem>>) semaphore(%arg8 : memref<!tpu.dma_semaphore, #tpu.memory_space<semaphore_mem>>)
    %add3A_181 = arith.constant 128 : i32
    %add3A_182 = arith.addi %mul3A_2, %add3A_181 : i32
    %dma_start3A_183 = arith.constant 0 : i32
    %dma_start3A_184 = arith.constant 0 : i32
    %dma_start3A_185 = arith.constant 0 : i32
    %dma_start3A_186 = arith.constant 0 : i32
    %dma_start3A_187 = tpu.memref_slice %arg4[%dma_start3A_184, %dma_start3A_185, %dma_start3A_186] : memref<3x16384x256xf32, #tpu.memory_space<hbm>> -> memref<1x16384x256xf32, #tpu.memory_space<hbm>>
    %dma_start3A_188 = tpu.memref_squeeze %dma_start3A_187 : memref<1x16384x256xf32, #tpu.memory_space<hbm>> -> memref<16384x256xf32, #tpu.memory_space<hbm>>
    %dma_start3A_189 = arith.constant 0 : i32
    %dma_start3A_190 = tpu.memref_slice %dma_start3A_188[%add3A_182, %dma_start3A_189] : memref<16384x256xf32, #tpu.memory_space<hbm>> -> memref<64x256xf32, #tpu.memory_space<hbm>>
    %dma_start3A_191 = arith.constant 0 : i32
    %dma_start3A_192 = arith.constant 0 : i32
    %dma_start3A_193 = tpu.memref_slice %arg7[%arg1, %dma_start3A_183, %dma_start3A_191, %dma_start3A_192] : memref<16x2x64x256xf32, #tpu.memory_space<vmem_shared>> -> memref<1x1x64x256xf32, #tpu.memory_space<vmem_shared>>
    %dma_start3A_194 = tpu.memref_squeeze %dma_start3A_193 : memref<1x1x64x256xf32, #tpu.memory_space<vmem_shared>> -> memref<64x256xf32, #tpu.memory_space<vmem_shared>>
    tpu.enqueue_dma source(%dma_start3A_194 : memref<64x256xf32, #tpu.memory_space<vmem_shared>>) target(%dma_start3A_190 : memref<64x256xf32, #tpu.memory_space<hbm>>) target_semaphore(%arg9 : memref<!tpu.dma_semaphore, #tpu.memory_space<semaphore_mem>>)
    %dma_wait3A_195 = arith.constant 0 : i32
    %dma_wait3A_196 = arith.constant 3 : i32
    %dma_wait3A_197 = arith.constant 0 : i32
    %dma_wait3A_198 = arith.constant 0 : i32
    %dma_wait3A_199 = tpu.memref_slice %arg6[%dma_wait3A_196, %dma_wait3A_197, %dma_wait3A_198] : memref<4x64x256xf32, #tpu.memory_space<vmem>> -> memref<1x64x256xf32, #tpu.memory_space<vmem>>
    %dma_wait3A_200 = tpu.memref_squeeze %dma_wait3A_199 : memref<1x64x256xf32, #tpu.memory_space<vmem>> -> memref<64x256xf32, #tpu.memory_space<vmem>>
    %dma_wait3A_201 = arith.constant 192 : i32
    %dma_wait3A_202 = tpu.memref_slice %arg5[%dma_wait3A_201] : memref<512xi32, #tpu.memory_space<vmem>> -> memref<64xi32, #tpu.memory_space<vmem>>
    %dma_wait3A_203 = arith.constant 0 : i32
    %dma_wait3A_204 = arith.constant 0 : i32
    %dma_wait3A_205 = tpu.memref_slice %arg3[%dma_wait3A_195, %dma_wait3A_203, %dma_wait3A_204] : memref<3x100000x256xf32, #tpu.memory_space<hbm>> -> memref<1x100000x256xf32, #tpu.memory_space<hbm>>
    %dma_wait3A_206 = tpu.memref_squeeze %dma_wait3A_205 : memref<1x100000x256xf32, #tpu.memory_space<hbm>> -> memref<100000x256xf32, #tpu.memory_space<hbm>>
    %dma_wait3A_207 = arith.constant 0 : i32
    %dma_wait3A_208 = arith.constant 0 : i32
    %dma_wait3A_209 = tpu.memref_slice %dma_wait3A_206[%dma_wait3A_207, %dma_wait3A_208] : memref<100000x256xf32, #tpu.memory_space<hbm>> -> memref<100000x256xf32, #tpu.memory_space<hbm>>
    tpu.wait_indirect_dma semaphore(%arg8 : memref<!tpu.dma_semaphore, #tpu.memory_space<semaphore_mem>>) src(%dma_wait3A_209 : memref<100000x256xf32, #tpu.memory_space<hbm>>) dst(%dma_wait3A_200 : memref<64x256xf32, #tpu.memory_space<vmem>>)
    %dma_wait3A_210 = arith.constant 1 : i32
    %dma_wait3A_211 = arith.constant 0 : i32
    %dma_wait3A_212 = arith.constant 0 : i32
    %dma_wait3A_213 = arith.constant 0 : i32
    %dma_wait3A_214 = tpu.memref_slice %arg4[%dma_wait3A_211, %dma_wait3A_212, %dma_wait3A_213] : memref<3x16384x256xf32, #tpu.memory_space<hbm>> -> memref<1x16384x256xf32, #tpu.memory_space<hbm>>
    %dma_wait3A_215 = tpu.memref_squeeze %dma_wait3A_214 : memref<1x16384x256xf32, #tpu.memory_space<hbm>> -> memref<16384x256xf32, #tpu.memory_space<hbm>>
    %dma_wait3A_216 = arith.constant 0 : i32
    %dma_wait3A_217 = tpu.memref_slice %dma_wait3A_215[%add3A_124, %dma_wait3A_216] : memref<16384x256xf32, #tpu.memory_space<hbm>> -> memref<64x256xf32, #tpu.memory_space<hbm>>
    %dma_wait3A_218 = arith.constant 0 : i32
    %dma_wait3A_219 = arith.constant 0 : i32
    %dma_wait3A_220 = tpu.memref_slice %arg7[%arg1, %dma_wait3A_210, %dma_wait3A_218, %dma_wait3A_219] : memref<16x2x64x256xf32, #tpu.memory_space<vmem_shared>> -> memref<1x1x64x256xf32, #tpu.memory_space<vmem_shared>>
    %dma_wait3A_221 = tpu.memref_squeeze %dma_wait3A_220 : memref<1x1x64x256xf32, #tpu.memory_space<vmem_shared>> -> memref<64x256xf32, #tpu.memory_space<vmem_shared>>
    tpu.wait_dma2 semaphore(%arg9 : memref<!tpu.dma_semaphore, #tpu.memory_space<semaphore_mem>>) src(%dma_wait3A_221 : memref<64x256xf32, #tpu.memory_space<vmem_shared>>) dst(%dma_wait3A_217 : memref<64x256xf32, #tpu.memory_space<hbm>>)
    %run_scoped3A_222 = arith.constant 3 : i32
    %run_scoped3A_223 = arith.constant 1 : i32
    "tpu.region"() ({
      %run_scoped3A_1392 = tpu.sem_alloc : memref<!tpu.dma_semaphore, #tpu.memory_space<semaphore_mem>>
      %dma_start3A_1393 = arith.constant 0 : i32
      %dma_start3A_1394 = arith.constant 0 : i32
      %dma_start3A_1395 = tpu.memref_slice %arg6[%run_scoped3A_222, %dma_start3A_1393, %dma_start3A_1394] : memref<4x64x256xf32, #tpu.memory_space<vmem>> -> memref<1x64x256xf32, #tpu.memory_space<vmem>>
      %dma_start3A_1396 = tpu.memref_squeeze %dma_start3A_1395 : memref<1x64x256xf32, #tpu.memory_space<vmem>> -> memref<64x256xf32, #tpu.memory_space<vmem>>
      %dma_start3A_1397 = arith.constant 0 : i32
      %dma_start3A_1398 = arith.constant 0 : i32
      %dma_start3A_1399 = tpu.memref_slice %arg7[%arg1, %run_scoped3A_223, %dma_start3A_1397, %dma_start3A_1398] : memref<16x2x64x256xf32, #tpu.memory_space<vmem_shared>> -> memref<1x1x64x256xf32, #tpu.memory_space<vmem_shared>>
      %dma_start3A_1400 = tpu.memref_squeeze %dma_start3A_1399 : memref<1x1x64x256xf32, #tpu.memory_space<vmem_shared>> -> memref<64x256xf32, #tpu.memory_space<vmem_shared>>
      %dma_start3A_1401 = arith.constant 0 : i32
      %dma_start3A_1402 = arith.constant 0 : i32
      %dma_start3A_1403 = tpu.memref_slice %arg7[%arg1, %run_scoped3A_223, %dma_start3A_1401, %dma_start3A_1402] : memref<16x2x64x256xf32, #tpu.memory_space<vmem_shared>> -> memref<1x1x64x256xf32, #tpu.memory_space<vmem_shared>>
      %dma_start3A_1404 = tpu.memref_squeeze %dma_start3A_1403 : memref<1x1x64x256xf32, #tpu.memory_space<vmem_shared>> -> memref<64x256xf32, #tpu.memory_space<vmem_shared>>
      %dma_start3A_1405 = arith.constant 0 : i32
      %dma_start3A_1406 = arith.constant 0 : i32
      %dma_start3A_1407 = tpu.memref_slice %arg6[%run_scoped3A_222, %dma_start3A_1405, %dma_start3A_1406] : memref<4x64x256xf32, #tpu.memory_space<vmem>> -> memref<1x64x256xf32, #tpu.memory_space<vmem>>
      %dma_start3A_1408 = tpu.memref_squeeze %dma_start3A_1407 : memref<1x64x256xf32, #tpu.memory_space<vmem>> -> memref<64x256xf32, #tpu.memory_space<vmem>>
      tpu.enqueue_dma source(%dma_start3A_1408 : memref<64x256xf32, #tpu.memory_space<vmem>>) target(%dma_start3A_1404 : memref<64x256xf32, #tpu.memory_space<vmem_shared>>) target_semaphore(%run_scoped3A_1392 : memref<!tpu.dma_semaphore, #tpu.memory_space<semaphore_mem>>)
      %dma_wait3A_1409 = arith.constant 0 : i32
      %dma_wait3A_1410 = arith.constant 0 : i32
      %dma_wait3A_1411 = tpu.memref_slice %arg6[%run_scoped3A_222, %dma_wait3A_1409, %dma_wait3A_1410] : memref<4x64x256xf32, #tpu.memory_space<vmem>> -> memref<1x64x256xf32, #tpu.memory_space<vmem>>
      %dma_wait3A_1412 = tpu.memref_squeeze %dma_wait3A_1411 : memref<1x64x256xf32, #tpu.memory_space<vmem>> -> memref<64x256xf32, #tpu.memory_space<vmem>>
      %dma_wait3A_1413 = arith.constant 0 : i32
      %dma_wait3A_1414 = arith.constant 0 : i32
      %dma_wait3A_1415 = tpu.memref_slice %arg7[%arg1, %run_scoped3A_223, %dma_wait3A_1413, %dma_wait3A_1414] : memref<16x2x64x256xf32, #tpu.memory_space<vmem_shared>> -> memref<1x1x64x256xf32, #tpu.memory_space<vmem_shared>>
      %dma_wait3A_1416 = tpu.memref_squeeze %dma_wait3A_1415 : memref<1x1x64x256xf32, #tpu.memory_space<vmem_shared>> -> memref<64x256xf32, #tpu.memory_space<vmem_shared>>
      %dma_wait3A_1417 = arith.constant 0 : i32
      %dma_wait3A_1418 = arith.constant 0 : i32
      %dma_wait3A_1419 = tpu.memref_slice %arg7[%arg1, %run_scoped3A_223, %dma_wait3A_1417, %dma_wait3A_1418] : memref<16x2x64x256xf32, #tpu.memory_space<vmem_shared>> -> memref<1x1x64x256xf32, #tpu.memory_space<vmem_shared>>
      %dma_wait3A_1420 = tpu.memref_squeeze %dma_wait3A_1419 : memref<1x1x64x256xf32, #tpu.memory_space<vmem_shared>> -> memref<64x256xf32, #tpu.memory_space<vmem_shared>>
      %dma_wait3A_1421 = arith.constant 0 : i32
      %dma_wait3A_1422 = arith.constant 0 : i32
      %dma_wait3A_1423 = tpu.memref_slice %arg6[%run_scoped3A_222, %dma_wait3A_1421, %dma_wait3A_1422] : memref<4x64x256xf32, #tpu.memory_space<vmem>> -> memref<1x64x256xf32, #tpu.memory_space<vmem>>
      %dma_wait3A_1424 = tpu.memref_squeeze %dma_wait3A_1423 : memref<1x64x256xf32, #tpu.memory_space<vmem>> -> memref<64x256xf32, #tpu.memory_space<vmem>>
      tpu.wait_dma2 semaphore(%run_scoped3A_1392 : memref<!tpu.dma_semaphore, #tpu.memory_space<semaphore_mem>>) src(%dma_wait3A_1424 : memref<64x256xf32, #tpu.memory_space<vmem>>) dst(%dma_wait3A_1420 : memref<64x256xf32, #tpu.memory_space<vmem_shared>>)
      tpu.yield
    }) : () -> ()
    %dma_start3A_224 = arith.constant 0 : i32
    %dma_start3A_225 = arith.constant 2 : i32
    %dma_start3A_226 = arith.constant 0 : i32
    %dma_start3A_227 = arith.constant 0 : i32
    %dma_start3A_228 = tpu.memref_slice %arg6[%dma_start3A_225, %dma_start3A_226, %dma_start3A_227] : memref<4x64x256xf32, #tpu.memory_space<vmem>> -> memref<1x64x256xf32, #tpu.memory_space<vmem>>
    %dma_start3A_229 = tpu.memref_squeeze %dma_start3A_228 : memref<1x64x256xf32, #tpu.memory_space<vmem>> -> memref<64x256xf32, #tpu.memory_space<vmem>>
    %dma_start3A_230 = arith.constant 384 : i32
    %dma_start3A_231 = tpu.memref_slice %arg5[%dma_start3A_230] : memref<512xi32, #tpu.memory_space<vmem>> -> memref<64xi32, #tpu.memory_space<vmem>>
    %dma_start3A_232 = arith.constant 0 : i32
    %dma_start3A_233 = arith.constant 0 : i32
    %dma_start3A_234 = tpu.memref_slice %arg3[%dma_start3A_224, %dma_start3A_232, %dma_start3A_233] : memref<3x100000x256xf32, #tpu.memory_space<hbm>> -> memref<1x100000x256xf32, #tpu.memory_space<hbm>>
    %dma_start3A_235 = tpu.memref_squeeze %dma_start3A_234 : memref<1x100000x256xf32, #tpu.memory_space<hbm>> -> memref<100000x256xf32, #tpu.memory_space<hbm>>
    %dma_start3A_236 = arith.constant 0 : i32
    %dma_start3A_237 = arith.constant 0 : i32
    %dma_start3A_238 = tpu.memref_slice %dma_start3A_235[%dma_start3A_236, %dma_start3A_237] : memref<100000x256xf32, #tpu.memory_space<hbm>> -> memref<100000x256xf32, #tpu.memory_space<hbm>>
    tpu.enqueue_indirect_dma source(%dma_start3A_238 : memref<100000x256xf32, #tpu.memory_space<hbm>>) target(%dma_start3A_229 : memref<64x256xf32, #tpu.memory_space<vmem>>) offsets(%dma_start3A_231 : memref<64xi32, #tpu.memory_space<vmem>>) semaphore(%arg8 : memref<!tpu.dma_semaphore, #tpu.memory_space<semaphore_mem>>)
    %add3A_239 = arith.constant 192 : i32
    %add3A_240 = arith.addi %mul3A_2, %add3A_239 : i32
    %dma_start3A_241 = arith.constant 1 : i32
    %dma_start3A_242 = arith.constant 0 : i32
    %dma_start3A_243 = arith.constant 0 : i32
    %dma_start3A_244 = arith.constant 0 : i32
    %dma_start3A_245 = tpu.memref_slice %arg4[%dma_start3A_242, %dma_start3A_243, %dma_start3A_244] : memref<3x16384x256xf32, #tpu.memory_space<hbm>> -> memref<1x16384x256xf32, #tpu.memory_space<hbm>>
    %dma_start3A_246 = tpu.memref_squeeze %dma_start3A_245 : memref<1x16384x256xf32, #tpu.memory_space<hbm>> -> memref<16384x256xf32, #tpu.memory_space<hbm>>
    %dma_start3A_247 = arith.constant 0 : i32
    %dma_start3A_248 = tpu.memref_slice %dma_start3A_246[%add3A_240, %dma_start3A_247] : memref<16384x256xf32, #tpu.memory_space<hbm>> -> memref<64x256xf32, #tpu.memory_space<hbm>>
    %dma_start3A_249 = arith.constant 0 : i32
    %dma_start3A_250 = arith.constant 0 : i32
    %dma_start3A_251 = tpu.memref_slice %arg7[%arg1, %dma_start3A_241, %dma_start3A_249, %dma_start3A_250] : memref<16x2x64x256xf32, #tpu.memory_space<vmem_shared>> -> memref<1x1x64x256xf32, #tpu.memory_space<vmem_shared>>
    %dma_start3A_252 = tpu.memref_squeeze %dma_start3A_251 : memref<1x1x64x256xf32, #tpu.memory_space<vmem_shared>> -> memref<64x256xf32, #tpu.memory_space<vmem_shared>>
    tpu.enqueue_dma source(%dma_start3A_252 : memref<64x256xf32, #tpu.memory_space<vmem_shared>>) target(%dma_start3A_248 : memref<64x256xf32, #tpu.memory_space<hbm>>) target_semaphore(%arg9 : memref<!tpu.dma_semaphore, #tpu.memory_space<semaphore_mem>>)
    %dma_wait3A_253 = arith.constant 0 : i32
    %dma_wait3A_254 = arith.constant 0 : i32
    %dma_wait3A_255 = arith.constant 0 : i32
    %dma_wait3A_256 = arith.constant 0 : i32
    %dma_wait3A_257 = tpu.memref_slice %arg6[%dma_wait3A_254, %dma_wait3A_255, %dma_wait3A_256] : memref<4x64x256xf32, #tpu.memory_space<vmem>> -> memref<1x64x256xf32, #tpu.memory_space<vmem>>
    %dma_wait3A_258 = tpu.memref_squeeze %dma_wait3A_257 : memref<1x64x256xf32, #tpu.memory_space<vmem>> -> memref<64x256xf32, #tpu.memory_space<vmem>>
    %dma_wait3A_259 = arith.constant 256 : i32
    %dma_wait3A_260 = tpu.memref_slice %arg5[%dma_wait3A_259] : memref<512xi32, #tpu.memory_space<vmem>> -> memref<64xi32, #tpu.memory_space<vmem>>
    %dma_wait3A_261 = arith.constant 0 : i32
    %dma_wait3A_262 = arith.constant 0 : i32
    %dma_wait3A_263 = tpu.memref_slice %arg3[%dma_wait3A_253, %dma_wait3A_261, %dma_wait3A_262] : memref<3x100000x256xf32, #tpu.memory_space<hbm>> -> memref<1x100000x256xf32, #tpu.memory_space<hbm>>
    %dma_wait3A_264 = tpu.memref_squeeze %dma_wait3A_263 : memref<1x100000x256xf32, #tpu.memory_space<hbm>> -> memref<100000x256xf32, #tpu.memory_space<hbm>>
    %dma_wait3A_265 = arith.constant 0 : i32
    %dma_wait3A_266 = arith.constant 0 : i32
    %dma_wait3A_267 = tpu.memref_slice %dma_wait3A_264[%dma_wait3A_265, %dma_wait3A_266] : memref<100000x256xf32, #tpu.memory_space<hbm>> -> memref<100000x256xf32, #tpu.memory_space<hbm>>
    tpu.wait_indirect_dma semaphore(%arg8 : memref<!tpu.dma_semaphore, #tpu.memory_space<semaphore_mem>>) src(%dma_wait3A_267 : memref<100000x256xf32, #tpu.memory_space<hbm>>) dst(%dma_wait3A_258 : memref<64x256xf32, #tpu.memory_space<vmem>>)
    %dma_wait3A_268 = arith.constant 0 : i32
    %dma_wait3A_269 = arith.constant 0 : i32
    %dma_wait3A_270 = arith.constant 0 : i32
    %dma_wait3A_271 = arith.constant 0 : i32
    %dma_wait3A_272 = tpu.memref_slice %arg4[%dma_wait3A_269, %dma_wait3A_270, %dma_wait3A_271] : memref<3x16384x256xf32, #tpu.memory_space<hbm>> -> memref<1x16384x256xf32, #tpu.memory_space<hbm>>
    %dma_wait3A_273 = tpu.memref_squeeze %dma_wait3A_272 : memref<1x16384x256xf32, #tpu.memory_space<hbm>> -> memref<16384x256xf32, #tpu.memory_space<hbm>>
    %dma_wait3A_274 = arith.constant 0 : i32
    %dma_wait3A_275 = tpu.memref_slice %dma_wait3A_273[%add3A_182, %dma_wait3A_274] : memref<16384x256xf32, #tpu.memory_space<hbm>> -> memref<64x256xf32, #tpu.memory_space<hbm>>
    %dma_wait3A_276 = arith.constant 0 : i32
    %dma_wait3A_277 = arith.constant 0 : i32
    %dma_wait3A_278 = tpu.memref_slice %arg7[%arg1, %dma_wait3A_268, %dma_wait3A_276, %dma_wait3A_277] : memref<16x2x64x256xf32, #tpu.memory_space<vmem_shared>> -> memref<1x1x64x256xf32, #tpu.memory_space<vmem_shared>>
    %dma_wait3A_279 = tpu.memref_squeeze %dma_wait3A_278 : memref<1x1x64x256xf32, #tpu.memory_space<vmem_shared>> -> memref<64x256xf32, #tpu.memory_space<vmem_shared>>
    tpu.wait_dma2 semaphore(%arg9 : memref<!tpu.dma_semaphore, #tpu.memory_space<semaphore_mem>>) src(%dma_wait3A_279 : memref<64x256xf32, #tpu.memory_space<vmem_shared>>) dst(%dma_wait3A_275 : memref<64x256xf32, #tpu.memory_space<hbm>>)
    %run_scoped3A_280 = arith.constant 0 : i32
    %run_scoped3A_281 = arith.constant 0 : i32
    "tpu.region"() ({
      %run_scoped3A_1392 = tpu.sem_alloc : memref<!tpu.dma_semaphore, #tpu.memory_space<semaphore_mem>>
      %dma_start3A_1393 = arith.constant 0 : i32
      %dma_start3A_1394 = arith.constant 0 : i32
      %dma_start3A_1395 = tpu.memref_slice %arg6[%run_scoped3A_280, %dma_start3A_1393, %dma_start3A_1394] : memref<4x64x256xf32, #tpu.memory_space<vmem>> -> memref<1x64x256xf32, #tpu.memory_space<vmem>>
      %dma_start3A_1396 = tpu.memref_squeeze %dma_start3A_1395 : memref<1x64x256xf32, #tpu.memory_space<vmem>> -> memref<64x256xf32, #tpu.memory_space<vmem>>
      %dma_start3A_1397 = arith.constant 0 : i32
      %dma_start3A_1398 = arith.constant 0 : i32
      %dma_start3A_1399 = tpu.memref_slice %arg7[%arg1, %run_scoped3A_281, %dma_start3A_1397, %dma_start3A_1398] : memref<16x2x64x256xf32, #tpu.memory_space<vmem_shared>> -> memref<1x1x64x256xf32, #tpu.memory_space<vmem_shared>>
      %dma_start3A_1400 = tpu.memref_squeeze %dma_start3A_1399 : memref<1x1x64x256xf32, #tpu.memory_space<vmem_shared>> -> memref<64x256xf32, #tpu.memory_space<vmem_shared>>
      %dma_start3A_1401 = arith.constant 0 : i32
      %dma_start3A_1402 = arith.constant 0 : i32
      %dma_start3A_1403 = tpu.memref_slice %arg7[%arg1, %run_scoped3A_281, %dma_start3A_1401, %dma_start3A_1402] : memref<16x2x64x256xf32, #tpu.memory_space<vmem_shared>> -> memref<1x1x64x256xf32, #tpu.memory_space<vmem_shared>>
      %dma_start3A_1404 = tpu.memref_squeeze %dma_start3A_1403 : memref<1x1x64x256xf32, #tpu.memory_space<vmem_shared>> -> memref<64x256xf32, #tpu.memory_space<vmem_shared>>
      %dma_start3A_1405 = arith.constant 0 : i32
      %dma_start3A_1406 = arith.constant 0 : i32
      %dma_start3A_1407 = tpu.memref_slice %arg6[%run_scoped3A_280, %dma_start3A_1405, %dma_start3A_1406] : memref<4x64x256xf32, #tpu.memory_space<vmem>> -> memref<1x64x256xf32, #tpu.memory_space<vmem>>
      %dma_start3A_1408 = tpu.memref_squeeze %dma_start3A_1407 : memref<1x64x256xf32, #tpu.memory_space<vmem>> -> memref<64x256xf32, #tpu.memory_space<vmem>>
      tpu.enqueue_dma source(%dma_start3A_1408 : memref<64x256xf32, #tpu.memory_space<vmem>>) target(%dma_start3A_1404 : memref<64x256xf32, #tpu.memory_space<vmem_shared>>) target_semaphore(%run_scoped3A_1392 : memref<!tpu.dma_semaphore, #tpu.memory_space<semaphore_mem>>)
      %dma_wait3A_1409 = arith.constant 0 : i32
      %dma_wait3A_1410 = arith.constant 0 : i32
      %dma_wait3A_1411 = tpu.memref_slice %arg6[%run_scoped3A_280, %dma_wait3A_1409, %dma_wait3A_1410] : memref<4x64x256xf32, #tpu.memory_space<vmem>> -> memref<1x64x256xf32, #tpu.memory_space<vmem>>
      %dma_wait3A_1412 = tpu.memref_squeeze %dma_wait3A_1411 : memref<1x64x256xf32, #tpu.memory_space<vmem>> -> memref<64x256xf32, #tpu.memory_space<vmem>>
      %dma_wait3A_1413 = arith.constant 0 : i32
      %dma_wait3A_1414 = arith.constant 0 : i32
      %dma_wait3A_1415 = tpu.memref_slice %arg7[%arg1, %run_scoped3A_281, %dma_wait3A_1413, %dma_wait3A_1414] : memref<16x2x64x256xf32, #tpu.memory_space<vmem_shared>> -> memref<1x1x64x256xf32, #tpu.memory_space<vmem_shared>>
      %dma_wait3A_1416 = tpu.memref_squeeze %dma_wait3A_1415 : memref<1x1x64x256xf32, #tpu.memory_space<vmem_shared>> -> memref<64x256xf32, #tpu.memory_space<vmem_shared>>
      %dma_wait3A_1417 = arith.constant 0 : i32
      %dma_wait3A_1418 = arith.constant 0 : i32
      %dma_wait3A_1419 = tpu.memref_slice %arg7[%arg1, %run_scoped3A_281, %dma_wait3A_1417, %dma_wait3A_1418] : memref<16x2x64x256xf32, #tpu.memory_space<vmem_shared>> -> memref<1x1x64x256xf32, #tpu.memory_space<vmem_shared>>
      %dma_wait3A_1420 = tpu.memref_squeeze %dma_wait3A_1419 : memref<1x1x64x256xf32, #tpu.memory_space<vmem_shared>> -> memref<64x256xf32, #tpu.memory_space<vmem_shared>>
      %dma_wait3A_1421 = arith.constant 0 : i32
      %dma_wait3A_1422 = arith.constant 0 : i32
      %dma_wait3A_1423 = tpu.memref_slice %arg6[%run_scoped3A_280, %dma_wait3A_1421, %dma_wait3A_1422] : memref<4x64x256xf32, #tpu.memory_space<vmem>> -> memref<1x64x256xf32, #tpu.memory_space<vmem>>
      %dma_wait3A_1424 = tpu.memref_squeeze %dma_wait3A_1423 : memref<1x64x256xf32, #tpu.memory_space<vmem>> -> memref<64x256xf32, #tpu.memory_space<vmem>>
      tpu.wait_dma2 semaphore(%run_scoped3A_1392 : memref<!tpu.dma_semaphore, #tpu.memory_space<semaphore_mem>>) src(%dma_wait3A_1424 : memref<64x256xf32, #tpu.memory_space<vmem>>) dst(%dma_wait3A_1420 : memref<64x256xf32, #tpu.memory_space<vmem_shared>>)
      tpu.yield
    }) : () -> ()
    %dma_start3A_282 = arith.constant 0 : i32
    %dma_start3A_283 = arith.constant 3 : i32
    %dma_start3A_284 = arith.constant 0 : i32
    %dma_start3A_285 = arith.constant 0 : i32
    %dma_start3A_286 = tpu.memref_slice %arg6[%dma_start3A_283, %dma_start3A_284, %dma_start3A_285] : memref<4x64x256xf32, #tpu.memory_space<vmem>> -> memref<1x64x256xf32, #tpu.memory_space<vmem>>
    %dma_start3A_287 = tpu.memref_squeeze %dma_start3A_286 : memref<1x64x256xf32, #tpu.memory_space<vmem>> -> memref<64x256xf32, #tpu.memory_space<vmem>>
    %dma_start3A_288 = arith.constant 448 : i32
    %dma_start3A_289 = tpu.memref_slice %arg5[%dma_start3A_288] : memref<512xi32, #tpu.memory_space<vmem>> -> memref<64xi32, #tpu.memory_space<vmem>>
    %dma_start3A_290 = arith.constant 0 : i32
    %dma_start3A_291 = arith.constant 0 : i32
    %dma_start3A_292 = tpu.memref_slice %arg3[%dma_start3A_282, %dma_start3A_290, %dma_start3A_291] : memref<3x100000x256xf32, #tpu.memory_space<hbm>> -> memref<1x100000x256xf32, #tpu.memory_space<hbm>>
    %dma_start3A_293 = tpu.memref_squeeze %dma_start3A_292 : memref<1x100000x256xf32, #tpu.memory_space<hbm>> -> memref<100000x256xf32, #tpu.memory_space<hbm>>
    %dma_start3A_294 = arith.constant 0 : i32
    %dma_start3A_295 = arith.constant 0 : i32
    %dma_start3A_296 = tpu.memref_slice %dma_start3A_293[%dma_start3A_294, %dma_start3A_295] : memref<100000x256xf32, #tpu.memory_space<hbm>> -> memref<100000x256xf32, #tpu.memory_space<hbm>>
    tpu.enqueue_indirect_dma source(%dma_start3A_296 : memref<100000x256xf32, #tpu.memory_space<hbm>>) target(%dma_start3A_287 : memref<64x256xf32, #tpu.memory_space<vmem>>) offsets(%dma_start3A_289 : memref<64xi32, #tpu.memory_space<vmem>>) semaphore(%arg8 : memref<!tpu.dma_semaphore, #tpu.memory_space<semaphore_mem>>)
    %add3A_297 = arith.constant 256 : i32
    %add3A_298 = arith.addi %mul3A_2, %add3A_297 : i32
    %dma_start3A_299 = arith.constant 0 : i32
    %dma_start3A_300 = arith.constant 0 : i32
    %dma_start3A_301 = arith.constant 0 : i32
    %dma_start3A_302 = arith.constant 0 : i32
    %dma_start3A_303 = tpu.memref_slice %arg4[%dma_start3A_300, %dma_start3A_301, %dma_start3A_302] : memref<3x16384x256xf32, #tpu.memory_space<hbm>> -> memref<1x16384x256xf32, #tpu.memory_space<hbm>>
    %dma_start3A_304 = tpu.memref_squeeze %dma_start3A_303 : memref<1x16384x256xf32, #tpu.memory_space<hbm>> -> memref<16384x256xf32, #tpu.memory_space<hbm>>
    %dma_start3A_305 = arith.constant 0 : i32
    %dma_start3A_306 = tpu.memref_slice %dma_start3A_304[%add3A_298, %dma_start3A_305] : memref<16384x256xf32, #tpu.memory_space<hbm>> -> memref<64x256xf32, #tpu.memory_space<hbm>>
    %dma_start3A_307 = arith.constant 0 : i32
    %dma_start3A_308 = arith.constant 0 : i32
    %dma_start3A_309 = tpu.memref_slice %arg7[%arg1, %dma_start3A_299, %dma_start3A_307, %dma_start3A_308] : memref<16x2x64x256xf32, #tpu.memory_space<vmem_shared>> -> memref<1x1x64x256xf32, #tpu.memory_space<vmem_shared>>
    %dma_start3A_310 = tpu.memref_squeeze %dma_start3A_309 : memref<1x1x64x256xf32, #tpu.memory_space<vmem_shared>> -> memref<64x256xf32, #tpu.memory_space<vmem_shared>>
    tpu.enqueue_dma source(%dma_start3A_310 : memref<64x256xf32, #tpu.memory_space<vmem_shared>>) target(%dma_start3A_306 : memref<64x256xf32, #tpu.memory_space<hbm>>) target_semaphore(%arg9 : memref<!tpu.dma_semaphore, #tpu.memory_space<semaphore_mem>>)
    %dma_wait3A_311 = arith.constant 0 : i32
    %dma_wait3A_312 = arith.constant 1 : i32
    %dma_wait3A_313 = arith.constant 0 : i32
    %dma_wait3A_314 = arith.constant 0 : i32
    %dma_wait3A_315 = tpu.memref_slice %arg6[%dma_wait3A_312, %dma_wait3A_313, %dma_wait3A_314] : memref<4x64x256xf32, #tpu.memory_space<vmem>> -> memref<1x64x256xf32, #tpu.memory_space<vmem>>
    %dma_wait3A_316 = tpu.memref_squeeze %dma_wait3A_315 : memref<1x64x256xf32, #tpu.memory_space<vmem>> -> memref<64x256xf32, #tpu.memory_space<vmem>>
    %dma_wait3A_317 = arith.constant 320 : i32
    %dma_wait3A_318 = tpu.memref_slice %arg5[%dma_wait3A_317] : memref<512xi32, #tpu.memory_space<vmem>> -> memref<64xi32, #tpu.memory_space<vmem>>
    %dma_wait3A_319 = arith.constant 0 : i32
    %dma_wait3A_320 = arith.constant 0 : i32
    %dma_wait3A_321 = tpu.memref_slice %arg3[%dma_wait3A_311, %dma_wait3A_319, %dma_wait3A_320] : memref<3x100000x256xf32, #tpu.memory_space<hbm>> -> memref<1x100000x256xf32, #tpu.memory_space<hbm>>
    %dma_wait3A_322 = tpu.memref_squeeze %dma_wait3A_321 : memref<1x100000x256xf32, #tpu.memory_space<hbm>> -> memref<100000x256xf32, #tpu.memory_space<hbm>>
    %dma_wait3A_323 = arith.constant 0 : i32
    %dma_wait3A_324 = arith.constant 0 : i32
    %dma_wait3A_325 = tpu.memref_slice %dma_wait3A_322[%dma_wait3A_323, %dma_wait3A_324] : memref<100000x256xf32, #tpu.memory_space<hbm>> -> memref<100000x256xf32, #tpu.memory_space<hbm>>
    tpu.wait_indirect_dma semaphore(%arg8 : memref<!tpu.dma_semaphore, #tpu.memory_space<semaphore_mem>>) src(%dma_wait3A_325 : memref<100000x256xf32, #tpu.memory_space<hbm>>) dst(%dma_wait3A_316 : memref<64x256xf32, #tpu.memory_space<vmem>>)
    %dma_wait3A_326 = arith.constant 1 : i32
    %dma_wait3A_327 = arith.constant 0 : i32
    %dma_wait3A_328 = arith.constant 0 : i32
    %dma_wait3A_329 = arith.constant 0 : i32
    %dma_wait3A_330 = tpu.memref_slice %arg4[%dma_wait3A_327, %dma_wait3A_328, %dma_wait3A_329] : memref<3x16384x256xf32, #tpu.memory_space<hbm>> -> memref<1x16384x256xf32, #tpu.memory_space<hbm>>
    %dma_wait3A_331 = tpu.memref_squeeze %dma_wait3A_330 : memref<1x16384x256xf32, #tpu.memory_space<hbm>> -> memref<16384x256xf32, #tpu.memory_space<hbm>>
    %dma_wait3A_332 = arith.constant 0 : i32
    %dma_wait3A_333 = tpu.memref_slice %dma_wait3A_331[%add3A_240, %dma_wait3A_332] : memref<16384x256xf32, #tpu.memory_space<hbm>> -> memref<64x256xf32, #tpu.memory_space<hbm>>
    %dma_wait3A_334 = arith.constant 0 : i32
    %dma_wait3A_335 = arith.constant 0 : i32
    %dma_wait3A_336 = tpu.memref_slice %arg7[%arg1, %dma_wait3A_326, %dma_wait3A_334, %dma_wait3A_335] : memref<16x2x64x256xf32, #tpu.memory_space<vmem_shared>> -> memref<1x1x64x256xf32, #tpu.memory_space<vmem_shared>>
    %dma_wait3A_337 = tpu.memref_squeeze %dma_wait3A_336 : memref<1x1x64x256xf32, #tpu.memory_space<vmem_shared>> -> memref<64x256xf32, #tpu.memory_space<vmem_shared>>
    tpu.wait_dma2 semaphore(%arg9 : memref<!tpu.dma_semaphore, #tpu.memory_space<semaphore_mem>>) src(%dma_wait3A_337 : memref<64x256xf32, #tpu.memory_space<vmem_shared>>) dst(%dma_wait3A_333 : memref<64x256xf32, #tpu.memory_space<hbm>>)
    %run_scoped3A_338 = arith.constant 1 : i32
    %run_scoped3A_339 = arith.constant 1 : i32
    "tpu.region"() ({
      %run_scoped3A_1392 = tpu.sem_alloc : memref<!tpu.dma_semaphore, #tpu.memory_space<semaphore_mem>>
      %dma_start3A_1393 = arith.constant 0 : i32
      %dma_start3A_1394 = arith.constant 0 : i32
      %dma_start3A_1395 = tpu.memref_slice %arg6[%run_scoped3A_338, %dma_start3A_1393, %dma_start3A_1394] : memref<4x64x256xf32, #tpu.memory_space<vmem>> -> memref<1x64x256xf32, #tpu.memory_space<vmem>>
      %dma_start3A_1396 = tpu.memref_squeeze %dma_start3A_1395 : memref<1x64x256xf32, #tpu.memory_space<vmem>> -> memref<64x256xf32, #tpu.memory_space<vmem>>
      %dma_start3A_1397 = arith.constant 0 : i32
      %dma_start3A_1398 = arith.constant 0 : i32
      %dma_start3A_1399 = tpu.memref_slice %arg7[%arg1, %run_scoped3A_339, %dma_start3A_1397, %dma_start3A_1398] : memref<16x2x64x256xf32, #tpu.memory_space<vmem_shared>> -> memref<1x1x64x256xf32, #tpu.memory_space<vmem_shared>>
      %dma_start3A_1400 = tpu.memref_squeeze %dma_start3A_1399 : memref<1x1x64x256xf32, #tpu.memory_space<vmem_shared>> -> memref<64x256xf32, #tpu.memory_space<vmem_shared>>
      %dma_start3A_1401 = arith.constant 0 : i32
      %dma_start3A_1402 = arith.constant 0 : i32
      %dma_start3A_1403 = tpu.memref_slice %arg7[%arg1, %run_scoped3A_339, %dma_start3A_1401, %dma_start3A_1402] : memref<16x2x64x256xf32, #tpu.memory_space<vmem_shared>> -> memref<1x1x64x256xf32, #tpu.memory_space<vmem_shared>>
      %dma_start3A_1404 = tpu.memref_squeeze %dma_start3A_1403 : memref<1x1x64x256xf32, #tpu.memory_space<vmem_shared>> -> memref<64x256xf32, #tpu.memory_space<vmem_shared>>
      %dma_start3A_1405 = arith.constant 0 : i32
      %dma_start3A_1406 = arith.constant 0 : i32
      %dma_start3A_1407 = tpu.memref_slice %arg6[%run_scoped3A_338, %dma_start3A_1405, %dma_start3A_1406] : memref<4x64x256xf32, #tpu.memory_space<vmem>> -> memref<1x64x256xf32, #tpu.memory_space<vmem>>
      %dma_start3A_1408 = tpu.memref_squeeze %dma_start3A_1407 : memref<1x64x256xf32, #tpu.memory_space<vmem>> -> memref<64x256xf32, #tpu.memory_space<vmem>>
      tpu.enqueue_dma source(%dma_start3A_1408 : memref<64x256xf32, #tpu.memory_space<vmem>>) target(%dma_start3A_1404 : memref<64x256xf32, #tpu.memory_space<vmem_shared>>) target_semaphore(%run_scoped3A_1392 : memref<!tpu.dma_semaphore, #tpu.memory_space<semaphore_mem>>)
      %dma_wait3A_1409 = arith.constant 0 : i32
      %dma_wait3A_1410 = arith.constant 0 : i32
      %dma_wait3A_1411 = tpu.memref_slice %arg6[%run_scoped3A_338, %dma_wait3A_1409, %dma_wait3A_1410] : memref<4x64x256xf32, #tpu.memory_space<vmem>> -> memref<1x64x256xf32, #tpu.memory_space<vmem>>
      %dma_wait3A_1412 = tpu.memref_squeeze %dma_wait3A_1411 : memref<1x64x256xf32, #tpu.memory_space<vmem>> -> memref<64x256xf32, #tpu.memory_space<vmem>>
      %dma_wait3A_1413 = arith.constant 0 : i32
      %dma_wait3A_1414 = arith.constant 0 : i32
      %dma_wait3A_1415 = tpu.memref_slice %arg7[%arg1, %run_scoped3A_339, %dma_wait3A_1413, %dma_wait3A_1414] : memref<16x2x64x256xf32, #tpu.memory_space<vmem_shared>> -> memref<1x1x64x256xf32, #tpu.memory_space<vmem_shared>>
      %dma_wait3A_1416 = tpu.memref_squeeze %dma_wait3A_1415 : memref<1x1x64x256xf32, #tpu.memory_space<vmem_shared>> -> memref<64x256xf32, #tpu.memory_space<vmem_shared>>
      %dma_wait3A_1417 = arith.constant 0 : i32
      %dma_wait3A_1418 = arith.constant 0 : i32
      %dma_wait3A_1419 = tpu.memref_slice %arg7[%arg1, %run_scoped3A_339, %dma_wait3A_1417, %dma_wait3A_1418] : memref<16x2x64x256xf32, #tpu.memory_space<vmem_shared>> -> memref<1x1x64x256xf32, #tpu.memory_space<vmem_shared>>
      %dma_wait3A_1420 = tpu.memref_squeeze %dma_wait3A_1419 : memref<1x1x64x256xf32, #tpu.memory_space<vmem_shared>> -> memref<64x256xf32, #tpu.memory_space<vmem_shared>>
      %dma_wait3A_1421 = arith.constant 0 : i32
      %dma_wait3A_1422 = arith.constant 0 : i32
      %dma_wait3A_1423 = tpu.memref_slice %arg6[%run_scoped3A_338, %dma_wait3A_1421, %dma_wait3A_1422] : memref<4x64x256xf32, #tpu.memory_space<vmem>> -> memref<1x64x256xf32, #tpu.memory_space<vmem>>
      %dma_wait3A_1424 = tpu.memref_squeeze %dma_wait3A_1423 : memref<1x64x256xf32, #tpu.memory_space<vmem>> -> memref<64x256xf32, #tpu.memory_space<vmem>>
      tpu.wait_dma2 semaphore(%run_scoped3A_1392 : memref<!tpu.dma_semaphore, #tpu.memory_space<semaphore_mem>>) src(%dma_wait3A_1424 : memref<64x256xf32, #tpu.memory_space<vmem>>) dst(%dma_wait3A_1420 : memref<64x256xf32, #tpu.memory_space<vmem_shared>>)
      tpu.yield
    }) : () -> ()
    %dma_start3A_340 = arith.constant 1 : i32
    %dma_start3A_341 = arith.constant 0 : i32
    %dma_start3A_342 = arith.constant 0 : i32
    %dma_start3A_343 = arith.constant 0 : i32
    %dma_start3A_344 = tpu.memref_slice %arg6[%dma_start3A_341, %dma_start3A_342, %dma_start3A_343] : memref<4x64x256xf32, #tpu.memory_space<vmem>> -> memref<1x64x256xf32, #tpu.memory_space<vmem>>
    %dma_start3A_345 = tpu.memref_squeeze %dma_start3A_344 : memref<1x64x256xf32, #tpu.memory_space<vmem>> -> memref<64x256xf32, #tpu.memory_space<vmem>>
    %dma_start3A_346 = arith.constant 0 : i32
    %dma_start3A_347 = tpu.memref_slice %arg5[%dma_start3A_346] : memref<512xi32, #tpu.memory_space<vmem>> -> memref<64xi32, #tpu.memory_space<vmem>>
    %dma_start3A_348 = arith.constant 0 : i32
    %dma_start3A_349 = arith.constant 0 : i32
    %dma_start3A_350 = tpu.memref_slice %arg3[%dma_start3A_340, %dma_start3A_348, %dma_start3A_349] : memref<3x100000x256xf32, #tpu.memory_space<hbm>> -> memref<1x100000x256xf32, #tpu.memory_space<hbm>>
    %dma_start3A_351 = tpu.memref_squeeze %dma_start3A_350 : memref<1x100000x256xf32, #tpu.memory_space<hbm>> -> memref<100000x256xf32, #tpu.memory_space<hbm>>
    %dma_start3A_352 = arith.constant 0 : i32
    %dma_start3A_353 = arith.constant 0 : i32
    %dma_start3A_354 = tpu.memref_slice %dma_start3A_351[%dma_start3A_352, %dma_start3A_353] : memref<100000x256xf32, #tpu.memory_space<hbm>> -> memref<100000x256xf32, #tpu.memory_space<hbm>>
    tpu.enqueue_indirect_dma source(%dma_start3A_354 : memref<100000x256xf32, #tpu.memory_space<hbm>>) target(%dma_start3A_345 : memref<64x256xf32, #tpu.memory_space<vmem>>) offsets(%dma_start3A_347 : memref<64xi32, #tpu.memory_space<vmem>>) semaphore(%arg8 : memref<!tpu.dma_semaphore, #tpu.memory_space<semaphore_mem>>)
    %add3A_355 = arith.constant 320 : i32
    %add3A_356 = arith.addi %mul3A_2, %add3A_355 : i32
    %dma_start3A_357 = arith.constant 1 : i32
    %dma_start3A_358 = arith.constant 0 : i32
    %dma_start3A_359 = arith.constant 0 : i32
    %dma_start3A_360 = arith.constant 0 : i32
    %dma_start3A_361 = tpu.memref_slice %arg4[%dma_start3A_358, %dma_start3A_359, %dma_start3A_360] : memref<3x16384x256xf32, #tpu.memory_space<hbm>> -> memref<1x16384x256xf32, #tpu.memory_space<hbm>>
    %dma_start3A_362 = tpu.memref_squeeze %dma_start3A_361 : memref<1x16384x256xf32, #tpu.memory_space<hbm>> -> memref<16384x256xf32, #tpu.memory_space<hbm>>
    %dma_start3A_363 = arith.constant 0 : i32
    %dma_start3A_364 = tpu.memref_slice %dma_start3A_362[%add3A_356, %dma_start3A_363] : memref<16384x256xf32, #tpu.memory_space<hbm>> -> memref<64x256xf32, #tpu.memory_space<hbm>>
    %dma_start3A_365 = arith.constant 0 : i32
    %dma_start3A_366 = arith.constant 0 : i32
    %dma_start3A_367 = tpu.memref_slice %arg7[%arg1, %dma_start3A_357, %dma_start3A_365, %dma_start3A_366] : memref<16x2x64x256xf32, #tpu.memory_space<vmem_shared>> -> memref<1x1x64x256xf32, #tpu.memory_space<vmem_shared>>
    %dma_start3A_368 = tpu.memref_squeeze %dma_start3A_367 : memref<1x1x64x256xf32, #tpu.memory_space<vmem_shared>> -> memref<64x256xf32, #tpu.memory_space<vmem_shared>>
    tpu.enqueue_dma source(%dma_start3A_368 : memref<64x256xf32, #tpu.memory_space<vmem_shared>>) target(%dma_start3A_364 : memref<64x256xf32, #tpu.memory_space<hbm>>) target_semaphore(%arg9 : memref<!tpu.dma_semaphore, #tpu.memory_space<semaphore_mem>>)
    %dma_wait3A_369 = arith.constant 0 : i32
    %dma_wait3A_370 = arith.constant 2 : i32
    %dma_wait3A_371 = arith.constant 0 : i32
    %dma_wait3A_372 = arith.constant 0 : i32
    %dma_wait3A_373 = tpu.memref_slice %arg6[%dma_wait3A_370, %dma_wait3A_371, %dma_wait3A_372] : memref<4x64x256xf32, #tpu.memory_space<vmem>> -> memref<1x64x256xf32, #tpu.memory_space<vmem>>
    %dma_wait3A_374 = tpu.memref_squeeze %dma_wait3A_373 : memref<1x64x256xf32, #tpu.memory_space<vmem>> -> memref<64x256xf32, #tpu.memory_space<vmem>>
    %dma_wait3A_375 = arith.constant 384 : i32
    %dma_wait3A_376 = tpu.memref_slice %arg5[%dma_wait3A_375] : memref<512xi32, #tpu.memory_space<vmem>> -> memref<64xi32, #tpu.memory_space<vmem>>
    %dma_wait3A_377 = arith.constant 0 : i32
    %dma_wait3A_378 = arith.constant 0 : i32
    %dma_wait3A_379 = tpu.memref_slice %arg3[%dma_wait3A_369, %dma_wait3A_377, %dma_wait3A_378] : memref<3x100000x256xf32, #tpu.memory_space<hbm>> -> memref<1x100000x256xf32, #tpu.memory_space<hbm>>
    %dma_wait3A_380 = tpu.memref_squeeze %dma_wait3A_379 : memref<1x100000x256xf32, #tpu.memory_space<hbm>> -> memref<100000x256xf32, #tpu.memory_space<hbm>>
    %dma_wait3A_381 = arith.constant 0 : i32
    %dma_wait3A_382 = arith.constant 0 : i32
    %dma_wait3A_383 = tpu.memref_slice %dma_wait3A_380[%dma_wait3A_381, %dma_wait3A_382] : memref<100000x256xf32, #tpu.memory_space<hbm>> -> memref<100000x256xf32, #tpu.memory_space<hbm>>
    tpu.wait_indirect_dma semaphore(%arg8 : memref<!tpu.dma_semaphore, #tpu.memory_space<semaphore_mem>>) src(%dma_wait3A_383 : memref<100000x256xf32, #tpu.memory_space<hbm>>) dst(%dma_wait3A_374 : memref<64x256xf32, #tpu.memory_space<vmem>>)
    %dma_wait3A_384 = arith.constant 0 : i32
    %dma_wait3A_385 = arith.constant 0 : i32
    %dma_wait3A_386 = arith.constant 0 : i32
    %dma_wait3A_387 = arith.constant 0 : i32
    %dma_wait3A_388 = tpu.memref_slice %arg4[%dma_wait3A_385, %dma_wait3A_386, %dma_wait3A_387] : memref<3x16384x256xf32, #tpu.memory_space<hbm>> -> memref<1x16384x256xf32, #tpu.memory_space<hbm>>
    %dma_wait3A_389 = tpu.memref_squeeze %dma_wait3A_388 : memref<1x16384x256xf32, #tpu.memory_space<hbm>> -> memref<16384x256xf32, #tpu.memory_space<hbm>>
    %dma_wait3A_390 = arith.constant 0 : i32
    %dma_wait3A_391 = tpu.memref_slice %dma_wait3A_389[%add3A_298, %dma_wait3A_390] : memref<16384x256xf32, #tpu.memory_space<hbm>> -> memref<64x256xf32, #tpu.memory_space<hbm>>
    %dma_wait3A_392 = arith.constant 0 : i32
    %dma_wait3A_393 = arith.constant 0 : i32
    %dma_wait3A_394 = tpu.memref_slice %arg7[%arg1, %dma_wait3A_384, %dma_wait3A_392, %dma_wait3A_393] : memref<16x2x64x256xf32, #tpu.memory_space<vmem_shared>> -> memref<1x1x64x256xf32, #tpu.memory_space<vmem_shared>>
    %dma_wait3A_395 = tpu.memref_squeeze %dma_wait3A_394 : memref<1x1x64x256xf32, #tpu.memory_space<vmem_shared>> -> memref<64x256xf32, #tpu.memory_space<vmem_shared>>
    tpu.wait_dma2 semaphore(%arg9 : memref<!tpu.dma_semaphore, #tpu.memory_space<semaphore_mem>>) src(%dma_wait3A_395 : memref<64x256xf32, #tpu.memory_space<vmem_shared>>) dst(%dma_wait3A_391 : memref<64x256xf32, #tpu.memory_space<hbm>>)
    %run_scoped3A_396 = arith.constant 2 : i32
    %run_scoped3A_397 = arith.constant 0 : i32
    "tpu.region"() ({
      %run_scoped3A_1392 = tpu.sem_alloc : memref<!tpu.dma_semaphore, #tpu.memory_space<semaphore_mem>>
      %dma_start3A_1393 = arith.constant 0 : i32
      %dma_start3A_1394 = arith.constant 0 : i32
      %dma_start3A_1395 = tpu.memref_slice %arg6[%run_scoped3A_396, %dma_start3A_1393, %dma_start3A_1394] : memref<4x64x256xf32, #tpu.memory_space<vmem>> -> memref<1x64x256xf32, #tpu.memory_space<vmem>>
      %dma_start3A_1396 = tpu.memref_squeeze %dma_start3A_1395 : memref<1x64x256xf32, #tpu.memory_space<vmem>> -> memref<64x256xf32, #tpu.memory_space<vmem>>
      %dma_start3A_1397 = arith.constant 0 : i32
      %dma_start3A_1398 = arith.constant 0 : i32
      %dma_start3A_1399 = tpu.memref_slice %arg7[%arg1, %run_scoped3A_397, %dma_start3A_1397, %dma_start3A_1398] : memref<16x2x64x256xf32, #tpu.memory_space<vmem_shared>> -> memref<1x1x64x256xf32, #tpu.memory_space<vmem_shared>>
      %dma_start3A_1400 = tpu.memref_squeeze %dma_start3A_1399 : memref<1x1x64x256xf32, #tpu.memory_space<vmem_shared>> -> memref<64x256xf32, #tpu.memory_space<vmem_shared>>
      %dma_start3A_1401 = arith.constant 0 : i32
      %dma_start3A_1402 = arith.constant 0 : i32
      %dma_start3A_1403 = tpu.memref_slice %arg7[%arg1, %run_scoped3A_397, %dma_start3A_1401, %dma_start3A_1402] : memref<16x2x64x256xf32, #tpu.memory_space<vmem_shared>> -> memref<1x1x64x256xf32, #tpu.memory_space<vmem_shared>>
      %dma_start3A_1404 = tpu.memref_squeeze %dma_start3A_1403 : memref<1x1x64x256xf32, #tpu.memory_space<vmem_shared>> -> memref<64x256xf32, #tpu.memory_space<vmem_shared>>
      %dma_start3A_1405 = arith.constant 0 : i32
      %dma_start3A_1406 = arith.constant 0 : i32
      %dma_start3A_1407 = tpu.memref_slice %arg6[%run_scoped3A_396, %dma_start3A_1405, %dma_start3A_1406] : memref<4x64x256xf32, #tpu.memory_space<vmem>> -> memref<1x64x256xf32, #tpu.memory_space<vmem>>
      %dma_start3A_1408 = tpu.memref_squeeze %dma_start3A_1407 : memref<1x64x256xf32, #tpu.memory_space<vmem>> -> memref<64x256xf32, #tpu.memory_space<vmem>>
      tpu.enqueue_dma source(%dma_start3A_1408 : memref<64x256xf32, #tpu.memory_space<vmem>>) target(%dma_start3A_1404 : memref<64x256xf32, #tpu.memory_space<vmem_shared>>) target_semaphore(%run_scoped3A_1392 : memref<!tpu.dma_semaphore, #tpu.memory_space<semaphore_mem>>)
      %dma_wait3A_1409 = arith.constant 0 : i32
      %dma_wait3A_1410 = arith.constant 0 : i32
      %dma_wait3A_1411 = tpu.memref_slice %arg6[%run_scoped3A_396, %dma_wait3A_1409, %dma_wait3A_1410] : memref<4x64x256xf32, #tpu.memory_space<vmem>> -> memref<1x64x256xf32, #tpu.memory_space<vmem>>
      %dma_wait3A_1412 = tpu.memref_squeeze %dma_wait3A_1411 : memref<1x64x256xf32, #tpu.memory_space<vmem>> -> memref<64x256xf32, #tpu.memory_space<vmem>>
      %dma_wait3A_1413 = arith.constant 0 : i32
      %dma_wait3A_1414 = arith.constant 0 : i32
      %dma_wait3A_1415 = tpu.memref_slice %arg7[%arg1, %run_scoped3A_397, %dma_wait3A_1413, %dma_wait3A_1414] : memref<16x2x64x256xf32, #tpu.memory_space<vmem_shared>> -> memref<1x1x64x256xf32, #tpu.memory_space<vmem_shared>>
      %dma_wait3A_1416 = tpu.memref_squeeze %dma_wait3A_1415 : memref<1x1x64x256xf32, #tpu.memory_space<vmem_shared>> -> memref<64x256xf32, #tpu.memory_space<vmem_shared>>
      %dma_wait3A_1417 = arith.constant 0 : i32
      %dma_wait3A_1418 = arith.constant 0 : i32
      %dma_wait3A_1419 = tpu.memref_slice %arg7[%arg1, %run_scoped3A_397, %dma_wait3A_1417, %dma_wait3A_1418] : memref<16x2x64x256xf32, #tpu.memory_space<vmem_shared>> -> memref<1x1x64x256xf32, #tpu.memory_space<vmem_shared>>
      %dma_wait3A_1420 = tpu.memref_squeeze %dma_wait3A_1419 : memref<1x1x64x256xf32, #tpu.memory_space<vmem_shared>> -> memref<64x256xf32, #tpu.memory_space<vmem_shared>>
      %dma_wait3A_1421 = arith.constant 0 : i32
      %dma_wait3A_1422 = arith.constant 0 : i32
      %dma_wait3A_1423 = tpu.memref_slice %arg6[%run_scoped3A_396, %dma_wait3A_1421, %dma_wait3A_1422] : memref<4x64x256xf32, #tpu.memory_space<vmem>> -> memref<1x64x256xf32, #tpu.memory_space<vmem>>
      %dma_wait3A_1424 = tpu.memref_squeeze %dma_wait3A_1423 : memref<1x64x256xf32, #tpu.memory_space<vmem>> -> memref<64x256xf32, #tpu.memory_space<vmem>>
      tpu.wait_dma2 semaphore(%run_scoped3A_1392 : memref<!tpu.dma_semaphore, #tpu.memory_space<semaphore_mem>>) src(%dma_wait3A_1424 : memref<64x256xf32, #tpu.memory_space<vmem>>) dst(%dma_wait3A_1420 : memref<64x256xf32, #tpu.memory_space<vmem_shared>>)
      tpu.yield
    }) : () -> ()
    %dma_start3A_398 = arith.constant 1 : i32
    %dma_start3A_399 = arith.constant 1 : i32
    %dma_start3A_400 = arith.constant 0 : i32
    %dma_start3A_401 = arith.constant 0 : i32
    %dma_start3A_402 = tpu.memref_slice %arg6[%dma_start3A_399, %dma_start3A_400, %dma_start3A_401] : memref<4x64x256xf32, #tpu.memory_space<vmem>> -> memref<1x64x256xf32, #tpu.memory_space<vmem>>
    %dma_start3A_403 = tpu.memref_squeeze %dma_start3A_402 : memref<1x64x256xf32, #tpu.memory_space<vmem>> -> memref<64x256xf32, #tpu.memory_space<vmem>>
    %dma_start3A_404 = arith.constant 64 : i32
    %dma_start3A_405 = tpu.memref_slice %arg5[%dma_start3A_404] : memref<512xi32, #tpu.memory_space<vmem>> -> memref<64xi32, #tpu.memory_space<vmem>>
    %dma_start3A_406 = arith.constant 0 : i32
    %dma_start3A_407 = arith.constant 0 : i32
    %dma_start3A_408 = tpu.memref_slice %arg3[%dma_start3A_398, %dma_start3A_406, %dma_start3A_407] : memref<3x100000x256xf32, #tpu.memory_space<hbm>> -> memref<1x100000x256xf32, #tpu.memory_space<hbm>>
    %dma_start3A_409 = tpu.memref_squeeze %dma_start3A_408 : memref<1x100000x256xf32, #tpu.memory_space<hbm>> -> memref<100000x256xf32, #tpu.memory_space<hbm>>
    %dma_start3A_410 = arith.constant 0 : i32
    %dma_start3A_411 = arith.constant 0 : i32
    %dma_start3A_412 = tpu.memref_slice %dma_start3A_409[%dma_start3A_410, %dma_start3A_411] : memref<100000x256xf32, #tpu.memory_space<hbm>> -> memref<100000x256xf32, #tpu.memory_space<hbm>>
    tpu.enqueue_indirect_dma source(%dma_start3A_412 : memref<100000x256xf32, #tpu.memory_space<hbm>>) target(%dma_start3A_403 : memref<64x256xf32, #tpu.memory_space<vmem>>) offsets(%dma_start3A_405 : memref<64xi32, #tpu.memory_space<vmem>>) semaphore(%arg8 : memref<!tpu.dma_semaphore, #tpu.memory_space<semaphore_mem>>)
    %add3A_413 = arith.constant 384 : i32
    %add3A_414 = arith.addi %mul3A_2, %add3A_413 : i32
    %dma_start3A_415 = arith.constant 0 : i32
    %dma_start3A_416 = arith.constant 0 : i32
    %dma_start3A_417 = arith.constant 0 : i32
    %dma_start3A_418 = arith.constant 0 : i32
    %dma_start3A_419 = tpu.memref_slice %arg4[%dma_start3A_416, %dma_start3A_417, %dma_start3A_418] : memref<3x16384x256xf32, #tpu.memory_space<hbm>> -> memref<1x16384x256xf32, #tpu.memory_space<hbm>>
    %dma_start3A_420 = tpu.memref_squeeze %dma_start3A_419 : memref<1x16384x256xf32, #tpu.memory_space<hbm>> -> memref<16384x256xf32, #tpu.memory_space<hbm>>
    %dma_start3A_421 = arith.constant 0 : i32
    %dma_start3A_422 = tpu.memref_slice %dma_start3A_420[%add3A_414, %dma_start3A_421] : memref<16384x256xf32, #tpu.memory_space<hbm>> -> memref<64x256xf32, #tpu.memory_space<hbm>>
    %dma_start3A_423 = arith.constant 0 : i32
    %dma_start3A_424 = arith.constant 0 : i32
    %dma_start3A_425 = tpu.memref_slice %arg7[%arg1, %dma_start3A_415, %dma_start3A_423, %dma_start3A_424] : memref<16x2x64x256xf32, #tpu.memory_space<vmem_shared>> -> memref<1x1x64x256xf32, #tpu.memory_space<vmem_shared>>
    %dma_start3A_426 = tpu.memref_squeeze %dma_start3A_425 : memref<1x1x64x256xf32, #tpu.memory_space<vmem_shared>> -> memref<64x256xf32, #tpu.memory_space<vmem_shared>>
    tpu.enqueue_dma source(%dma_start3A_426 : memref<64x256xf32, #tpu.memory_space<vmem_shared>>) target(%dma_start3A_422 : memref<64x256xf32, #tpu.memory_space<hbm>>) target_semaphore(%arg9 : memref<!tpu.dma_semaphore, #tpu.memory_space<semaphore_mem>>)
    %dma_wait3A_427 = arith.constant 0 : i32
    %dma_wait3A_428 = arith.constant 3 : i32
    %dma_wait3A_429 = arith.constant 0 : i32
    %dma_wait3A_430 = arith.constant 0 : i32
    %dma_wait3A_431 = tpu.memref_slice %arg6[%dma_wait3A_428, %dma_wait3A_429, %dma_wait3A_430] : memref<4x64x256xf32, #tpu.memory_space<vmem>> -> memref<1x64x256xf32, #tpu.memory_space<vmem>>
    %dma_wait3A_432 = tpu.memref_squeeze %dma_wait3A_431 : memref<1x64x256xf32, #tpu.memory_space<vmem>> -> memref<64x256xf32, #tpu.memory_space<vmem>>
    %dma_wait3A_433 = arith.constant 448 : i32
    %dma_wait3A_434 = tpu.memref_slice %arg5[%dma_wait3A_433] : memref<512xi32, #tpu.memory_space<vmem>> -> memref<64xi32, #tpu.memory_space<vmem>>
    %dma_wait3A_435 = arith.constant 0 : i32
    %dma_wait3A_436 = arith.constant 0 : i32
    %dma_wait3A_437 = tpu.memref_slice %arg3[%dma_wait3A_427, %dma_wait3A_435, %dma_wait3A_436] : memref<3x100000x256xf32, #tpu.memory_space<hbm>> -> memref<1x100000x256xf32, #tpu.memory_space<hbm>>
    %dma_wait3A_438 = tpu.memref_squeeze %dma_wait3A_437 : memref<1x100000x256xf32, #tpu.memory_space<hbm>> -> memref<100000x256xf32, #tpu.memory_space<hbm>>
    %dma_wait3A_439 = arith.constant 0 : i32
    %dma_wait3A_440 = arith.constant 0 : i32
    %dma_wait3A_441 = tpu.memref_slice %dma_wait3A_438[%dma_wait3A_439, %dma_wait3A_440] : memref<100000x256xf32, #tpu.memory_space<hbm>> -> memref<100000x256xf32, #tpu.memory_space<hbm>>
    tpu.wait_indirect_dma semaphore(%arg8 : memref<!tpu.dma_semaphore, #tpu.memory_space<semaphore_mem>>) src(%dma_wait3A_441 : memref<100000x256xf32, #tpu.memory_space<hbm>>) dst(%dma_wait3A_432 : memref<64x256xf32, #tpu.memory_space<vmem>>)
    %dma_wait3A_442 = arith.constant 1 : i32
    %dma_wait3A_443 = arith.constant 0 : i32
    %dma_wait3A_444 = arith.constant 0 : i32
    %dma_wait3A_445 = arith.constant 0 : i32
    %dma_wait3A_446 = tpu.memref_slice %arg4[%dma_wait3A_443, %dma_wait3A_444, %dma_wait3A_445] : memref<3x16384x256xf32, #tpu.memory_space<hbm>> -> memref<1x16384x256xf32, #tpu.memory_space<hbm>>
    %dma_wait3A_447 = tpu.memref_squeeze %dma_wait3A_446 : memref<1x16384x256xf32, #tpu.memory_space<hbm>> -> memref<16384x256xf32, #tpu.memory_space<hbm>>
    %dma_wait3A_448 = arith.constant 0 : i32
    %dma_wait3A_449 = tpu.memref_slice %dma_wait3A_447[%add3A_356, %dma_wait3A_448] : memref<16384x256xf32, #tpu.memory_space<hbm>> -> memref<64x256xf32, #tpu.memory_space<hbm>>
    %dma_wait3A_450 = arith.constant 0 : i32
    %dma_wait3A_451 = arith.constant 0 : i32
    %dma_wait3A_452 = tpu.memref_slice %arg7[%arg1, %dma_wait3A_442, %dma_wait3A_450, %dma_wait3A_451] : memref<16x2x64x256xf32, #tpu.memory_space<vmem_shared>> -> memref<1x1x64x256xf32, #tpu.memory_space<vmem_shared>>
    %dma_wait3A_453 = tpu.memref_squeeze %dma_wait3A_452 : memref<1x1x64x256xf32, #tpu.memory_space<vmem_shared>> -> memref<64x256xf32, #tpu.memory_space<vmem_shared>>
    tpu.wait_dma2 semaphore(%arg9 : memref<!tpu.dma_semaphore, #tpu.memory_space<semaphore_mem>>) src(%dma_wait3A_453 : memref<64x256xf32, #tpu.memory_space<vmem_shared>>) dst(%dma_wait3A_449 : memref<64x256xf32, #tpu.memory_space<hbm>>)
    %run_scoped3A_454 = arith.constant 3 : i32
    %run_scoped3A_455 = arith.constant 1 : i32
    "tpu.region"() ({
      %run_scoped3A_1392 = tpu.sem_alloc : memref<!tpu.dma_semaphore, #tpu.memory_space<semaphore_mem>>
      %dma_start3A_1393 = arith.constant 0 : i32
      %dma_start3A_1394 = arith.constant 0 : i32
      %dma_start3A_1395 = tpu.memref_slice %arg6[%run_scoped3A_454, %dma_start3A_1393, %dma_start3A_1394] : memref<4x64x256xf32, #tpu.memory_space<vmem>> -> memref<1x64x256xf32, #tpu.memory_space<vmem>>
      %dma_start3A_1396 = tpu.memref_squeeze %dma_start3A_1395 : memref<1x64x256xf32, #tpu.memory_space<vmem>> -> memref<64x256xf32, #tpu.memory_space<vmem>>
      %dma_start3A_1397 = arith.constant 0 : i32
      %dma_start3A_1398 = arith.constant 0 : i32
      %dma_start3A_1399 = tpu.memref_slice %arg7[%arg1, %run_scoped3A_455, %dma_start3A_1397, %dma_start3A_1398] : memref<16x2x64x256xf32, #tpu.memory_space<vmem_shared>> -> memref<1x1x64x256xf32, #tpu.memory_space<vmem_shared>>
      %dma_start3A_1400 = tpu.memref_squeeze %dma_start3A_1399 : memref<1x1x64x256xf32, #tpu.memory_space<vmem_shared>> -> memref<64x256xf32, #tpu.memory_space<vmem_shared>>
      %dma_start3A_1401 = arith.constant 0 : i32
      %dma_start3A_1402 = arith.constant 0 : i32
      %dma_start3A_1403 = tpu.memref_slice %arg7[%arg1, %run_scoped3A_455, %dma_start3A_1401, %dma_start3A_1402] : memref<16x2x64x256xf32, #tpu.memory_space<vmem_shared>> -> memref<1x1x64x256xf32, #tpu.memory_space<vmem_shared>>
      %dma_start3A_1404 = tpu.memref_squeeze %dma_start3A_1403 : memref<1x1x64x256xf32, #tpu.memory_space<vmem_shared>> -> memref<64x256xf32, #tpu.memory_space<vmem_shared>>
      %dma_start3A_1405 = arith.constant 0 : i32
      %dma_start3A_1406 = arith.constant 0 : i32
      %dma_start3A_1407 = tpu.memref_slice %arg6[%run_scoped3A_454, %dma_start3A_1405, %dma_start3A_1406] : memref<4x64x256xf32, #tpu.memory_space<vmem>> -> memref<1x64x256xf32, #tpu.memory_space<vmem>>
      %dma_start3A_1408 = tpu.memref_squeeze %dma_start3A_1407 : memref<1x64x256xf32, #tpu.memory_space<vmem>> -> memref<64x256xf32, #tpu.memory_space<vmem>>
      tpu.enqueue_dma source(%dma_start3A_1408 : memref<64x256xf32, #tpu.memory_space<vmem>>) target(%dma_start3A_1404 : memref<64x256xf32, #tpu.memory_space<vmem_shared>>) target_semaphore(%run_scoped3A_1392 : memref<!tpu.dma_semaphore, #tpu.memory_space<semaphore_mem>>)
      %dma_wait3A_1409 = arith.constant 0 : i32
      %dma_wait3A_1410 = arith.constant 0 : i32
      %dma_wait3A_1411 = tpu.memref_slice %arg6[%run_scoped3A_454, %dma_wait3A_1409, %dma_wait3A_1410] : memref<4x64x256xf32, #tpu.memory_space<vmem>> -> memref<1x64x256xf32, #tpu.memory_space<vmem>>
      %dma_wait3A_1412 = tpu.memref_squeeze %dma_wait3A_1411 : memref<1x64x256xf32, #tpu.memory_space<vmem>> -> memref<64x256xf32, #tpu.memory_space<vmem>>
      %dma_wait3A_1413 = arith.constant 0 : i32
      %dma_wait3A_1414 = arith.constant 0 : i32
      %dma_wait3A_1415 = tpu.memref_slice %arg7[%arg1, %run_scoped3A_455, %dma_wait3A_1413, %dma_wait3A_1414] : memref<16x2x64x256xf32, #tpu.memory_space<vmem_shared>> -> memref<1x1x64x256xf32, #tpu.memory_space<vmem_shared>>
      %dma_wait3A_1416 = tpu.memref_squeeze %dma_wait3A_1415 : memref<1x1x64x256xf32, #tpu.memory_space<vmem_shared>> -> memref<64x256xf32, #tpu.memory_space<vmem_shared>>
      %dma_wait3A_1417 = arith.constant 0 : i32
      %dma_wait3A_1418 = arith.constant 0 : i32
      %dma_wait3A_1419 = tpu.memref_slice %arg7[%arg1, %run_scoped3A_455, %dma_wait3A_1417, %dma_wait3A_1418] : memref<16x2x64x256xf32, #tpu.memory_space<vmem_shared>> -> memref<1x1x64x256xf32, #tpu.memory_space<vmem_shared>>
      %dma_wait3A_1420 = tpu.memref_squeeze %dma_wait3A_1419 : memref<1x1x64x256xf32, #tpu.memory_space<vmem_shared>> -> memref<64x256xf32, #tpu.memory_space<vmem_shared>>
      %dma_wait3A_1421 = arith.constant 0 : i32
      %dma_wait3A_1422 = arith.constant 0 : i32
      %dma_wait3A_1423 = tpu.memref_slice %arg6[%run_scoped3A_454, %dma_wait3A_1421, %dma_wait3A_1422] : memref<4x64x256xf32, #tpu.memory_space<vmem>> -> memref<1x64x256xf32, #tpu.memory_space<vmem>>
      %dma_wait3A_1424 = tpu.memref_squeeze %dma_wait3A_1423 : memref<1x64x256xf32, #tpu.memory_space<vmem>> -> memref<64x256xf32, #tpu.memory_space<vmem>>
      tpu.wait_dma2 semaphore(%run_scoped3A_1392 : memref<!tpu.dma_semaphore, #tpu.memory_space<semaphore_mem>>) src(%dma_wait3A_1424 : memref<64x256xf32, #tpu.memory_space<vmem>>) dst(%dma_wait3A_1420 : memref<64x256xf32, #tpu.memory_space<vmem_shared>>)
      tpu.yield
    }) : () -> ()
    %dma_start3A_456 = arith.constant 1 : i32
    %dma_start3A_457 = arith.constant 2 : i32
    %dma_start3A_458 = arith.constant 0 : i32
    %dma_start3A_459 = arith.constant 0 : i32
    %dma_start3A_460 = tpu.memref_slice %arg6[%dma_start3A_457, %dma_start3A_458, %dma_start3A_459] : memref<4x64x256xf32, #tpu.memory_space<vmem>> -> memref<1x64x256xf32, #tpu.memory_space<vmem>>
    %dma_start3A_461 = tpu.memref_squeeze %dma_start3A_460 : memref<1x64x256xf32, #tpu.memory_space<vmem>> -> memref<64x256xf32, #tpu.memory_space<vmem>>
    %dma_start3A_462 = arith.constant 128 : i32
    %dma_start3A_463 = tpu.memref_slice %arg5[%dma_start3A_462] : memref<512xi32, #tpu.memory_space<vmem>> -> memref<64xi32, #tpu.memory_space<vmem>>
    %dma_start3A_464 = arith.constant 0 : i32
    %dma_start3A_465 = arith.constant 0 : i32
    %dma_start3A_466 = tpu.memref_slice %arg3[%dma_start3A_456, %dma_start3A_464, %dma_start3A_465] : memref<3x100000x256xf32, #tpu.memory_space<hbm>> -> memref<1x100000x256xf32, #tpu.memory_space<hbm>>
    %dma_start3A_467 = tpu.memref_squeeze %dma_start3A_466 : memref<1x100000x256xf32, #tpu.memory_space<hbm>> -> memref<100000x256xf32, #tpu.memory_space<hbm>>
    %dma_start3A_468 = arith.constant 0 : i32
    %dma_start3A_469 = arith.constant 0 : i32
    %dma_start3A_470 = tpu.memref_slice %dma_start3A_467[%dma_start3A_468, %dma_start3A_469] : memref<100000x256xf32, #tpu.memory_space<hbm>> -> memref<100000x256xf32, #tpu.memory_space<hbm>>
    tpu.enqueue_indirect_dma source(%dma_start3A_470 : memref<100000x256xf32, #tpu.memory_space<hbm>>) target(%dma_start3A_461 : memref<64x256xf32, #tpu.memory_space<vmem>>) offsets(%dma_start3A_463 : memref<64xi32, #tpu.memory_space<vmem>>) semaphore(%arg8 : memref<!tpu.dma_semaphore, #tpu.memory_space<semaphore_mem>>)
    %add3A_471 = arith.constant 448 : i32
    %add3A_472 = arith.addi %mul3A_2, %add3A_471 : i32
    %dma_start3A_473 = arith.constant 1 : i32
    %dma_start3A_474 = arith.constant 0 : i32
    %dma_start3A_475 = arith.constant 0 : i32
    %dma_start3A_476 = arith.constant 0 : i32
    %dma_start3A_477 = tpu.memref_slice %arg4[%dma_start3A_474, %dma_start3A_475, %dma_start3A_476] : memref<3x16384x256xf32, #tpu.memory_space<hbm>> -> memref<1x16384x256xf32, #tpu.memory_space<hbm>>
    %dma_start3A_478 = tpu.memref_squeeze %dma_start3A_477 : memref<1x16384x256xf32, #tpu.memory_space<hbm>> -> memref<16384x256xf32, #tpu.memory_space<hbm>>
    %dma_start3A_479 = arith.constant 0 : i32
    %dma_start3A_480 = tpu.memref_slice %dma_start3A_478[%add3A_472, %dma_start3A_479] : memref<16384x256xf32, #tpu.memory_space<hbm>> -> memref<64x256xf32, #tpu.memory_space<hbm>>
    %dma_start3A_481 = arith.constant 0 : i32
    %dma_start3A_482 = arith.constant 0 : i32
    %dma_start3A_483 = tpu.memref_slice %arg7[%arg1, %dma_start3A_473, %dma_start3A_481, %dma_start3A_482] : memref<16x2x64x256xf32, #tpu.memory_space<vmem_shared>> -> memref<1x1x64x256xf32, #tpu.memory_space<vmem_shared>>
    %dma_start3A_484 = tpu.memref_squeeze %dma_start3A_483 : memref<1x1x64x256xf32, #tpu.memory_space<vmem_shared>> -> memref<64x256xf32, #tpu.memory_space<vmem_shared>>
    tpu.enqueue_dma source(%dma_start3A_484 : memref<64x256xf32, #tpu.memory_space<vmem_shared>>) target(%dma_start3A_480 : memref<64x256xf32, #tpu.memory_space<hbm>>) target_semaphore(%arg9 : memref<!tpu.dma_semaphore, #tpu.memory_space<semaphore_mem>>)
    %dma_wait3A_485 = arith.constant 1 : i32
    %dma_wait3A_486 = arith.constant 0 : i32
    %dma_wait3A_487 = arith.constant 0 : i32
    %dma_wait3A_488 = arith.constant 0 : i32
    %dma_wait3A_489 = tpu.memref_slice %arg6[%dma_wait3A_486, %dma_wait3A_487, %dma_wait3A_488] : memref<4x64x256xf32, #tpu.memory_space<vmem>> -> memref<1x64x256xf32, #tpu.memory_space<vmem>>
    %dma_wait3A_490 = tpu.memref_squeeze %dma_wait3A_489 : memref<1x64x256xf32, #tpu.memory_space<vmem>> -> memref<64x256xf32, #tpu.memory_space<vmem>>
    %dma_wait3A_491 = arith.constant 0 : i32
    %dma_wait3A_492 = tpu.memref_slice %arg5[%dma_wait3A_491] : memref<512xi32, #tpu.memory_space<vmem>> -> memref<64xi32, #tpu.memory_space<vmem>>
    %dma_wait3A_493 = arith.constant 0 : i32
    %dma_wait3A_494 = arith.constant 0 : i32
    %dma_wait3A_495 = tpu.memref_slice %arg3[%dma_wait3A_485, %dma_wait3A_493, %dma_wait3A_494] : memref<3x100000x256xf32, #tpu.memory_space<hbm>> -> memref<1x100000x256xf32, #tpu.memory_space<hbm>>
    %dma_wait3A_496 = tpu.memref_squeeze %dma_wait3A_495 : memref<1x100000x256xf32, #tpu.memory_space<hbm>> -> memref<100000x256xf32, #tpu.memory_space<hbm>>
    %dma_wait3A_497 = arith.constant 0 : i32
    %dma_wait3A_498 = arith.constant 0 : i32
    %dma_wait3A_499 = tpu.memref_slice %dma_wait3A_496[%dma_wait3A_497, %dma_wait3A_498] : memref<100000x256xf32, #tpu.memory_space<hbm>> -> memref<100000x256xf32, #tpu.memory_space<hbm>>
    tpu.wait_indirect_dma semaphore(%arg8 : memref<!tpu.dma_semaphore, #tpu.memory_space<semaphore_mem>>) src(%dma_wait3A_499 : memref<100000x256xf32, #tpu.memory_space<hbm>>) dst(%dma_wait3A_490 : memref<64x256xf32, #tpu.memory_space<vmem>>)
    %dma_wait3A_500 = arith.constant 0 : i32
    %dma_wait3A_501 = arith.constant 0 : i32
    %dma_wait3A_502 = arith.constant 0 : i32
    %dma_wait3A_503 = arith.constant 0 : i32
    %dma_wait3A_504 = tpu.memref_slice %arg4[%dma_wait3A_501, %dma_wait3A_502, %dma_wait3A_503] : memref<3x16384x256xf32, #tpu.memory_space<hbm>> -> memref<1x16384x256xf32, #tpu.memory_space<hbm>>
    %dma_wait3A_505 = tpu.memref_squeeze %dma_wait3A_504 : memref<1x16384x256xf32, #tpu.memory_space<hbm>> -> memref<16384x256xf32, #tpu.memory_space<hbm>>
    %dma_wait3A_506 = arith.constant 0 : i32
    %dma_wait3A_507 = tpu.memref_slice %dma_wait3A_505[%add3A_414, %dma_wait3A_506] : memref<16384x256xf32, #tpu.memory_space<hbm>> -> memref<64x256xf32, #tpu.memory_space<hbm>>
    %dma_wait3A_508 = arith.constant 0 : i32
    %dma_wait3A_509 = arith.constant 0 : i32
    %dma_wait3A_510 = tpu.memref_slice %arg7[%arg1, %dma_wait3A_500, %dma_wait3A_508, %dma_wait3A_509] : memref<16x2x64x256xf32, #tpu.memory_space<vmem_shared>> -> memref<1x1x64x256xf32, #tpu.memory_space<vmem_shared>>
    %dma_wait3A_511 = tpu.memref_squeeze %dma_wait3A_510 : memref<1x1x64x256xf32, #tpu.memory_space<vmem_shared>> -> memref<64x256xf32, #tpu.memory_space<vmem_shared>>
    tpu.wait_dma2 semaphore(%arg9 : memref<!tpu.dma_semaphore, #tpu.memory_space<semaphore_mem>>) src(%dma_wait3A_511 : memref<64x256xf32, #tpu.memory_space<vmem_shared>>) dst(%dma_wait3A_507 : memref<64x256xf32, #tpu.memory_space<hbm>>)
    %run_scoped3A_512 = arith.constant 0 : i32
    %run_scoped3A_513 = arith.constant 0 : i32
    "tpu.region"() ({
      %run_scoped3A_1392 = tpu.sem_alloc : memref<!tpu.dma_semaphore, #tpu.memory_space<semaphore_mem>>
      %dma_start3A_1393 = arith.constant 0 : i32
      %dma_start3A_1394 = arith.constant 0 : i32
      %dma_start3A_1395 = tpu.memref_slice %arg6[%run_scoped3A_512, %dma_start3A_1393, %dma_start3A_1394] : memref<4x64x256xf32, #tpu.memory_space<vmem>> -> memref<1x64x256xf32, #tpu.memory_space<vmem>>
      %dma_start3A_1396 = tpu.memref_squeeze %dma_start3A_1395 : memref<1x64x256xf32, #tpu.memory_space<vmem>> -> memref<64x256xf32, #tpu.memory_space<vmem>>
      %dma_start3A_1397 = arith.constant 0 : i32
      %dma_start3A_1398 = arith.constant 0 : i32
      %dma_start3A_1399 = tpu.memref_slice %arg7[%arg1, %run_scoped3A_513, %dma_start3A_1397, %dma_start3A_1398] : memref<16x2x64x256xf32, #tpu.memory_space<vmem_shared>> -> memref<1x1x64x256xf32, #tpu.memory_space<vmem_shared>>
      %dma_start3A_1400 = tpu.memref_squeeze %dma_start3A_1399 : memref<1x1x64x256xf32, #tpu.memory_space<vmem_shared>> -> memref<64x256xf32, #tpu.memory_space<vmem_shared>>
      %dma_start3A_1401 = arith.constant 0 : i32
      %dma_start3A_1402 = arith.constant 0 : i32
      %dma_start3A_1403 = tpu.memref_slice %arg7[%arg1, %run_scoped3A_513, %dma_start3A_1401, %dma_start3A_1402] : memref<16x2x64x256xf32, #tpu.memory_space<vmem_shared>> -> memref<1x1x64x256xf32, #tpu.memory_space<vmem_shared>>
      %dma_start3A_1404 = tpu.memref_squeeze %dma_start3A_1403 : memref<1x1x64x256xf32, #tpu.memory_space<vmem_shared>> -> memref<64x256xf32, #tpu.memory_space<vmem_shared>>
      %dma_start3A_1405 = arith.constant 0 : i32
      %dma_start3A_1406 = arith.constant 0 : i32
      %dma_start3A_1407 = tpu.memref_slice %arg6[%run_scoped3A_512, %dma_start3A_1405, %dma_start3A_1406] : memref<4x64x256xf32, #tpu.memory_space<vmem>> -> memref<1x64x256xf32, #tpu.memory_space<vmem>>
      %dma_start3A_1408 = tpu.memref_squeeze %dma_start3A_1407 : memref<1x64x256xf32, #tpu.memory_space<vmem>> -> memref<64x256xf32, #tpu.memory_space<vmem>>
      tpu.enqueue_dma source(%dma_start3A_1408 : memref<64x256xf32, #tpu.memory_space<vmem>>) target(%dma_start3A_1404 : memref<64x256xf32, #tpu.memory_space<vmem_shared>>) target_semaphore(%run_scoped3A_1392 : memref<!tpu.dma_semaphore, #tpu.memory_space<semaphore_mem>>)
      %dma_wait3A_1409 = arith.constant 0 : i32
      %dma_wait3A_1410 = arith.constant 0 : i32
      %dma_wait3A_1411 = tpu.memref_slice %arg6[%run_scoped3A_512, %dma_wait3A_1409, %dma_wait3A_1410] : memref<4x64x256xf32, #tpu.memory_space<vmem>> -> memref<1x64x256xf32, #tpu.memory_space<vmem>>
      %dma_wait3A_1412 = tpu.memref_squeeze %dma_wait3A_1411 : memref<1x64x256xf32, #tpu.memory_space<vmem>> -> memref<64x256xf32, #tpu.memory_space<vmem>>
      %dma_wait3A_1413 = arith.constant 0 : i32
      %dma_wait3A_1414 = arith.constant 0 : i32
      %dma_wait3A_1415 = tpu.memref_slice %arg7[%arg1, %run_scoped3A_513, %dma_wait3A_1413, %dma_wait3A_1414] : memref<16x2x64x256xf32, #tpu.memory_space<vmem_shared>> -> memref<1x1x64x256xf32, #tpu.memory_space<vmem_shared>>
      %dma_wait3A_1416 = tpu.memref_squeeze %dma_wait3A_1415 : memref<1x1x64x256xf32, #tpu.memory_space<vmem_shared>> -> memref<64x256xf32, #tpu.memory_space<vmem_shared>>
      %dma_wait3A_1417 = arith.constant 0 : i32
      %dma_wait3A_1418 = arith.constant 0 : i32
      %dma_wait3A_1419 = tpu.memref_slice %arg7[%arg1, %run_scoped3A_513, %dma_wait3A_1417, %dma_wait3A_1418] : memref<16x2x64x256xf32, #tpu.memory_space<vmem_shared>> -> memref<1x1x64x256xf32, #tpu.memory_space<vmem_shared>>
      %dma_wait3A_1420 = tpu.memref_squeeze %dma_wait3A_1419 : memref<1x1x64x256xf32, #tpu.memory_space<vmem_shared>> -> memref<64x256xf32, #tpu.memory_space<vmem_shared>>
      %dma_wait3A_1421 = arith.constant 0 : i32
      %dma_wait3A_1422 = arith.constant 0 : i32
      %dma_wait3A_1423 = tpu.memref_slice %arg6[%run_scoped3A_512, %dma_wait3A_1421, %dma_wait3A_1422] : memref<4x64x256xf32, #tpu.memory_space<vmem>> -> memref<1x64x256xf32, #tpu.memory_space<vmem>>
      %dma_wait3A_1424 = tpu.memref_squeeze %dma_wait3A_1423 : memref<1x64x256xf32, #tpu.memory_space<vmem>> -> memref<64x256xf32, #tpu.memory_space<vmem>>
      tpu.wait_dma2 semaphore(%run_scoped3A_1392 : memref<!tpu.dma_semaphore, #tpu.memory_space<semaphore_mem>>) src(%dma_wait3A_1424 : memref<64x256xf32, #tpu.memory_space<vmem>>) dst(%dma_wait3A_1420 : memref<64x256xf32, #tpu.memory_space<vmem_shared>>)
      tpu.yield
    }) : () -> ()
    %dma_start3A_514 = arith.constant 1 : i32
    %dma_start3A_515 = arith.constant 3 : i32
    %dma_start3A_516 = arith.constant 0 : i32
    %dma_start3A_517 = arith.constant 0 : i32
    %dma_start3A_518 = tpu.memref_slice %arg6[%dma_start3A_515, %dma_start3A_516, %dma_start3A_517] : memref<4x64x256xf32, #tpu.memory_space<vmem>> -> memref<1x64x256xf32, #tpu.memory_space<vmem>>
    %dma_start3A_519 = tpu.memref_squeeze %dma_start3A_518 : memref<1x64x256xf32, #tpu.memory_space<vmem>> -> memref<64x256xf32, #tpu.memory_space<vmem>>
    %dma_start3A_520 = arith.constant 192 : i32
    %dma_start3A_521 = tpu.memref_slice %arg5[%dma_start3A_520] : memref<512xi32, #tpu.memory_space<vmem>> -> memref<64xi32, #tpu.memory_space<vmem>>
    %dma_start3A_522 = arith.constant 0 : i32
    %dma_start3A_523 = arith.constant 0 : i32
    %dma_start3A_524 = tpu.memref_slice %arg3[%dma_start3A_514, %dma_start3A_522, %dma_start3A_523] : memref<3x100000x256xf32, #tpu.memory_space<hbm>> -> memref<1x100000x256xf32, #tpu.memory_space<hbm>>
    %dma_start3A_525 = tpu.memref_squeeze %dma_start3A_524 : memref<1x100000x256xf32, #tpu.memory_space<hbm>> -> memref<100000x256xf32, #tpu.memory_space<hbm>>
    %dma_start3A_526 = arith.constant 0 : i32
    %dma_start3A_527 = arith.constant 0 : i32
    %dma_start3A_528 = tpu.memref_slice %dma_start3A_525[%dma_start3A_526, %dma_start3A_527] : memref<100000x256xf32, #tpu.memory_space<hbm>> -> memref<100000x256xf32, #tpu.memory_space<hbm>>
    tpu.enqueue_indirect_dma source(%dma_start3A_528 : memref<100000x256xf32, #tpu.memory_space<hbm>>) target(%dma_start3A_519 : memref<64x256xf32, #tpu.memory_space<vmem>>) offsets(%dma_start3A_521 : memref<64xi32, #tpu.memory_space<vmem>>) semaphore(%arg8 : memref<!tpu.dma_semaphore, #tpu.memory_space<semaphore_mem>>)
    %add3A_529 = arith.constant 0 : i32
    %add3A_530 = arith.addi %mul3A_2, %add3A_529 : i32
    %dma_start3A_531 = arith.constant 0 : i32
    %dma_start3A_532 = arith.constant 1 : i32
    %dma_start3A_533 = arith.constant 0 : i32
    %dma_start3A_534 = arith.constant 0 : i32
    %dma_start3A_535 = tpu.memref_slice %arg4[%dma_start3A_532, %dma_start3A_533, %dma_start3A_534] : memref<3x16384x256xf32, #tpu.memory_space<hbm>> -> memref<1x16384x256xf32, #tpu.memory_space<hbm>>
    %dma_start3A_536 = tpu.memref_squeeze %dma_start3A_535 : memref<1x16384x256xf32, #tpu.memory_space<hbm>> -> memref<16384x256xf32, #tpu.memory_space<hbm>>
    %dma_start3A_537 = arith.constant 0 : i32
    %dma_start3A_538 = tpu.memref_slice %dma_start3A_536[%add3A_530, %dma_start3A_537] : memref<16384x256xf32, #tpu.memory_space<hbm>> -> memref<64x256xf32, #tpu.memory_space<hbm>>
    %dma_start3A_539 = arith.constant 0 : i32
    %dma_start3A_540 = arith.constant 0 : i32
    %dma_start3A_541 = tpu.memref_slice %arg7[%arg1, %dma_start3A_531, %dma_start3A_539, %dma_start3A_540] : memref<16x2x64x256xf32, #tpu.memory_space<vmem_shared>> -> memref<1x1x64x256xf32, #tpu.memory_space<vmem_shared>>
    %dma_start3A_542 = tpu.memref_squeeze %dma_start3A_541 : memref<1x1x64x256xf32, #tpu.memory_space<vmem_shared>> -> memref<64x256xf32, #tpu.memory_space<vmem_shared>>
    tpu.enqueue_dma source(%dma_start3A_542 : memref<64x256xf32, #tpu.memory_space<vmem_shared>>) target(%dma_start3A_538 : memref<64x256xf32, #tpu.memory_space<hbm>>) target_semaphore(%arg9 : memref<!tpu.dma_semaphore, #tpu.memory_space<semaphore_mem>>)
    %dma_wait3A_543 = arith.constant 1 : i32
    %dma_wait3A_544 = arith.constant 1 : i32
    %dma_wait3A_545 = arith.constant 0 : i32
    %dma_wait3A_546 = arith.constant 0 : i32
    %dma_wait3A_547 = tpu.memref_slice %arg6[%dma_wait3A_544, %dma_wait3A_545, %dma_wait3A_546] : memref<4x64x256xf32, #tpu.memory_space<vmem>> -> memref<1x64x256xf32, #tpu.memory_space<vmem>>
    %dma_wait3A_548 = tpu.memref_squeeze %dma_wait3A_547 : memref<1x64x256xf32, #tpu.memory_space<vmem>> -> memref<64x256xf32, #tpu.memory_space<vmem>>
    %dma_wait3A_549 = arith.constant 64 : i32
    %dma_wait3A_550 = tpu.memref_slice %arg5[%dma_wait3A_549] : memref<512xi32, #tpu.memory_space<vmem>> -> memref<64xi32, #tpu.memory_space<vmem>>
    %dma_wait3A_551 = arith.constant 0 : i32
    %dma_wait3A_552 = arith.constant 0 : i32
    %dma_wait3A_553 = tpu.memref_slice %arg3[%dma_wait3A_543, %dma_wait3A_551, %dma_wait3A_552] : memref<3x100000x256xf32, #tpu.memory_space<hbm>> -> memref<1x100000x256xf32, #tpu.memory_space<hbm>>
    %dma_wait3A_554 = tpu.memref_squeeze %dma_wait3A_553 : memref<1x100000x256xf32, #tpu.memory_space<hbm>> -> memref<100000x256xf32, #tpu.memory_space<hbm>>
    %dma_wait3A_555 = arith.constant 0 : i32
    %dma_wait3A_556 = arith.constant 0 : i32
    %dma_wait3A_557 = tpu.memref_slice %dma_wait3A_554[%dma_wait3A_555, %dma_wait3A_556] : memref<100000x256xf32, #tpu.memory_space<hbm>> -> memref<100000x256xf32, #tpu.memory_space<hbm>>
    tpu.wait_indirect_dma semaphore(%arg8 : memref<!tpu.dma_semaphore, #tpu.memory_space<semaphore_mem>>) src(%dma_wait3A_557 : memref<100000x256xf32, #tpu.memory_space<hbm>>) dst(%dma_wait3A_548 : memref<64x256xf32, #tpu.memory_space<vmem>>)
    %dma_wait3A_558 = arith.constant 1 : i32
    %dma_wait3A_559 = arith.constant 0 : i32
    %dma_wait3A_560 = arith.constant 0 : i32
    %dma_wait3A_561 = arith.constant 0 : i32
    %dma_wait3A_562 = tpu.memref_slice %arg4[%dma_wait3A_559, %dma_wait3A_560, %dma_wait3A_561] : memref<3x16384x256xf32, #tpu.memory_space<hbm>> -> memref<1x16384x256xf32, #tpu.memory_space<hbm>>
    %dma_wait3A_563 = tpu.memref_squeeze %dma_wait3A_562 : memref<1x16384x256xf32, #tpu.memory_space<hbm>> -> memref<16384x256xf32, #tpu.memory_space<hbm>>
    %dma_wait3A_564 = arith.constant 0 : i32
    %dma_wait3A_565 = tpu.memref_slice %dma_wait3A_563[%add3A_472, %dma_wait3A_564] : memref<16384x256xf32, #tpu.memory_space<hbm>> -> memref<64x256xf32, #tpu.memory_space<hbm>>
    %dma_wait3A_566 = arith.constant 0 : i32
    %dma_wait3A_567 = arith.constant 0 : i32
    %dma_wait3A_568 = tpu.memref_slice %arg7[%arg1, %dma_wait3A_558, %dma_wait3A_566, %dma_wait3A_567] : memref<16x2x64x256xf32, #tpu.memory_space<vmem_shared>> -> memref<1x1x64x256xf32, #tpu.memory_space<vmem_shared>>
    %dma_wait3A_569 = tpu.memref_squeeze %dma_wait3A_568 : memref<1x1x64x256xf32, #tpu.memory_space<vmem_shared>> -> memref<64x256xf32, #tpu.memory_space<vmem_shared>>
    tpu.wait_dma2 semaphore(%arg9 : memref<!tpu.dma_semaphore, #tpu.memory_space<semaphore_mem>>) src(%dma_wait3A_569 : memref<64x256xf32, #tpu.memory_space<vmem_shared>>) dst(%dma_wait3A_565 : memref<64x256xf32, #tpu.memory_space<hbm>>)
    %run_scoped3A_570 = arith.constant 1 : i32
    %run_scoped3A_571 = arith.constant 1 : i32
    "tpu.region"() ({
      %run_scoped3A_1392 = tpu.sem_alloc : memref<!tpu.dma_semaphore, #tpu.memory_space<semaphore_mem>>
      %dma_start3A_1393 = arith.constant 0 : i32
      %dma_start3A_1394 = arith.constant 0 : i32
      %dma_start3A_1395 = tpu.memref_slice %arg6[%run_scoped3A_570, %dma_start3A_1393, %dma_start3A_1394] : memref<4x64x256xf32, #tpu.memory_space<vmem>> -> memref<1x64x256xf32, #tpu.memory_space<vmem>>
      %dma_start3A_1396 = tpu.memref_squeeze %dma_start3A_1395 : memref<1x64x256xf32, #tpu.memory_space<vmem>> -> memref<64x256xf32, #tpu.memory_space<vmem>>
      %dma_start3A_1397 = arith.constant 0 : i32
      %dma_start3A_1398 = arith.constant 0 : i32
      %dma_start3A_1399 = tpu.memref_slice %arg7[%arg1, %run_scoped3A_571, %dma_start3A_1397, %dma_start3A_1398] : memref<16x2x64x256xf32, #tpu.memory_space<vmem_shared>> -> memref<1x1x64x256xf32, #tpu.memory_space<vmem_shared>>
      %dma_start3A_1400 = tpu.memref_squeeze %dma_start3A_1399 : memref<1x1x64x256xf32, #tpu.memory_space<vmem_shared>> -> memref<64x256xf32, #tpu.memory_space<vmem_shared>>
      %dma_start3A_1401 = arith.constant 0 : i32
      %dma_start3A_1402 = arith.constant 0 : i32
      %dma_start3A_1403 = tpu.memref_slice %arg7[%arg1, %run_scoped3A_571, %dma_start3A_1401, %dma_start3A_1402] : memref<16x2x64x256xf32, #tpu.memory_space<vmem_shared>> -> memref<1x1x64x256xf32, #tpu.memory_space<vmem_shared>>
      %dma_start3A_1404 = tpu.memref_squeeze %dma_start3A_1403 : memref<1x1x64x256xf32, #tpu.memory_space<vmem_shared>> -> memref<64x256xf32, #tpu.memory_space<vmem_shared>>
      %dma_start3A_1405 = arith.constant 0 : i32
      %dma_start3A_1406 = arith.constant 0 : i32
      %dma_start3A_1407 = tpu.memref_slice %arg6[%run_scoped3A_570, %dma_start3A_1405, %dma_start3A_1406] : memref<4x64x256xf32, #tpu.memory_space<vmem>> -> memref<1x64x256xf32, #tpu.memory_space<vmem>>
      %dma_start3A_1408 = tpu.memref_squeeze %dma_start3A_1407 : memref<1x64x256xf32, #tpu.memory_space<vmem>> -> memref<64x256xf32, #tpu.memory_space<vmem>>
      tpu.enqueue_dma source(%dma_start3A_1408 : memref<64x256xf32, #tpu.memory_space<vmem>>) target(%dma_start3A_1404 : memref<64x256xf32, #tpu.memory_space<vmem_shared>>) target_semaphore(%run_scoped3A_1392 : memref<!tpu.dma_semaphore, #tpu.memory_space<semaphore_mem>>)
      %dma_wait3A_1409 = arith.constant 0 : i32
      %dma_wait3A_1410 = arith.constant 0 : i32
      %dma_wait3A_1411 = tpu.memref_slice %arg6[%run_scoped3A_570, %dma_wait3A_1409, %dma_wait3A_1410] : memref<4x64x256xf32, #tpu.memory_space<vmem>> -> memref<1x64x256xf32, #tpu.memory_space<vmem>>
      %dma_wait3A_1412 = tpu.memref_squeeze %dma_wait3A_1411 : memref<1x64x256xf32, #tpu.memory_space<vmem>> -> memref<64x256xf32, #tpu.memory_space<vmem>>
      %dma_wait3A_1413 = arith.constant 0 : i32
      %dma_wait3A_1414 = arith.constant 0 : i32
      %dma_wait3A_1415 = tpu.memref_slice %arg7[%arg1, %run_scoped3A_571, %dma_wait3A_1413, %dma_wait3A_1414] : memref<16x2x64x256xf32, #tpu.memory_space<vmem_shared>> -> memref<1x1x64x256xf32, #tpu.memory_space<vmem_shared>>
      %dma_wait3A_1416 = tpu.memref_squeeze %dma_wait3A_1415 : memref<1x1x64x256xf32, #tpu.memory_space<vmem_shared>> -> memref<64x256xf32, #tpu.memory_space<vmem_shared>>
      %dma_wait3A_1417 = arith.constant 0 : i32
      %dma_wait3A_1418 = arith.constant 0 : i32
      %dma_wait3A_1419 = tpu.memref_slice %arg7[%arg1, %run_scoped3A_571, %dma_wait3A_1417, %dma_wait3A_1418] : memref<16x2x64x256xf32, #tpu.memory_space<vmem_shared>> -> memref<1x1x64x256xf32, #tpu.memory_space<vmem_shared>>
      %dma_wait3A_1420 = tpu.memref_squeeze %dma_wait3A_1419 : memref<1x1x64x256xf32, #tpu.memory_space<vmem_shared>> -> memref<64x256xf32, #tpu.memory_space<vmem_shared>>
      %dma_wait3A_1421 = arith.constant 0 : i32
      %dma_wait3A_1422 = arith.constant 0 : i32
      %dma_wait3A_1423 = tpu.memref_slice %arg6[%run_scoped3A_570, %dma_wait3A_1421, %dma_wait3A_1422] : memref<4x64x256xf32, #tpu.memory_space<vmem>> -> memref<1x64x256xf32, #tpu.memory_space<vmem>>
      %dma_wait3A_1424 = tpu.memref_squeeze %dma_wait3A_1423 : memref<1x64x256xf32, #tpu.memory_space<vmem>> -> memref<64x256xf32, #tpu.memory_space<vmem>>
      tpu.wait_dma2 semaphore(%run_scoped3A_1392 : memref<!tpu.dma_semaphore, #tpu.memory_space<semaphore_mem>>) src(%dma_wait3A_1424 : memref<64x256xf32, #tpu.memory_space<vmem>>) dst(%dma_wait3A_1420 : memref<64x256xf32, #tpu.memory_space<vmem_shared>>)
      tpu.yield
    }) : () -> ()
    %dma_start3A_572 = arith.constant 1 : i32
    %dma_start3A_573 = arith.constant 0 : i32
    %dma_start3A_574 = arith.constant 0 : i32
    %dma_start3A_575 = arith.constant 0 : i32
    %dma_start3A_576 = tpu.memref_slice %arg6[%dma_start3A_573, %dma_start3A_574, %dma_start3A_575] : memref<4x64x256xf32, #tpu.memory_space<vmem>> -> memref<1x64x256xf32, #tpu.memory_space<vmem>>
    %dma_start3A_577 = tpu.memref_squeeze %dma_start3A_576 : memref<1x64x256xf32, #tpu.memory_space<vmem>> -> memref<64x256xf32, #tpu.memory_space<vmem>>
    %dma_start3A_578 = arith.constant 256 : i32
    %dma_start3A_579 = tpu.memref_slice %arg5[%dma_start3A_578] : memref<512xi32, #tpu.memory_space<vmem>> -> memref<64xi32, #tpu.memory_space<vmem>>
    %dma_start3A_580 = arith.constant 0 : i32
    %dma_start3A_581 = arith.constant 0 : i32
    %dma_start3A_582 = tpu.memref_slice %arg3[%dma_start3A_572, %dma_start3A_580, %dma_start3A_581] : memref<3x100000x256xf32, #tpu.memory_space<hbm>> -> memref<1x100000x256xf32, #tpu.memory_space<hbm>>
    %dma_start3A_583 = tpu.memref_squeeze %dma_start3A_582 : memref<1x100000x256xf32, #tpu.memory_space<hbm>> -> memref<100000x256xf32, #tpu.memory_space<hbm>>
    %dma_start3A_584 = arith.constant 0 : i32
    %dma_start3A_585 = arith.constant 0 : i32
    %dma_start3A_586 = tpu.memref_slice %dma_start3A_583[%dma_start3A_584, %dma_start3A_585] : memref<100000x256xf32, #tpu.memory_space<hbm>> -> memref<100000x256xf32, #tpu.memory_space<hbm>>
    tpu.enqueue_indirect_dma source(%dma_start3A_586 : memref<100000x256xf32, #tpu.memory_space<hbm>>) target(%dma_start3A_577 : memref<64x256xf32, #tpu.memory_space<vmem>>) offsets(%dma_start3A_579 : memref<64xi32, #tpu.memory_space<vmem>>) semaphore(%arg8 : memref<!tpu.dma_semaphore, #tpu.memory_space<semaphore_mem>>)
    %add3A_587 = arith.constant 64 : i32
    %add3A_588 = arith.addi %mul3A_2, %add3A_587 : i32
    %dma_start3A_589 = arith.constant 1 : i32
    %dma_start3A_590 = arith.constant 1 : i32
    %dma_start3A_591 = arith.constant 0 : i32
    %dma_start3A_592 = arith.constant 0 : i32
    %dma_start3A_593 = tpu.memref_slice %arg4[%dma_start3A_590, %dma_start3A_591, %dma_start3A_592] : memref<3x16384x256xf32, #tpu.memory_space<hbm>> -> memref<1x16384x256xf32, #tpu.memory_space<hbm>>
    %dma_start3A_594 = tpu.memref_squeeze %dma_start3A_593 : memref<1x16384x256xf32, #tpu.memory_space<hbm>> -> memref<16384x256xf32, #tpu.memory_space<hbm>>
    %dma_start3A_595 = arith.constant 0 : i32
    %dma_start3A_596 = tpu.memref_slice %dma_start3A_594[%add3A_588, %dma_start3A_595] : memref<16384x256xf32, #tpu.memory_space<hbm>> -> memref<64x256xf32, #tpu.memory_space<hbm>>
    %dma_start3A_597 = arith.constant 0 : i32
    %dma_start3A_598 = arith.constant 0 : i32
    %dma_start3A_599 = tpu.memref_slice %arg7[%arg1, %dma_start3A_589, %dma_start3A_597, %dma_start3A_598] : memref<16x2x64x256xf32, #tpu.memory_space<vmem_shared>> -> memref<1x1x64x256xf32, #tpu.memory_space<vmem_shared>>
    %dma_start3A_600 = tpu.memref_squeeze %dma_start3A_599 : memref<1x1x64x256xf32, #tpu.memory_space<vmem_shared>> -> memref<64x256xf32, #tpu.memory_space<vmem_shared>>
    tpu.enqueue_dma source(%dma_start3A_600 : memref<64x256xf32, #tpu.memory_space<vmem_shared>>) target(%dma_start3A_596 : memref<64x256xf32, #tpu.memory_space<hbm>>) target_semaphore(%arg9 : memref<!tpu.dma_semaphore, #tpu.memory_space<semaphore_mem>>)
    %dma_wait3A_601 = arith.constant 1 : i32
    %dma_wait3A_602 = arith.constant 2 : i32
    %dma_wait3A_603 = arith.constant 0 : i32
    %dma_wait3A_604 = arith.constant 0 : i32
    %dma_wait3A_605 = tpu.memref_slice %arg6[%dma_wait3A_602, %dma_wait3A_603, %dma_wait3A_604] : memref<4x64x256xf32, #tpu.memory_space<vmem>> -> memref<1x64x256xf32, #tpu.memory_space<vmem>>
    %dma_wait3A_606 = tpu.memref_squeeze %dma_wait3A_605 : memref<1x64x256xf32, #tpu.memory_space<vmem>> -> memref<64x256xf32, #tpu.memory_space<vmem>>
    %dma_wait3A_607 = arith.constant 128 : i32
    %dma_wait3A_608 = tpu.memref_slice %arg5[%dma_wait3A_607] : memref<512xi32, #tpu.memory_space<vmem>> -> memref<64xi32, #tpu.memory_space<vmem>>
    %dma_wait3A_609 = arith.constant 0 : i32
    %dma_wait3A_610 = arith.constant 0 : i32
    %dma_wait3A_611 = tpu.memref_slice %arg3[%dma_wait3A_601, %dma_wait3A_609, %dma_wait3A_610] : memref<3x100000x256xf32, #tpu.memory_space<hbm>> -> memref<1x100000x256xf32, #tpu.memory_space<hbm>>
    %dma_wait3A_612 = tpu.memref_squeeze %dma_wait3A_611 : memref<1x100000x256xf32, #tpu.memory_space<hbm>> -> memref<100000x256xf32, #tpu.memory_space<hbm>>
    %dma_wait3A_613 = arith.constant 0 : i32
    %dma_wait3A_614 = arith.constant 0 : i32
    %dma_wait3A_615 = tpu.memref_slice %dma_wait3A_612[%dma_wait3A_613, %dma_wait3A_614] : memref<100000x256xf32, #tpu.memory_space<hbm>> -> memref<100000x256xf32, #tpu.memory_space<hbm>>
    tpu.wait_indirect_dma semaphore(%arg8 : memref<!tpu.dma_semaphore, #tpu.memory_space<semaphore_mem>>) src(%dma_wait3A_615 : memref<100000x256xf32, #tpu.memory_space<hbm>>) dst(%dma_wait3A_606 : memref<64x256xf32, #tpu.memory_space<vmem>>)
    %dma_wait3A_616 = arith.constant 0 : i32
    %dma_wait3A_617 = arith.constant 1 : i32
    %dma_wait3A_618 = arith.constant 0 : i32
    %dma_wait3A_619 = arith.constant 0 : i32
    %dma_wait3A_620 = tpu.memref_slice %arg4[%dma_wait3A_617, %dma_wait3A_618, %dma_wait3A_619] : memref<3x16384x256xf32, #tpu.memory_space<hbm>> -> memref<1x16384x256xf32, #tpu.memory_space<hbm>>
    %dma_wait3A_621 = tpu.memref_squeeze %dma_wait3A_620 : memref<1x16384x256xf32, #tpu.memory_space<hbm>> -> memref<16384x256xf32, #tpu.memory_space<hbm>>
    %dma_wait3A_622 = arith.constant 0 : i32
    %dma_wait3A_623 = tpu.memref_slice %dma_wait3A_621[%add3A_530, %dma_wait3A_622] : memref<16384x256xf32, #tpu.memory_space<hbm>> -> memref<64x256xf32, #tpu.memory_space<hbm>>
    %dma_wait3A_624 = arith.constant 0 : i32
    %dma_wait3A_625 = arith.constant 0 : i32
    %dma_wait3A_626 = tpu.memref_slice %arg7[%arg1, %dma_wait3A_616, %dma_wait3A_624, %dma_wait3A_625] : memref<16x2x64x256xf32, #tpu.memory_space<vmem_shared>> -> memref<1x1x64x256xf32, #tpu.memory_space<vmem_shared>>
    %dma_wait3A_627 = tpu.memref_squeeze %dma_wait3A_626 : memref<1x1x64x256xf32, #tpu.memory_space<vmem_shared>> -> memref<64x256xf32, #tpu.memory_space<vmem_shared>>
    tpu.wait_dma2 semaphore(%arg9 : memref<!tpu.dma_semaphore, #tpu.memory_space<semaphore_mem>>) src(%dma_wait3A_627 : memref<64x256xf32, #tpu.memory_space<vmem_shared>>) dst(%dma_wait3A_623 : memref<64x256xf32, #tpu.memory_space<hbm>>)
    %run_scoped3A_628 = arith.constant 2 : i32
    %run_scoped3A_629 = arith.constant 0 : i32
    "tpu.region"() ({
      %run_scoped3A_1392 = tpu.sem_alloc : memref<!tpu.dma_semaphore, #tpu.memory_space<semaphore_mem>>
      %dma_start3A_1393 = arith.constant 0 : i32
      %dma_start3A_1394 = arith.constant 0 : i32
      %dma_start3A_1395 = tpu.memref_slice %arg6[%run_scoped3A_628, %dma_start3A_1393, %dma_start3A_1394] : memref<4x64x256xf32, #tpu.memory_space<vmem>> -> memref<1x64x256xf32, #tpu.memory_space<vmem>>
      %dma_start3A_1396 = tpu.memref_squeeze %dma_start3A_1395 : memref<1x64x256xf32, #tpu.memory_space<vmem>> -> memref<64x256xf32, #tpu.memory_space<vmem>>
      %dma_start3A_1397 = arith.constant 0 : i32
      %dma_start3A_1398 = arith.constant 0 : i32
      %dma_start3A_1399 = tpu.memref_slice %arg7[%arg1, %run_scoped3A_629, %dma_start3A_1397, %dma_start3A_1398] : memref<16x2x64x256xf32, #tpu.memory_space<vmem_shared>> -> memref<1x1x64x256xf32, #tpu.memory_space<vmem_shared>>
      %dma_start3A_1400 = tpu.memref_squeeze %dma_start3A_1399 : memref<1x1x64x256xf32, #tpu.memory_space<vmem_shared>> -> memref<64x256xf32, #tpu.memory_space<vmem_shared>>
      %dma_start3A_1401 = arith.constant 0 : i32
      %dma_start3A_1402 = arith.constant 0 : i32
      %dma_start3A_1403 = tpu.memref_slice %arg7[%arg1, %run_scoped3A_629, %dma_start3A_1401, %dma_start3A_1402] : memref<16x2x64x256xf32, #tpu.memory_space<vmem_shared>> -> memref<1x1x64x256xf32, #tpu.memory_space<vmem_shared>>
      %dma_start3A_1404 = tpu.memref_squeeze %dma_start3A_1403 : memref<1x1x64x256xf32, #tpu.memory_space<vmem_shared>> -> memref<64x256xf32, #tpu.memory_space<vmem_shared>>
      %dma_start3A_1405 = arith.constant 0 : i32
      %dma_start3A_1406 = arith.constant 0 : i32
      %dma_start3A_1407 = tpu.memref_slice %arg6[%run_scoped3A_628, %dma_start3A_1405, %dma_start3A_1406] : memref<4x64x256xf32, #tpu.memory_space<vmem>> -> memref<1x64x256xf32, #tpu.memory_space<vmem>>
      %dma_start3A_1408 = tpu.memref_squeeze %dma_start3A_1407 : memref<1x64x256xf32, #tpu.memory_space<vmem>> -> memref<64x256xf32, #tpu.memory_space<vmem>>
      tpu.enqueue_dma source(%dma_start3A_1408 : memref<64x256xf32, #tpu.memory_space<vmem>>) target(%dma_start3A_1404 : memref<64x256xf32, #tpu.memory_space<vmem_shared>>) target_semaphore(%run_scoped3A_1392 : memref<!tpu.dma_semaphore, #tpu.memory_space<semaphore_mem>>)
      %dma_wait3A_1409 = arith.constant 0 : i32
      %dma_wait3A_1410 = arith.constant 0 : i32
      %dma_wait3A_1411 = tpu.memref_slice %arg6[%run_scoped3A_628, %dma_wait3A_1409, %dma_wait3A_1410] : memref<4x64x256xf32, #tpu.memory_space<vmem>> -> memref<1x64x256xf32, #tpu.memory_space<vmem>>
      %dma_wait3A_1412 = tpu.memref_squeeze %dma_wait3A_1411 : memref<1x64x256xf32, #tpu.memory_space<vmem>> -> memref<64x256xf32, #tpu.memory_space<vmem>>
      %dma_wait3A_1413 = arith.constant 0 : i32
      %dma_wait3A_1414 = arith.constant 0 : i32
      %dma_wait3A_1415 = tpu.memref_slice %arg7[%arg1, %run_scoped3A_629, %dma_wait3A_1413, %dma_wait3A_1414] : memref<16x2x64x256xf32, #tpu.memory_space<vmem_shared>> -> memref<1x1x64x256xf32, #tpu.memory_space<vmem_shared>>
      %dma_wait3A_1416 = tpu.memref_squeeze %dma_wait3A_1415 : memref<1x1x64x256xf32, #tpu.memory_space<vmem_shared>> -> memref<64x256xf32, #tpu.memory_space<vmem_shared>>
      %dma_wait3A_1417 = arith.constant 0 : i32
      %dma_wait3A_1418 = arith.constant 0 : i32
      %dma_wait3A_1419 = tpu.memref_slice %arg7[%arg1, %run_scoped3A_629, %dma_wait3A_1417, %dma_wait3A_1418] : memref<16x2x64x256xf32, #tpu.memory_space<vmem_shared>> -> memref<1x1x64x256xf32, #tpu.memory_space<vmem_shared>>
      %dma_wait3A_1420 = tpu.memref_squeeze %dma_wait3A_1419 : memref<1x1x64x256xf32, #tpu.memory_space<vmem_shared>> -> memref<64x256xf32, #tpu.memory_space<vmem_shared>>
      %dma_wait3A_1421 = arith.constant 0 : i32
      %dma_wait3A_1422 = arith.constant 0 : i32
      %dma_wait3A_1423 = tpu.memref_slice %arg6[%run_scoped3A_628, %dma_wait3A_1421, %dma_wait3A_1422] : memref<4x64x256xf32, #tpu.memory_space<vmem>> -> memref<1x64x256xf32, #tpu.memory_space<vmem>>
      %dma_wait3A_1424 = tpu.memref_squeeze %dma_wait3A_1423 : memref<1x64x256xf32, #tpu.memory_space<vmem>> -> memref<64x256xf32, #tpu.memory_space<vmem>>
      tpu.wait_dma2 semaphore(%run_scoped3A_1392 : memref<!tpu.dma_semaphore, #tpu.memory_space<semaphore_mem>>) src(%dma_wait3A_1424 : memref<64x256xf32, #tpu.memory_space<vmem>>) dst(%dma_wait3A_1420 : memref<64x256xf32, #tpu.memory_space<vmem_shared>>)
      tpu.yield
    }) : () -> ()
    %dma_start3A_630 = arith.constant 1 : i32
    %dma_start3A_631 = arith.constant 1 : i32
    %dma_start3A_632 = arith.constant 0 : i32
    %dma_start3A_633 = arith.constant 0 : i32
    %dma_start3A_634 = tpu.memref_slice %arg6[%dma_start3A_631, %dma_start3A_632, %dma_start3A_633] : memref<4x64x256xf32, #tpu.memory_space<vmem>> -> memref<1x64x256xf32, #tpu.memory_space<vmem>>
    %dma_start3A_635 = tpu.memref_squeeze %dma_start3A_634 : memref<1x64x256xf32, #tpu.memory_space<vmem>> -> memref<64x256xf32, #tpu.memory_space<vmem>>
    %dma_start3A_636 = arith.constant 320 : i32
    %dma_start3A_637 = tpu.memref_slice %arg5[%dma_start3A_636] : memref<512xi32, #tpu.memory_space<vmem>> -> memref<64xi32, #tpu.memory_space<vmem>>
    %dma_start3A_638 = arith.constant 0 : i32
    %dma_start3A_639 = arith.constant 0 : i32
    %dma_start3A_640 = tpu.memref_slice %arg3[%dma_start3A_630, %dma_start3A_638, %dma_start3A_639] : memref<3x100000x256xf32, #tpu.memory_space<hbm>> -> memref<1x100000x256xf32, #tpu.memory_space<hbm>>
    %dma_start3A_641 = tpu.memref_squeeze %dma_start3A_640 : memref<1x100000x256xf32, #tpu.memory_space<hbm>> -> memref<100000x256xf32, #tpu.memory_space<hbm>>
    %dma_start3A_642 = arith.constant 0 : i32
    %dma_start3A_643 = arith.constant 0 : i32
    %dma_start3A_644 = tpu.memref_slice %dma_start3A_641[%dma_start3A_642, %dma_start3A_643] : memref<100000x256xf32, #tpu.memory_space<hbm>> -> memref<100000x256xf32, #tpu.memory_space<hbm>>
    tpu.enqueue_indirect_dma source(%dma_start3A_644 : memref<100000x256xf32, #tpu.memory_space<hbm>>) target(%dma_start3A_635 : memref<64x256xf32, #tpu.memory_space<vmem>>) offsets(%dma_start3A_637 : memref<64xi32, #tpu.memory_space<vmem>>) semaphore(%arg8 : memref<!tpu.dma_semaphore, #tpu.memory_space<semaphore_mem>>)
    %add3A_645 = arith.constant 128 : i32
    %add3A_646 = arith.addi %mul3A_2, %add3A_645 : i32
    %dma_start3A_647 = arith.constant 0 : i32
    %dma_start3A_648 = arith.constant 1 : i32
    %dma_start3A_649 = arith.constant 0 : i32
    %dma_start3A_650 = arith.constant 0 : i32
    %dma_start3A_651 = tpu.memref_slice %arg4[%dma_start3A_648, %dma_start3A_649, %dma_start3A_650] : memref<3x16384x256xf32, #tpu.memory_space<hbm>> -> memref<1x16384x256xf32, #tpu.memory_space<hbm>>
    %dma_start3A_652 = tpu.memref_squeeze %dma_start3A_651 : memref<1x16384x256xf32, #tpu.memory_space<hbm>> -> memref<16384x256xf32, #tpu.memory_space<hbm>>
    %dma_start3A_653 = arith.constant 0 : i32
    %dma_start3A_654 = tpu.memref_slice %dma_start3A_652[%add3A_646, %dma_start3A_653] : memref<16384x256xf32, #tpu.memory_space<hbm>> -> memref<64x256xf32, #tpu.memory_space<hbm>>
    %dma_start3A_655 = arith.constant 0 : i32
    %dma_start3A_656 = arith.constant 0 : i32
    %dma_start3A_657 = tpu.memref_slice %arg7[%arg1, %dma_start3A_647, %dma_start3A_655, %dma_start3A_656] : memref<16x2x64x256xf32, #tpu.memory_space<vmem_shared>> -> memref<1x1x64x256xf32, #tpu.memory_space<vmem_shared>>
    %dma_start3A_658 = tpu.memref_squeeze %dma_start3A_657 : memref<1x1x64x256xf32, #tpu.memory_space<vmem_shared>> -> memref<64x256xf32, #tpu.memory_space<vmem_shared>>
    tpu.enqueue_dma source(%dma_start3A_658 : memref<64x256xf32, #tpu.memory_space<vmem_shared>>) target(%dma_start3A_654 : memref<64x256xf32, #tpu.memory_space<hbm>>) target_semaphore(%arg9 : memref<!tpu.dma_semaphore, #tpu.memory_space<semaphore_mem>>)
    %dma_wait3A_659 = arith.constant 1 : i32
    %dma_wait3A_660 = arith.constant 3 : i32
    %dma_wait3A_661 = arith.constant 0 : i32
    %dma_wait3A_662 = arith.constant 0 : i32
    %dma_wait3A_663 = tpu.memref_slice %arg6[%dma_wait3A_660, %dma_wait3A_661, %dma_wait3A_662] : memref<4x64x256xf32, #tpu.memory_space<vmem>> -> memref<1x64x256xf32, #tpu.memory_space<vmem>>
    %dma_wait3A_664 = tpu.memref_squeeze %dma_wait3A_663 : memref<1x64x256xf32, #tpu.memory_space<vmem>> -> memref<64x256xf32, #tpu.memory_space<vmem>>
    %dma_wait3A_665 = arith.constant 192 : i32
    %dma_wait3A_666 = tpu.memref_slice %arg5[%dma_wait3A_665] : memref<512xi32, #tpu.memory_space<vmem>> -> memref<64xi32, #tpu.memory_space<vmem>>
    %dma_wait3A_667 = arith.constant 0 : i32
    %dma_wait3A_668 = arith.constant 0 : i32
    %dma_wait3A_669 = tpu.memref_slice %arg3[%dma_wait3A_659, %dma_wait3A_667, %dma_wait3A_668] : memref<3x100000x256xf32, #tpu.memory_space<hbm>> -> memref<1x100000x256xf32, #tpu.memory_space<hbm>>
    %dma_wait3A_670 = tpu.memref_squeeze %dma_wait3A_669 : memref<1x100000x256xf32, #tpu.memory_space<hbm>> -> memref<100000x256xf32, #tpu.memory_space<hbm>>
    %dma_wait3A_671 = arith.constant 0 : i32
    %dma_wait3A_672 = arith.constant 0 : i32
    %dma_wait3A_673 = tpu.memref_slice %dma_wait3A_670[%dma_wait3A_671, %dma_wait3A_672] : memref<100000x256xf32, #tpu.memory_space<hbm>> -> memref<100000x256xf32, #tpu.memory_space<hbm>>
    tpu.wait_indirect_dma semaphore(%arg8 : memref<!tpu.dma_semaphore, #tpu.memory_space<semaphore_mem>>) src(%dma_wait3A_673 : memref<100000x256xf32, #tpu.memory_space<hbm>>) dst(%dma_wait3A_664 : memref<64x256xf32, #tpu.memory_space<vmem>>)
    %dma_wait3A_674 = arith.constant 1 : i32
    %dma_wait3A_675 = arith.constant 1 : i32
    %dma_wait3A_676 = arith.constant 0 : i32
    %dma_wait3A_677 = arith.constant 0 : i32
    %dma_wait3A_678 = tpu.memref_slice %arg4[%dma_wait3A_675, %dma_wait3A_676, %dma_wait3A_677] : memref<3x16384x256xf32, #tpu.memory_space<hbm>> -> memref<1x16384x256xf32, #tpu.memory_space<hbm>>
    %dma_wait3A_679 = tpu.memref_squeeze %dma_wait3A_678 : memref<1x16384x256xf32, #tpu.memory_space<hbm>> -> memref<16384x256xf32, #tpu.memory_space<hbm>>
    %dma_wait3A_680 = arith.constant 0 : i32
    %dma_wait3A_681 = tpu.memref_slice %dma_wait3A_679[%add3A_588, %dma_wait3A_680] : memref<16384x256xf32, #tpu.memory_space<hbm>> -> memref<64x256xf32, #tpu.memory_space<hbm>>
    %dma_wait3A_682 = arith.constant 0 : i32
    %dma_wait3A_683 = arith.constant 0 : i32
    %dma_wait3A_684 = tpu.memref_slice %arg7[%arg1, %dma_wait3A_674, %dma_wait3A_682, %dma_wait3A_683] : memref<16x2x64x256xf32, #tpu.memory_space<vmem_shared>> -> memref<1x1x64x256xf32, #tpu.memory_space<vmem_shared>>
    %dma_wait3A_685 = tpu.memref_squeeze %dma_wait3A_684 : memref<1x1x64x256xf32, #tpu.memory_space<vmem_shared>> -> memref<64x256xf32, #tpu.memory_space<vmem_shared>>
    tpu.wait_dma2 semaphore(%arg9 : memref<!tpu.dma_semaphore, #tpu.memory_space<semaphore_mem>>) src(%dma_wait3A_685 : memref<64x256xf32, #tpu.memory_space<vmem_shared>>) dst(%dma_wait3A_681 : memref<64x256xf32, #tpu.memory_space<hbm>>)
    %run_scoped3A_686 = arith.constant 3 : i32
    %run_scoped3A_687 = arith.constant 1 : i32
    "tpu.region"() ({
      %run_scoped3A_1392 = tpu.sem_alloc : memref<!tpu.dma_semaphore, #tpu.memory_space<semaphore_mem>>
      %dma_start3A_1393 = arith.constant 0 : i32
      %dma_start3A_1394 = arith.constant 0 : i32
      %dma_start3A_1395 = tpu.memref_slice %arg6[%run_scoped3A_686, %dma_start3A_1393, %dma_start3A_1394] : memref<4x64x256xf32, #tpu.memory_space<vmem>> -> memref<1x64x256xf32, #tpu.memory_space<vmem>>
      %dma_start3A_1396 = tpu.memref_squeeze %dma_start3A_1395 : memref<1x64x256xf32, #tpu.memory_space<vmem>> -> memref<64x256xf32, #tpu.memory_space<vmem>>
      %dma_start3A_1397 = arith.constant 0 : i32
      %dma_start3A_1398 = arith.constant 0 : i32
      %dma_start3A_1399 = tpu.memref_slice %arg7[%arg1, %run_scoped3A_687, %dma_start3A_1397, %dma_start3A_1398] : memref<16x2x64x256xf32, #tpu.memory_space<vmem_shared>> -> memref<1x1x64x256xf32, #tpu.memory_space<vmem_shared>>
      %dma_start3A_1400 = tpu.memref_squeeze %dma_start3A_1399 : memref<1x1x64x256xf32, #tpu.memory_space<vmem_shared>> -> memref<64x256xf32, #tpu.memory_space<vmem_shared>>
      %dma_start3A_1401 = arith.constant 0 : i32
      %dma_start3A_1402 = arith.constant 0 : i32
      %dma_start3A_1403 = tpu.memref_slice %arg7[%arg1, %run_scoped3A_687, %dma_start3A_1401, %dma_start3A_1402] : memref<16x2x64x256xf32, #tpu.memory_space<vmem_shared>> -> memref<1x1x64x256xf32, #tpu.memory_space<vmem_shared>>
      %dma_start3A_1404 = tpu.memref_squeeze %dma_start3A_1403 : memref<1x1x64x256xf32, #tpu.memory_space<vmem_shared>> -> memref<64x256xf32, #tpu.memory_space<vmem_shared>>
      %dma_start3A_1405 = arith.constant 0 : i32
      %dma_start3A_1406 = arith.constant 0 : i32
      %dma_start3A_1407 = tpu.memref_slice %arg6[%run_scoped3A_686, %dma_start3A_1405, %dma_start3A_1406] : memref<4x64x256xf32, #tpu.memory_space<vmem>> -> memref<1x64x256xf32, #tpu.memory_space<vmem>>
      %dma_start3A_1408 = tpu.memref_squeeze %dma_start3A_1407 : memref<1x64x256xf32, #tpu.memory_space<vmem>> -> memref<64x256xf32, #tpu.memory_space<vmem>>
      tpu.enqueue_dma source(%dma_start3A_1408 : memref<64x256xf32, #tpu.memory_space<vmem>>) target(%dma_start3A_1404 : memref<64x256xf32, #tpu.memory_space<vmem_shared>>) target_semaphore(%run_scoped3A_1392 : memref<!tpu.dma_semaphore, #tpu.memory_space<semaphore_mem>>)
      %dma_wait3A_1409 = arith.constant 0 : i32
      %dma_wait3A_1410 = arith.constant 0 : i32
      %dma_wait3A_1411 = tpu.memref_slice %arg6[%run_scoped3A_686, %dma_wait3A_1409, %dma_wait3A_1410] : memref<4x64x256xf32, #tpu.memory_space<vmem>> -> memref<1x64x256xf32, #tpu.memory_space<vmem>>
      %dma_wait3A_1412 = tpu.memref_squeeze %dma_wait3A_1411 : memref<1x64x256xf32, #tpu.memory_space<vmem>> -> memref<64x256xf32, #tpu.memory_space<vmem>>
      %dma_wait3A_1413 = arith.constant 0 : i32
      %dma_wait3A_1414 = arith.constant 0 : i32
      %dma_wait3A_1415 = tpu.memref_slice %arg7[%arg1, %run_scoped3A_687, %dma_wait3A_1413, %dma_wait3A_1414] : memref<16x2x64x256xf32, #tpu.memory_space<vmem_shared>> -> memref<1x1x64x256xf32, #tpu.memory_space<vmem_shared>>
      %dma_wait3A_1416 = tpu.memref_squeeze %dma_wait3A_1415 : memref<1x1x64x256xf32, #tpu.memory_space<vmem_shared>> -> memref<64x256xf32, #tpu.memory_space<vmem_shared>>
      %dma_wait3A_1417 = arith.constant 0 : i32
      %dma_wait3A_1418 = arith.constant 0 : i32
      %dma_wait3A_1419 = tpu.memref_slice %arg7[%arg1, %run_scoped3A_687, %dma_wait3A_1417, %dma_wait3A_1418] : memref<16x2x64x256xf32, #tpu.memory_space<vmem_shared>> -> memref<1x1x64x256xf32, #tpu.memory_space<vmem_shared>>
      %dma_wait3A_1420 = tpu.memref_squeeze %dma_wait3A_1419 : memref<1x1x64x256xf32, #tpu.memory_space<vmem_shared>> -> memref<64x256xf32, #tpu.memory_space<vmem_shared>>
      %dma_wait3A_1421 = arith.constant 0 : i32
      %dma_wait3A_1422 = arith.constant 0 : i32
      %dma_wait3A_1423 = tpu.memref_slice %arg6[%run_scoped3A_686, %dma_wait3A_1421, %dma_wait3A_1422] : memref<4x64x256xf32, #tpu.memory_space<vmem>> -> memref<1x64x256xf32, #tpu.memory_space<vmem>>
      %dma_wait3A_1424 = tpu.memref_squeeze %dma_wait3A_1423 : memref<1x64x256xf32, #tpu.memory_space<vmem>> -> memref<64x256xf32, #tpu.memory_space<vmem>>
      tpu.wait_dma2 semaphore(%run_scoped3A_1392 : memref<!tpu.dma_semaphore, #tpu.memory_space<semaphore_mem>>) src(%dma_wait3A_1424 : memref<64x256xf32, #tpu.memory_space<vmem>>) dst(%dma_wait3A_1420 : memref<64x256xf32, #tpu.memory_space<vmem_shared>>)
      tpu.yield
    }) : () -> ()
    %dma_start3A_688 = arith.constant 1 : i32
    %dma_start3A_689 = arith.constant 2 : i32
    %dma_start3A_690 = arith.constant 0 : i32
    %dma_start3A_691 = arith.constant 0 : i32
    %dma_start3A_692 = tpu.memref_slice %arg6[%dma_start3A_689, %dma_start3A_690, %dma_start3A_691] : memref<4x64x256xf32, #tpu.memory_space<vmem>> -> memref<1x64x256xf32, #tpu.memory_space<vmem>>
    %dma_start3A_693 = tpu.memref_squeeze %dma_start3A_692 : memref<1x64x256xf32, #tpu.memory_space<vmem>> -> memref<64x256xf32, #tpu.memory_space<vmem>>
    %dma_start3A_694 = arith.constant 384 : i32
    %dma_start3A_695 = tpu.memref_slice %arg5[%dma_start3A_694] : memref<512xi32, #tpu.memory_space<vmem>> -> memref<64xi32, #tpu.memory_space<vmem>>
    %dma_start3A_696 = arith.constant 0 : i32
    %dma_start3A_697 = arith.constant 0 : i32
    %dma_start3A_698 = tpu.memref_slice %arg3[%dma_start3A_688, %dma_start3A_696, %dma_start3A_697] : memref<3x100000x256xf32, #tpu.memory_space<hbm>> -> memref<1x100000x256xf32, #tpu.memory_space<hbm>>
    %dma_start3A_699 = tpu.memref_squeeze %dma_start3A_698 : memref<1x100000x256xf32, #tpu.memory_space<hbm>> -> memref<100000x256xf32, #tpu.memory_space<hbm>>
    %dma_start3A_700 = arith.constant 0 : i32
    %dma_start3A_701 = arith.constant 0 : i32
    %dma_start3A_702 = tpu.memref_slice %dma_start3A_699[%dma_start3A_700, %dma_start3A_701] : memref<100000x256xf32, #tpu.memory_space<hbm>> -> memref<100000x256xf32, #tpu.memory_space<hbm>>
    tpu.enqueue_indirect_dma source(%dma_start3A_702 : memref<100000x256xf32, #tpu.memory_space<hbm>>) target(%dma_start3A_693 : memref<64x256xf32, #tpu.memory_space<vmem>>) offsets(%dma_start3A_695 : memref<64xi32, #tpu.memory_space<vmem>>) semaphore(%arg8 : memref<!tpu.dma_semaphore, #tpu.memory_space<semaphore_mem>>)
    %add3A_703 = arith.constant 192 : i32
    %add3A_704 = arith.addi %mul3A_2, %add3A_703 : i32
    %dma_start3A_705 = arith.constant 1 : i32
    %dma_start3A_706 = arith.constant 1 : i32
    %dma_start3A_707 = arith.constant 0 : i32
    %dma_start3A_708 = arith.constant 0 : i32
    %dma_start3A_709 = tpu.memref_slice %arg4[%dma_start3A_706, %dma_start3A_707, %dma_start3A_708] : memref<3x16384x256xf32, #tpu.memory_space<hbm>> -> memref<1x16384x256xf32, #tpu.memory_space<hbm>>
    %dma_start3A_710 = tpu.memref_squeeze %dma_start3A_709 : memref<1x16384x256xf32, #tpu.memory_space<hbm>> -> memref<16384x256xf32, #tpu.memory_space<hbm>>
    %dma_start3A_711 = arith.constant 0 : i32
    %dma_start3A_712 = tpu.memref_slice %dma_start3A_710[%add3A_704, %dma_start3A_711] : memref<16384x256xf32, #tpu.memory_space<hbm>> -> memref<64x256xf32, #tpu.memory_space<hbm>>
    %dma_start3A_713 = arith.constant 0 : i32
    %dma_start3A_714 = arith.constant 0 : i32
    %dma_start3A_715 = tpu.memref_slice %arg7[%arg1, %dma_start3A_705, %dma_start3A_713, %dma_start3A_714] : memref<16x2x64x256xf32, #tpu.memory_space<vmem_shared>> -> memref<1x1x64x256xf32, #tpu.memory_space<vmem_shared>>
    %dma_start3A_716 = tpu.memref_squeeze %dma_start3A_715 : memref<1x1x64x256xf32, #tpu.memory_space<vmem_shared>> -> memref<64x256xf32, #tpu.memory_space<vmem_shared>>
    tpu.enqueue_dma source(%dma_start3A_716 : memref<64x256xf32, #tpu.memory_space<vmem_shared>>) target(%dma_start3A_712 : memref<64x256xf32, #tpu.memory_space<hbm>>) target_semaphore(%arg9 : memref<!tpu.dma_semaphore, #tpu.memory_space<semaphore_mem>>)
    %dma_wait3A_717 = arith.constant 1 : i32
    %dma_wait3A_718 = arith.constant 0 : i32
    %dma_wait3A_719 = arith.constant 0 : i32
    %dma_wait3A_720 = arith.constant 0 : i32
    %dma_wait3A_721 = tpu.memref_slice %arg6[%dma_wait3A_718, %dma_wait3A_719, %dma_wait3A_720] : memref<4x64x256xf32, #tpu.memory_space<vmem>> -> memref<1x64x256xf32, #tpu.memory_space<vmem>>
    %dma_wait3A_722 = tpu.memref_squeeze %dma_wait3A_721 : memref<1x64x256xf32, #tpu.memory_space<vmem>> -> memref<64x256xf32, #tpu.memory_space<vmem>>
    %dma_wait3A_723 = arith.constant 256 : i32
    %dma_wait3A_724 = tpu.memref_slice %arg5[%dma_wait3A_723] : memref<512xi32, #tpu.memory_space<vmem>> -> memref<64xi32, #tpu.memory_space<vmem>>
    %dma_wait3A_725 = arith.constant 0 : i32
    %dma_wait3A_726 = arith.constant 0 : i32
    %dma_wait3A_727 = tpu.memref_slice %arg3[%dma_wait3A_717, %dma_wait3A_725, %dma_wait3A_726] : memref<3x100000x256xf32, #tpu.memory_space<hbm>> -> memref<1x100000x256xf32, #tpu.memory_space<hbm>>
    %dma_wait3A_728 = tpu.memref_squeeze %dma_wait3A_727 : memref<1x100000x256xf32, #tpu.memory_space<hbm>> -> memref<100000x256xf32, #tpu.memory_space<hbm>>
    %dma_wait3A_729 = arith.constant 0 : i32
    %dma_wait3A_730 = arith.constant 0 : i32
    %dma_wait3A_731 = tpu.memref_slice %dma_wait3A_728[%dma_wait3A_729, %dma_wait3A_730] : memref<100000x256xf32, #tpu.memory_space<hbm>> -> memref<100000x256xf32, #tpu.memory_space<hbm>>
    tpu.wait_indirect_dma semaphore(%arg8 : memref<!tpu.dma_semaphore, #tpu.memory_space<semaphore_mem>>) src(%dma_wait3A_731 : memref<100000x256xf32, #tpu.memory_space<hbm>>) dst(%dma_wait3A_722 : memref<64x256xf32, #tpu.memory_space<vmem>>)
    %dma_wait3A_732 = arith.constant 0 : i32
    %dma_wait3A_733 = arith.constant 1 : i32
    %dma_wait3A_734 = arith.constant 0 : i32
    %dma_wait3A_735 = arith.constant 0 : i32
    %dma_wait3A_736 = tpu.memref_slice %arg4[%dma_wait3A_733, %dma_wait3A_734, %dma_wait3A_735] : memref<3x16384x256xf32, #tpu.memory_space<hbm>> -> memref<1x16384x256xf32, #tpu.memory_space<hbm>>
    %dma_wait3A_737 = tpu.memref_squeeze %dma_wait3A_736 : memref<1x16384x256xf32, #tpu.memory_space<hbm>> -> memref<16384x256xf32, #tpu.memory_space<hbm>>
    %dma_wait3A_738 = arith.constant 0 : i32
    %dma_wait3A_739 = tpu.memref_slice %dma_wait3A_737[%add3A_646, %dma_wait3A_738] : memref<16384x256xf32, #tpu.memory_space<hbm>> -> memref<64x256xf32, #tpu.memory_space<hbm>>
    %dma_wait3A_740 = arith.constant 0 : i32
    %dma_wait3A_741 = arith.constant 0 : i32
    %dma_wait3A_742 = tpu.memref_slice %arg7[%arg1, %dma_wait3A_732, %dma_wait3A_740, %dma_wait3A_741] : memref<16x2x64x256xf32, #tpu.memory_space<vmem_shared>> -> memref<1x1x64x256xf32, #tpu.memory_space<vmem_shared>>
    %dma_wait3A_743 = tpu.memref_squeeze %dma_wait3A_742 : memref<1x1x64x256xf32, #tpu.memory_space<vmem_shared>> -> memref<64x256xf32, #tpu.memory_space<vmem_shared>>
    tpu.wait_dma2 semaphore(%arg9 : memref<!tpu.dma_semaphore, #tpu.memory_space<semaphore_mem>>) src(%dma_wait3A_743 : memref<64x256xf32, #tpu.memory_space<vmem_shared>>) dst(%dma_wait3A_739 : memref<64x256xf32, #tpu.memory_space<hbm>>)
    %run_scoped3A_744 = arith.constant 0 : i32
    %run_scoped3A_745 = arith.constant 0 : i32
    "tpu.region"() ({
      %run_scoped3A_1392 = tpu.sem_alloc : memref<!tpu.dma_semaphore, #tpu.memory_space<semaphore_mem>>
      %dma_start3A_1393 = arith.constant 0 : i32
      %dma_start3A_1394 = arith.constant 0 : i32
      %dma_start3A_1395 = tpu.memref_slice %arg6[%run_scoped3A_744, %dma_start3A_1393, %dma_start3A_1394] : memref<4x64x256xf32, #tpu.memory_space<vmem>> -> memref<1x64x256xf32, #tpu.memory_space<vmem>>
      %dma_start3A_1396 = tpu.memref_squeeze %dma_start3A_1395 : memref<1x64x256xf32, #tpu.memory_space<vmem>> -> memref<64x256xf32, #tpu.memory_space<vmem>>
      %dma_start3A_1397 = arith.constant 0 : i32
      %dma_start3A_1398 = arith.constant 0 : i32
      %dma_start3A_1399 = tpu.memref_slice %arg7[%arg1, %run_scoped3A_745, %dma_start3A_1397, %dma_start3A_1398] : memref<16x2x64x256xf32, #tpu.memory_space<vmem_shared>> -> memref<1x1x64x256xf32, #tpu.memory_space<vmem_shared>>
      %dma_start3A_1400 = tpu.memref_squeeze %dma_start3A_1399 : memref<1x1x64x256xf32, #tpu.memory_space<vmem_shared>> -> memref<64x256xf32, #tpu.memory_space<vmem_shared>>
      %dma_start3A_1401 = arith.constant 0 : i32
      %dma_start3A_1402 = arith.constant 0 : i32
      %dma_start3A_1403 = tpu.memref_slice %arg7[%arg1, %run_scoped3A_745, %dma_start3A_1401, %dma_start3A_1402] : memref<16x2x64x256xf32, #tpu.memory_space<vmem_shared>> -> memref<1x1x64x256xf32, #tpu.memory_space<vmem_shared>>
      %dma_start3A_1404 = tpu.memref_squeeze %dma_start3A_1403 : memref<1x1x64x256xf32, #tpu.memory_space<vmem_shared>> -> memref<64x256xf32, #tpu.memory_space<vmem_shared>>
      %dma_start3A_1405 = arith.constant 0 : i32
      %dma_start3A_1406 = arith.constant 0 : i32
      %dma_start3A_1407 = tpu.memref_slice %arg6[%run_scoped3A_744, %dma_start3A_1405, %dma_start3A_1406] : memref<4x64x256xf32, #tpu.memory_space<vmem>> -> memref<1x64x256xf32, #tpu.memory_space<vmem>>
      %dma_start3A_1408 = tpu.memref_squeeze %dma_start3A_1407 : memref<1x64x256xf32, #tpu.memory_space<vmem>> -> memref<64x256xf32, #tpu.memory_space<vmem>>
      tpu.enqueue_dma source(%dma_start3A_1408 : memref<64x256xf32, #tpu.memory_space<vmem>>) target(%dma_start3A_1404 : memref<64x256xf32, #tpu.memory_space<vmem_shared>>) target_semaphore(%run_scoped3A_1392 : memref<!tpu.dma_semaphore, #tpu.memory_space<semaphore_mem>>)
      %dma_wait3A_1409 = arith.constant 0 : i32
      %dma_wait3A_1410 = arith.constant 0 : i32
      %dma_wait3A_1411 = tpu.memref_slice %arg6[%run_scoped3A_744, %dma_wait3A_1409, %dma_wait3A_1410] : memref<4x64x256xf32, #tpu.memory_space<vmem>> -> memref<1x64x256xf32, #tpu.memory_space<vmem>>
      %dma_wait3A_1412 = tpu.memref_squeeze %dma_wait3A_1411 : memref<1x64x256xf32, #tpu.memory_space<vmem>> -> memref<64x256xf32, #tpu.memory_space<vmem>>
      %dma_wait3A_1413 = arith.constant 0 : i32
      %dma_wait3A_1414 = arith.constant 0 : i32
      %dma_wait3A_1415 = tpu.memref_slice %arg7[%arg1, %run_scoped3A_745, %dma_wait3A_1413, %dma_wait3A_1414] : memref<16x2x64x256xf32, #tpu.memory_space<vmem_shared>> -> memref<1x1x64x256xf32, #tpu.memory_space<vmem_shared>>
      %dma_wait3A_1416 = tpu.memref_squeeze %dma_wait3A_1415 : memref<1x1x64x256xf32, #tpu.memory_space<vmem_shared>> -> memref<64x256xf32, #tpu.memory_space<vmem_shared>>
      %dma_wait3A_1417 = arith.constant 0 : i32
      %dma_wait3A_1418 = arith.constant 0 : i32
      %dma_wait3A_1419 = tpu.memref_slice %arg7[%arg1, %run_scoped3A_745, %dma_wait3A_1417, %dma_wait3A_1418] : memref<16x2x64x256xf32, #tpu.memory_space<vmem_shared>> -> memref<1x1x64x256xf32, #tpu.memory_space<vmem_shared>>
      %dma_wait3A_1420 = tpu.memref_squeeze %dma_wait3A_1419 : memref<1x1x64x256xf32, #tpu.memory_space<vmem_shared>> -> memref<64x256xf32, #tpu.memory_space<vmem_shared>>
      %dma_wait3A_1421 = arith.constant 0 : i32
      %dma_wait3A_1422 = arith.constant 0 : i32
      %dma_wait3A_1423 = tpu.memref_slice %arg6[%run_scoped3A_744, %dma_wait3A_1421, %dma_wait3A_1422] : memref<4x64x256xf32, #tpu.memory_space<vmem>> -> memref<1x64x256xf32, #tpu.memory_space<vmem>>
      %dma_wait3A_1424 = tpu.memref_squeeze %dma_wait3A_1423 : memref<1x64x256xf32, #tpu.memory_space<vmem>> -> memref<64x256xf32, #tpu.memory_space<vmem>>
      tpu.wait_dma2 semaphore(%run_scoped3A_1392 : memref<!tpu.dma_semaphore, #tpu.memory_space<semaphore_mem>>) src(%dma_wait3A_1424 : memref<64x256xf32, #tpu.memory_space<vmem>>) dst(%dma_wait3A_1420 : memref<64x256xf32, #tpu.memory_space<vmem_shared>>)
      tpu.yield
    }) : () -> ()
    %dma_start3A_746 = arith.constant 1 : i32
    %dma_start3A_747 = arith.constant 3 : i32
    %dma_start3A_748 = arith.constant 0 : i32
    %dma_start3A_749 = arith.constant 0 : i32
    %dma_start3A_750 = tpu.memref_slice %arg6[%dma_start3A_747, %dma_start3A_748, %dma_start3A_749] : memref<4x64x256xf32, #tpu.memory_space<vmem>> -> memref<1x64x256xf32, #tpu.memory_space<vmem>>
    %dma_start3A_751 = tpu.memref_squeeze %dma_start3A_750 : memref<1x64x256xf32, #tpu.memory_space<vmem>> -> memref<64x256xf32, #tpu.memory_space<vmem>>
    %dma_start3A_752 = arith.constant 448 : i32
    %dma_start3A_753 = tpu.memref_slice %arg5[%dma_start3A_752] : memref<512xi32, #tpu.memory_space<vmem>> -> memref<64xi32, #tpu.memory_space<vmem>>
    %dma_start3A_754 = arith.constant 0 : i32
    %dma_start3A_755 = arith.constant 0 : i32
    %dma_start3A_756 = tpu.memref_slice %arg3[%dma_start3A_746, %dma_start3A_754, %dma_start3A_755] : memref<3x100000x256xf32, #tpu.memory_space<hbm>> -> memref<1x100000x256xf32, #tpu.memory_space<hbm>>
    %dma_start3A_757 = tpu.memref_squeeze %dma_start3A_756 : memref<1x100000x256xf32, #tpu.memory_space<hbm>> -> memref<100000x256xf32, #tpu.memory_space<hbm>>
    %dma_start3A_758 = arith.constant 0 : i32
    %dma_start3A_759 = arith.constant 0 : i32
    %dma_start3A_760 = tpu.memref_slice %dma_start3A_757[%dma_start3A_758, %dma_start3A_759] : memref<100000x256xf32, #tpu.memory_space<hbm>> -> memref<100000x256xf32, #tpu.memory_space<hbm>>
    tpu.enqueue_indirect_dma source(%dma_start3A_760 : memref<100000x256xf32, #tpu.memory_space<hbm>>) target(%dma_start3A_751 : memref<64x256xf32, #tpu.memory_space<vmem>>) offsets(%dma_start3A_753 : memref<64xi32, #tpu.memory_space<vmem>>) semaphore(%arg8 : memref<!tpu.dma_semaphore, #tpu.memory_space<semaphore_mem>>)
    %add3A_761 = arith.constant 256 : i32
    %add3A_762 = arith.addi %mul3A_2, %add3A_761 : i32
    %dma_start3A_763 = arith.constant 0 : i32
    %dma_start3A_764 = arith.constant 1 : i32
    %dma_start3A_765 = arith.constant 0 : i32
    %dma_start3A_766 = arith.constant 0 : i32
    %dma_start3A_767 = tpu.memref_slice %arg4[%dma_start3A_764, %dma_start3A_765, %dma_start3A_766] : memref<3x16384x256xf32, #tpu.memory_space<hbm>> -> memref<1x16384x256xf32, #tpu.memory_space<hbm>>
    %dma_start3A_768 = tpu.memref_squeeze %dma_start3A_767 : memref<1x16384x256xf32, #tpu.memory_space<hbm>> -> memref<16384x256xf32, #tpu.memory_space<hbm>>
    %dma_start3A_769 = arith.constant 0 : i32
    %dma_start3A_770 = tpu.memref_slice %dma_start3A_768[%add3A_762, %dma_start3A_769] : memref<16384x256xf32, #tpu.memory_space<hbm>> -> memref<64x256xf32, #tpu.memory_space<hbm>>
    %dma_start3A_771 = arith.constant 0 : i32
    %dma_start3A_772 = arith.constant 0 : i32
    %dma_start3A_773 = tpu.memref_slice %arg7[%arg1, %dma_start3A_763, %dma_start3A_771, %dma_start3A_772] : memref<16x2x64x256xf32, #tpu.memory_space<vmem_shared>> -> memref<1x1x64x256xf32, #tpu.memory_space<vmem_shared>>
    %dma_start3A_774 = tpu.memref_squeeze %dma_start3A_773 : memref<1x1x64x256xf32, #tpu.memory_space<vmem_shared>> -> memref<64x256xf32, #tpu.memory_space<vmem_shared>>
    tpu.enqueue_dma source(%dma_start3A_774 : memref<64x256xf32, #tpu.memory_space<vmem_shared>>) target(%dma_start3A_770 : memref<64x256xf32, #tpu.memory_space<hbm>>) target_semaphore(%arg9 : memref<!tpu.dma_semaphore, #tpu.memory_space<semaphore_mem>>)
    %dma_wait3A_775 = arith.constant 1 : i32
    %dma_wait3A_776 = arith.constant 1 : i32
    %dma_wait3A_777 = arith.constant 0 : i32
    %dma_wait3A_778 = arith.constant 0 : i32
    %dma_wait3A_779 = tpu.memref_slice %arg6[%dma_wait3A_776, %dma_wait3A_777, %dma_wait3A_778] : memref<4x64x256xf32, #tpu.memory_space<vmem>> -> memref<1x64x256xf32, #tpu.memory_space<vmem>>
    %dma_wait3A_780 = tpu.memref_squeeze %dma_wait3A_779 : memref<1x64x256xf32, #tpu.memory_space<vmem>> -> memref<64x256xf32, #tpu.memory_space<vmem>>
    %dma_wait3A_781 = arith.constant 320 : i32
    %dma_wait3A_782 = tpu.memref_slice %arg5[%dma_wait3A_781] : memref<512xi32, #tpu.memory_space<vmem>> -> memref<64xi32, #tpu.memory_space<vmem>>
    %dma_wait3A_783 = arith.constant 0 : i32
    %dma_wait3A_784 = arith.constant 0 : i32
    %dma_wait3A_785 = tpu.memref_slice %arg3[%dma_wait3A_775, %dma_wait3A_783, %dma_wait3A_784] : memref<3x100000x256xf32, #tpu.memory_space<hbm>> -> memref<1x100000x256xf32, #tpu.memory_space<hbm>>
    %dma_wait3A_786 = tpu.memref_squeeze %dma_wait3A_785 : memref<1x100000x256xf32, #tpu.memory_space<hbm>> -> memref<100000x256xf32, #tpu.memory_space<hbm>>
    %dma_wait3A_787 = arith.constant 0 : i32
    %dma_wait3A_788 = arith.constant 0 : i32
    %dma_wait3A_789 = tpu.memref_slice %dma_wait3A_786[%dma_wait3A_787, %dma_wait3A_788] : memref<100000x256xf32, #tpu.memory_space<hbm>> -> memref<100000x256xf32, #tpu.memory_space<hbm>>
    tpu.wait_indirect_dma semaphore(%arg8 : memref<!tpu.dma_semaphore, #tpu.memory_space<semaphore_mem>>) src(%dma_wait3A_789 : memref<100000x256xf32, #tpu.memory_space<hbm>>) dst(%dma_wait3A_780 : memref<64x256xf32, #tpu.memory_space<vmem>>)
    %dma_wait3A_790 = arith.constant 1 : i32
    %dma_wait3A_791 = arith.constant 1 : i32
    %dma_wait3A_792 = arith.constant 0 : i32
    %dma_wait3A_793 = arith.constant 0 : i32
    %dma_wait3A_794 = tpu.memref_slice %arg4[%dma_wait3A_791, %dma_wait3A_792, %dma_wait3A_793] : memref<3x16384x256xf32, #tpu.memory_space<hbm>> -> memref<1x16384x256xf32, #tpu.memory_space<hbm>>
    %dma_wait3A_795 = tpu.memref_squeeze %dma_wait3A_794 : memref<1x16384x256xf32, #tpu.memory_space<hbm>> -> memref<16384x256xf32, #tpu.memory_space<hbm>>
    %dma_wait3A_796 = arith.constant 0 : i32
    %dma_wait3A_797 = tpu.memref_slice %dma_wait3A_795[%add3A_704, %dma_wait3A_796] : memref<16384x256xf32, #tpu.memory_space<hbm>> -> memref<64x256xf32, #tpu.memory_space<hbm>>
    %dma_wait3A_798 = arith.constant 0 : i32
    %dma_wait3A_799 = arith.constant 0 : i32
    %dma_wait3A_800 = tpu.memref_slice %arg7[%arg1, %dma_wait3A_790, %dma_wait3A_798, %dma_wait3A_799] : memref<16x2x64x256xf32, #tpu.memory_space<vmem_shared>> -> memref<1x1x64x256xf32, #tpu.memory_space<vmem_shared>>
    %dma_wait3A_801 = tpu.memref_squeeze %dma_wait3A_800 : memref<1x1x64x256xf32, #tpu.memory_space<vmem_shared>> -> memref<64x256xf32, #tpu.memory_space<vmem_shared>>
    tpu.wait_dma2 semaphore(%arg9 : memref<!tpu.dma_semaphore, #tpu.memory_space<semaphore_mem>>) src(%dma_wait3A_801 : memref<64x256xf32, #tpu.memory_space<vmem_shared>>) dst(%dma_wait3A_797 : memref<64x256xf32, #tpu.memory_space<hbm>>)
    %run_scoped3A_802 = arith.constant 1 : i32
    %run_scoped3A_803 = arith.constant 1 : i32
    "tpu.region"() ({
      %run_scoped3A_1392 = tpu.sem_alloc : memref<!tpu.dma_semaphore, #tpu.memory_space<semaphore_mem>>
      %dma_start3A_1393 = arith.constant 0 : i32
      %dma_start3A_1394 = arith.constant 0 : i32
      %dma_start3A_1395 = tpu.memref_slice %arg6[%run_scoped3A_802, %dma_start3A_1393, %dma_start3A_1394] : memref<4x64x256xf32, #tpu.memory_space<vmem>> -> memref<1x64x256xf32, #tpu.memory_space<vmem>>
      %dma_start3A_1396 = tpu.memref_squeeze %dma_start3A_1395 : memref<1x64x256xf32, #tpu.memory_space<vmem>> -> memref<64x256xf32, #tpu.memory_space<vmem>>
      %dma_start3A_1397 = arith.constant 0 : i32
      %dma_start3A_1398 = arith.constant 0 : i32
      %dma_start3A_1399 = tpu.memref_slice %arg7[%arg1, %run_scoped3A_803, %dma_start3A_1397, %dma_start3A_1398] : memref<16x2x64x256xf32, #tpu.memory_space<vmem_shared>> -> memref<1x1x64x256xf32, #tpu.memory_space<vmem_shared>>
      %dma_start3A_1400 = tpu.memref_squeeze %dma_start3A_1399 : memref<1x1x64x256xf32, #tpu.memory_space<vmem_shared>> -> memref<64x256xf32, #tpu.memory_space<vmem_shared>>
      %dma_start3A_1401 = arith.constant 0 : i32
      %dma_start3A_1402 = arith.constant 0 : i32
      %dma_start3A_1403 = tpu.memref_slice %arg7[%arg1, %run_scoped3A_803, %dma_start3A_1401, %dma_start3A_1402] : memref<16x2x64x256xf32, #tpu.memory_space<vmem_shared>> -> memref<1x1x64x256xf32, #tpu.memory_space<vmem_shared>>
      %dma_start3A_1404 = tpu.memref_squeeze %dma_start3A_1403 : memref<1x1x64x256xf32, #tpu.memory_space<vmem_shared>> -> memref<64x256xf32, #tpu.memory_space<vmem_shared>>
      %dma_start3A_1405 = arith.constant 0 : i32
      %dma_start3A_1406 = arith.constant 0 : i32
      %dma_start3A_1407 = tpu.memref_slice %arg6[%run_scoped3A_802, %dma_start3A_1405, %dma_start3A_1406] : memref<4x64x256xf32, #tpu.memory_space<vmem>> -> memref<1x64x256xf32, #tpu.memory_space<vmem>>
      %dma_start3A_1408 = tpu.memref_squeeze %dma_start3A_1407 : memref<1x64x256xf32, #tpu.memory_space<vmem>> -> memref<64x256xf32, #tpu.memory_space<vmem>>
      tpu.enqueue_dma source(%dma_start3A_1408 : memref<64x256xf32, #tpu.memory_space<vmem>>) target(%dma_start3A_1404 : memref<64x256xf32, #tpu.memory_space<vmem_shared>>) target_semaphore(%run_scoped3A_1392 : memref<!tpu.dma_semaphore, #tpu.memory_space<semaphore_mem>>)
      %dma_wait3A_1409 = arith.constant 0 : i32
      %dma_wait3A_1410 = arith.constant 0 : i32
      %dma_wait3A_1411 = tpu.memref_slice %arg6[%run_scoped3A_802, %dma_wait3A_1409, %dma_wait3A_1410] : memref<4x64x256xf32, #tpu.memory_space<vmem>> -> memref<1x64x256xf32, #tpu.memory_space<vmem>>
      %dma_wait3A_1412 = tpu.memref_squeeze %dma_wait3A_1411 : memref<1x64x256xf32, #tpu.memory_space<vmem>> -> memref<64x256xf32, #tpu.memory_space<vmem>>
      %dma_wait3A_1413 = arith.constant 0 : i32
      %dma_wait3A_1414 = arith.constant 0 : i32
      %dma_wait3A_1415 = tpu.memref_slice %arg7[%arg1, %run_scoped3A_803, %dma_wait3A_1413, %dma_wait3A_1414] : memref<16x2x64x256xf32, #tpu.memory_space<vmem_shared>> -> memref<1x1x64x256xf32, #tpu.memory_space<vmem_shared>>
      %dma_wait3A_1416 = tpu.memref_squeeze %dma_wait3A_1415 : memref<1x1x64x256xf32, #tpu.memory_space<vmem_shared>> -> memref<64x256xf32, #tpu.memory_space<vmem_shared>>
      %dma_wait3A_1417 = arith.constant 0 : i32
      %dma_wait3A_1418 = arith.constant 0 : i32
      %dma_wait3A_1419 = tpu.memref_slice %arg7[%arg1, %run_scoped3A_803, %dma_wait3A_1417, %dma_wait3A_1418] : memref<16x2x64x256xf32, #tpu.memory_space<vmem_shared>> -> memref<1x1x64x256xf32, #tpu.memory_space<vmem_shared>>
      %dma_wait3A_1420 = tpu.memref_squeeze %dma_wait3A_1419 : memref<1x1x64x256xf32, #tpu.memory_space<vmem_shared>> -> memref<64x256xf32, #tpu.memory_space<vmem_shared>>
      %dma_wait3A_1421 = arith.constant 0 : i32
      %dma_wait3A_1422 = arith.constant 0 : i32
      %dma_wait3A_1423 = tpu.memref_slice %arg6[%run_scoped3A_802, %dma_wait3A_1421, %dma_wait3A_1422] : memref<4x64x256xf32, #tpu.memory_space<vmem>> -> memref<1x64x256xf32, #tpu.memory_space<vmem>>
      %dma_wait3A_1424 = tpu.memref_squeeze %dma_wait3A_1423 : memref<1x64x256xf32, #tpu.memory_space<vmem>> -> memref<64x256xf32, #tpu.memory_space<vmem>>
      tpu.wait_dma2 semaphore(%run_scoped3A_1392 : memref<!tpu.dma_semaphore, #tpu.memory_space<semaphore_mem>>) src(%dma_wait3A_1424 : memref<64x256xf32, #tpu.memory_space<vmem>>) dst(%dma_wait3A_1420 : memref<64x256xf32, #tpu.memory_space<vmem_shared>>)
      tpu.yield
    }) : () -> ()
    %dma_start3A_804 = arith.constant 2 : i32
    %dma_start3A_805 = arith.constant 0 : i32
    %dma_start3A_806 = arith.constant 0 : i32
    %dma_start3A_807 = arith.constant 0 : i32
    %dma_start3A_808 = tpu.memref_slice %arg6[%dma_start3A_805, %dma_start3A_806, %dma_start3A_807] : memref<4x64x256xf32, #tpu.memory_space<vmem>> -> memref<1x64x256xf32, #tpu.memory_space<vmem>>
    %dma_start3A_809 = tpu.memref_squeeze %dma_start3A_808 : memref<1x64x256xf32, #tpu.memory_space<vmem>> -> memref<64x256xf32, #tpu.memory_space<vmem>>
    %dma_start3A_810 = arith.constant 0 : i32
    %dma_start3A_811 = tpu.memref_slice %arg5[%dma_start3A_810] : memref<512xi32, #tpu.memory_space<vmem>> -> memref<64xi32, #tpu.memory_space<vmem>>
    %dma_start3A_812 = arith.constant 0 : i32
    %dma_start3A_813 = arith.constant 0 : i32
    %dma_start3A_814 = tpu.memref_slice %arg3[%dma_start3A_804, %dma_start3A_812, %dma_start3A_813] : memref<3x100000x256xf32, #tpu.memory_space<hbm>> -> memref<1x100000x256xf32, #tpu.memory_space<hbm>>
    %dma_start3A_815 = tpu.memref_squeeze %dma_start3A_814 : memref<1x100000x256xf32, #tpu.memory_space<hbm>> -> memref<100000x256xf32, #tpu.memory_space<hbm>>
    %dma_start3A_816 = arith.constant 0 : i32
    %dma_start3A_817 = arith.constant 0 : i32
    %dma_start3A_818 = tpu.memref_slice %dma_start3A_815[%dma_start3A_816, %dma_start3A_817] : memref<100000x256xf32, #tpu.memory_space<hbm>> -> memref<100000x256xf32, #tpu.memory_space<hbm>>
    tpu.enqueue_indirect_dma source(%dma_start3A_818 : memref<100000x256xf32, #tpu.memory_space<hbm>>) target(%dma_start3A_809 : memref<64x256xf32, #tpu.memory_space<vmem>>) offsets(%dma_start3A_811 : memref<64xi32, #tpu.memory_space<vmem>>) semaphore(%arg8 : memref<!tpu.dma_semaphore, #tpu.memory_space<semaphore_mem>>)
    %add3A_819 = arith.constant 320 : i32
    %add3A_820 = arith.addi %mul3A_2, %add3A_819 : i32
    %dma_start3A_821 = arith.constant 1 : i32
    %dma_start3A_822 = arith.constant 1 : i32
    %dma_start3A_823 = arith.constant 0 : i32
    %dma_start3A_824 = arith.constant 0 : i32
    %dma_start3A_825 = tpu.memref_slice %arg4[%dma_start3A_822, %dma_start3A_823, %dma_start3A_824] : memref<3x16384x256xf32, #tpu.memory_space<hbm>> -> memref<1x16384x256xf32, #tpu.memory_space<hbm>>
    %dma_start3A_826 = tpu.memref_squeeze %dma_start3A_825 : memref<1x16384x256xf32, #tpu.memory_space<hbm>> -> memref<16384x256xf32, #tpu.memory_space<hbm>>
    %dma_start3A_827 = arith.constant 0 : i32
    %dma_start3A_828 = tpu.memref_slice %dma_start3A_826[%add3A_820, %dma_start3A_827] : memref<16384x256xf32, #tpu.memory_space<hbm>> -> memref<64x256xf32, #tpu.memory_space<hbm>>
    %dma_start3A_829 = arith.constant 0 : i32
    %dma_start3A_830 = arith.constant 0 : i32
    %dma_start3A_831 = tpu.memref_slice %arg7[%arg1, %dma_start3A_821, %dma_start3A_829, %dma_start3A_830] : memref<16x2x64x256xf32, #tpu.memory_space<vmem_shared>> -> memref<1x1x64x256xf32, #tpu.memory_space<vmem_shared>>
    %dma_start3A_832 = tpu.memref_squeeze %dma_start3A_831 : memref<1x1x64x256xf32, #tpu.memory_space<vmem_shared>> -> memref<64x256xf32, #tpu.memory_space<vmem_shared>>
    tpu.enqueue_dma source(%dma_start3A_832 : memref<64x256xf32, #tpu.memory_space<vmem_shared>>) target(%dma_start3A_828 : memref<64x256xf32, #tpu.memory_space<hbm>>) target_semaphore(%arg9 : memref<!tpu.dma_semaphore, #tpu.memory_space<semaphore_mem>>)
    %dma_wait3A_833 = arith.constant 1 : i32
    %dma_wait3A_834 = arith.constant 2 : i32
    %dma_wait3A_835 = arith.constant 0 : i32
    %dma_wait3A_836 = arith.constant 0 : i32
    %dma_wait3A_837 = tpu.memref_slice %arg6[%dma_wait3A_834, %dma_wait3A_835, %dma_wait3A_836] : memref<4x64x256xf32, #tpu.memory_space<vmem>> -> memref<1x64x256xf32, #tpu.memory_space<vmem>>
    %dma_wait3A_838 = tpu.memref_squeeze %dma_wait3A_837 : memref<1x64x256xf32, #tpu.memory_space<vmem>> -> memref<64x256xf32, #tpu.memory_space<vmem>>
    %dma_wait3A_839 = arith.constant 384 : i32
    %dma_wait3A_840 = tpu.memref_slice %arg5[%dma_wait3A_839] : memref<512xi32, #tpu.memory_space<vmem>> -> memref<64xi32, #tpu.memory_space<vmem>>
    %dma_wait3A_841 = arith.constant 0 : i32
    %dma_wait3A_842 = arith.constant 0 : i32
    %dma_wait3A_843 = tpu.memref_slice %arg3[%dma_wait3A_833, %dma_wait3A_841, %dma_wait3A_842] : memref<3x100000x256xf32, #tpu.memory_space<hbm>> -> memref<1x100000x256xf32, #tpu.memory_space<hbm>>
    %dma_wait3A_844 = tpu.memref_squeeze %dma_wait3A_843 : memref<1x100000x256xf32, #tpu.memory_space<hbm>> -> memref<100000x256xf32, #tpu.memory_space<hbm>>
    %dma_wait3A_845 = arith.constant 0 : i32
    %dma_wait3A_846 = arith.constant 0 : i32
    %dma_wait3A_847 = tpu.memref_slice %dma_wait3A_844[%dma_wait3A_845, %dma_wait3A_846] : memref<100000x256xf32, #tpu.memory_space<hbm>> -> memref<100000x256xf32, #tpu.memory_space<hbm>>
    tpu.wait_indirect_dma semaphore(%arg8 : memref<!tpu.dma_semaphore, #tpu.memory_space<semaphore_mem>>) src(%dma_wait3A_847 : memref<100000x256xf32, #tpu.memory_space<hbm>>) dst(%dma_wait3A_838 : memref<64x256xf32, #tpu.memory_space<vmem>>)
    %dma_wait3A_848 = arith.constant 0 : i32
    %dma_wait3A_849 = arith.constant 1 : i32
    %dma_wait3A_850 = arith.constant 0 : i32
    %dma_wait3A_851 = arith.constant 0 : i32
    %dma_wait3A_852 = tpu.memref_slice %arg4[%dma_wait3A_849, %dma_wait3A_850, %dma_wait3A_851] : memref<3x16384x256xf32, #tpu.memory_space<hbm>> -> memref<1x16384x256xf32, #tpu.memory_space<hbm>>
    %dma_wait3A_853 = tpu.memref_squeeze %dma_wait3A_852 : memref<1x16384x256xf32, #tpu.memory_space<hbm>> -> memref<16384x256xf32, #tpu.memory_space<hbm>>
    %dma_wait3A_854 = arith.constant 0 : i32
    %dma_wait3A_855 = tpu.memref_slice %dma_wait3A_853[%add3A_762, %dma_wait3A_854] : memref<16384x256xf32, #tpu.memory_space<hbm>> -> memref<64x256xf32, #tpu.memory_space<hbm>>
    %dma_wait3A_856 = arith.constant 0 : i32
    %dma_wait3A_857 = arith.constant 0 : i32
    %dma_wait3A_858 = tpu.memref_slice %arg7[%arg1, %dma_wait3A_848, %dma_wait3A_856, %dma_wait3A_857] : memref<16x2x64x256xf32, #tpu.memory_space<vmem_shared>> -> memref<1x1x64x256xf32, #tpu.memory_space<vmem_shared>>
    %dma_wait3A_859 = tpu.memref_squeeze %dma_wait3A_858 : memref<1x1x64x256xf32, #tpu.memory_space<vmem_shared>> -> memref<64x256xf32, #tpu.memory_space<vmem_shared>>
    tpu.wait_dma2 semaphore(%arg9 : memref<!tpu.dma_semaphore, #tpu.memory_space<semaphore_mem>>) src(%dma_wait3A_859 : memref<64x256xf32, #tpu.memory_space<vmem_shared>>) dst(%dma_wait3A_855 : memref<64x256xf32, #tpu.memory_space<hbm>>)
    %run_scoped3A_860 = arith.constant 2 : i32
    %run_scoped3A_861 = arith.constant 0 : i32
    "tpu.region"() ({
      %run_scoped3A_1392 = tpu.sem_alloc : memref<!tpu.dma_semaphore, #tpu.memory_space<semaphore_mem>>
      %dma_start3A_1393 = arith.constant 0 : i32
      %dma_start3A_1394 = arith.constant 0 : i32
      %dma_start3A_1395 = tpu.memref_slice %arg6[%run_scoped3A_860, %dma_start3A_1393, %dma_start3A_1394] : memref<4x64x256xf32, #tpu.memory_space<vmem>> -> memref<1x64x256xf32, #tpu.memory_space<vmem>>
      %dma_start3A_1396 = tpu.memref_squeeze %dma_start3A_1395 : memref<1x64x256xf32, #tpu.memory_space<vmem>> -> memref<64x256xf32, #tpu.memory_space<vmem>>
      %dma_start3A_1397 = arith.constant 0 : i32
      %dma_start3A_1398 = arith.constant 0 : i32
      %dma_start3A_1399 = tpu.memref_slice %arg7[%arg1, %run_scoped3A_861, %dma_start3A_1397, %dma_start3A_1398] : memref<16x2x64x256xf32, #tpu.memory_space<vmem_shared>> -> memref<1x1x64x256xf32, #tpu.memory_space<vmem_shared>>
      %dma_start3A_1400 = tpu.memref_squeeze %dma_start3A_1399 : memref<1x1x64x256xf32, #tpu.memory_space<vmem_shared>> -> memref<64x256xf32, #tpu.memory_space<vmem_shared>>
      %dma_start3A_1401 = arith.constant 0 : i32
      %dma_start3A_1402 = arith.constant 0 : i32
      %dma_start3A_1403 = tpu.memref_slice %arg7[%arg1, %run_scoped3A_861, %dma_start3A_1401, %dma_start3A_1402] : memref<16x2x64x256xf32, #tpu.memory_space<vmem_shared>> -> memref<1x1x64x256xf32, #tpu.memory_space<vmem_shared>>
      %dma_start3A_1404 = tpu.memref_squeeze %dma_start3A_1403 : memref<1x1x64x256xf32, #tpu.memory_space<vmem_shared>> -> memref<64x256xf32, #tpu.memory_space<vmem_shared>>
      %dma_start3A_1405 = arith.constant 0 : i32
      %dma_start3A_1406 = arith.constant 0 : i32
      %dma_start3A_1407 = tpu.memref_slice %arg6[%run_scoped3A_860, %dma_start3A_1405, %dma_start3A_1406] : memref<4x64x256xf32, #tpu.memory_space<vmem>> -> memref<1x64x256xf32, #tpu.memory_space<vmem>>
      %dma_start3A_1408 = tpu.memref_squeeze %dma_start3A_1407 : memref<1x64x256xf32, #tpu.memory_space<vmem>> -> memref<64x256xf32, #tpu.memory_space<vmem>>
      tpu.enqueue_dma source(%dma_start3A_1408 : memref<64x256xf32, #tpu.memory_space<vmem>>) target(%dma_start3A_1404 : memref<64x256xf32, #tpu.memory_space<vmem_shared>>) target_semaphore(%run_scoped3A_1392 : memref<!tpu.dma_semaphore, #tpu.memory_space<semaphore_mem>>)
      %dma_wait3A_1409 = arith.constant 0 : i32
      %dma_wait3A_1410 = arith.constant 0 : i32
      %dma_wait3A_1411 = tpu.memref_slice %arg6[%run_scoped3A_860, %dma_wait3A_1409, %dma_wait3A_1410] : memref<4x64x256xf32, #tpu.memory_space<vmem>> -> memref<1x64x256xf32, #tpu.memory_space<vmem>>
      %dma_wait3A_1412 = tpu.memref_squeeze %dma_wait3A_1411 : memref<1x64x256xf32, #tpu.memory_space<vmem>> -> memref<64x256xf32, #tpu.memory_space<vmem>>
      %dma_wait3A_1413 = arith.constant 0 : i32
      %dma_wait3A_1414 = arith.constant 0 : i32
      %dma_wait3A_1415 = tpu.memref_slice %arg7[%arg1, %run_scoped3A_861, %dma_wait3A_1413, %dma_wait3A_1414] : memref<16x2x64x256xf32, #tpu.memory_space<vmem_shared>> -> memref<1x1x64x256xf32, #tpu.memory_space<vmem_shared>>
      %dma_wait3A_1416 = tpu.memref_squeeze %dma_wait3A_1415 : memref<1x1x64x256xf32, #tpu.memory_space<vmem_shared>> -> memref<64x256xf32, #tpu.memory_space<vmem_shared>>
      %dma_wait3A_1417 = arith.constant 0 : i32
      %dma_wait3A_1418 = arith.constant 0 : i32
      %dma_wait3A_1419 = tpu.memref_slice %arg7[%arg1, %run_scoped3A_861, %dma_wait3A_1417, %dma_wait3A_1418] : memref<16x2x64x256xf32, #tpu.memory_space<vmem_shared>> -> memref<1x1x64x256xf32, #tpu.memory_space<vmem_shared>>
      %dma_wait3A_1420 = tpu.memref_squeeze %dma_wait3A_1419 : memref<1x1x64x256xf32, #tpu.memory_space<vmem_shared>> -> memref<64x256xf32, #tpu.memory_space<vmem_shared>>
      %dma_wait3A_1421 = arith.constant 0 : i32
      %dma_wait3A_1422 = arith.constant 0 : i32
      %dma_wait3A_1423 = tpu.memref_slice %arg6[%run_scoped3A_860, %dma_wait3A_1421, %dma_wait3A_1422] : memref<4x64x256xf32, #tpu.memory_space<vmem>> -> memref<1x64x256xf32, #tpu.memory_space<vmem>>
      %dma_wait3A_1424 = tpu.memref_squeeze %dma_wait3A_1423 : memref<1x64x256xf32, #tpu.memory_space<vmem>> -> memref<64x256xf32, #tpu.memory_space<vmem>>
      tpu.wait_dma2 semaphore(%run_scoped3A_1392 : memref<!tpu.dma_semaphore, #tpu.memory_space<semaphore_mem>>) src(%dma_wait3A_1424 : memref<64x256xf32, #tpu.memory_space<vmem>>) dst(%dma_wait3A_1420 : memref<64x256xf32, #tpu.memory_space<vmem_shared>>)
      tpu.yield
    }) : () -> ()
    %dma_start3A_862 = arith.constant 2 : i32
    %dma_start3A_863 = arith.constant 1 : i32
    %dma_start3A_864 = arith.constant 0 : i32
    %dma_start3A_865 = arith.constant 0 : i32
    %dma_start3A_866 = tpu.memref_slice %arg6[%dma_start3A_863, %dma_start3A_864, %dma_start3A_865] : memref<4x64x256xf32, #tpu.memory_space<vmem>> -> memref<1x64x256xf32, #tpu.memory_space<vmem>>
    %dma_start3A_867 = tpu.memref_squeeze %dma_start3A_866 : memref<1x64x256xf32, #tpu.memory_space<vmem>> -> memref<64x256xf32, #tpu.memory_space<vmem>>
    %dma_start3A_868 = arith.constant 64 : i32
    %dma_start3A_869 = tpu.memref_slice %arg5[%dma_start3A_868] : memref<512xi32, #tpu.memory_space<vmem>> -> memref<64xi32, #tpu.memory_space<vmem>>
    %dma_start3A_870 = arith.constant 0 : i32
    %dma_start3A_871 = arith.constant 0 : i32
    %dma_start3A_872 = tpu.memref_slice %arg3[%dma_start3A_862, %dma_start3A_870, %dma_start3A_871] : memref<3x100000x256xf32, #tpu.memory_space<hbm>> -> memref<1x100000x256xf32, #tpu.memory_space<hbm>>
    %dma_start3A_873 = tpu.memref_squeeze %dma_start3A_872 : memref<1x100000x256xf32, #tpu.memory_space<hbm>> -> memref<100000x256xf32, #tpu.memory_space<hbm>>
    %dma_start3A_874 = arith.constant 0 : i32
    %dma_start3A_875 = arith.constant 0 : i32
    %dma_start3A_876 = tpu.memref_slice %dma_start3A_873[%dma_start3A_874, %dma_start3A_875] : memref<100000x256xf32, #tpu.memory_space<hbm>> -> memref<100000x256xf32, #tpu.memory_space<hbm>>
    tpu.enqueue_indirect_dma source(%dma_start3A_876 : memref<100000x256xf32, #tpu.memory_space<hbm>>) target(%dma_start3A_867 : memref<64x256xf32, #tpu.memory_space<vmem>>) offsets(%dma_start3A_869 : memref<64xi32, #tpu.memory_space<vmem>>) semaphore(%arg8 : memref<!tpu.dma_semaphore, #tpu.memory_space<semaphore_mem>>)
    %add3A_877 = arith.constant 384 : i32
    %add3A_878 = arith.addi %mul3A_2, %add3A_877 : i32
    %dma_start3A_879 = arith.constant 0 : i32
    %dma_start3A_880 = arith.constant 1 : i32
    %dma_start3A_881 = arith.constant 0 : i32
    %dma_start3A_882 = arith.constant 0 : i32
    %dma_start3A_883 = tpu.memref_slice %arg4[%dma_start3A_880, %dma_start3A_881, %dma_start3A_882] : memref<3x16384x256xf32, #tpu.memory_space<hbm>> -> memref<1x16384x256xf32, #tpu.memory_space<hbm>>
    %dma_start3A_884 = tpu.memref_squeeze %dma_start3A_883 : memref<1x16384x256xf32, #tpu.memory_space<hbm>> -> memref<16384x256xf32, #tpu.memory_space<hbm>>
    %dma_start3A_885 = arith.constant 0 : i32
    %dma_start3A_886 = tpu.memref_slice %dma_start3A_884[%add3A_878, %dma_start3A_885] : memref<16384x256xf32, #tpu.memory_space<hbm>> -> memref<64x256xf32, #tpu.memory_space<hbm>>
    %dma_start3A_887 = arith.constant 0 : i32
    %dma_start3A_888 = arith.constant 0 : i32
    %dma_start3A_889 = tpu.memref_slice %arg7[%arg1, %dma_start3A_879, %dma_start3A_887, %dma_start3A_888] : memref<16x2x64x256xf32, #tpu.memory_space<vmem_shared>> -> memref<1x1x64x256xf32, #tpu.memory_space<vmem_shared>>
    %dma_start3A_890 = tpu.memref_squeeze %dma_start3A_889 : memref<1x1x64x256xf32, #tpu.memory_space<vmem_shared>> -> memref<64x256xf32, #tpu.memory_space<vmem_shared>>
    tpu.enqueue_dma source(%dma_start3A_890 : memref<64x256xf32, #tpu.memory_space<vmem_shared>>) target(%dma_start3A_886 : memref<64x256xf32, #tpu.memory_space<hbm>>) target_semaphore(%arg9 : memref<!tpu.dma_semaphore, #tpu.memory_space<semaphore_mem>>)
    %dma_wait3A_891 = arith.constant 1 : i32
    %dma_wait3A_892 = arith.constant 3 : i32
    %dma_wait3A_893 = arith.constant 0 : i32
    %dma_wait3A_894 = arith.constant 0 : i32
    %dma_wait3A_895 = tpu.memref_slice %arg6[%dma_wait3A_892, %dma_wait3A_893, %dma_wait3A_894] : memref<4x64x256xf32, #tpu.memory_space<vmem>> -> memref<1x64x256xf32, #tpu.memory_space<vmem>>
    %dma_wait3A_896 = tpu.memref_squeeze %dma_wait3A_895 : memref<1x64x256xf32, #tpu.memory_space<vmem>> -> memref<64x256xf32, #tpu.memory_space<vmem>>
    %dma_wait3A_897 = arith.constant 448 : i32
    %dma_wait3A_898 = tpu.memref_slice %arg5[%dma_wait3A_897] : memref<512xi32, #tpu.memory_space<vmem>> -> memref<64xi32, #tpu.memory_space<vmem>>
    %dma_wait3A_899 = arith.constant 0 : i32
    %dma_wait3A_900 = arith.constant 0 : i32
    %dma_wait3A_901 = tpu.memref_slice %arg3[%dma_wait3A_891, %dma_wait3A_899, %dma_wait3A_900] : memref<3x100000x256xf32, #tpu.memory_space<hbm>> -> memref<1x100000x256xf32, #tpu.memory_space<hbm>>
    %dma_wait3A_902 = tpu.memref_squeeze %dma_wait3A_901 : memref<1x100000x256xf32, #tpu.memory_space<hbm>> -> memref<100000x256xf32, #tpu.memory_space<hbm>>
    %dma_wait3A_903 = arith.constant 0 : i32
    %dma_wait3A_904 = arith.constant 0 : i32
    %dma_wait3A_905 = tpu.memref_slice %dma_wait3A_902[%dma_wait3A_903, %dma_wait3A_904] : memref<100000x256xf32, #tpu.memory_space<hbm>> -> memref<100000x256xf32, #tpu.memory_space<hbm>>
    tpu.wait_indirect_dma semaphore(%arg8 : memref<!tpu.dma_semaphore, #tpu.memory_space<semaphore_mem>>) src(%dma_wait3A_905 : memref<100000x256xf32, #tpu.memory_space<hbm>>) dst(%dma_wait3A_896 : memref<64x256xf32, #tpu.memory_space<vmem>>)
    %dma_wait3A_906 = arith.constant 1 : i32
    %dma_wait3A_907 = arith.constant 1 : i32
    %dma_wait3A_908 = arith.constant 0 : i32
    %dma_wait3A_909 = arith.constant 0 : i32
    %dma_wait3A_910 = tpu.memref_slice %arg4[%dma_wait3A_907, %dma_wait3A_908, %dma_wait3A_909] : memref<3x16384x256xf32, #tpu.memory_space<hbm>> -> memref<1x16384x256xf32, #tpu.memory_space<hbm>>
    %dma_wait3A_911 = tpu.memref_squeeze %dma_wait3A_910 : memref<1x16384x256xf32, #tpu.memory_space<hbm>> -> memref<16384x256xf32, #tpu.memory_space<hbm>>
    %dma_wait3A_912 = arith.constant 0 : i32
    %dma_wait3A_913 = tpu.memref_slice %dma_wait3A_911[%add3A_820, %dma_wait3A_912] : memref<16384x256xf32, #tpu.memory_space<hbm>> -> memref<64x256xf32, #tpu.memory_space<hbm>>
    %dma_wait3A_914 = arith.constant 0 : i32
    %dma_wait3A_915 = arith.constant 0 : i32
    %dma_wait3A_916 = tpu.memref_slice %arg7[%arg1, %dma_wait3A_906, %dma_wait3A_914, %dma_wait3A_915] : memref<16x2x64x256xf32, #tpu.memory_space<vmem_shared>> -> memref<1x1x64x256xf32, #tpu.memory_space<vmem_shared>>
    %dma_wait3A_917 = tpu.memref_squeeze %dma_wait3A_916 : memref<1x1x64x256xf32, #tpu.memory_space<vmem_shared>> -> memref<64x256xf32, #tpu.memory_space<vmem_shared>>
    tpu.wait_dma2 semaphore(%arg9 : memref<!tpu.dma_semaphore, #tpu.memory_space<semaphore_mem>>) src(%dma_wait3A_917 : memref<64x256xf32, #tpu.memory_space<vmem_shared>>) dst(%dma_wait3A_913 : memref<64x256xf32, #tpu.memory_space<hbm>>)
    %run_scoped3A_918 = arith.constant 3 : i32
    %run_scoped3A_919 = arith.constant 1 : i32
    "tpu.region"() ({
      %run_scoped3A_1392 = tpu.sem_alloc : memref<!tpu.dma_semaphore, #tpu.memory_space<semaphore_mem>>
      %dma_start3A_1393 = arith.constant 0 : i32
      %dma_start3A_1394 = arith.constant 0 : i32
      %dma_start3A_1395 = tpu.memref_slice %arg6[%run_scoped3A_918, %dma_start3A_1393, %dma_start3A_1394] : memref<4x64x256xf32, #tpu.memory_space<vmem>> -> memref<1x64x256xf32, #tpu.memory_space<vmem>>
      %dma_start3A_1396 = tpu.memref_squeeze %dma_start3A_1395 : memref<1x64x256xf32, #tpu.memory_space<vmem>> -> memref<64x256xf32, #tpu.memory_space<vmem>>
      %dma_start3A_1397 = arith.constant 0 : i32
      %dma_start3A_1398 = arith.constant 0 : i32
      %dma_start3A_1399 = tpu.memref_slice %arg7[%arg1, %run_scoped3A_919, %dma_start3A_1397, %dma_start3A_1398] : memref<16x2x64x256xf32, #tpu.memory_space<vmem_shared>> -> memref<1x1x64x256xf32, #tpu.memory_space<vmem_shared>>
      %dma_start3A_1400 = tpu.memref_squeeze %dma_start3A_1399 : memref<1x1x64x256xf32, #tpu.memory_space<vmem_shared>> -> memref<64x256xf32, #tpu.memory_space<vmem_shared>>
      %dma_start3A_1401 = arith.constant 0 : i32
      %dma_start3A_1402 = arith.constant 0 : i32
      %dma_start3A_1403 = tpu.memref_slice %arg7[%arg1, %run_scoped3A_919, %dma_start3A_1401, %dma_start3A_1402] : memref<16x2x64x256xf32, #tpu.memory_space<vmem_shared>> -> memref<1x1x64x256xf32, #tpu.memory_space<vmem_shared>>
      %dma_start3A_1404 = tpu.memref_squeeze %dma_start3A_1403 : memref<1x1x64x256xf32, #tpu.memory_space<vmem_shared>> -> memref<64x256xf32, #tpu.memory_space<vmem_shared>>
      %dma_start3A_1405 = arith.constant 0 : i32
      %dma_start3A_1406 = arith.constant 0 : i32
      %dma_start3A_1407 = tpu.memref_slice %arg6[%run_scoped3A_918, %dma_start3A_1405, %dma_start3A_1406] : memref<4x64x256xf32, #tpu.memory_space<vmem>> -> memref<1x64x256xf32, #tpu.memory_space<vmem>>
      %dma_start3A_1408 = tpu.memref_squeeze %dma_start3A_1407 : memref<1x64x256xf32, #tpu.memory_space<vmem>> -> memref<64x256xf32, #tpu.memory_space<vmem>>
      tpu.enqueue_dma source(%dma_start3A_1408 : memref<64x256xf32, #tpu.memory_space<vmem>>) target(%dma_start3A_1404 : memref<64x256xf32, #tpu.memory_space<vmem_shared>>) target_semaphore(%run_scoped3A_1392 : memref<!tpu.dma_semaphore, #tpu.memory_space<semaphore_mem>>)
      %dma_wait3A_1409 = arith.constant 0 : i32
      %dma_wait3A_1410 = arith.constant 0 : i32
      %dma_wait3A_1411 = tpu.memref_slice %arg6[%run_scoped3A_918, %dma_wait3A_1409, %dma_wait3A_1410] : memref<4x64x256xf32, #tpu.memory_space<vmem>> -> memref<1x64x256xf32, #tpu.memory_space<vmem>>
      %dma_wait3A_1412 = tpu.memref_squeeze %dma_wait3A_1411 : memref<1x64x256xf32, #tpu.memory_space<vmem>> -> memref<64x256xf32, #tpu.memory_space<vmem>>
      %dma_wait3A_1413 = arith.constant 0 : i32
      %dma_wait3A_1414 = arith.constant 0 : i32
      %dma_wait3A_1415 = tpu.memref_slice %arg7[%arg1, %run_scoped3A_919, %dma_wait3A_1413, %dma_wait3A_1414] : memref<16x2x64x256xf32, #tpu.memory_space<vmem_shared>> -> memref<1x1x64x256xf32, #tpu.memory_space<vmem_shared>>
      %dma_wait3A_1416 = tpu.memref_squeeze %dma_wait3A_1415 : memref<1x1x64x256xf32, #tpu.memory_space<vmem_shared>> -> memref<64x256xf32, #tpu.memory_space<vmem_shared>>
      %dma_wait3A_1417 = arith.constant 0 : i32
      %dma_wait3A_1418 = arith.constant 0 : i32
      %dma_wait3A_1419 = tpu.memref_slice %arg7[%arg1, %run_scoped3A_919, %dma_wait3A_1417, %dma_wait3A_1418] : memref<16x2x64x256xf32, #tpu.memory_space<vmem_shared>> -> memref<1x1x64x256xf32, #tpu.memory_space<vmem_shared>>
      %dma_wait3A_1420 = tpu.memref_squeeze %dma_wait3A_1419 : memref<1x1x64x256xf32, #tpu.memory_space<vmem_shared>> -> memref<64x256xf32, #tpu.memory_space<vmem_shared>>
      %dma_wait3A_1421 = arith.constant 0 : i32
      %dma_wait3A_1422 = arith.constant 0 : i32
      %dma_wait3A_1423 = tpu.memref_slice %arg6[%run_scoped3A_918, %dma_wait3A_1421, %dma_wait3A_1422] : memref<4x64x256xf32, #tpu.memory_space<vmem>> -> memref<1x64x256xf32, #tpu.memory_space<vmem>>
      %dma_wait3A_1424 = tpu.memref_squeeze %dma_wait3A_1423 : memref<1x64x256xf32, #tpu.memory_space<vmem>> -> memref<64x256xf32, #tpu.memory_space<vmem>>
      tpu.wait_dma2 semaphore(%run_scoped3A_1392 : memref<!tpu.dma_semaphore, #tpu.memory_space<semaphore_mem>>) src(%dma_wait3A_1424 : memref<64x256xf32, #tpu.memory_space<vmem>>) dst(%dma_wait3A_1420 : memref<64x256xf32, #tpu.memory_space<vmem_shared>>)
      tpu.yield
    }) : () -> ()
    %dma_start3A_920 = arith.constant 2 : i32
    %dma_start3A_921 = arith.constant 2 : i32
    %dma_start3A_922 = arith.constant 0 : i32
    %dma_start3A_923 = arith.constant 0 : i32
    %dma_start3A_924 = tpu.memref_slice %arg6[%dma_start3A_921, %dma_start3A_922, %dma_start3A_923] : memref<4x64x256xf32, #tpu.memory_space<vmem>> -> memref<1x64x256xf32, #tpu.memory_space<vmem>>
    %dma_start3A_925 = tpu.memref_squeeze %dma_start3A_924 : memref<1x64x256xf32, #tpu.memory_space<vmem>> -> memref<64x256xf32, #tpu.memory_space<vmem>>
    %dma_start3A_926 = arith.constant 128 : i32
    %dma_start3A_927 = tpu.memref_slice %arg5[%dma_start3A_926] : memref<512xi32, #tpu.memory_space<vmem>> -> memref<64xi32, #tpu.memory_space<vmem>>
    %dma_start3A_928 = arith.constant 0 : i32
    %dma_start3A_929 = arith.constant 0 : i32
    %dma_start3A_930 = tpu.memref_slice %arg3[%dma_start3A_920, %dma_start3A_928, %dma_start3A_929] : memref<3x100000x256xf32, #tpu.memory_space<hbm>> -> memref<1x100000x256xf32, #tpu.memory_space<hbm>>
    %dma_start3A_931 = tpu.memref_squeeze %dma_start3A_930 : memref<1x100000x256xf32, #tpu.memory_space<hbm>> -> memref<100000x256xf32, #tpu.memory_space<hbm>>
    %dma_start3A_932 = arith.constant 0 : i32
    %dma_start3A_933 = arith.constant 0 : i32
    %dma_start3A_934 = tpu.memref_slice %dma_start3A_931[%dma_start3A_932, %dma_start3A_933] : memref<100000x256xf32, #tpu.memory_space<hbm>> -> memref<100000x256xf32, #tpu.memory_space<hbm>>
    tpu.enqueue_indirect_dma source(%dma_start3A_934 : memref<100000x256xf32, #tpu.memory_space<hbm>>) target(%dma_start3A_925 : memref<64x256xf32, #tpu.memory_space<vmem>>) offsets(%dma_start3A_927 : memref<64xi32, #tpu.memory_space<vmem>>) semaphore(%arg8 : memref<!tpu.dma_semaphore, #tpu.memory_space<semaphore_mem>>)
    %add3A_935 = arith.constant 448 : i32
    %add3A_936 = arith.addi %mul3A_2, %add3A_935 : i32
    %dma_start3A_937 = arith.constant 1 : i32
    %dma_start3A_938 = arith.constant 1 : i32
    %dma_start3A_939 = arith.constant 0 : i32
    %dma_start3A_940 = arith.constant 0 : i32
    %dma_start3A_941 = tpu.memref_slice %arg4[%dma_start3A_938, %dma_start3A_939, %dma_start3A_940] : memref<3x16384x256xf32, #tpu.memory_space<hbm>> -> memref<1x16384x256xf32, #tpu.memory_space<hbm>>
    %dma_start3A_942 = tpu.memref_squeeze %dma_start3A_941 : memref<1x16384x256xf32, #tpu.memory_space<hbm>> -> memref<16384x256xf32, #tpu.memory_space<hbm>>
    %dma_start3A_943 = arith.constant 0 : i32
    %dma_start3A_944 = tpu.memref_slice %dma_start3A_942[%add3A_936, %dma_start3A_943] : memref<16384x256xf32, #tpu.memory_space<hbm>> -> memref<64x256xf32, #tpu.memory_space<hbm>>
    %dma_start3A_945 = arith.constant 0 : i32
    %dma_start3A_946 = arith.constant 0 : i32
    %dma_start3A_947 = tpu.memref_slice %arg7[%arg1, %dma_start3A_937, %dma_start3A_945, %dma_start3A_946] : memref<16x2x64x256xf32, #tpu.memory_space<vmem_shared>> -> memref<1x1x64x256xf32, #tpu.memory_space<vmem_shared>>
    %dma_start3A_948 = tpu.memref_squeeze %dma_start3A_947 : memref<1x1x64x256xf32, #tpu.memory_space<vmem_shared>> -> memref<64x256xf32, #tpu.memory_space<vmem_shared>>
    tpu.enqueue_dma source(%dma_start3A_948 : memref<64x256xf32, #tpu.memory_space<vmem_shared>>) target(%dma_start3A_944 : memref<64x256xf32, #tpu.memory_space<hbm>>) target_semaphore(%arg9 : memref<!tpu.dma_semaphore, #tpu.memory_space<semaphore_mem>>)
    %dma_wait3A_949 = arith.constant 2 : i32
    %dma_wait3A_950 = arith.constant 0 : i32
    %dma_wait3A_951 = arith.constant 0 : i32
    %dma_wait3A_952 = arith.constant 0 : i32
    %dma_wait3A_953 = tpu.memref_slice %arg6[%dma_wait3A_950, %dma_wait3A_951, %dma_wait3A_952] : memref<4x64x256xf32, #tpu.memory_space<vmem>> -> memref<1x64x256xf32, #tpu.memory_space<vmem>>
    %dma_wait3A_954 = tpu.memref_squeeze %dma_wait3A_953 : memref<1x64x256xf32, #tpu.memory_space<vmem>> -> memref<64x256xf32, #tpu.memory_space<vmem>>
    %dma_wait3A_955 = arith.constant 0 : i32
    %dma_wait3A_956 = tpu.memref_slice %arg5[%dma_wait3A_955] : memref<512xi32, #tpu.memory_space<vmem>> -> memref<64xi32, #tpu.memory_space<vmem>>
    %dma_wait3A_957 = arith.constant 0 : i32
    %dma_wait3A_958 = arith.constant 0 : i32
    %dma_wait3A_959 = tpu.memref_slice %arg3[%dma_wait3A_949, %dma_wait3A_957, %dma_wait3A_958] : memref<3x100000x256xf32, #tpu.memory_space<hbm>> -> memref<1x100000x256xf32, #tpu.memory_space<hbm>>
    %dma_wait3A_960 = tpu.memref_squeeze %dma_wait3A_959 : memref<1x100000x256xf32, #tpu.memory_space<hbm>> -> memref<100000x256xf32, #tpu.memory_space<hbm>>
    %dma_wait3A_961 = arith.constant 0 : i32
    %dma_wait3A_962 = arith.constant 0 : i32
    %dma_wait3A_963 = tpu.memref_slice %dma_wait3A_960[%dma_wait3A_961, %dma_wait3A_962] : memref<100000x256xf32, #tpu.memory_space<hbm>> -> memref<100000x256xf32, #tpu.memory_space<hbm>>
    tpu.wait_indirect_dma semaphore(%arg8 : memref<!tpu.dma_semaphore, #tpu.memory_space<semaphore_mem>>) src(%dma_wait3A_963 : memref<100000x256xf32, #tpu.memory_space<hbm>>) dst(%dma_wait3A_954 : memref<64x256xf32, #tpu.memory_space<vmem>>)
    %dma_wait3A_964 = arith.constant 0 : i32
    %dma_wait3A_965 = arith.constant 1 : i32
    %dma_wait3A_966 = arith.constant 0 : i32
    %dma_wait3A_967 = arith.constant 0 : i32
    %dma_wait3A_968 = tpu.memref_slice %arg4[%dma_wait3A_965, %dma_wait3A_966, %dma_wait3A_967] : memref<3x16384x256xf32, #tpu.memory_space<hbm>> -> memref<1x16384x256xf32, #tpu.memory_space<hbm>>
    %dma_wait3A_969 = tpu.memref_squeeze %dma_wait3A_968 : memref<1x16384x256xf32, #tpu.memory_space<hbm>> -> memref<16384x256xf32, #tpu.memory_space<hbm>>
    %dma_wait3A_970 = arith.constant 0 : i32
    %dma_wait3A_971 = tpu.memref_slice %dma_wait3A_969[%add3A_878, %dma_wait3A_970] : memref<16384x256xf32, #tpu.memory_space<hbm>> -> memref<64x256xf32, #tpu.memory_space<hbm>>
    %dma_wait3A_972 = arith.constant 0 : i32
    %dma_wait3A_973 = arith.constant 0 : i32
    %dma_wait3A_974 = tpu.memref_slice %arg7[%arg1, %dma_wait3A_964, %dma_wait3A_972, %dma_wait3A_973] : memref<16x2x64x256xf32, #tpu.memory_space<vmem_shared>> -> memref<1x1x64x256xf32, #tpu.memory_space<vmem_shared>>
    %dma_wait3A_975 = tpu.memref_squeeze %dma_wait3A_974 : memref<1x1x64x256xf32, #tpu.memory_space<vmem_shared>> -> memref<64x256xf32, #tpu.memory_space<vmem_shared>>
    tpu.wait_dma2 semaphore(%arg9 : memref<!tpu.dma_semaphore, #tpu.memory_space<semaphore_mem>>) src(%dma_wait3A_975 : memref<64x256xf32, #tpu.memory_space<vmem_shared>>) dst(%dma_wait3A_971 : memref<64x256xf32, #tpu.memory_space<hbm>>)
    %run_scoped3A_976 = arith.constant 0 : i32
    %run_scoped3A_977 = arith.constant 0 : i32
    "tpu.region"() ({
      %run_scoped3A_1392 = tpu.sem_alloc : memref<!tpu.dma_semaphore, #tpu.memory_space<semaphore_mem>>
      %dma_start3A_1393 = arith.constant 0 : i32
      %dma_start3A_1394 = arith.constant 0 : i32
      %dma_start3A_1395 = tpu.memref_slice %arg6[%run_scoped3A_976, %dma_start3A_1393, %dma_start3A_1394] : memref<4x64x256xf32, #tpu.memory_space<vmem>> -> memref<1x64x256xf32, #tpu.memory_space<vmem>>
      %dma_start3A_1396 = tpu.memref_squeeze %dma_start3A_1395 : memref<1x64x256xf32, #tpu.memory_space<vmem>> -> memref<64x256xf32, #tpu.memory_space<vmem>>
      %dma_start3A_1397 = arith.constant 0 : i32
      %dma_start3A_1398 = arith.constant 0 : i32
      %dma_start3A_1399 = tpu.memref_slice %arg7[%arg1, %run_scoped3A_977, %dma_start3A_1397, %dma_start3A_1398] : memref<16x2x64x256xf32, #tpu.memory_space<vmem_shared>> -> memref<1x1x64x256xf32, #tpu.memory_space<vmem_shared>>
      %dma_start3A_1400 = tpu.memref_squeeze %dma_start3A_1399 : memref<1x1x64x256xf32, #tpu.memory_space<vmem_shared>> -> memref<64x256xf32, #tpu.memory_space<vmem_shared>>
      %dma_start3A_1401 = arith.constant 0 : i32
      %dma_start3A_1402 = arith.constant 0 : i32
      %dma_start3A_1403 = tpu.memref_slice %arg7[%arg1, %run_scoped3A_977, %dma_start3A_1401, %dma_start3A_1402] : memref<16x2x64x256xf32, #tpu.memory_space<vmem_shared>> -> memref<1x1x64x256xf32, #tpu.memory_space<vmem_shared>>
      %dma_start3A_1404 = tpu.memref_squeeze %dma_start3A_1403 : memref<1x1x64x256xf32, #tpu.memory_space<vmem_shared>> -> memref<64x256xf32, #tpu.memory_space<vmem_shared>>
      %dma_start3A_1405 = arith.constant 0 : i32
      %dma_start3A_1406 = arith.constant 0 : i32
      %dma_start3A_1407 = tpu.memref_slice %arg6[%run_scoped3A_976, %dma_start3A_1405, %dma_start3A_1406] : memref<4x64x256xf32, #tpu.memory_space<vmem>> -> memref<1x64x256xf32, #tpu.memory_space<vmem>>
      %dma_start3A_1408 = tpu.memref_squeeze %dma_start3A_1407 : memref<1x64x256xf32, #tpu.memory_space<vmem>> -> memref<64x256xf32, #tpu.memory_space<vmem>>
      tpu.enqueue_dma source(%dma_start3A_1408 : memref<64x256xf32, #tpu.memory_space<vmem>>) target(%dma_start3A_1404 : memref<64x256xf32, #tpu.memory_space<vmem_shared>>) target_semaphore(%run_scoped3A_1392 : memref<!tpu.dma_semaphore, #tpu.memory_space<semaphore_mem>>)
      %dma_wait3A_1409 = arith.constant 0 : i32
      %dma_wait3A_1410 = arith.constant 0 : i32
      %dma_wait3A_1411 = tpu.memref_slice %arg6[%run_scoped3A_976, %dma_wait3A_1409, %dma_wait3A_1410] : memref<4x64x256xf32, #tpu.memory_space<vmem>> -> memref<1x64x256xf32, #tpu.memory_space<vmem>>
      %dma_wait3A_1412 = tpu.memref_squeeze %dma_wait3A_1411 : memref<1x64x256xf32, #tpu.memory_space<vmem>> -> memref<64x256xf32, #tpu.memory_space<vmem>>
      %dma_wait3A_1413 = arith.constant 0 : i32
      %dma_wait3A_1414 = arith.constant 0 : i32
      %dma_wait3A_1415 = tpu.memref_slice %arg7[%arg1, %run_scoped3A_977, %dma_wait3A_1413, %dma_wait3A_1414] : memref<16x2x64x256xf32, #tpu.memory_space<vmem_shared>> -> memref<1x1x64x256xf32, #tpu.memory_space<vmem_shared>>
      %dma_wait3A_1416 = tpu.memref_squeeze %dma_wait3A_1415 : memref<1x1x64x256xf32, #tpu.memory_space<vmem_shared>> -> memref<64x256xf32, #tpu.memory_space<vmem_shared>>
      %dma_wait3A_1417 = arith.constant 0 : i32
      %dma_wait3A_1418 = arith.constant 0 : i32
      %dma_wait3A_1419 = tpu.memref_slice %arg7[%arg1, %run_scoped3A_977, %dma_wait3A_1417, %dma_wait3A_1418] : memref<16x2x64x256xf32, #tpu.memory_space<vmem_shared>> -> memref<1x1x64x256xf32, #tpu.memory_space<vmem_shared>>
      %dma_wait3A_1420 = tpu.memref_squeeze %dma_wait3A_1419 : memref<1x1x64x256xf32, #tpu.memory_space<vmem_shared>> -> memref<64x256xf32, #tpu.memory_space<vmem_shared>>
      %dma_wait3A_1421 = arith.constant 0 : i32
      %dma_wait3A_1422 = arith.constant 0 : i32
      %dma_wait3A_1423 = tpu.memref_slice %arg6[%run_scoped3A_976, %dma_wait3A_1421, %dma_wait3A_1422] : memref<4x64x256xf32, #tpu.memory_space<vmem>> -> memref<1x64x256xf32, #tpu.memory_space<vmem>>
      %dma_wait3A_1424 = tpu.memref_squeeze %dma_wait3A_1423 : memref<1x64x256xf32, #tpu.memory_space<vmem>> -> memref<64x256xf32, #tpu.memory_space<vmem>>
      tpu.wait_dma2 semaphore(%run_scoped3A_1392 : memref<!tpu.dma_semaphore, #tpu.memory_space<semaphore_mem>>) src(%dma_wait3A_1424 : memref<64x256xf32, #tpu.memory_space<vmem>>) dst(%dma_wait3A_1420 : memref<64x256xf32, #tpu.memory_space<vmem_shared>>)
      tpu.yield
    }) : () -> ()
    %dma_start3A_978 = arith.constant 2 : i32
    %dma_start3A_979 = arith.constant 3 : i32
    %dma_start3A_980 = arith.constant 0 : i32
    %dma_start3A_981 = arith.constant 0 : i32
    %dma_start3A_982 = tpu.memref_slice %arg6[%dma_start3A_979, %dma_start3A_980, %dma_start3A_981] : memref<4x64x256xf32, #tpu.memory_space<vmem>> -> memref<1x64x256xf32, #tpu.memory_space<vmem>>
    %dma_start3A_983 = tpu.memref_squeeze %dma_start3A_982 : memref<1x64x256xf32, #tpu.memory_space<vmem>> -> memref<64x256xf32, #tpu.memory_space<vmem>>
    %dma_start3A_984 = arith.constant 192 : i32
    %dma_start3A_985 = tpu.memref_slice %arg5[%dma_start3A_984] : memref<512xi32, #tpu.memory_space<vmem>> -> memref<64xi32, #tpu.memory_space<vmem>>
    %dma_start3A_986 = arith.constant 0 : i32
    %dma_start3A_987 = arith.constant 0 : i32
    %dma_start3A_988 = tpu.memref_slice %arg3[%dma_start3A_978, %dma_start3A_986, %dma_start3A_987] : memref<3x100000x256xf32, #tpu.memory_space<hbm>> -> memref<1x100000x256xf32, #tpu.memory_space<hbm>>
    %dma_start3A_989 = tpu.memref_squeeze %dma_start3A_988 : memref<1x100000x256xf32, #tpu.memory_space<hbm>> -> memref<100000x256xf32, #tpu.memory_space<hbm>>
    %dma_start3A_990 = arith.constant 0 : i32
    %dma_start3A_991 = arith.constant 0 : i32
    %dma_start3A_992 = tpu.memref_slice %dma_start3A_989[%dma_start3A_990, %dma_start3A_991] : memref<100000x256xf32, #tpu.memory_space<hbm>> -> memref<100000x256xf32, #tpu.memory_space<hbm>>
    tpu.enqueue_indirect_dma source(%dma_start3A_992 : memref<100000x256xf32, #tpu.memory_space<hbm>>) target(%dma_start3A_983 : memref<64x256xf32, #tpu.memory_space<vmem>>) offsets(%dma_start3A_985 : memref<64xi32, #tpu.memory_space<vmem>>) semaphore(%arg8 : memref<!tpu.dma_semaphore, #tpu.memory_space<semaphore_mem>>)
    %add3A_993 = arith.constant 0 : i32
    %add3A_994 = arith.addi %mul3A_2, %add3A_993 : i32
    %dma_start3A_995 = arith.constant 0 : i32
    %dma_start3A_996 = arith.constant 2 : i32
    %dma_start3A_997 = arith.constant 0 : i32
    %dma_start3A_998 = arith.constant 0 : i32
    %dma_start3A_999 = tpu.memref_slice %arg4[%dma_start3A_996, %dma_start3A_997, %dma_start3A_998] : memref<3x16384x256xf32, #tpu.memory_space<hbm>> -> memref<1x16384x256xf32, #tpu.memory_space<hbm>>
    %dma_start3A_1000 = tpu.memref_squeeze %dma_start3A_999 : memref<1x16384x256xf32, #tpu.memory_space<hbm>> -> memref<16384x256xf32, #tpu.memory_space<hbm>>
    %dma_start3A_1001 = arith.constant 0 : i32
    %dma_start3A_1002 = tpu.memref_slice %dma_start3A_1000[%add3A_994, %dma_start3A_1001] : memref<16384x256xf32, #tpu.memory_space<hbm>> -> memref<64x256xf32, #tpu.memory_space<hbm>>
    %dma_start3A_1003 = arith.constant 0 : i32
    %dma_start3A_1004 = arith.constant 0 : i32
    %dma_start3A_1005 = tpu.memref_slice %arg7[%arg1, %dma_start3A_995, %dma_start3A_1003, %dma_start3A_1004] : memref<16x2x64x256xf32, #tpu.memory_space<vmem_shared>> -> memref<1x1x64x256xf32, #tpu.memory_space<vmem_shared>>
    %dma_start3A_1006 = tpu.memref_squeeze %dma_start3A_1005 : memref<1x1x64x256xf32, #tpu.memory_space<vmem_shared>> -> memref<64x256xf32, #tpu.memory_space<vmem_shared>>
    tpu.enqueue_dma source(%dma_start3A_1006 : memref<64x256xf32, #tpu.memory_space<vmem_shared>>) target(%dma_start3A_1002 : memref<64x256xf32, #tpu.memory_space<hbm>>) target_semaphore(%arg9 : memref<!tpu.dma_semaphore, #tpu.memory_space<semaphore_mem>>)
    %dma_wait3A_1007 = arith.constant 2 : i32
    %dma_wait3A_1008 = arith.constant 1 : i32
    %dma_wait3A_1009 = arith.constant 0 : i32
    %dma_wait3A_1010 = arith.constant 0 : i32
    %dma_wait3A_1011 = tpu.memref_slice %arg6[%dma_wait3A_1008, %dma_wait3A_1009, %dma_wait3A_1010] : memref<4x64x256xf32, #tpu.memory_space<vmem>> -> memref<1x64x256xf32, #tpu.memory_space<vmem>>
    %dma_wait3A_1012 = tpu.memref_squeeze %dma_wait3A_1011 : memref<1x64x256xf32, #tpu.memory_space<vmem>> -> memref<64x256xf32, #tpu.memory_space<vmem>>
    %dma_wait3A_1013 = arith.constant 64 : i32
    %dma_wait3A_1014 = tpu.memref_slice %arg5[%dma_wait3A_1013] : memref<512xi32, #tpu.memory_space<vmem>> -> memref<64xi32, #tpu.memory_space<vmem>>
    %dma_wait3A_1015 = arith.constant 0 : i32
    %dma_wait3A_1016 = arith.constant 0 : i32
    %dma_wait3A_1017 = tpu.memref_slice %arg3[%dma_wait3A_1007, %dma_wait3A_1015, %dma_wait3A_1016] : memref<3x100000x256xf32, #tpu.memory_space<hbm>> -> memref<1x100000x256xf32, #tpu.memory_space<hbm>>
    %dma_wait3A_1018 = tpu.memref_squeeze %dma_wait3A_1017 : memref<1x100000x256xf32, #tpu.memory_space<hbm>> -> memref<100000x256xf32, #tpu.memory_space<hbm>>
    %dma_wait3A_1019 = arith.constant 0 : i32
    %dma_wait3A_1020 = arith.constant 0 : i32
    %dma_wait3A_1021 = tpu.memref_slice %dma_wait3A_1018[%dma_wait3A_1019, %dma_wait3A_1020] : memref<100000x256xf32, #tpu.memory_space<hbm>> -> memref<100000x256xf32, #tpu.memory_space<hbm>>
    tpu.wait_indirect_dma semaphore(%arg8 : memref<!tpu.dma_semaphore, #tpu.memory_space<semaphore_mem>>) src(%dma_wait3A_1021 : memref<100000x256xf32, #tpu.memory_space<hbm>>) dst(%dma_wait3A_1012 : memref<64x256xf32, #tpu.memory_space<vmem>>)
    %dma_wait3A_1022 = arith.constant 1 : i32
    %dma_wait3A_1023 = arith.constant 1 : i32
    %dma_wait3A_1024 = arith.constant 0 : i32
    %dma_wait3A_1025 = arith.constant 0 : i32
    %dma_wait3A_1026 = tpu.memref_slice %arg4[%dma_wait3A_1023, %dma_wait3A_1024, %dma_wait3A_1025] : memref<3x16384x256xf32, #tpu.memory_space<hbm>> -> memref<1x16384x256xf32, #tpu.memory_space<hbm>>
    %dma_wait3A_1027 = tpu.memref_squeeze %dma_wait3A_1026 : memref<1x16384x256xf32, #tpu.memory_space<hbm>> -> memref<16384x256xf32, #tpu.memory_space<hbm>>
    %dma_wait3A_1028 = arith.constant 0 : i32
    %dma_wait3A_1029 = tpu.memref_slice %dma_wait3A_1027[%add3A_936, %dma_wait3A_1028] : memref<16384x256xf32, #tpu.memory_space<hbm>> -> memref<64x256xf32, #tpu.memory_space<hbm>>
    %dma_wait3A_1030 = arith.constant 0 : i32
    %dma_wait3A_1031 = arith.constant 0 : i32
    %dma_wait3A_1032 = tpu.memref_slice %arg7[%arg1, %dma_wait3A_1022, %dma_wait3A_1030, %dma_wait3A_1031] : memref<16x2x64x256xf32, #tpu.memory_space<vmem_shared>> -> memref<1x1x64x256xf32, #tpu.memory_space<vmem_shared>>
    %dma_wait3A_1033 = tpu.memref_squeeze %dma_wait3A_1032 : memref<1x1x64x256xf32, #tpu.memory_space<vmem_shared>> -> memref<64x256xf32, #tpu.memory_space<vmem_shared>>
    tpu.wait_dma2 semaphore(%arg9 : memref<!tpu.dma_semaphore, #tpu.memory_space<semaphore_mem>>) src(%dma_wait3A_1033 : memref<64x256xf32, #tpu.memory_space<vmem_shared>>) dst(%dma_wait3A_1029 : memref<64x256xf32, #tpu.memory_space<hbm>>)
    %run_scoped3A_1034 = arith.constant 1 : i32
    %run_scoped3A_1035 = arith.constant 1 : i32
    "tpu.region"() ({
      %run_scoped3A_1392 = tpu.sem_alloc : memref<!tpu.dma_semaphore, #tpu.memory_space<semaphore_mem>>
      %dma_start3A_1393 = arith.constant 0 : i32
      %dma_start3A_1394 = arith.constant 0 : i32
      %dma_start3A_1395 = tpu.memref_slice %arg6[%run_scoped3A_1034, %dma_start3A_1393, %dma_start3A_1394] : memref<4x64x256xf32, #tpu.memory_space<vmem>> -> memref<1x64x256xf32, #tpu.memory_space<vmem>>
      %dma_start3A_1396 = tpu.memref_squeeze %dma_start3A_1395 : memref<1x64x256xf32, #tpu.memory_space<vmem>> -> memref<64x256xf32, #tpu.memory_space<vmem>>
      %dma_start3A_1397 = arith.constant 0 : i32
      %dma_start3A_1398 = arith.constant 0 : i32
      %dma_start3A_1399 = tpu.memref_slice %arg7[%arg1, %run_scoped3A_1035, %dma_start3A_1397, %dma_start3A_1398] : memref<16x2x64x256xf32, #tpu.memory_space<vmem_shared>> -> memref<1x1x64x256xf32, #tpu.memory_space<vmem_shared>>
      %dma_start3A_1400 = tpu.memref_squeeze %dma_start3A_1399 : memref<1x1x64x256xf32, #tpu.memory_space<vmem_shared>> -> memref<64x256xf32, #tpu.memory_space<vmem_shared>>
      %dma_start3A_1401 = arith.constant 0 : i32
      %dma_start3A_1402 = arith.constant 0 : i32
      %dma_start3A_1403 = tpu.memref_slice %arg7[%arg1, %run_scoped3A_1035, %dma_start3A_1401, %dma_start3A_1402] : memref<16x2x64x256xf32, #tpu.memory_space<vmem_shared>> -> memref<1x1x64x256xf32, #tpu.memory_space<vmem_shared>>
      %dma_start3A_1404 = tpu.memref_squeeze %dma_start3A_1403 : memref<1x1x64x256xf32, #tpu.memory_space<vmem_shared>> -> memref<64x256xf32, #tpu.memory_space<vmem_shared>>
      %dma_start3A_1405 = arith.constant 0 : i32
      %dma_start3A_1406 = arith.constant 0 : i32
      %dma_start3A_1407 = tpu.memref_slice %arg6[%run_scoped3A_1034, %dma_start3A_1405, %dma_start3A_1406] : memref<4x64x256xf32, #tpu.memory_space<vmem>> -> memref<1x64x256xf32, #tpu.memory_space<vmem>>
      %dma_start3A_1408 = tpu.memref_squeeze %dma_start3A_1407 : memref<1x64x256xf32, #tpu.memory_space<vmem>> -> memref<64x256xf32, #tpu.memory_space<vmem>>
      tpu.enqueue_dma source(%dma_start3A_1408 : memref<64x256xf32, #tpu.memory_space<vmem>>) target(%dma_start3A_1404 : memref<64x256xf32, #tpu.memory_space<vmem_shared>>) target_semaphore(%run_scoped3A_1392 : memref<!tpu.dma_semaphore, #tpu.memory_space<semaphore_mem>>)
      %dma_wait3A_1409 = arith.constant 0 : i32
      %dma_wait3A_1410 = arith.constant 0 : i32
      %dma_wait3A_1411 = tpu.memref_slice %arg6[%run_scoped3A_1034, %dma_wait3A_1409, %dma_wait3A_1410] : memref<4x64x256xf32, #tpu.memory_space<vmem>> -> memref<1x64x256xf32, #tpu.memory_space<vmem>>
      %dma_wait3A_1412 = tpu.memref_squeeze %dma_wait3A_1411 : memref<1x64x256xf32, #tpu.memory_space<vmem>> -> memref<64x256xf32, #tpu.memory_space<vmem>>
      %dma_wait3A_1413 = arith.constant 0 : i32
      %dma_wait3A_1414 = arith.constant 0 : i32
      %dma_wait3A_1415 = tpu.memref_slice %arg7[%arg1, %run_scoped3A_1035, %dma_wait3A_1413, %dma_wait3A_1414] : memref<16x2x64x256xf32, #tpu.memory_space<vmem_shared>> -> memref<1x1x64x256xf32, #tpu.memory_space<vmem_shared>>
      %dma_wait3A_1416 = tpu.memref_squeeze %dma_wait3A_1415 : memref<1x1x64x256xf32, #tpu.memory_space<vmem_shared>> -> memref<64x256xf32, #tpu.memory_space<vmem_shared>>
      %dma_wait3A_1417 = arith.constant 0 : i32
      %dma_wait3A_1418 = arith.constant 0 : i32
      %dma_wait3A_1419 = tpu.memref_slice %arg7[%arg1, %run_scoped3A_1035, %dma_wait3A_1417, %dma_wait3A_1418] : memref<16x2x64x256xf32, #tpu.memory_space<vmem_shared>> -> memref<1x1x64x256xf32, #tpu.memory_space<vmem_shared>>
      %dma_wait3A_1420 = tpu.memref_squeeze %dma_wait3A_1419 : memref<1x1x64x256xf32, #tpu.memory_space<vmem_shared>> -> memref<64x256xf32, #tpu.memory_space<vmem_shared>>
      %dma_wait3A_1421 = arith.constant 0 : i32
      %dma_wait3A_1422 = arith.constant 0 : i32
      %dma_wait3A_1423 = tpu.memref_slice %arg6[%run_scoped3A_1034, %dma_wait3A_1421, %dma_wait3A_1422] : memref<4x64x256xf32, #tpu.memory_space<vmem>> -> memref<1x64x256xf32, #tpu.memory_space<vmem>>
      %dma_wait3A_1424 = tpu.memref_squeeze %dma_wait3A_1423 : memref<1x64x256xf32, #tpu.memory_space<vmem>> -> memref<64x256xf32, #tpu.memory_space<vmem>>
      tpu.wait_dma2 semaphore(%run_scoped3A_1392 : memref<!tpu.dma_semaphore, #tpu.memory_space<semaphore_mem>>) src(%dma_wait3A_1424 : memref<64x256xf32, #tpu.memory_space<vmem>>) dst(%dma_wait3A_1420 : memref<64x256xf32, #tpu.memory_space<vmem_shared>>)
      tpu.yield
    }) : () -> ()
    %dma_start3A_1036 = arith.constant 2 : i32
    %dma_start3A_1037 = arith.constant 0 : i32
    %dma_start3A_1038 = arith.constant 0 : i32
    %dma_start3A_1039 = arith.constant 0 : i32
    %dma_start3A_1040 = tpu.memref_slice %arg6[%dma_start3A_1037, %dma_start3A_1038, %dma_start3A_1039] : memref<4x64x256xf32, #tpu.memory_space<vmem>> -> memref<1x64x256xf32, #tpu.memory_space<vmem>>
    %dma_start3A_1041 = tpu.memref_squeeze %dma_start3A_1040 : memref<1x64x256xf32, #tpu.memory_space<vmem>> -> memref<64x256xf32, #tpu.memory_space<vmem>>
    %dma_start3A_1042 = arith.constant 256 : i32
    %dma_start3A_1043 = tpu.memref_slice %arg5[%dma_start3A_1042] : memref<512xi32, #tpu.memory_space<vmem>> -> memref<64xi32, #tpu.memory_space<vmem>>
    %dma_start3A_1044 = arith.constant 0 : i32
    %dma_start3A_1045 = arith.constant 0 : i32
    %dma_start3A_1046 = tpu.memref_slice %arg3[%dma_start3A_1036, %dma_start3A_1044, %dma_start3A_1045] : memref<3x100000x256xf32, #tpu.memory_space<hbm>> -> memref<1x100000x256xf32, #tpu.memory_space<hbm>>
    %dma_start3A_1047 = tpu.memref_squeeze %dma_start3A_1046 : memref<1x100000x256xf32, #tpu.memory_space<hbm>> -> memref<100000x256xf32, #tpu.memory_space<hbm>>
    %dma_start3A_1048 = arith.constant 0 : i32
    %dma_start3A_1049 = arith.constant 0 : i32
    %dma_start3A_1050 = tpu.memref_slice %dma_start3A_1047[%dma_start3A_1048, %dma_start3A_1049] : memref<100000x256xf32, #tpu.memory_space<hbm>> -> memref<100000x256xf32, #tpu.memory_space<hbm>>
    tpu.enqueue_indirect_dma source(%dma_start3A_1050 : memref<100000x256xf32, #tpu.memory_space<hbm>>) target(%dma_start3A_1041 : memref<64x256xf32, #tpu.memory_space<vmem>>) offsets(%dma_start3A_1043 : memref<64xi32, #tpu.memory_space<vmem>>) semaphore(%arg8 : memref<!tpu.dma_semaphore, #tpu.memory_space<semaphore_mem>>)
    %add3A_1051 = arith.constant 64 : i32
    %add3A_1052 = arith.addi %mul3A_2, %add3A_1051 : i32
    %dma_start3A_1053 = arith.constant 1 : i32
    %dma_start3A_1054 = arith.constant 2 : i32
    %dma_start3A_1055 = arith.constant 0 : i32
    %dma_start3A_1056 = arith.constant 0 : i32
    %dma_start3A_1057 = tpu.memref_slice %arg4[%dma_start3A_1054, %dma_start3A_1055, %dma_start3A_1056] : memref<3x16384x256xf32, #tpu.memory_space<hbm>> -> memref<1x16384x256xf32, #tpu.memory_space<hbm>>
    %dma_start3A_1058 = tpu.memref_squeeze %dma_start3A_1057 : memref<1x16384x256xf32, #tpu.memory_space<hbm>> -> memref<16384x256xf32, #tpu.memory_space<hbm>>
    %dma_start3A_1059 = arith.constant 0 : i32
    %dma_start3A_1060 = tpu.memref_slice %dma_start3A_1058[%add3A_1052, %dma_start3A_1059] : memref<16384x256xf32, #tpu.memory_space<hbm>> -> memref<64x256xf32, #tpu.memory_space<hbm>>
    %dma_start3A_1061 = arith.constant 0 : i32
    %dma_start3A_1062 = arith.constant 0 : i32
    %dma_start3A_1063 = tpu.memref_slice %arg7[%arg1, %dma_start3A_1053, %dma_start3A_1061, %dma_start3A_1062] : memref<16x2x64x256xf32, #tpu.memory_space<vmem_shared>> -> memref<1x1x64x256xf32, #tpu.memory_space<vmem_shared>>
    %dma_start3A_1064 = tpu.memref_squeeze %dma_start3A_1063 : memref<1x1x64x256xf32, #tpu.memory_space<vmem_shared>> -> memref<64x256xf32, #tpu.memory_space<vmem_shared>>
    tpu.enqueue_dma source(%dma_start3A_1064 : memref<64x256xf32, #tpu.memory_space<vmem_shared>>) target(%dma_start3A_1060 : memref<64x256xf32, #tpu.memory_space<hbm>>) target_semaphore(%arg9 : memref<!tpu.dma_semaphore, #tpu.memory_space<semaphore_mem>>)
    %dma_wait3A_1065 = arith.constant 2 : i32
    %dma_wait3A_1066 = arith.constant 2 : i32
    %dma_wait3A_1067 = arith.constant 0 : i32
    %dma_wait3A_1068 = arith.constant 0 : i32
    %dma_wait3A_1069 = tpu.memref_slice %arg6[%dma_wait3A_1066, %dma_wait3A_1067, %dma_wait3A_1068] : memref<4x64x256xf32, #tpu.memory_space<vmem>> -> memref<1x64x256xf32, #tpu.memory_space<vmem>>
    %dma_wait3A_1070 = tpu.memref_squeeze %dma_wait3A_1069 : memref<1x64x256xf32, #tpu.memory_space<vmem>> -> memref<64x256xf32, #tpu.memory_space<vmem>>
    %dma_wait3A_1071 = arith.constant 128 : i32
    %dma_wait3A_1072 = tpu.memref_slice %arg5[%dma_wait3A_1071] : memref<512xi32, #tpu.memory_space<vmem>> -> memref<64xi32, #tpu.memory_space<vmem>>
    %dma_wait3A_1073 = arith.constant 0 : i32
    %dma_wait3A_1074 = arith.constant 0 : i32
    %dma_wait3A_1075 = tpu.memref_slice %arg3[%dma_wait3A_1065, %dma_wait3A_1073, %dma_wait3A_1074] : memref<3x100000x256xf32, #tpu.memory_space<hbm>> -> memref<1x100000x256xf32, #tpu.memory_space<hbm>>
    %dma_wait3A_1076 = tpu.memref_squeeze %dma_wait3A_1075 : memref<1x100000x256xf32, #tpu.memory_space<hbm>> -> memref<100000x256xf32, #tpu.memory_space<hbm>>
    %dma_wait3A_1077 = arith.constant 0 : i32
    %dma_wait3A_1078 = arith.constant 0 : i32
    %dma_wait3A_1079 = tpu.memref_slice %dma_wait3A_1076[%dma_wait3A_1077, %dma_wait3A_1078] : memref<100000x256xf32, #tpu.memory_space<hbm>> -> memref<100000x256xf32, #tpu.memory_space<hbm>>
    tpu.wait_indirect_dma semaphore(%arg8 : memref<!tpu.dma_semaphore, #tpu.memory_space<semaphore_mem>>) src(%dma_wait3A_1079 : memref<100000x256xf32, #tpu.memory_space<hbm>>) dst(%dma_wait3A_1070 : memref<64x256xf32, #tpu.memory_space<vmem>>)
    %dma_wait3A_1080 = arith.constant 0 : i32
    %dma_wait3A_1081 = arith.constant 2 : i32
    %dma_wait3A_1082 = arith.constant 0 : i32
    %dma_wait3A_1083 = arith.constant 0 : i32
    %dma_wait3A_1084 = tpu.memref_slice %arg4[%dma_wait3A_1081, %dma_wait3A_1082, %dma_wait3A_1083] : memref<3x16384x256xf32, #tpu.memory_space<hbm>> -> memref<1x16384x256xf32, #tpu.memory_space<hbm>>
    %dma_wait3A_1085 = tpu.memref_squeeze %dma_wait3A_1084 : memref<1x16384x256xf32, #tpu.memory_space<hbm>> -> memref<16384x256xf32, #tpu.memory_space<hbm>>
    %dma_wait3A_1086 = arith.constant 0 : i32
    %dma_wait3A_1087 = tpu.memref_slice %dma_wait3A_1085[%add3A_994, %dma_wait3A_1086] : memref<16384x256xf32, #tpu.memory_space<hbm>> -> memref<64x256xf32, #tpu.memory_space<hbm>>
    %dma_wait3A_1088 = arith.constant 0 : i32
    %dma_wait3A_1089 = arith.constant 0 : i32
    %dma_wait3A_1090 = tpu.memref_slice %arg7[%arg1, %dma_wait3A_1080, %dma_wait3A_1088, %dma_wait3A_1089] : memref<16x2x64x256xf32, #tpu.memory_space<vmem_shared>> -> memref<1x1x64x256xf32, #tpu.memory_space<vmem_shared>>
    %dma_wait3A_1091 = tpu.memref_squeeze %dma_wait3A_1090 : memref<1x1x64x256xf32, #tpu.memory_space<vmem_shared>> -> memref<64x256xf32, #tpu.memory_space<vmem_shared>>
    tpu.wait_dma2 semaphore(%arg9 : memref<!tpu.dma_semaphore, #tpu.memory_space<semaphore_mem>>) src(%dma_wait3A_1091 : memref<64x256xf32, #tpu.memory_space<vmem_shared>>) dst(%dma_wait3A_1087 : memref<64x256xf32, #tpu.memory_space<hbm>>)
    %run_scoped3A_1092 = arith.constant 2 : i32
    %run_scoped3A_1093 = arith.constant 0 : i32
    "tpu.region"() ({
      %run_scoped3A_1392 = tpu.sem_alloc : memref<!tpu.dma_semaphore, #tpu.memory_space<semaphore_mem>>
      %dma_start3A_1393 = arith.constant 0 : i32
      %dma_start3A_1394 = arith.constant 0 : i32
      %dma_start3A_1395 = tpu.memref_slice %arg6[%run_scoped3A_1092, %dma_start3A_1393, %dma_start3A_1394] : memref<4x64x256xf32, #tpu.memory_space<vmem>> -> memref<1x64x256xf32, #tpu.memory_space<vmem>>
      %dma_start3A_1396 = tpu.memref_squeeze %dma_start3A_1395 : memref<1x64x256xf32, #tpu.memory_space<vmem>> -> memref<64x256xf32, #tpu.memory_space<vmem>>
      %dma_start3A_1397 = arith.constant 0 : i32
      %dma_start3A_1398 = arith.constant 0 : i32
      %dma_start3A_1399 = tpu.memref_slice %arg7[%arg1, %run_scoped3A_1093, %dma_start3A_1397, %dma_start3A_1398] : memref<16x2x64x256xf32, #tpu.memory_space<vmem_shared>> -> memref<1x1x64x256xf32, #tpu.memory_space<vmem_shared>>
      %dma_start3A_1400 = tpu.memref_squeeze %dma_start3A_1399 : memref<1x1x64x256xf32, #tpu.memory_space<vmem_shared>> -> memref<64x256xf32, #tpu.memory_space<vmem_shared>>
      %dma_start3A_1401 = arith.constant 0 : i32
      %dma_start3A_1402 = arith.constant 0 : i32
      %dma_start3A_1403 = tpu.memref_slice %arg7[%arg1, %run_scoped3A_1093, %dma_start3A_1401, %dma_start3A_1402] : memref<16x2x64x256xf32, #tpu.memory_space<vmem_shared>> -> memref<1x1x64x256xf32, #tpu.memory_space<vmem_shared>>
      %dma_start3A_1404 = tpu.memref_squeeze %dma_start3A_1403 : memref<1x1x64x256xf32, #tpu.memory_space<vmem_shared>> -> memref<64x256xf32, #tpu.memory_space<vmem_shared>>
      %dma_start3A_1405 = arith.constant 0 : i32
      %dma_start3A_1406 = arith.constant 0 : i32
      %dma_start3A_1407 = tpu.memref_slice %arg6[%run_scoped3A_1092, %dma_start3A_1405, %dma_start3A_1406] : memref<4x64x256xf32, #tpu.memory_space<vmem>> -> memref<1x64x256xf32, #tpu.memory_space<vmem>>
      %dma_start3A_1408 = tpu.memref_squeeze %dma_start3A_1407 : memref<1x64x256xf32, #tpu.memory_space<vmem>> -> memref<64x256xf32, #tpu.memory_space<vmem>>
      tpu.enqueue_dma source(%dma_start3A_1408 : memref<64x256xf32, #tpu.memory_space<vmem>>) target(%dma_start3A_1404 : memref<64x256xf32, #tpu.memory_space<vmem_shared>>) target_semaphore(%run_scoped3A_1392 : memref<!tpu.dma_semaphore, #tpu.memory_space<semaphore_mem>>)
      %dma_wait3A_1409 = arith.constant 0 : i32
      %dma_wait3A_1410 = arith.constant 0 : i32
      %dma_wait3A_1411 = tpu.memref_slice %arg6[%run_scoped3A_1092, %dma_wait3A_1409, %dma_wait3A_1410] : memref<4x64x256xf32, #tpu.memory_space<vmem>> -> memref<1x64x256xf32, #tpu.memory_space<vmem>>
      %dma_wait3A_1412 = tpu.memref_squeeze %dma_wait3A_1411 : memref<1x64x256xf32, #tpu.memory_space<vmem>> -> memref<64x256xf32, #tpu.memory_space<vmem>>
      %dma_wait3A_1413 = arith.constant 0 : i32
      %dma_wait3A_1414 = arith.constant 0 : i32
      %dma_wait3A_1415 = tpu.memref_slice %arg7[%arg1, %run_scoped3A_1093, %dma_wait3A_1413, %dma_wait3A_1414] : memref<16x2x64x256xf32, #tpu.memory_space<vmem_shared>> -> memref<1x1x64x256xf32, #tpu.memory_space<vmem_shared>>
      %dma_wait3A_1416 = tpu.memref_squeeze %dma_wait3A_1415 : memref<1x1x64x256xf32, #tpu.memory_space<vmem_shared>> -> memref<64x256xf32, #tpu.memory_space<vmem_shared>>
      %dma_wait3A_1417 = arith.constant 0 : i32
      %dma_wait3A_1418 = arith.constant 0 : i32
      %dma_wait3A_1419 = tpu.memref_slice %arg7[%arg1, %run_scoped3A_1093, %dma_wait3A_1417, %dma_wait3A_1418] : memref<16x2x64x256xf32, #tpu.memory_space<vmem_shared>> -> memref<1x1x64x256xf32, #tpu.memory_space<vmem_shared>>
      %dma_wait3A_1420 = tpu.memref_squeeze %dma_wait3A_1419 : memref<1x1x64x256xf32, #tpu.memory_space<vmem_shared>> -> memref<64x256xf32, #tpu.memory_space<vmem_shared>>
      %dma_wait3A_1421 = arith.constant 0 : i32
      %dma_wait3A_1422 = arith.constant 0 : i32
      %dma_wait3A_1423 = tpu.memref_slice %arg6[%run_scoped3A_1092, %dma_wait3A_1421, %dma_wait3A_1422] : memref<4x64x256xf32, #tpu.memory_space<vmem>> -> memref<1x64x256xf32, #tpu.memory_space<vmem>>
      %dma_wait3A_1424 = tpu.memref_squeeze %dma_wait3A_1423 : memref<1x64x256xf32, #tpu.memory_space<vmem>> -> memref<64x256xf32, #tpu.memory_space<vmem>>
      tpu.wait_dma2 semaphore(%run_scoped3A_1392 : memref<!tpu.dma_semaphore, #tpu.memory_space<semaphore_mem>>) src(%dma_wait3A_1424 : memref<64x256xf32, #tpu.memory_space<vmem>>) dst(%dma_wait3A_1420 : memref<64x256xf32, #tpu.memory_space<vmem_shared>>)
      tpu.yield
    }) : () -> ()
    %dma_start3A_1094 = arith.constant 2 : i32
    %dma_start3A_1095 = arith.constant 1 : i32
    %dma_start3A_1096 = arith.constant 0 : i32
    %dma_start3A_1097 = arith.constant 0 : i32
    %dma_start3A_1098 = tpu.memref_slice %arg6[%dma_start3A_1095, %dma_start3A_1096, %dma_start3A_1097] : memref<4x64x256xf32, #tpu.memory_space<vmem>> -> memref<1x64x256xf32, #tpu.memory_space<vmem>>
    %dma_start3A_1099 = tpu.memref_squeeze %dma_start3A_1098 : memref<1x64x256xf32, #tpu.memory_space<vmem>> -> memref<64x256xf32, #tpu.memory_space<vmem>>
    %dma_start3A_1100 = arith.constant 320 : i32
    %dma_start3A_1101 = tpu.memref_slice %arg5[%dma_start3A_1100] : memref<512xi32, #tpu.memory_space<vmem>> -> memref<64xi32, #tpu.memory_space<vmem>>
    %dma_start3A_1102 = arith.constant 0 : i32
    %dma_start3A_1103 = arith.constant 0 : i32
    %dma_start3A_1104 = tpu.memref_slice %arg3[%dma_start3A_1094, %dma_start3A_1102, %dma_start3A_1103] : memref<3x100000x256xf32, #tpu.memory_space<hbm>> -> memref<1x100000x256xf32, #tpu.memory_space<hbm>>
    %dma_start3A_1105 = tpu.memref_squeeze %dma_start3A_1104 : memref<1x100000x256xf32, #tpu.memory_space<hbm>> -> memref<100000x256xf32, #tpu.memory_space<hbm>>
    %dma_start3A_1106 = arith.constant 0 : i32
    %dma_start3A_1107 = arith.constant 0 : i32
    %dma_start3A_1108 = tpu.memref_slice %dma_start3A_1105[%dma_start3A_1106, %dma_start3A_1107] : memref<100000x256xf32, #tpu.memory_space<hbm>> -> memref<100000x256xf32, #tpu.memory_space<hbm>>
    tpu.enqueue_indirect_dma source(%dma_start3A_1108 : memref<100000x256xf32, #tpu.memory_space<hbm>>) target(%dma_start3A_1099 : memref<64x256xf32, #tpu.memory_space<vmem>>) offsets(%dma_start3A_1101 : memref<64xi32, #tpu.memory_space<vmem>>) semaphore(%arg8 : memref<!tpu.dma_semaphore, #tpu.memory_space<semaphore_mem>>)
    %add3A_1109 = arith.constant 128 : i32
    %add3A_1110 = arith.addi %mul3A_2, %add3A_1109 : i32
    %dma_start3A_1111 = arith.constant 0 : i32
    %dma_start3A_1112 = arith.constant 2 : i32
    %dma_start3A_1113 = arith.constant 0 : i32
    %dma_start3A_1114 = arith.constant 0 : i32
    %dma_start3A_1115 = tpu.memref_slice %arg4[%dma_start3A_1112, %dma_start3A_1113, %dma_start3A_1114] : memref<3x16384x256xf32, #tpu.memory_space<hbm>> -> memref<1x16384x256xf32, #tpu.memory_space<hbm>>
    %dma_start3A_1116 = tpu.memref_squeeze %dma_start3A_1115 : memref<1x16384x256xf32, #tpu.memory_space<hbm>> -> memref<16384x256xf32, #tpu.memory_space<hbm>>
    %dma_start3A_1117 = arith.constant 0 : i32
    %dma_start3A_1118 = tpu.memref_slice %dma_start3A_1116[%add3A_1110, %dma_start3A_1117] : memref<16384x256xf32, #tpu.memory_space<hbm>> -> memref<64x256xf32, #tpu.memory_space<hbm>>
    %dma_start3A_1119 = arith.constant 0 : i32
    %dma_start3A_1120 = arith.constant 0 : i32
    %dma_start3A_1121 = tpu.memref_slice %arg7[%arg1, %dma_start3A_1111, %dma_start3A_1119, %dma_start3A_1120] : memref<16x2x64x256xf32, #tpu.memory_space<vmem_shared>> -> memref<1x1x64x256xf32, #tpu.memory_space<vmem_shared>>
    %dma_start3A_1122 = tpu.memref_squeeze %dma_start3A_1121 : memref<1x1x64x256xf32, #tpu.memory_space<vmem_shared>> -> memref<64x256xf32, #tpu.memory_space<vmem_shared>>
    tpu.enqueue_dma source(%dma_start3A_1122 : memref<64x256xf32, #tpu.memory_space<vmem_shared>>) target(%dma_start3A_1118 : memref<64x256xf32, #tpu.memory_space<hbm>>) target_semaphore(%arg9 : memref<!tpu.dma_semaphore, #tpu.memory_space<semaphore_mem>>)
    %dma_wait3A_1123 = arith.constant 2 : i32
    %dma_wait3A_1124 = arith.constant 3 : i32
    %dma_wait3A_1125 = arith.constant 0 : i32
    %dma_wait3A_1126 = arith.constant 0 : i32
    %dma_wait3A_1127 = tpu.memref_slice %arg6[%dma_wait3A_1124, %dma_wait3A_1125, %dma_wait3A_1126] : memref<4x64x256xf32, #tpu.memory_space<vmem>> -> memref<1x64x256xf32, #tpu.memory_space<vmem>>
    %dma_wait3A_1128 = tpu.memref_squeeze %dma_wait3A_1127 : memref<1x64x256xf32, #tpu.memory_space<vmem>> -> memref<64x256xf32, #tpu.memory_space<vmem>>
    %dma_wait3A_1129 = arith.constant 192 : i32
    %dma_wait3A_1130 = tpu.memref_slice %arg5[%dma_wait3A_1129] : memref<512xi32, #tpu.memory_space<vmem>> -> memref<64xi32, #tpu.memory_space<vmem>>
    %dma_wait3A_1131 = arith.constant 0 : i32
    %dma_wait3A_1132 = arith.constant 0 : i32
    %dma_wait3A_1133 = tpu.memref_slice %arg3[%dma_wait3A_1123, %dma_wait3A_1131, %dma_wait3A_1132] : memref<3x100000x256xf32, #tpu.memory_space<hbm>> -> memref<1x100000x256xf32, #tpu.memory_space<hbm>>
    %dma_wait3A_1134 = tpu.memref_squeeze %dma_wait3A_1133 : memref<1x100000x256xf32, #tpu.memory_space<hbm>> -> memref<100000x256xf32, #tpu.memory_space<hbm>>
    %dma_wait3A_1135 = arith.constant 0 : i32
    %dma_wait3A_1136 = arith.constant 0 : i32
    %dma_wait3A_1137 = tpu.memref_slice %dma_wait3A_1134[%dma_wait3A_1135, %dma_wait3A_1136] : memref<100000x256xf32, #tpu.memory_space<hbm>> -> memref<100000x256xf32, #tpu.memory_space<hbm>>
    tpu.wait_indirect_dma semaphore(%arg8 : memref<!tpu.dma_semaphore, #tpu.memory_space<semaphore_mem>>) src(%dma_wait3A_1137 : memref<100000x256xf32, #tpu.memory_space<hbm>>) dst(%dma_wait3A_1128 : memref<64x256xf32, #tpu.memory_space<vmem>>)
    %dma_wait3A_1138 = arith.constant 1 : i32
    %dma_wait3A_1139 = arith.constant 2 : i32
    %dma_wait3A_1140 = arith.constant 0 : i32
    %dma_wait3A_1141 = arith.constant 0 : i32
    %dma_wait3A_1142 = tpu.memref_slice %arg4[%dma_wait3A_1139, %dma_wait3A_1140, %dma_wait3A_1141] : memref<3x16384x256xf32, #tpu.memory_space<hbm>> -> memref<1x16384x256xf32, #tpu.memory_space<hbm>>
    %dma_wait3A_1143 = tpu.memref_squeeze %dma_wait3A_1142 : memref<1x16384x256xf32, #tpu.memory_space<hbm>> -> memref<16384x256xf32, #tpu.memory_space<hbm>>
    %dma_wait3A_1144 = arith.constant 0 : i32
    %dma_wait3A_1145 = tpu.memref_slice %dma_wait3A_1143[%add3A_1052, %dma_wait3A_1144] : memref<16384x256xf32, #tpu.memory_space<hbm>> -> memref<64x256xf32, #tpu.memory_space<hbm>>
    %dma_wait3A_1146 = arith.constant 0 : i32
    %dma_wait3A_1147 = arith.constant 0 : i32
    %dma_wait3A_1148 = tpu.memref_slice %arg7[%arg1, %dma_wait3A_1138, %dma_wait3A_1146, %dma_wait3A_1147] : memref<16x2x64x256xf32, #tpu.memory_space<vmem_shared>> -> memref<1x1x64x256xf32, #tpu.memory_space<vmem_shared>>
    %dma_wait3A_1149 = tpu.memref_squeeze %dma_wait3A_1148 : memref<1x1x64x256xf32, #tpu.memory_space<vmem_shared>> -> memref<64x256xf32, #tpu.memory_space<vmem_shared>>
    tpu.wait_dma2 semaphore(%arg9 : memref<!tpu.dma_semaphore, #tpu.memory_space<semaphore_mem>>) src(%dma_wait3A_1149 : memref<64x256xf32, #tpu.memory_space<vmem_shared>>) dst(%dma_wait3A_1145 : memref<64x256xf32, #tpu.memory_space<hbm>>)
    %run_scoped3A_1150 = arith.constant 3 : i32
    %run_scoped3A_1151 = arith.constant 1 : i32
    "tpu.region"() ({
      %run_scoped3A_1392 = tpu.sem_alloc : memref<!tpu.dma_semaphore, #tpu.memory_space<semaphore_mem>>
      %dma_start3A_1393 = arith.constant 0 : i32
      %dma_start3A_1394 = arith.constant 0 : i32
      %dma_start3A_1395 = tpu.memref_slice %arg6[%run_scoped3A_1150, %dma_start3A_1393, %dma_start3A_1394] : memref<4x64x256xf32, #tpu.memory_space<vmem>> -> memref<1x64x256xf32, #tpu.memory_space<vmem>>
      %dma_start3A_1396 = tpu.memref_squeeze %dma_start3A_1395 : memref<1x64x256xf32, #tpu.memory_space<vmem>> -> memref<64x256xf32, #tpu.memory_space<vmem>>
      %dma_start3A_1397 = arith.constant 0 : i32
      %dma_start3A_1398 = arith.constant 0 : i32
      %dma_start3A_1399 = tpu.memref_slice %arg7[%arg1, %run_scoped3A_1151, %dma_start3A_1397, %dma_start3A_1398] : memref<16x2x64x256xf32, #tpu.memory_space<vmem_shared>> -> memref<1x1x64x256xf32, #tpu.memory_space<vmem_shared>>
      %dma_start3A_1400 = tpu.memref_squeeze %dma_start3A_1399 : memref<1x1x64x256xf32, #tpu.memory_space<vmem_shared>> -> memref<64x256xf32, #tpu.memory_space<vmem_shared>>
      %dma_start3A_1401 = arith.constant 0 : i32
      %dma_start3A_1402 = arith.constant 0 : i32
      %dma_start3A_1403 = tpu.memref_slice %arg7[%arg1, %run_scoped3A_1151, %dma_start3A_1401, %dma_start3A_1402] : memref<16x2x64x256xf32, #tpu.memory_space<vmem_shared>> -> memref<1x1x64x256xf32, #tpu.memory_space<vmem_shared>>
      %dma_start3A_1404 = tpu.memref_squeeze %dma_start3A_1403 : memref<1x1x64x256xf32, #tpu.memory_space<vmem_shared>> -> memref<64x256xf32, #tpu.memory_space<vmem_shared>>
      %dma_start3A_1405 = arith.constant 0 : i32
      %dma_start3A_1406 = arith.constant 0 : i32
      %dma_start3A_1407 = tpu.memref_slice %arg6[%run_scoped3A_1150, %dma_start3A_1405, %dma_start3A_1406] : memref<4x64x256xf32, #tpu.memory_space<vmem>> -> memref<1x64x256xf32, #tpu.memory_space<vmem>>
      %dma_start3A_1408 = tpu.memref_squeeze %dma_start3A_1407 : memref<1x64x256xf32, #tpu.memory_space<vmem>> -> memref<64x256xf32, #tpu.memory_space<vmem>>
      tpu.enqueue_dma source(%dma_start3A_1408 : memref<64x256xf32, #tpu.memory_space<vmem>>) target(%dma_start3A_1404 : memref<64x256xf32, #tpu.memory_space<vmem_shared>>) target_semaphore(%run_scoped3A_1392 : memref<!tpu.dma_semaphore, #tpu.memory_space<semaphore_mem>>)
      %dma_wait3A_1409 = arith.constant 0 : i32
      %dma_wait3A_1410 = arith.constant 0 : i32
      %dma_wait3A_1411 = tpu.memref_slice %arg6[%run_scoped3A_1150, %dma_wait3A_1409, %dma_wait3A_1410] : memref<4x64x256xf32, #tpu.memory_space<vmem>> -> memref<1x64x256xf32, #tpu.memory_space<vmem>>
      %dma_wait3A_1412 = tpu.memref_squeeze %dma_wait3A_1411 : memref<1x64x256xf32, #tpu.memory_space<vmem>> -> memref<64x256xf32, #tpu.memory_space<vmem>>
      %dma_wait3A_1413 = arith.constant 0 : i32
      %dma_wait3A_1414 = arith.constant 0 : i32
      %dma_wait3A_1415 = tpu.memref_slice %arg7[%arg1, %run_scoped3A_1151, %dma_wait3A_1413, %dma_wait3A_1414] : memref<16x2x64x256xf32, #tpu.memory_space<vmem_shared>> -> memref<1x1x64x256xf32, #tpu.memory_space<vmem_shared>>
      %dma_wait3A_1416 = tpu.memref_squeeze %dma_wait3A_1415 : memref<1x1x64x256xf32, #tpu.memory_space<vmem_shared>> -> memref<64x256xf32, #tpu.memory_space<vmem_shared>>
      %dma_wait3A_1417 = arith.constant 0 : i32
      %dma_wait3A_1418 = arith.constant 0 : i32
      %dma_wait3A_1419 = tpu.memref_slice %arg7[%arg1, %run_scoped3A_1151, %dma_wait3A_1417, %dma_wait3A_1418] : memref<16x2x64x256xf32, #tpu.memory_space<vmem_shared>> -> memref<1x1x64x256xf32, #tpu.memory_space<vmem_shared>>
      %dma_wait3A_1420 = tpu.memref_squeeze %dma_wait3A_1419 : memref<1x1x64x256xf32, #tpu.memory_space<vmem_shared>> -> memref<64x256xf32, #tpu.memory_space<vmem_shared>>
      %dma_wait3A_1421 = arith.constant 0 : i32
      %dma_wait3A_1422 = arith.constant 0 : i32
      %dma_wait3A_1423 = tpu.memref_slice %arg6[%run_scoped3A_1150, %dma_wait3A_1421, %dma_wait3A_1422] : memref<4x64x256xf32, #tpu.memory_space<vmem>> -> memref<1x64x256xf32, #tpu.memory_space<vmem>>
      %dma_wait3A_1424 = tpu.memref_squeeze %dma_wait3A_1423 : memref<1x64x256xf32, #tpu.memory_space<vmem>> -> memref<64x256xf32, #tpu.memory_space<vmem>>
      tpu.wait_dma2 semaphore(%run_scoped3A_1392 : memref<!tpu.dma_semaphore, #tpu.memory_space<semaphore_mem>>) src(%dma_wait3A_1424 : memref<64x256xf32, #tpu.memory_space<vmem>>) dst(%dma_wait3A_1420 : memref<64x256xf32, #tpu.memory_space<vmem_shared>>)
      tpu.yield
    }) : () -> ()
    %dma_start3A_1152 = arith.constant 2 : i32
    %dma_start3A_1153 = arith.constant 2 : i32
    %dma_start3A_1154 = arith.constant 0 : i32
    %dma_start3A_1155 = arith.constant 0 : i32
    %dma_start3A_1156 = tpu.memref_slice %arg6[%dma_start3A_1153, %dma_start3A_1154, %dma_start3A_1155] : memref<4x64x256xf32, #tpu.memory_space<vmem>> -> memref<1x64x256xf32, #tpu.memory_space<vmem>>
    %dma_start3A_1157 = tpu.memref_squeeze %dma_start3A_1156 : memref<1x64x256xf32, #tpu.memory_space<vmem>> -> memref<64x256xf32, #tpu.memory_space<vmem>>
    %dma_start3A_1158 = arith.constant 384 : i32
    %dma_start3A_1159 = tpu.memref_slice %arg5[%dma_start3A_1158] : memref<512xi32, #tpu.memory_space<vmem>> -> memref<64xi32, #tpu.memory_space<vmem>>
    %dma_start3A_1160 = arith.constant 0 : i32
    %dma_start3A_1161 = arith.constant 0 : i32
    %dma_start3A_1162 = tpu.memref_slice %arg3[%dma_start3A_1152, %dma_start3A_1160, %dma_start3A_1161] : memref<3x100000x256xf32, #tpu.memory_space<hbm>> -> memref<1x100000x256xf32, #tpu.memory_space<hbm>>
    %dma_start3A_1163 = tpu.memref_squeeze %dma_start3A_1162 : memref<1x100000x256xf32, #tpu.memory_space<hbm>> -> memref<100000x256xf32, #tpu.memory_space<hbm>>
    %dma_start3A_1164 = arith.constant 0 : i32
    %dma_start3A_1165 = arith.constant 0 : i32
    %dma_start3A_1166 = tpu.memref_slice %dma_start3A_1163[%dma_start3A_1164, %dma_start3A_1165] : memref<100000x256xf32, #tpu.memory_space<hbm>> -> memref<100000x256xf32, #tpu.memory_space<hbm>>
    tpu.enqueue_indirect_dma source(%dma_start3A_1166 : memref<100000x256xf32, #tpu.memory_space<hbm>>) target(%dma_start3A_1157 : memref<64x256xf32, #tpu.memory_space<vmem>>) offsets(%dma_start3A_1159 : memref<64xi32, #tpu.memory_space<vmem>>) semaphore(%arg8 : memref<!tpu.dma_semaphore, #tpu.memory_space<semaphore_mem>>)
    %add3A_1167 = arith.constant 192 : i32
    %add3A_1168 = arith.addi %mul3A_2, %add3A_1167 : i32
    %dma_start3A_1169 = arith.constant 1 : i32
    %dma_start3A_1170 = arith.constant 2 : i32
    %dma_start3A_1171 = arith.constant 0 : i32
    %dma_start3A_1172 = arith.constant 0 : i32
    %dma_start3A_1173 = tpu.memref_slice %arg4[%dma_start3A_1170, %dma_start3A_1171, %dma_start3A_1172] : memref<3x16384x256xf32, #tpu.memory_space<hbm>> -> memref<1x16384x256xf32, #tpu.memory_space<hbm>>
    %dma_start3A_1174 = tpu.memref_squeeze %dma_start3A_1173 : memref<1x16384x256xf32, #tpu.memory_space<hbm>> -> memref<16384x256xf32, #tpu.memory_space<hbm>>
    %dma_start3A_1175 = arith.constant 0 : i32
    %dma_start3A_1176 = tpu.memref_slice %dma_start3A_1174[%add3A_1168, %dma_start3A_1175] : memref<16384x256xf32, #tpu.memory_space<hbm>> -> memref<64x256xf32, #tpu.memory_space<hbm>>
    %dma_start3A_1177 = arith.constant 0 : i32
    %dma_start3A_1178 = arith.constant 0 : i32
    %dma_start3A_1179 = tpu.memref_slice %arg7[%arg1, %dma_start3A_1169, %dma_start3A_1177, %dma_start3A_1178] : memref<16x2x64x256xf32, #tpu.memory_space<vmem_shared>> -> memref<1x1x64x256xf32, #tpu.memory_space<vmem_shared>>
    %dma_start3A_1180 = tpu.memref_squeeze %dma_start3A_1179 : memref<1x1x64x256xf32, #tpu.memory_space<vmem_shared>> -> memref<64x256xf32, #tpu.memory_space<vmem_shared>>
    tpu.enqueue_dma source(%dma_start3A_1180 : memref<64x256xf32, #tpu.memory_space<vmem_shared>>) target(%dma_start3A_1176 : memref<64x256xf32, #tpu.memory_space<hbm>>) target_semaphore(%arg9 : memref<!tpu.dma_semaphore, #tpu.memory_space<semaphore_mem>>)
    %dma_wait3A_1181 = arith.constant 2 : i32
    %dma_wait3A_1182 = arith.constant 0 : i32
    %dma_wait3A_1183 = arith.constant 0 : i32
    %dma_wait3A_1184 = arith.constant 0 : i32
    %dma_wait3A_1185 = tpu.memref_slice %arg6[%dma_wait3A_1182, %dma_wait3A_1183, %dma_wait3A_1184] : memref<4x64x256xf32, #tpu.memory_space<vmem>> -> memref<1x64x256xf32, #tpu.memory_space<vmem>>
    %dma_wait3A_1186 = tpu.memref_squeeze %dma_wait3A_1185 : memref<1x64x256xf32, #tpu.memory_space<vmem>> -> memref<64x256xf32, #tpu.memory_space<vmem>>
    %dma_wait3A_1187 = arith.constant 256 : i32
    %dma_wait3A_1188 = tpu.memref_slice %arg5[%dma_wait3A_1187] : memref<512xi32, #tpu.memory_space<vmem>> -> memref<64xi32, #tpu.memory_space<vmem>>
    %dma_wait3A_1189 = arith.constant 0 : i32
    %dma_wait3A_1190 = arith.constant 0 : i32
    %dma_wait3A_1191 = tpu.memref_slice %arg3[%dma_wait3A_1181, %dma_wait3A_1189, %dma_wait3A_1190] : memref<3x100000x256xf32, #tpu.memory_space<hbm>> -> memref<1x100000x256xf32, #tpu.memory_space<hbm>>
    %dma_wait3A_1192 = tpu.memref_squeeze %dma_wait3A_1191 : memref<1x100000x256xf32, #tpu.memory_space<hbm>> -> memref<100000x256xf32, #tpu.memory_space<hbm>>
    %dma_wait3A_1193 = arith.constant 0 : i32
    %dma_wait3A_1194 = arith.constant 0 : i32
    %dma_wait3A_1195 = tpu.memref_slice %dma_wait3A_1192[%dma_wait3A_1193, %dma_wait3A_1194] : memref<100000x256xf32, #tpu.memory_space<hbm>> -> memref<100000x256xf32, #tpu.memory_space<hbm>>
    tpu.wait_indirect_dma semaphore(%arg8 : memref<!tpu.dma_semaphore, #tpu.memory_space<semaphore_mem>>) src(%dma_wait3A_1195 : memref<100000x256xf32, #tpu.memory_space<hbm>>) dst(%dma_wait3A_1186 : memref<64x256xf32, #tpu.memory_space<vmem>>)
    %dma_wait3A_1196 = arith.constant 0 : i32
    %dma_wait3A_1197 = arith.constant 2 : i32
    %dma_wait3A_1198 = arith.constant 0 : i32
    %dma_wait3A_1199 = arith.constant 0 : i32
    %dma_wait3A_1200 = tpu.memref_slice %arg4[%dma_wait3A_1197, %dma_wait3A_1198, %dma_wait3A_1199] : memref<3x16384x256xf32, #tpu.memory_space<hbm>> -> memref<1x16384x256xf32, #tpu.memory_space<hbm>>
    %dma_wait3A_1201 = tpu.memref_squeeze %dma_wait3A_1200 : memref<1x16384x256xf32, #tpu.memory_space<hbm>> -> memref<16384x256xf32, #tpu.memory_space<hbm>>
    %dma_wait3A_1202 = arith.constant 0 : i32
    %dma_wait3A_1203 = tpu.memref_slice %dma_wait3A_1201[%add3A_1110, %dma_wait3A_1202] : memref<16384x256xf32, #tpu.memory_space<hbm>> -> memref<64x256xf32, #tpu.memory_space<hbm>>
    %dma_wait3A_1204 = arith.constant 0 : i32
    %dma_wait3A_1205 = arith.constant 0 : i32
    %dma_wait3A_1206 = tpu.memref_slice %arg7[%arg1, %dma_wait3A_1196, %dma_wait3A_1204, %dma_wait3A_1205] : memref<16x2x64x256xf32, #tpu.memory_space<vmem_shared>> -> memref<1x1x64x256xf32, #tpu.memory_space<vmem_shared>>
    %dma_wait3A_1207 = tpu.memref_squeeze %dma_wait3A_1206 : memref<1x1x64x256xf32, #tpu.memory_space<vmem_shared>> -> memref<64x256xf32, #tpu.memory_space<vmem_shared>>
    tpu.wait_dma2 semaphore(%arg9 : memref<!tpu.dma_semaphore, #tpu.memory_space<semaphore_mem>>) src(%dma_wait3A_1207 : memref<64x256xf32, #tpu.memory_space<vmem_shared>>) dst(%dma_wait3A_1203 : memref<64x256xf32, #tpu.memory_space<hbm>>)
    %run_scoped3A_1208 = arith.constant 0 : i32
    %run_scoped3A_1209 = arith.constant 0 : i32
    "tpu.region"() ({
      %run_scoped3A_1392 = tpu.sem_alloc : memref<!tpu.dma_semaphore, #tpu.memory_space<semaphore_mem>>
      %dma_start3A_1393 = arith.constant 0 : i32
      %dma_start3A_1394 = arith.constant 0 : i32
      %dma_start3A_1395 = tpu.memref_slice %arg6[%run_scoped3A_1208, %dma_start3A_1393, %dma_start3A_1394] : memref<4x64x256xf32, #tpu.memory_space<vmem>> -> memref<1x64x256xf32, #tpu.memory_space<vmem>>
      %dma_start3A_1396 = tpu.memref_squeeze %dma_start3A_1395 : memref<1x64x256xf32, #tpu.memory_space<vmem>> -> memref<64x256xf32, #tpu.memory_space<vmem>>
      %dma_start3A_1397 = arith.constant 0 : i32
      %dma_start3A_1398 = arith.constant 0 : i32
      %dma_start3A_1399 = tpu.memref_slice %arg7[%arg1, %run_scoped3A_1209, %dma_start3A_1397, %dma_start3A_1398] : memref<16x2x64x256xf32, #tpu.memory_space<vmem_shared>> -> memref<1x1x64x256xf32, #tpu.memory_space<vmem_shared>>
      %dma_start3A_1400 = tpu.memref_squeeze %dma_start3A_1399 : memref<1x1x64x256xf32, #tpu.memory_space<vmem_shared>> -> memref<64x256xf32, #tpu.memory_space<vmem_shared>>
      %dma_start3A_1401 = arith.constant 0 : i32
      %dma_start3A_1402 = arith.constant 0 : i32
      %dma_start3A_1403 = tpu.memref_slice %arg7[%arg1, %run_scoped3A_1209, %dma_start3A_1401, %dma_start3A_1402] : memref<16x2x64x256xf32, #tpu.memory_space<vmem_shared>> -> memref<1x1x64x256xf32, #tpu.memory_space<vmem_shared>>
      %dma_start3A_1404 = tpu.memref_squeeze %dma_start3A_1403 : memref<1x1x64x256xf32, #tpu.memory_space<vmem_shared>> -> memref<64x256xf32, #tpu.memory_space<vmem_shared>>
      %dma_start3A_1405 = arith.constant 0 : i32
      %dma_start3A_1406 = arith.constant 0 : i32
      %dma_start3A_1407 = tpu.memref_slice %arg6[%run_scoped3A_1208, %dma_start3A_1405, %dma_start3A_1406] : memref<4x64x256xf32, #tpu.memory_space<vmem>> -> memref<1x64x256xf32, #tpu.memory_space<vmem>>
      %dma_start3A_1408 = tpu.memref_squeeze %dma_start3A_1407 : memref<1x64x256xf32, #tpu.memory_space<vmem>> -> memref<64x256xf32, #tpu.memory_space<vmem>>
      tpu.enqueue_dma source(%dma_start3A_1408 : memref<64x256xf32, #tpu.memory_space<vmem>>) target(%dma_start3A_1404 : memref<64x256xf32, #tpu.memory_space<vmem_shared>>) target_semaphore(%run_scoped3A_1392 : memref<!tpu.dma_semaphore, #tpu.memory_space<semaphore_mem>>)
      %dma_wait3A_1409 = arith.constant 0 : i32
      %dma_wait3A_1410 = arith.constant 0 : i32
      %dma_wait3A_1411 = tpu.memref_slice %arg6[%run_scoped3A_1208, %dma_wait3A_1409, %dma_wait3A_1410] : memref<4x64x256xf32, #tpu.memory_space<vmem>> -> memref<1x64x256xf32, #tpu.memory_space<vmem>>
      %dma_wait3A_1412 = tpu.memref_squeeze %dma_wait3A_1411 : memref<1x64x256xf32, #tpu.memory_space<vmem>> -> memref<64x256xf32, #tpu.memory_space<vmem>>
      %dma_wait3A_1413 = arith.constant 0 : i32
      %dma_wait3A_1414 = arith.constant 0 : i32
      %dma_wait3A_1415 = tpu.memref_slice %arg7[%arg1, %run_scoped3A_1209, %dma_wait3A_1413, %dma_wait3A_1414] : memref<16x2x64x256xf32, #tpu.memory_space<vmem_shared>> -> memref<1x1x64x256xf32, #tpu.memory_space<vmem_shared>>
      %dma_wait3A_1416 = tpu.memref_squeeze %dma_wait3A_1415 : memref<1x1x64x256xf32, #tpu.memory_space<vmem_shared>> -> memref<64x256xf32, #tpu.memory_space<vmem_shared>>
      %dma_wait3A_1417 = arith.constant 0 : i32
      %dma_wait3A_1418 = arith.constant 0 : i32
      %dma_wait3A_1419 = tpu.memref_slice %arg7[%arg1, %run_scoped3A_1209, %dma_wait3A_1417, %dma_wait3A_1418] : memref<16x2x64x256xf32, #tpu.memory_space<vmem_shared>> -> memref<1x1x64x256xf32, #tpu.memory_space<vmem_shared>>
      %dma_wait3A_1420 = tpu.memref_squeeze %dma_wait3A_1419 : memref<1x1x64x256xf32, #tpu.memory_space<vmem_shared>> -> memref<64x256xf32, #tpu.memory_space<vmem_shared>>
      %dma_wait3A_1421 = arith.constant 0 : i32
      %dma_wait3A_1422 = arith.constant 0 : i32
      %dma_wait3A_1423 = tpu.memref_slice %arg6[%run_scoped3A_1208, %dma_wait3A_1421, %dma_wait3A_1422] : memref<4x64x256xf32, #tpu.memory_space<vmem>> -> memref<1x64x256xf32, #tpu.memory_space<vmem>>
      %dma_wait3A_1424 = tpu.memref_squeeze %dma_wait3A_1423 : memref<1x64x256xf32, #tpu.memory_space<vmem>> -> memref<64x256xf32, #tpu.memory_space<vmem>>
      tpu.wait_dma2 semaphore(%run_scoped3A_1392 : memref<!tpu.dma_semaphore, #tpu.memory_space<semaphore_mem>>) src(%dma_wait3A_1424 : memref<64x256xf32, #tpu.memory_space<vmem>>) dst(%dma_wait3A_1420 : memref<64x256xf32, #tpu.memory_space<vmem_shared>>)
      tpu.yield
    }) : () -> ()
    %dma_start3A_1210 = arith.constant 2 : i32
    %dma_start3A_1211 = arith.constant 3 : i32
    %dma_start3A_1212 = arith.constant 0 : i32
    %dma_start3A_1213 = arith.constant 0 : i32
    %dma_start3A_1214 = tpu.memref_slice %arg6[%dma_start3A_1211, %dma_start3A_1212, %dma_start3A_1213] : memref<4x64x256xf32, #tpu.memory_space<vmem>> -> memref<1x64x256xf32, #tpu.memory_space<vmem>>
    %dma_start3A_1215 = tpu.memref_squeeze %dma_start3A_1214 : memref<1x64x256xf32, #tpu.memory_space<vmem>> -> memref<64x256xf32, #tpu.memory_space<vmem>>
    %dma_start3A_1216 = arith.constant 448 : i32
    %dma_start3A_1217 = tpu.memref_slice %arg5[%dma_start3A_1216] : memref<512xi32, #tpu.memory_space<vmem>> -> memref<64xi32, #tpu.memory_space<vmem>>
    %dma_start3A_1218 = arith.constant 0 : i32
    %dma_start3A_1219 = arith.constant 0 : i32
    %dma_start3A_1220 = tpu.memref_slice %arg3[%dma_start3A_1210, %dma_start3A_1218, %dma_start3A_1219] : memref<3x100000x256xf32, #tpu.memory_space<hbm>> -> memref<1x100000x256xf32, #tpu.memory_space<hbm>>
    %dma_start3A_1221 = tpu.memref_squeeze %dma_start3A_1220 : memref<1x100000x256xf32, #tpu.memory_space<hbm>> -> memref<100000x256xf32, #tpu.memory_space<hbm>>
    %dma_start3A_1222 = arith.constant 0 : i32
    %dma_start3A_1223 = arith.constant 0 : i32
    %dma_start3A_1224 = tpu.memref_slice %dma_start3A_1221[%dma_start3A_1222, %dma_start3A_1223] : memref<100000x256xf32, #tpu.memory_space<hbm>> -> memref<100000x256xf32, #tpu.memory_space<hbm>>
    tpu.enqueue_indirect_dma source(%dma_start3A_1224 : memref<100000x256xf32, #tpu.memory_space<hbm>>) target(%dma_start3A_1215 : memref<64x256xf32, #tpu.memory_space<vmem>>) offsets(%dma_start3A_1217 : memref<64xi32, #tpu.memory_space<vmem>>) semaphore(%arg8 : memref<!tpu.dma_semaphore, #tpu.memory_space<semaphore_mem>>)
    %add3A_1225 = arith.constant 256 : i32
    %add3A_1226 = arith.addi %mul3A_2, %add3A_1225 : i32
    %dma_start3A_1227 = arith.constant 0 : i32
    %dma_start3A_1228 = arith.constant 2 : i32
    %dma_start3A_1229 = arith.constant 0 : i32
    %dma_start3A_1230 = arith.constant 0 : i32
    %dma_start3A_1231 = tpu.memref_slice %arg4[%dma_start3A_1228, %dma_start3A_1229, %dma_start3A_1230] : memref<3x16384x256xf32, #tpu.memory_space<hbm>> -> memref<1x16384x256xf32, #tpu.memory_space<hbm>>
    %dma_start3A_1232 = tpu.memref_squeeze %dma_start3A_1231 : memref<1x16384x256xf32, #tpu.memory_space<hbm>> -> memref<16384x256xf32, #tpu.memory_space<hbm>>
    %dma_start3A_1233 = arith.constant 0 : i32
    %dma_start3A_1234 = tpu.memref_slice %dma_start3A_1232[%add3A_1226, %dma_start3A_1233] : memref<16384x256xf32, #tpu.memory_space<hbm>> -> memref<64x256xf32, #tpu.memory_space<hbm>>
    %dma_start3A_1235 = arith.constant 0 : i32
    %dma_start3A_1236 = arith.constant 0 : i32
    %dma_start3A_1237 = tpu.memref_slice %arg7[%arg1, %dma_start3A_1227, %dma_start3A_1235, %dma_start3A_1236] : memref<16x2x64x256xf32, #tpu.memory_space<vmem_shared>> -> memref<1x1x64x256xf32, #tpu.memory_space<vmem_shared>>
    %dma_start3A_1238 = tpu.memref_squeeze %dma_start3A_1237 : memref<1x1x64x256xf32, #tpu.memory_space<vmem_shared>> -> memref<64x256xf32, #tpu.memory_space<vmem_shared>>
    tpu.enqueue_dma source(%dma_start3A_1238 : memref<64x256xf32, #tpu.memory_space<vmem_shared>>) target(%dma_start3A_1234 : memref<64x256xf32, #tpu.memory_space<hbm>>) target_semaphore(%arg9 : memref<!tpu.dma_semaphore, #tpu.memory_space<semaphore_mem>>)
    %dma_wait3A_1239 = arith.constant 2 : i32
    %dma_wait3A_1240 = arith.constant 1 : i32
    %dma_wait3A_1241 = arith.constant 0 : i32
    %dma_wait3A_1242 = arith.constant 0 : i32
    %dma_wait3A_1243 = tpu.memref_slice %arg6[%dma_wait3A_1240, %dma_wait3A_1241, %dma_wait3A_1242] : memref<4x64x256xf32, #tpu.memory_space<vmem>> -> memref<1x64x256xf32, #tpu.memory_space<vmem>>
    %dma_wait3A_1244 = tpu.memref_squeeze %dma_wait3A_1243 : memref<1x64x256xf32, #tpu.memory_space<vmem>> -> memref<64x256xf32, #tpu.memory_space<vmem>>
    %dma_wait3A_1245 = arith.constant 320 : i32
    %dma_wait3A_1246 = tpu.memref_slice %arg5[%dma_wait3A_1245] : memref<512xi32, #tpu.memory_space<vmem>> -> memref<64xi32, #tpu.memory_space<vmem>>
    %dma_wait3A_1247 = arith.constant 0 : i32
    %dma_wait3A_1248 = arith.constant 0 : i32
    %dma_wait3A_1249 = tpu.memref_slice %arg3[%dma_wait3A_1239, %dma_wait3A_1247, %dma_wait3A_1248] : memref<3x100000x256xf32, #tpu.memory_space<hbm>> -> memref<1x100000x256xf32, #tpu.memory_space<hbm>>
    %dma_wait3A_1250 = tpu.memref_squeeze %dma_wait3A_1249 : memref<1x100000x256xf32, #tpu.memory_space<hbm>> -> memref<100000x256xf32, #tpu.memory_space<hbm>>
    %dma_wait3A_1251 = arith.constant 0 : i32
    %dma_wait3A_1252 = arith.constant 0 : i32
    %dma_wait3A_1253 = tpu.memref_slice %dma_wait3A_1250[%dma_wait3A_1251, %dma_wait3A_1252] : memref<100000x256xf32, #tpu.memory_space<hbm>> -> memref<100000x256xf32, #tpu.memory_space<hbm>>
    tpu.wait_indirect_dma semaphore(%arg8 : memref<!tpu.dma_semaphore, #tpu.memory_space<semaphore_mem>>) src(%dma_wait3A_1253 : memref<100000x256xf32, #tpu.memory_space<hbm>>) dst(%dma_wait3A_1244 : memref<64x256xf32, #tpu.memory_space<vmem>>)
    %dma_wait3A_1254 = arith.constant 1 : i32
    %dma_wait3A_1255 = arith.constant 2 : i32
    %dma_wait3A_1256 = arith.constant 0 : i32
    %dma_wait3A_1257 = arith.constant 0 : i32
    %dma_wait3A_1258 = tpu.memref_slice %arg4[%dma_wait3A_1255, %dma_wait3A_1256, %dma_wait3A_1257] : memref<3x16384x256xf32, #tpu.memory_space<hbm>> -> memref<1x16384x256xf32, #tpu.memory_space<hbm>>
    %dma_wait3A_1259 = tpu.memref_squeeze %dma_wait3A_1258 : memref<1x16384x256xf32, #tpu.memory_space<hbm>> -> memref<16384x256xf32, #tpu.memory_space<hbm>>
    %dma_wait3A_1260 = arith.constant 0 : i32
    %dma_wait3A_1261 = tpu.memref_slice %dma_wait3A_1259[%add3A_1168, %dma_wait3A_1260] : memref<16384x256xf32, #tpu.memory_space<hbm>> -> memref<64x256xf32, #tpu.memory_space<hbm>>
    %dma_wait3A_1262 = arith.constant 0 : i32
    %dma_wait3A_1263 = arith.constant 0 : i32
    %dma_wait3A_1264 = tpu.memref_slice %arg7[%arg1, %dma_wait3A_1254, %dma_wait3A_1262, %dma_wait3A_1263] : memref<16x2x64x256xf32, #tpu.memory_space<vmem_shared>> -> memref<1x1x64x256xf32, #tpu.memory_space<vmem_shared>>
    %dma_wait3A_1265 = tpu.memref_squeeze %dma_wait3A_1264 : memref<1x1x64x256xf32, #tpu.memory_space<vmem_shared>> -> memref<64x256xf32, #tpu.memory_space<vmem_shared>>
    tpu.wait_dma2 semaphore(%arg9 : memref<!tpu.dma_semaphore, #tpu.memory_space<semaphore_mem>>) src(%dma_wait3A_1265 : memref<64x256xf32, #tpu.memory_space<vmem_shared>>) dst(%dma_wait3A_1261 : memref<64x256xf32, #tpu.memory_space<hbm>>)
    %run_scoped3A_1266 = arith.constant 1 : i32
    %run_scoped3A_1267 = arith.constant 1 : i32
    "tpu.region"() ({
      %run_scoped3A_1392 = tpu.sem_alloc : memref<!tpu.dma_semaphore, #tpu.memory_space<semaphore_mem>>
      %dma_start3A_1393 = arith.constant 0 : i32
      %dma_start3A_1394 = arith.constant 0 : i32
      %dma_start3A_1395 = tpu.memref_slice %arg6[%run_scoped3A_1266, %dma_start3A_1393, %dma_start3A_1394] : memref<4x64x256xf32, #tpu.memory_space<vmem>> -> memref<1x64x256xf32, #tpu.memory_space<vmem>>
      %dma_start3A_1396 = tpu.memref_squeeze %dma_start3A_1395 : memref<1x64x256xf32, #tpu.memory_space<vmem>> -> memref<64x256xf32, #tpu.memory_space<vmem>>
      %dma_start3A_1397 = arith.constant 0 : i32
      %dma_start3A_1398 = arith.constant 0 : i32
      %dma_start3A_1399 = tpu.memref_slice %arg7[%arg1, %run_scoped3A_1267, %dma_start3A_1397, %dma_start3A_1398] : memref<16x2x64x256xf32, #tpu.memory_space<vmem_shared>> -> memref<1x1x64x256xf32, #tpu.memory_space<vmem_shared>>
      %dma_start3A_1400 = tpu.memref_squeeze %dma_start3A_1399 : memref<1x1x64x256xf32, #tpu.memory_space<vmem_shared>> -> memref<64x256xf32, #tpu.memory_space<vmem_shared>>
      %dma_start3A_1401 = arith.constant 0 : i32
      %dma_start3A_1402 = arith.constant 0 : i32
      %dma_start3A_1403 = tpu.memref_slice %arg7[%arg1, %run_scoped3A_1267, %dma_start3A_1401, %dma_start3A_1402] : memref<16x2x64x256xf32, #tpu.memory_space<vmem_shared>> -> memref<1x1x64x256xf32, #tpu.memory_space<vmem_shared>>
      %dma_start3A_1404 = tpu.memref_squeeze %dma_start3A_1403 : memref<1x1x64x256xf32, #tpu.memory_space<vmem_shared>> -> memref<64x256xf32, #tpu.memory_space<vmem_shared>>
      %dma_start3A_1405 = arith.constant 0 : i32
      %dma_start3A_1406 = arith.constant 0 : i32
      %dma_start3A_1407 = tpu.memref_slice %arg6[%run_scoped3A_1266, %dma_start3A_1405, %dma_start3A_1406] : memref<4x64x256xf32, #tpu.memory_space<vmem>> -> memref<1x64x256xf32, #tpu.memory_space<vmem>>
      %dma_start3A_1408 = tpu.memref_squeeze %dma_start3A_1407 : memref<1x64x256xf32, #tpu.memory_space<vmem>> -> memref<64x256xf32, #tpu.memory_space<vmem>>
      tpu.enqueue_dma source(%dma_start3A_1408 : memref<64x256xf32, #tpu.memory_space<vmem>>) target(%dma_start3A_1404 : memref<64x256xf32, #tpu.memory_space<vmem_shared>>) target_semaphore(%run_scoped3A_1392 : memref<!tpu.dma_semaphore, #tpu.memory_space<semaphore_mem>>)
      %dma_wait3A_1409 = arith.constant 0 : i32
      %dma_wait3A_1410 = arith.constant 0 : i32
      %dma_wait3A_1411 = tpu.memref_slice %arg6[%run_scoped3A_1266, %dma_wait3A_1409, %dma_wait3A_1410] : memref<4x64x256xf32, #tpu.memory_space<vmem>> -> memref<1x64x256xf32, #tpu.memory_space<vmem>>
      %dma_wait3A_1412 = tpu.memref_squeeze %dma_wait3A_1411 : memref<1x64x256xf32, #tpu.memory_space<vmem>> -> memref<64x256xf32, #tpu.memory_space<vmem>>
      %dma_wait3A_1413 = arith.constant 0 : i32
      %dma_wait3A_1414 = arith.constant 0 : i32
      %dma_wait3A_1415 = tpu.memref_slice %arg7[%arg1, %run_scoped3A_1267, %dma_wait3A_1413, %dma_wait3A_1414] : memref<16x2x64x256xf32, #tpu.memory_space<vmem_shared>> -> memref<1x1x64x256xf32, #tpu.memory_space<vmem_shared>>
      %dma_wait3A_1416 = tpu.memref_squeeze %dma_wait3A_1415 : memref<1x1x64x256xf32, #tpu.memory_space<vmem_shared>> -> memref<64x256xf32, #tpu.memory_space<vmem_shared>>
      %dma_wait3A_1417 = arith.constant 0 : i32
      %dma_wait3A_1418 = arith.constant 0 : i32
      %dma_wait3A_1419 = tpu.memref_slice %arg7[%arg1, %run_scoped3A_1267, %dma_wait3A_1417, %dma_wait3A_1418] : memref<16x2x64x256xf32, #tpu.memory_space<vmem_shared>> -> memref<1x1x64x256xf32, #tpu.memory_space<vmem_shared>>
      %dma_wait3A_1420 = tpu.memref_squeeze %dma_wait3A_1419 : memref<1x1x64x256xf32, #tpu.memory_space<vmem_shared>> -> memref<64x256xf32, #tpu.memory_space<vmem_shared>>
      %dma_wait3A_1421 = arith.constant 0 : i32
      %dma_wait3A_1422 = arith.constant 0 : i32
      %dma_wait3A_1423 = tpu.memref_slice %arg6[%run_scoped3A_1266, %dma_wait3A_1421, %dma_wait3A_1422] : memref<4x64x256xf32, #tpu.memory_space<vmem>> -> memref<1x64x256xf32, #tpu.memory_space<vmem>>
      %dma_wait3A_1424 = tpu.memref_squeeze %dma_wait3A_1423 : memref<1x64x256xf32, #tpu.memory_space<vmem>> -> memref<64x256xf32, #tpu.memory_space<vmem>>
      tpu.wait_dma2 semaphore(%run_scoped3A_1392 : memref<!tpu.dma_semaphore, #tpu.memory_space<semaphore_mem>>) src(%dma_wait3A_1424 : memref<64x256xf32, #tpu.memory_space<vmem>>) dst(%dma_wait3A_1420 : memref<64x256xf32, #tpu.memory_space<vmem_shared>>)
      tpu.yield
    }) : () -> ()
    %add3A_1268 = arith.constant 320 : i32
    %add3A_1269 = arith.addi %mul3A_2, %add3A_1268 : i32
    %dma_start3A_1270 = arith.constant 1 : i32
    %dma_start3A_1271 = arith.constant 2 : i32
    %dma_start3A_1272 = arith.constant 0 : i32
    %dma_start3A_1273 = arith.constant 0 : i32
    %dma_start3A_1274 = tpu.memref_slice %arg4[%dma_start3A_1271, %dma_start3A_1272, %dma_start3A_1273] : memref<3x16384x256xf32, #tpu.memory_space<hbm>> -> memref<1x16384x256xf32, #tpu.memory_space<hbm>>
    %dma_start3A_1275 = tpu.memref_squeeze %dma_start3A_1274 : memref<1x16384x256xf32, #tpu.memory_space<hbm>> -> memref<16384x256xf32, #tpu.memory_space<hbm>>
    %dma_start3A_1276 = arith.constant 0 : i32
    %dma_start3A_1277 = tpu.memref_slice %dma_start3A_1275[%add3A_1269, %dma_start3A_1276] : memref<16384x256xf32, #tpu.memory_space<hbm>> -> memref<64x256xf32, #tpu.memory_space<hbm>>
    %dma_start3A_1278 = arith.constant 0 : i32
    %dma_start3A_1279 = arith.constant 0 : i32
    %dma_start3A_1280 = tpu.memref_slice %arg7[%arg1, %dma_start3A_1270, %dma_start3A_1278, %dma_start3A_1279] : memref<16x2x64x256xf32, #tpu.memory_space<vmem_shared>> -> memref<1x1x64x256xf32, #tpu.memory_space<vmem_shared>>
    %dma_start3A_1281 = tpu.memref_squeeze %dma_start3A_1280 : memref<1x1x64x256xf32, #tpu.memory_space<vmem_shared>> -> memref<64x256xf32, #tpu.memory_space<vmem_shared>>
    tpu.enqueue_dma source(%dma_start3A_1281 : memref<64x256xf32, #tpu.memory_space<vmem_shared>>) target(%dma_start3A_1277 : memref<64x256xf32, #tpu.memory_space<hbm>>) target_semaphore(%arg9 : memref<!tpu.dma_semaphore, #tpu.memory_space<semaphore_mem>>)
    %dma_wait3A_1282 = arith.constant 2 : i32
    %dma_wait3A_1283 = arith.constant 2 : i32
    %dma_wait3A_1284 = arith.constant 0 : i32
    %dma_wait3A_1285 = arith.constant 0 : i32
    %dma_wait3A_1286 = tpu.memref_slice %arg6[%dma_wait3A_1283, %dma_wait3A_1284, %dma_wait3A_1285] : memref<4x64x256xf32, #tpu.memory_space<vmem>> -> memref<1x64x256xf32, #tpu.memory_space<vmem>>
    %dma_wait3A_1287 = tpu.memref_squeeze %dma_wait3A_1286 : memref<1x64x256xf32, #tpu.memory_space<vmem>> -> memref<64x256xf32, #tpu.memory_space<vmem>>
    %dma_wait3A_1288 = arith.constant 384 : i32
    %dma_wait3A_1289 = tpu.memref_slice %arg5[%dma_wait3A_1288] : memref<512xi32, #tpu.memory_space<vmem>> -> memref<64xi32, #tpu.memory_space<vmem>>
    %dma_wait3A_1290 = arith.constant 0 : i32
    %dma_wait3A_1291 = arith.constant 0 : i32
    %dma_wait3A_1292 = tpu.memref_slice %arg3[%dma_wait3A_1282, %dma_wait3A_1290, %dma_wait3A_1291] : memref<3x100000x256xf32, #tpu.memory_space<hbm>> -> memref<1x100000x256xf32, #tpu.memory_space<hbm>>
    %dma_wait3A_1293 = tpu.memref_squeeze %dma_wait3A_1292 : memref<1x100000x256xf32, #tpu.memory_space<hbm>> -> memref<100000x256xf32, #tpu.memory_space<hbm>>
    %dma_wait3A_1294 = arith.constant 0 : i32
    %dma_wait3A_1295 = arith.constant 0 : i32
    %dma_wait3A_1296 = tpu.memref_slice %dma_wait3A_1293[%dma_wait3A_1294, %dma_wait3A_1295] : memref<100000x256xf32, #tpu.memory_space<hbm>> -> memref<100000x256xf32, #tpu.memory_space<hbm>>
    tpu.wait_indirect_dma semaphore(%arg8 : memref<!tpu.dma_semaphore, #tpu.memory_space<semaphore_mem>>) src(%dma_wait3A_1296 : memref<100000x256xf32, #tpu.memory_space<hbm>>) dst(%dma_wait3A_1287 : memref<64x256xf32, #tpu.memory_space<vmem>>)
    %dma_wait3A_1297 = arith.constant 0 : i32
    %dma_wait3A_1298 = arith.constant 2 : i32
    %dma_wait3A_1299 = arith.constant 0 : i32
    %dma_wait3A_1300 = arith.constant 0 : i32
    %dma_wait3A_1301 = tpu.memref_slice %arg4[%dma_wait3A_1298, %dma_wait3A_1299, %dma_wait3A_1300] : memref<3x16384x256xf32, #tpu.memory_space<hbm>> -> memref<1x16384x256xf32, #tpu.memory_space<hbm>>
    %dma_wait3A_1302 = tpu.memref_squeeze %dma_wait3A_1301 : memref<1x16384x256xf32, #tpu.memory_space<hbm>> -> memref<16384x256xf32, #tpu.memory_space<hbm>>
    %dma_wait3A_1303 = arith.constant 0 : i32
    %dma_wait3A_1304 = tpu.memref_slice %dma_wait3A_1302[%add3A_1226, %dma_wait3A_1303] : memref<16384x256xf32, #tpu.memory_space<hbm>> -> memref<64x256xf32, #tpu.memory_space<hbm>>
    %dma_wait3A_1305 = arith.constant 0 : i32
    %dma_wait3A_1306 = arith.constant 0 : i32
    %dma_wait3A_1307 = tpu.memref_slice %arg7[%arg1, %dma_wait3A_1297, %dma_wait3A_1305, %dma_wait3A_1306] : memref<16x2x64x256xf32, #tpu.memory_space<vmem_shared>> -> memref<1x1x64x256xf32, #tpu.memory_space<vmem_shared>>
    %dma_wait3A_1308 = tpu.memref_squeeze %dma_wait3A_1307 : memref<1x1x64x256xf32, #tpu.memory_space<vmem_shared>> -> memref<64x256xf32, #tpu.memory_space<vmem_shared>>
    tpu.wait_dma2 semaphore(%arg9 : memref<!tpu.dma_semaphore, #tpu.memory_space<semaphore_mem>>) src(%dma_wait3A_1308 : memref<64x256xf32, #tpu.memory_space<vmem_shared>>) dst(%dma_wait3A_1304 : memref<64x256xf32, #tpu.memory_space<hbm>>)
    %run_scoped3A_1309 = arith.constant 2 : i32
    %run_scoped3A_1310 = arith.constant 0 : i32
    "tpu.region"() ({
      %run_scoped3A_1392 = tpu.sem_alloc : memref<!tpu.dma_semaphore, #tpu.memory_space<semaphore_mem>>
      %dma_start3A_1393 = arith.constant 0 : i32
      %dma_start3A_1394 = arith.constant 0 : i32
      %dma_start3A_1395 = tpu.memref_slice %arg6[%run_scoped3A_1309, %dma_start3A_1393, %dma_start3A_1394] : memref<4x64x256xf32, #tpu.memory_space<vmem>> -> memref<1x64x256xf32, #tpu.memory_space<vmem>>
      %dma_start3A_1396 = tpu.memref_squeeze %dma_start3A_1395 : memref<1x64x256xf32, #tpu.memory_space<vmem>> -> memref<64x256xf32, #tpu.memory_space<vmem>>
      %dma_start3A_1397 = arith.constant 0 : i32
      %dma_start3A_1398 = arith.constant 0 : i32
      %dma_start3A_1399 = tpu.memref_slice %arg7[%arg1, %run_scoped3A_1310, %dma_start3A_1397, %dma_start3A_1398] : memref<16x2x64x256xf32, #tpu.memory_space<vmem_shared>> -> memref<1x1x64x256xf32, #tpu.memory_space<vmem_shared>>
      %dma_start3A_1400 = tpu.memref_squeeze %dma_start3A_1399 : memref<1x1x64x256xf32, #tpu.memory_space<vmem_shared>> -> memref<64x256xf32, #tpu.memory_space<vmem_shared>>
      %dma_start3A_1401 = arith.constant 0 : i32
      %dma_start3A_1402 = arith.constant 0 : i32
      %dma_start3A_1403 = tpu.memref_slice %arg7[%arg1, %run_scoped3A_1310, %dma_start3A_1401, %dma_start3A_1402] : memref<16x2x64x256xf32, #tpu.memory_space<vmem_shared>> -> memref<1x1x64x256xf32, #tpu.memory_space<vmem_shared>>
      %dma_start3A_1404 = tpu.memref_squeeze %dma_start3A_1403 : memref<1x1x64x256xf32, #tpu.memory_space<vmem_shared>> -> memref<64x256xf32, #tpu.memory_space<vmem_shared>>
      %dma_start3A_1405 = arith.constant 0 : i32
      %dma_start3A_1406 = arith.constant 0 : i32
      %dma_start3A_1407 = tpu.memref_slice %arg6[%run_scoped3A_1309, %dma_start3A_1405, %dma_start3A_1406] : memref<4x64x256xf32, #tpu.memory_space<vmem>> -> memref<1x64x256xf32, #tpu.memory_space<vmem>>
      %dma_start3A_1408 = tpu.memref_squeeze %dma_start3A_1407 : memref<1x64x256xf32, #tpu.memory_space<vmem>> -> memref<64x256xf32, #tpu.memory_space<vmem>>
      tpu.enqueue_dma source(%dma_start3A_1408 : memref<64x256xf32, #tpu.memory_space<vmem>>) target(%dma_start3A_1404 : memref<64x256xf32, #tpu.memory_space<vmem_shared>>) target_semaphore(%run_scoped3A_1392 : memref<!tpu.dma_semaphore, #tpu.memory_space<semaphore_mem>>)
      %dma_wait3A_1409 = arith.constant 0 : i32
      %dma_wait3A_1410 = arith.constant 0 : i32
      %dma_wait3A_1411 = tpu.memref_slice %arg6[%run_scoped3A_1309, %dma_wait3A_1409, %dma_wait3A_1410] : memref<4x64x256xf32, #tpu.memory_space<vmem>> -> memref<1x64x256xf32, #tpu.memory_space<vmem>>
      %dma_wait3A_1412 = tpu.memref_squeeze %dma_wait3A_1411 : memref<1x64x256xf32, #tpu.memory_space<vmem>> -> memref<64x256xf32, #tpu.memory_space<vmem>>
      %dma_wait3A_1413 = arith.constant 0 : i32
      %dma_wait3A_1414 = arith.constant 0 : i32
      %dma_wait3A_1415 = tpu.memref_slice %arg7[%arg1, %run_scoped3A_1310, %dma_wait3A_1413, %dma_wait3A_1414] : memref<16x2x64x256xf32, #tpu.memory_space<vmem_shared>> -> memref<1x1x64x256xf32, #tpu.memory_space<vmem_shared>>
      %dma_wait3A_1416 = tpu.memref_squeeze %dma_wait3A_1415 : memref<1x1x64x256xf32, #tpu.memory_space<vmem_shared>> -> memref<64x256xf32, #tpu.memory_space<vmem_shared>>
      %dma_wait3A_1417 = arith.constant 0 : i32
      %dma_wait3A_1418 = arith.constant 0 : i32
      %dma_wait3A_1419 = tpu.memref_slice %arg7[%arg1, %run_scoped3A_1310, %dma_wait3A_1417, %dma_wait3A_1418] : memref<16x2x64x256xf32, #tpu.memory_space<vmem_shared>> -> memref<1x1x64x256xf32, #tpu.memory_space<vmem_shared>>
      %dma_wait3A_1420 = tpu.memref_squeeze %dma_wait3A_1419 : memref<1x1x64x256xf32, #tpu.memory_space<vmem_shared>> -> memref<64x256xf32, #tpu.memory_space<vmem_shared>>
      %dma_wait3A_1421 = arith.constant 0 : i32
      %dma_wait3A_1422 = arith.constant 0 : i32
      %dma_wait3A_1423 = tpu.memref_slice %arg6[%run_scoped3A_1309, %dma_wait3A_1421, %dma_wait3A_1422] : memref<4x64x256xf32, #tpu.memory_space<vmem>> -> memref<1x64x256xf32, #tpu.memory_space<vmem>>
      %dma_wait3A_1424 = tpu.memref_squeeze %dma_wait3A_1423 : memref<1x64x256xf32, #tpu.memory_space<vmem>> -> memref<64x256xf32, #tpu.memory_space<vmem>>
      tpu.wait_dma2 semaphore(%run_scoped3A_1392 : memref<!tpu.dma_semaphore, #tpu.memory_space<semaphore_mem>>) src(%dma_wait3A_1424 : memref<64x256xf32, #tpu.memory_space<vmem>>) dst(%dma_wait3A_1420 : memref<64x256xf32, #tpu.memory_space<vmem_shared>>)
      tpu.yield
    }) : () -> ()
    %add3A_1311 = arith.constant 384 : i32
    %add3A_1312 = arith.addi %mul3A_2, %add3A_1311 : i32
    %dma_start3A_1313 = arith.constant 0 : i32
    %dma_start3A_1314 = arith.constant 2 : i32
    %dma_start3A_1315 = arith.constant 0 : i32
    %dma_start3A_1316 = arith.constant 0 : i32
    %dma_start3A_1317 = tpu.memref_slice %arg4[%dma_start3A_1314, %dma_start3A_1315, %dma_start3A_1316] : memref<3x16384x256xf32, #tpu.memory_space<hbm>> -> memref<1x16384x256xf32, #tpu.memory_space<hbm>>
    %dma_start3A_1318 = tpu.memref_squeeze %dma_start3A_1317 : memref<1x16384x256xf32, #tpu.memory_space<hbm>> -> memref<16384x256xf32, #tpu.memory_space<hbm>>
    %dma_start3A_1319 = arith.constant 0 : i32
    %dma_start3A_1320 = tpu.memref_slice %dma_start3A_1318[%add3A_1312, %dma_start3A_1319] : memref<16384x256xf32, #tpu.memory_space<hbm>> -> memref<64x256xf32, #tpu.memory_space<hbm>>
    %dma_start3A_1321 = arith.constant 0 : i32
    %dma_start3A_1322 = arith.constant 0 : i32
    %dma_start3A_1323 = tpu.memref_slice %arg7[%arg1, %dma_start3A_1313, %dma_start3A_1321, %dma_start3A_1322] : memref<16x2x64x256xf32, #tpu.memory_space<vmem_shared>> -> memref<1x1x64x256xf32, #tpu.memory_space<vmem_shared>>
    %dma_start3A_1324 = tpu.memref_squeeze %dma_start3A_1323 : memref<1x1x64x256xf32, #tpu.memory_space<vmem_shared>> -> memref<64x256xf32, #tpu.memory_space<vmem_shared>>
    tpu.enqueue_dma source(%dma_start3A_1324 : memref<64x256xf32, #tpu.memory_space<vmem_shared>>) target(%dma_start3A_1320 : memref<64x256xf32, #tpu.memory_space<hbm>>) target_semaphore(%arg9 : memref<!tpu.dma_semaphore, #tpu.memory_space<semaphore_mem>>)
    %dma_wait3A_1325 = arith.constant 2 : i32
    %dma_wait3A_1326 = arith.constant 3 : i32
    %dma_wait3A_1327 = arith.constant 0 : i32
    %dma_wait3A_1328 = arith.constant 0 : i32
    %dma_wait3A_1329 = tpu.memref_slice %arg6[%dma_wait3A_1326, %dma_wait3A_1327, %dma_wait3A_1328] : memref<4x64x256xf32, #tpu.memory_space<vmem>> -> memref<1x64x256xf32, #tpu.memory_space<vmem>>
    %dma_wait3A_1330 = tpu.memref_squeeze %dma_wait3A_1329 : memref<1x64x256xf32, #tpu.memory_space<vmem>> -> memref<64x256xf32, #tpu.memory_space<vmem>>
    %dma_wait3A_1331 = arith.constant 448 : i32
    %dma_wait3A_1332 = tpu.memref_slice %arg5[%dma_wait3A_1331] : memref<512xi32, #tpu.memory_space<vmem>> -> memref<64xi32, #tpu.memory_space<vmem>>
    %dma_wait3A_1333 = arith.constant 0 : i32
    %dma_wait3A_1334 = arith.constant 0 : i32
    %dma_wait3A_1335 = tpu.memref_slice %arg3[%dma_wait3A_1325, %dma_wait3A_1333, %dma_wait3A_1334] : memref<3x100000x256xf32, #tpu.memory_space<hbm>> -> memref<1x100000x256xf32, #tpu.memory_space<hbm>>
    %dma_wait3A_1336 = tpu.memref_squeeze %dma_wait3A_1335 : memref<1x100000x256xf32, #tpu.memory_space<hbm>> -> memref<100000x256xf32, #tpu.memory_space<hbm>>
    %dma_wait3A_1337 = arith.constant 0 : i32
    %dma_wait3A_1338 = arith.constant 0 : i32
    %dma_wait3A_1339 = tpu.memref_slice %dma_wait3A_1336[%dma_wait3A_1337, %dma_wait3A_1338] : memref<100000x256xf32, #tpu.memory_space<hbm>> -> memref<100000x256xf32, #tpu.memory_space<hbm>>
    tpu.wait_indirect_dma semaphore(%arg8 : memref<!tpu.dma_semaphore, #tpu.memory_space<semaphore_mem>>) src(%dma_wait3A_1339 : memref<100000x256xf32, #tpu.memory_space<hbm>>) dst(%dma_wait3A_1330 : memref<64x256xf32, #tpu.memory_space<vmem>>)
    %dma_wait3A_1340 = arith.constant 1 : i32
    %dma_wait3A_1341 = arith.constant 2 : i32
    %dma_wait3A_1342 = arith.constant 0 : i32
    %dma_wait3A_1343 = arith.constant 0 : i32
    %dma_wait3A_1344 = tpu.memref_slice %arg4[%dma_wait3A_1341, %dma_wait3A_1342, %dma_wait3A_1343] : memref<3x16384x256xf32, #tpu.memory_space<hbm>> -> memref<1x16384x256xf32, #tpu.memory_space<hbm>>
    %dma_wait3A_1345 = tpu.memref_squeeze %dma_wait3A_1344 : memref<1x16384x256xf32, #tpu.memory_space<hbm>> -> memref<16384x256xf32, #tpu.memory_space<hbm>>
    %dma_wait3A_1346 = arith.constant 0 : i32
    %dma_wait3A_1347 = tpu.memref_slice %dma_wait3A_1345[%add3A_1269, %dma_wait3A_1346] : memref<16384x256xf32, #tpu.memory_space<hbm>> -> memref<64x256xf32, #tpu.memory_space<hbm>>
    %dma_wait3A_1348 = arith.constant 0 : i32
    %dma_wait3A_1349 = arith.constant 0 : i32
    %dma_wait3A_1350 = tpu.memref_slice %arg7[%arg1, %dma_wait3A_1340, %dma_wait3A_1348, %dma_wait3A_1349] : memref<16x2x64x256xf32, #tpu.memory_space<vmem_shared>> -> memref<1x1x64x256xf32, #tpu.memory_space<vmem_shared>>
    %dma_wait3A_1351 = tpu.memref_squeeze %dma_wait3A_1350 : memref<1x1x64x256xf32, #tpu.memory_space<vmem_shared>> -> memref<64x256xf32, #tpu.memory_space<vmem_shared>>
    tpu.wait_dma2 semaphore(%arg9 : memref<!tpu.dma_semaphore, #tpu.memory_space<semaphore_mem>>) src(%dma_wait3A_1351 : memref<64x256xf32, #tpu.memory_space<vmem_shared>>) dst(%dma_wait3A_1347 : memref<64x256xf32, #tpu.memory_space<hbm>>)
    %run_scoped3A_1352 = arith.constant 3 : i32
    %run_scoped3A_1353 = arith.constant 1 : i32
    "tpu.region"() ({
      %run_scoped3A_1392 = tpu.sem_alloc : memref<!tpu.dma_semaphore, #tpu.memory_space<semaphore_mem>>
      %dma_start3A_1393 = arith.constant 0 : i32
      %dma_start3A_1394 = arith.constant 0 : i32
      %dma_start3A_1395 = tpu.memref_slice %arg6[%run_scoped3A_1352, %dma_start3A_1393, %dma_start3A_1394] : memref<4x64x256xf32, #tpu.memory_space<vmem>> -> memref<1x64x256xf32, #tpu.memory_space<vmem>>
      %dma_start3A_1396 = tpu.memref_squeeze %dma_start3A_1395 : memref<1x64x256xf32, #tpu.memory_space<vmem>> -> memref<64x256xf32, #tpu.memory_space<vmem>>
      %dma_start3A_1397 = arith.constant 0 : i32
      %dma_start3A_1398 = arith.constant 0 : i32
      %dma_start3A_1399 = tpu.memref_slice %arg7[%arg1, %run_scoped3A_1353, %dma_start3A_1397, %dma_start3A_1398] : memref<16x2x64x256xf32, #tpu.memory_space<vmem_shared>> -> memref<1x1x64x256xf32, #tpu.memory_space<vmem_shared>>
      %dma_start3A_1400 = tpu.memref_squeeze %dma_start3A_1399 : memref<1x1x64x256xf32, #tpu.memory_space<vmem_shared>> -> memref<64x256xf32, #tpu.memory_space<vmem_shared>>
      %dma_start3A_1401 = arith.constant 0 : i32
      %dma_start3A_1402 = arith.constant 0 : i32
      %dma_start3A_1403 = tpu.memref_slice %arg7[%arg1, %run_scoped3A_1353, %dma_start3A_1401, %dma_start3A_1402] : memref<16x2x64x256xf32, #tpu.memory_space<vmem_shared>> -> memref<1x1x64x256xf32, #tpu.memory_space<vmem_shared>>
      %dma_start3A_1404 = tpu.memref_squeeze %dma_start3A_1403 : memref<1x1x64x256xf32, #tpu.memory_space<vmem_shared>> -> memref<64x256xf32, #tpu.memory_space<vmem_shared>>
      %dma_start3A_1405 = arith.constant 0 : i32
      %dma_start3A_1406 = arith.constant 0 : i32
      %dma_start3A_1407 = tpu.memref_slice %arg6[%run_scoped3A_1352, %dma_start3A_1405, %dma_start3A_1406] : memref<4x64x256xf32, #tpu.memory_space<vmem>> -> memref<1x64x256xf32, #tpu.memory_space<vmem>>
      %dma_start3A_1408 = tpu.memref_squeeze %dma_start3A_1407 : memref<1x64x256xf32, #tpu.memory_space<vmem>> -> memref<64x256xf32, #tpu.memory_space<vmem>>
      tpu.enqueue_dma source(%dma_start3A_1408 : memref<64x256xf32, #tpu.memory_space<vmem>>) target(%dma_start3A_1404 : memref<64x256xf32, #tpu.memory_space<vmem_shared>>) target_semaphore(%run_scoped3A_1392 : memref<!tpu.dma_semaphore, #tpu.memory_space<semaphore_mem>>)
      %dma_wait3A_1409 = arith.constant 0 : i32
      %dma_wait3A_1410 = arith.constant 0 : i32
      %dma_wait3A_1411 = tpu.memref_slice %arg6[%run_scoped3A_1352, %dma_wait3A_1409, %dma_wait3A_1410] : memref<4x64x256xf32, #tpu.memory_space<vmem>> -> memref<1x64x256xf32, #tpu.memory_space<vmem>>
      %dma_wait3A_1412 = tpu.memref_squeeze %dma_wait3A_1411 : memref<1x64x256xf32, #tpu.memory_space<vmem>> -> memref<64x256xf32, #tpu.memory_space<vmem>>
      %dma_wait3A_1413 = arith.constant 0 : i32
      %dma_wait3A_1414 = arith.constant 0 : i32
      %dma_wait3A_1415 = tpu.memref_slice %arg7[%arg1, %run_scoped3A_1353, %dma_wait3A_1413, %dma_wait3A_1414] : memref<16x2x64x256xf32, #tpu.memory_space<vmem_shared>> -> memref<1x1x64x256xf32, #tpu.memory_space<vmem_shared>>
      %dma_wait3A_1416 = tpu.memref_squeeze %dma_wait3A_1415 : memref<1x1x64x256xf32, #tpu.memory_space<vmem_shared>> -> memref<64x256xf32, #tpu.memory_space<vmem_shared>>
      %dma_wait3A_1417 = arith.constant 0 : i32
      %dma_wait3A_1418 = arith.constant 0 : i32
      %dma_wait3A_1419 = tpu.memref_slice %arg7[%arg1, %run_scoped3A_1353, %dma_wait3A_1417, %dma_wait3A_1418] : memref<16x2x64x256xf32, #tpu.memory_space<vmem_shared>> -> memref<1x1x64x256xf32, #tpu.memory_space<vmem_shared>>
      %dma_wait3A_1420 = tpu.memref_squeeze %dma_wait3A_1419 : memref<1x1x64x256xf32, #tpu.memory_space<vmem_shared>> -> memref<64x256xf32, #tpu.memory_space<vmem_shared>>
      %dma_wait3A_1421 = arith.constant 0 : i32
      %dma_wait3A_1422 = arith.constant 0 : i32
      %dma_wait3A_1423 = tpu.memref_slice %arg6[%run_scoped3A_1352, %dma_wait3A_1421, %dma_wait3A_1422] : memref<4x64x256xf32, #tpu.memory_space<vmem>> -> memref<1x64x256xf32, #tpu.memory_space<vmem>>
      %dma_wait3A_1424 = tpu.memref_squeeze %dma_wait3A_1423 : memref<1x64x256xf32, #tpu.memory_space<vmem>> -> memref<64x256xf32, #tpu.memory_space<vmem>>
      tpu.wait_dma2 semaphore(%run_scoped3A_1392 : memref<!tpu.dma_semaphore, #tpu.memory_space<semaphore_mem>>) src(%dma_wait3A_1424 : memref<64x256xf32, #tpu.memory_space<vmem>>) dst(%dma_wait3A_1420 : memref<64x256xf32, #tpu.memory_space<vmem_shared>>)
      tpu.yield
    }) : () -> ()
    %add3A_1354 = arith.constant 448 : i32
    %add3A_1355 = arith.addi %mul3A_2, %add3A_1354 : i32
    %dma_start3A_1356 = arith.constant 1 : i32
    %dma_start3A_1357 = arith.constant 2 : i32
    %dma_start3A_1358 = arith.constant 0 : i32
    %dma_start3A_1359 = arith.constant 0 : i32
    %dma_start3A_1360 = tpu.memref_slice %arg4[%dma_start3A_1357, %dma_start3A_1358, %dma_start3A_1359] : memref<3x16384x256xf32, #tpu.memory_space<hbm>> -> memref<1x16384x256xf32, #tpu.memory_space<hbm>>
    %dma_start3A_1361 = tpu.memref_squeeze %dma_start3A_1360 : memref<1x16384x256xf32, #tpu.memory_space<hbm>> -> memref<16384x256xf32, #tpu.memory_space<hbm>>
    %dma_start3A_1362 = arith.constant 0 : i32
    %dma_start3A_1363 = tpu.memref_slice %dma_start3A_1361[%add3A_1355, %dma_start3A_1362] : memref<16384x256xf32, #tpu.memory_space<hbm>> -> memref<64x256xf32, #tpu.memory_space<hbm>>
    %dma_start3A_1364 = arith.constant 0 : i32
    %dma_start3A_1365 = arith.constant 0 : i32
    %dma_start3A_1366 = tpu.memref_slice %arg7[%arg1, %dma_start3A_1356, %dma_start3A_1364, %dma_start3A_1365] : memref<16x2x64x256xf32, #tpu.memory_space<vmem_shared>> -> memref<1x1x64x256xf32, #tpu.memory_space<vmem_shared>>
    %dma_start3A_1367 = tpu.memref_squeeze %dma_start3A_1366 : memref<1x1x64x256xf32, #tpu.memory_space<vmem_shared>> -> memref<64x256xf32, #tpu.memory_space<vmem_shared>>
    tpu.enqueue_dma source(%dma_start3A_1367 : memref<64x256xf32, #tpu.memory_space<vmem_shared>>) target(%dma_start3A_1363 : memref<64x256xf32, #tpu.memory_space<hbm>>) target_semaphore(%arg9 : memref<!tpu.dma_semaphore, #tpu.memory_space<semaphore_mem>>)
    %dma_wait3A_1368 = arith.constant 0 : i32
    %dma_wait3A_1369 = arith.constant 2 : i32
    %dma_wait3A_1370 = arith.constant 0 : i32
    %dma_wait3A_1371 = arith.constant 0 : i32
    %dma_wait3A_1372 = tpu.memref_slice %arg4[%dma_wait3A_1369, %dma_wait3A_1370, %dma_wait3A_1371] : memref<3x16384x256xf32, #tpu.memory_space<hbm>> -> memref<1x16384x256xf32, #tpu.memory_space<hbm>>
    %dma_wait3A_1373 = tpu.memref_squeeze %dma_wait3A_1372 : memref<1x16384x256xf32, #tpu.memory_space<hbm>> -> memref<16384x256xf32, #tpu.memory_space<hbm>>
    %dma_wait3A_1374 = arith.constant 0 : i32
    %dma_wait3A_1375 = tpu.memref_slice %dma_wait3A_1373[%add3A_1312, %dma_wait3A_1374] : memref<16384x256xf32, #tpu.memory_space<hbm>> -> memref<64x256xf32, #tpu.memory_space<hbm>>
    %dma_wait3A_1376 = arith.constant 0 : i32
    %dma_wait3A_1377 = arith.constant 0 : i32
    %dma_wait3A_1378 = tpu.memref_slice %arg7[%arg1, %dma_wait3A_1368, %dma_wait3A_1376, %dma_wait3A_1377] : memref<16x2x64x256xf32, #tpu.memory_space<vmem_shared>> -> memref<1x1x64x256xf32, #tpu.memory_space<vmem_shared>>
    %dma_wait3A_1379 = tpu.memref_squeeze %dma_wait3A_1378 : memref<1x1x64x256xf32, #tpu.memory_space<vmem_shared>> -> memref<64x256xf32, #tpu.memory_space<vmem_shared>>
    tpu.wait_dma2 semaphore(%arg9 : memref<!tpu.dma_semaphore, #tpu.memory_space<semaphore_mem>>) src(%dma_wait3A_1379 : memref<64x256xf32, #tpu.memory_space<vmem_shared>>) dst(%dma_wait3A_1375 : memref<64x256xf32, #tpu.memory_space<hbm>>)
    %dma_wait3A_1380 = arith.constant 1 : i32
    %dma_wait3A_1381 = arith.constant 2 : i32
    %dma_wait3A_1382 = arith.constant 0 : i32
    %dma_wait3A_1383 = arith.constant 0 : i32
    %dma_wait3A_1384 = tpu.memref_slice %arg4[%dma_wait3A_1381, %dma_wait3A_1382, %dma_wait3A_1383] : memref<3x16384x256xf32, #tpu.memory_space<hbm>> -> memref<1x16384x256xf32, #tpu.memory_space<hbm>>
    %dma_wait3A_1385 = tpu.memref_squeeze %dma_wait3A_1384 : memref<1x16384x256xf32, #tpu.memory_space<hbm>> -> memref<16384x256xf32, #tpu.memory_space<hbm>>
    %dma_wait3A_1386 = arith.constant 0 : i32
    %dma_wait3A_1387 = tpu.memref_slice %dma_wait3A_1385[%add3A_1355, %dma_wait3A_1386] : memref<16384x256xf32, #tpu.memory_space<hbm>> -> memref<64x256xf32, #tpu.memory_space<hbm>>
    %dma_wait3A_1388 = arith.constant 0 : i32
    %dma_wait3A_1389 = arith.constant 0 : i32
    %dma_wait3A_1390 = tpu.memref_slice %arg7[%arg1, %dma_wait3A_1380, %dma_wait3A_1388, %dma_wait3A_1389] : memref<16x2x64x256xf32, #tpu.memory_space<vmem_shared>> -> memref<1x1x64x256xf32, #tpu.memory_space<vmem_shared>>
    %dma_wait3A_1391 = tpu.memref_squeeze %dma_wait3A_1390 : memref<1x1x64x256xf32, #tpu.memory_space<vmem_shared>> -> memref<64x256xf32, #tpu.memory_space<vmem_shared>>
    tpu.wait_dma2 semaphore(%arg9 : memref<!tpu.dma_semaphore, #tpu.memory_space<semaphore_mem>>) src(%dma_wait3A_1391 : memref<64x256xf32, #tpu.memory_space<vmem_shared>>) dst(%dma_wait3A_1387 : memref<64x256xf32, #tpu.memory_space<hbm>>)
    return
  }
}

</mosaic_0001>

<sc_bundles>
// kernel: _gather_rows.3.cloned.1.call-start
scs
__scs_entry_jumppad:
0x0: {  	(pc) =	sbr.rel $0x88, $3  }
0x1: {  	(tag) =	ssettag $0x0;
	lr =	simm.s32 $0x1  }
0x2: {  	[smem:$0x3F9F] =	sst lr;
	_ =	strace $0xD0000000  }
0x3: {  	_ = 	snop  }
0x4: {  	_ = 	snop  }
0x5: {  	_ = 	snop  }
0x6: {  	_ = 	snop  }
0x7: {  	_ = 	snop  }
__scs_overlays_trampoline_lowered:
0x8: {  	[smem:$0x3FAE] =	sst s0  }
0x9: {  	[smem:$0x3FAF] =	sst s1  }
0xa: {  	[smem:$0x3FB0] =	sst s2  }
0xb: {  	[smem:$0x3FB1] =	sst s3  }
0xc: {  	[smem:$0x3FB2] =	sst s4  }
0xd: {  	[smem:$0x3FB3] =	sst s5  }
0xe: {  	[smem:$0x3FB4] =	sst s6  }
0xf: {  	[smem:$0x3FB5] =	sst s7  }
0x10: {  	[smem:$0x3FB6] =	sst s8  }
0x11: {  	[smem:$0x3FB7] =	sst s9;
	s0 =	simm.s32 @!p0 $0x0  }
0x12: {  	s1 =	sld [smem:$0x3F9D];
	s0 =	simm.s32 @p0 $0x1  }
0x13: {  	[smem:$0x3FB8] =	sst s0;
	s0 =	simm.s32 @!p1 $0x0  }
0x14: {  	s2 =	sld [smem:$0x3F9C];
	s0 =	simm.s32 @p1 $0x1  }
0x15: {  	[smem:$0x3FB9] =	sst s0;
	s0 =	simm.s32 @!p2 $0x0  }
0x16: {  	s3 =	sld [smem:$0x3FDB];
	s0 =	simm.s32 @p2 $0x1  }
0x17: {  	s4 =	simm.s32 $0x1BF5;
	[smem:$0x3FBB] =	sst s0  }
0x18: {  	s0 =	sld [smem:$0x3F9E];
	_ =	swait.ge [sflag:s4], $0x0  }
0x19: {  	s7 =	sld [smem:$0x3F9F]  }
0x1a: {  	s8 =	sadd.s32 $0xFFFFE003, lr  }
0x1b: {  	s9 =	sadd.s32 $0xFFFFFEF7, lr;
	s5 =	simm.s32 $0xFFFFFFFF;
	p2 =	slt.u32 s8, $0xFFFFF086  }
0x1c: {  	p1 =	slt.u32 s9, $0xF7A;
	s5 =	simm.s32 @!p2 $0x0  }
0x1d: {  	s5 =	simm.s32 @p1 $0x1;
	p0 =	seq.s32 s7, s2  }
0x1e: {  	s7 =	smul.u32 @!p0 $0xF7A, s2;
	p2 =	seq.s32 @!p0 s5, $0x0  }
0x1f: {  	s9 =	smul.u32 $0xF7A, s1;
	s8 =	simm.s32 @!p0 $0x1BF5;
	p2 =	por !p2, p0  }
0x20: {  	[sflag:s8] =	ssyncset.s32 @!p0 $0xFFFFF086;
	s6 =	sadd.s32 @!p0 s3, s7;
	s7 =	simm.s32 @!p0 $0x108  }
0x21: {  	s3 =	sadd.s32 s3, s9;
	s6 =	sadd.s32 @!p0 $0x88, s6;
	s7 =	simm.s32 @p2 $0x1082  }
0x22: {  	[simem:s7], [sflag:s8] =	dma.local @!p0 [hbm:s6], $0xF7A  }
0x23: {  	s9 =	sor.u32 $0xD0000000, s2;
	s6 =	simm.s32 $0x108;
	_ =	swait.ge @!p0 [sflag:s8], $0x0  }
0x24: {  	s3 =	sadd.s32 $0x88, s3;
	s6 =	simm.s32 @!p1 $0x1082;
	[sflag:s4] =	ssyncset.s32 $0xFFFFF086  }
0x25: {  	[simem:s6], [sflag:s4] =	dma.local [hbm:s3], $0xF7A  }
0x26: {  	[smem:$0x3F9F] =	sst s1;
	(tag) =	ssettag s2;
	_ =	strace s9  }
0x27: {  	s1 =	sld [smem:$0x3FAF]  }
0x28: {  	s2 =	sld [smem:$0x3FB0]  }
0x29: {  	s4 =	sld [smem:$0x3FB2]  }
0x2a: {  	p0 =	seq.s32 s5, $0x0;
	s5 =	sld [smem:$0x3FB3]  }
0x2b: {  	s6 =	sld [smem:$0x3FB4]  }
0x2c: {  	s7 =	sld [smem:$0x3FB5]  }
0x2d: {  	s3 =	simm.s32 $0x108;
	s8 =	sld [smem:$0x3FB6]  }
0x2e: {  	s3 =	simm.s32 @!p0 $0x1082;
	s9 =	sld [smem:$0x3FB7]  }
0x2f: {  	lr =	sadd.s32 s0, s3;
	s0 =	sld [smem:$0x3FAE]  }
0x30: {  	s3 =	sld [smem:$0x3FB1]  }
0x31: {  	[smem:$0x3FBA] =	sst s10  }
0x32: {  	s10 =	sld [smem:$0x3FB8];
	_ =	sdelay $0x3  }
0x33: {  	p0 =	seq.s32 s10, $0x1;
	s10 =	sld [smem:$0x3FBA];
	_ =	sdelay $0x3  }
0x34: {  	[smem:$0x3FBA] =	sst s10  }
0x35: {  	s10 =	sld [smem:$0x3FB9];
	_ =	sdelay $0x3  }
0x36: {  	p1 =	seq.s32 s10, $0x1;
	s10 =	sld [smem:$0x3FBA];
	_ =	sdelay $0x3  }
0x37: {  	[smem:$0x3FBA] =	sst s10  }
0x38: {  	s10 =	sld [smem:$0x3FBB]  }
0x39: {  	_ = 	snop;
	(pc) =	sbr.ind lr, $3  }
0x3a: {  	_ = 	snop  }
0x3b: {  	_ = 	snop  }
0x3c: {  	p2 =	seq.s32 s10, $0x1;
	s10 =	sld [smem:$0x3FBA]  }
0x3d: {  	_ =	shalt  }
0x3e: {  	_ =	shalt  }
0x3f: {  	_ =	shalt  }
0x40: {  	_ =	shalt  }
0x41: {  	_ =	shalt  }
0x42: {  	_ =	shalt  }
0x43: {  	_ =	shalt  }
0x44: {  	_ =	shalt  }
0x45: {  	_ =	shalt  }
0x46: {  	_ =	shalt  }
0x47: {  	_ =	shalt  }
0x48: {  	_ =	shalt  }
0x49: {  	_ =	shalt  }
0x4a: {  	_ =	shalt  }
0x4b: {  	_ =	shalt  }
0x4c: {  	_ =	shalt  }
0x4d: {  	_ =	shalt  }
0x4e: {  	_ =	shalt  }
0x4f: {  	_ =	shalt  }
0x50: {  	_ =	shalt  }
0x51: {  	_ =	shalt  }
0x52: {  	_ =	shalt  }
0x53: {  	_ =	shalt  }
0x54: {  	_ =	shalt  }
0x55: {  	_ =	shalt  }
0x56: {  	_ =	shalt  }
0x57: {  	_ =	shalt  }
0x58: {  	_ =	shalt  }
0x59: {  	_ =	shalt  }
0x5a: {  	_ =	shalt  }
0x5b: {  	_ =	shalt  }
0x5c: {  	_ =	shalt  }
0x5d: {  	_ =	shalt  }
0x5e: {  	_ =	shalt  }
0x5f: {  	_ =	shalt  }
0x60: {  	_ =	shalt  }
0x61: {  	_ =	shalt  }
0x62: {  	_ =	shalt  }
0x63: {  	_ =	shalt  }
0x64: {  	_ =	shalt  }
0x65: {  	_ =	shalt  }
0x66: {  	_ =	shalt  }
0x67: {  	_ =	shalt  }
0x68: {  	_ =	shalt  }
0x69: {  	_ =	shalt  }
0x6a: {  	_ =	shalt  }
0x6b: {  	_ =	shalt  }
0x6c: {  	_ =	shalt  }
0x6d: {  	_ =	shalt  }
0x6e: {  	_ =	shalt  }
0x6f: {  	_ =	shalt  }
0x70: {  	_ =	shalt  }
0x71: {  	_ =	shalt  }
0x72: {  	_ =	shalt  }
0x73: {  	_ =	shalt  }
0x74: {  	_ =	shalt  }
0x75: {  	_ =	shalt  }
0x76: {  	_ =	shalt  }
0x77: {  	_ =	shalt  }
0x78: {  	_ =	shalt  }
0x79: {  	_ =	shalt  }
0x7a: {  	_ =	shalt  }
0x7b: {  	_ =	shalt  }
0x7c: {  	_ =	shalt  }
0x7d: {  	_ =	shalt  }
0x7e: {  	_ =	shalt  }
0x7f: {  	_ =	shalt  }
0x80: {  	_ =	shalt  }
0x81: {  	_ =	shalt  }
0x82: {  	_ =	shalt  }
0x83: {  	_ =	shalt  }
0x84: {  	_ =	shalt  }
0x85: {  	_ =	shalt  }
0x86: {  	_ =	shalt  }
0x87: {  	_ =	shalt  }
.Lfunc_end0:
.L_simem_size_0:
called_computation_lowered:
.L_overlay_start_0:
0x88: {  	s2 =	sld [smem:$0x3FD9]  }
0x89: {  	s3 =	sld [smem:$0x3FFE];
	_ =	sdelay $0x1  }
0x8a: {  	s1 =	srdreg.scid  }
0x8b: {  	s0 =	sand.u32 $0x1, s1  }
0x8c: {  	s18 =	sshll.u32 s0, $0xA;
	s2 =	sadd.s32 s3, s2  }
0x8d: {  	s2 =	sadd.s32 s2, s18  }
0x8e: {  	[smem:$0x3FC6] =	sst s2  }
0x8f: {  	_ = 	snop  }
0x90: {  	s2 =	sld [smem:$0x3FC9]  }
0x91: {  	s19 =	sld [smem:$0x3FC8]  }
0x92: {  	s4 =	sld [smem:$0x3FD0];
	(tm) =	ssettm $0x1  }
0x93: {  	s5 =	sld [smem:$0x3FFB];
	_ =	sdelay $0x3  }
0x94: {  	_ =	strace s5  }
0x95: {  	s5 =	sld [smem:$0x3FFC];
	_ =	sdelay $0x3  }
0x96: {  	_ =	strace s5  }
0x97: {  	s5 =	sld [smem:$0x3FFD];
	_ =	sdelay $0x3  }
0x98: {  	_ =	strace s5  }
0x99: {  	_ =	strace $0x8FFFFFFF  }
0x9a: {  	s20 =	sld [smem:$0x3FDB];
	_ =	sdelay $0x1  }
0x9b: {  	s6 =	simm.s32 $_scs_section_size  }
0x9c: {  	s7 =	simm.s32 $_size__tile_overlayer_lowered;
	s8 =	simm.s32 $_tile_overlayer_lowered  }
0x9d: {  	s23 =	simm.s32 $0x1BFF;
	s22 =	sshll.u32 s8, $0x1;
	s5 =	sadd.s32 s6, s20  }
0x9e: {  	s9 =	simm.s32 $0x0;
	s21 =	sshll.u32 s7, $0x1;
	s7 =	sadd.s32 s22, s5  }
0x9f: {  	[timem:s9], [sflag:s23] =	dma.local [hbm:s7], s21  }
0xa0: {  	_ =	swait.ge [sflag:s23], s21  }
0xa1: {  	s6 =	ssub.s32 $0x0, s21;
	[sflag:s23] =	ssyncset.done $0x0  }
0xa2: {  	[sflag:s23] =	ssyncadd.s32 s6;
	_ =	sdelay $0x1  }
0xa3: {  	s24 =	simm.s32 $0x1B8B  }
0xa4: {  	_ =	swait.ge [sflag:s24], $0x1  }
0xa5: {  	[sflag:s24] =	ssyncset.done $0x0  }
0xa6: {  	s25 =	simm.s32 $0x1B8E;
	[sflag:s24] =	ssyncadd.s32 $0xFFFFFFFF  }
0xa7: {  	s26 =	simm.s32 $execute0_lowered;
	[smem:$0x3FD2] =	sst s25  }
0xa8: {  	s6 =	sshll.u32 s26, $0x1;
	_ =	strace $0x80000046;
	[dreg:$0x1] =	wrdreg $0xFFFFFFFF  }
0xa9: {  	s28 =	simm.s32 $_size_execute0_lowered;
	s5 =	sadd.s32 s5, s6;
	[dreg:$0x0] =	wrdreg $0x0  }
0xaa: {  	s6 =	sshll.u32 s28, $0x1;
	[dreg:$0x2] =	wrdreg s5  }
0xab: {  	[dreg:$0x3] =	wrdreg s6  }
0xac: {  	[dreg:$0x4] =	wrdreg $0xC0  }
0xad: {  	_ =	task [dreg:s9], $0x5FFFF  }
0xae: {  	[dreg:$0x1] =	wrdreg $0xFFFFFFFF  }
0xaf: {  	[dreg:$0x0] =	wrdreg $0x60  }
0xb0: {  	[dreg:$0x2] =	wrdreg s2  }
0xb1: {  	[dreg:$0x3] =	wrdreg s19  }
0xb2: {  	[dreg:$0x4] =	wrdreg s4  }
0xb3: {  	[dreg:$0x5] =	wrdreg $0x102000  }
0xb4: {  	[dreg:$0x6] =	wrdreg $0x9  }
0xb5: {  	_ =	task.clear_ibuf [dreg:s9], $0x7FFFF;
	_ =	strace $0x90000046  }
0xb6: {  	s29 =	simm.s32 $0x9;
	_ =	strace $0x80000048  }
0xb7: {  	_ =	swait.ge [sflag:s29], $0x1  }
0xb8: {  	[sflag:s29] =	ssyncadd.s32 $0xFFFFFFFF  }
0xb9: {  	_ =	strace $0x90000048  }
0xba: {  	_ =	sfence  }
0xbb: {  	s30 =	sld [smem:$0x0];
	_ =	sdelay $0x2  }
0xbc: {  	s31 =	sshll.u32 s1, $0xD;
	s1 =	sshrl.u32 s1, $0x2  }
0xbd: {  	s3 =	sand.u32 $0x4000, s31;
	s1 =	sadd.s32 s1, s30  }
0xbe: {  	s0 =	sor.u32 s3, s0;
	s1 =	sshll.u32 s1, $0x11  }
0xbf: {  	s0 =	sor.u32 s1, s0  }
0xc0: {  	s0 =	sadd.s32 $0x8F2B, s0  }
0xc1: {  	[sflag:s0] =	ssyncadd.remote.s32 $0x1  }
0xc2: {  	_ =	sfence.sel $0xFFFF  }
0xc3: {  	[dreg:$0x0] =	wrdreg $0xFFFFFFFF;
	(pc) =	sbr.abs _section_cstart, $3  }
0xc4: {  	[dreg:$0x1] =	wrdreg $0xFFFFFFFF  }
0xc5: {  	_ =	task.clear_ibuf [dreg:s9], $0x2FFFF;
	_ =	strace $0x9FFFFFFF  }
0xc6: {  	(tm) =	ssettm $0x7FFFFFFF  }
0xc7: {  	_ =	shalt  }
tec
execute0_lowered:
.L_overlay_start_1:
0x0: {  	(tag) =	ssettag $0x1  }
0x1: {  	s0 =	rddreg [dreg:$0x0]  }
0x2: {  	s1 =	rddreg [dreg:$0x1]  }
0x3: {  	s2 =	srdreg.scid;
	s4 =	rddreg [dreg:$0x2]  }
0x4: {  	s9 =	stileid.u32;
	s5 =	rddreg [dreg:$0x3];
	s3 =	simm.s32 $0x0  }
0x5: {  	s2 =	sand.u32 $0x1, s2;
	s6 =	sshll.u32 s9, $0xA;
	[smem:$0x7FF] =	sst s3  }
0x6: {  	s30 =	sadd.s32 $0x80000, s4;
	s31 =	sadd.s32 $0x100000, s4;
	s7 =	sshll.u32 s2, $0x9  }
0x7: {  	_ =	strace $0x80000047;
	[dreg:$0x17] =	wrdreg s30;
	s6 =	sor.u32 s7, s6  }
0x8: {  	[dreg:$0x18] =	wrdreg s31;
	s7 =	sshrl.u32 s6, $0x3;
	s14 =	sshll.u32 s6, $0x5  }
0x9: {  	s0 =	sadd.s32 s0, s7;
	[dreg:$0xe] =	wrdreg s14  }
0xa: {  	s6 =	sadd.s32 s4, s14;
	[dreg:$0x5] =	wrdreg s0  }
0xb: {  	s16 =	sor.u32 $0x800, s14;
	[dreg:$0x6] =	wrdreg s6  }
0xc: {  	s18 =	sor.u32 $0x1000, s14;
	[dreg:$0xf] =	wrdreg s16  }
0xd: {  	s20 =	sor.u32 $0x1800, s14;
	[dreg:$0x10] =	wrdreg s18  }
0xe: {  	s22 =	sor.u32 $0x2000, s14;
	[dreg:$0x11] =	wrdreg s20  }
0xf: {  	s15 =	sshll.u32 s9, $0xF;
	s24 =	sor.u32 $0x2800, s14;
	[dreg:$0x12] =	wrdreg s22  }
0x10: {  	s2 =	ssub.s32 $0x2, s2;
	s26 =	sor.u32 $0x3000, s14;
	[dreg:$0x13] =	wrdreg s24  }
0x11: {  	s12 =	sadd.s32 s15, s5;
	s7 =	sor.u32 $0x3800, s14;
	[dreg:$0x14] =	wrdreg s26  }
0x12: {  	s8 =	sshrl.u32 s2, $0x1;
	s17 =	sadd.s32 s4, s16;
	[dreg:$0x15] =	wrdreg s7  }
0x13: {  	s13 =	sadd.s32 $0x4000, s12;
	s19 =	sadd.s32 s4, s18;
	[dreg:$0x7] =	wrdreg s17  }
0x14: {  	s2 =	ssub.s32 s2, s8;
	s21 =	sadd.s32 s4, s20;
	[dreg:$0x8] =	wrdreg s19  }
0x15: {  	s14 =	sadd.s32 $0x30D400, s1;
	s23 =	sadd.s32 s4, s22;
	[dreg:$0x9] =	wrdreg s21  }
0x16: {  	s25 =	sadd.s32 s4, s24;
	s28 =	sadd.s32 s4, s26;
	[dreg:$0xa] =	wrdreg s23  }
0x17: {  	v2 =	vlaneseq.u32;
	s29 =	sadd.s32 s4, s7;
	s16 =	sadd.s32 $0x61A800, s1;
	[dreg:$0xb] =	wrdreg s25  }
0x18: {  	vm0 =	vmmov $0xffff;
	v1 =	vshrl.u32 v2, $0x3;
	s0 =	smax.u32 s2, $0x1;
	s24 =	simm.s32 $0x1;
	[dreg:$0xc] =	wrdreg s28  }
0x19: {  	v0 =	vand.u32 $0x7, v2;
	v2 =	vor.u32 $0x8, v2;
	v1 =	vmul.u32 $0x8, v1;
	s6 =	simm.s32 $0x2;
	[dreg:$0xd] =	wrdreg s29;
	s19 =	simm.s32 $0x3  }
.LBB2_1:
0x1a: {  	[dreg:$0x16] =	wrdreg s0  }
0x1b: {  	s7 =	rddreg [dreg:$0x5]  }
0x1c: {  	[tilespmem:s3], [sflag:$0x3] =	stream.linear.gather [hbm4b:s7+s3], $0x200, $0x38;
	[tilespmem:$0x18200] =	vst v63  }
0x1d: {  	_ =	swait.ge [sflag:s19], $0x200  }
0x1e: {  	[sflag:s19] =	ssyncset.done $0x0  }
0x1f: {  	[sflag:s19] =	ssyncadd.s32 $0xFFFFFE00  }
0x20: {  	v3 =	vld [tilespmem:$0x0];
	_ =	sdelay $0x4  }
0x21: {  	v4 =	vshll.u32 v3, $0x1  }
0x22: {  	v3 =	vand.u32 $0x7, v3;
	v4 =	vand.u32 $0xFFFFFFF0, v4  }
0x23: {  	v3 =	vor.u32 v3, v4  }
0x24: {  	v4 =	vperm.xlane v3, v0;
	_ =	sdelay $0x1  }
0x25: {  	v3 =	vperm.xlane v3, v2;
	v4 =	vadd.s32 v1, v4;
	_ =	sdelay $0x1  }
0x26: {  	v3 =	vadd.s32 v1, v3;
	_ =	sdelay $0x1  }
0x27: {  	s21 =	simm.s32 $0x200  }
0x28: {  	[tilespmem:s21], [sflag:$0x1] =	stream.indirect_vreg.gather [hbm4b:s1+s3], $0x80, v4, vm0, $0xb8;
	[tilespmem:$0x18200] =	vst v63  }
0x29: {  	s22 =	simm.s32 $0xA00  }
0x2a: {  	[tilespmem:s22], [sflag:$0x1] =	stream.indirect_vreg.gather [hbm4b:s1+s3], $0x80, v3, vm0, $0xb8;
	[tilespmem:$0x18200] =	vst v63  }
0x2b: {  	v3 =	vld [tilespmem:$0x10];
	_ =	sdelay $0x4  }
0x2c: {  	v25 =	vshll.u32 v3, $0x1  }
0x2d: {  	v3 =	vand.u32 $0x7, v3;
	v4 =	vand.u32 $0xFFFFFFF0, v25  }
0x2e: {  	v3 =	vor.u32 v3, v4  }
0x2f: {  	v4 =	vperm.xlane v3, v0;
	_ =	sdelay $0x1  }
0x30: {  	v3 =	vperm.xlane v3, v2;
	v4 =	vadd.s32 v1, v4;
	_ =	sdelay $0x1  }
0x31: {  	v3 =	vadd.s32 v1, v3;
	_ =	sdelay $0x1  }
0x32: {  	s23 =	simm.s32 $0x1200  }
0x33: {  	[tilespmem:s23], [sflag:$0x1] =	stream.indirect_vreg.gather [hbm4b:s1+s3], $0x80, v4, vm0, $0xb8;
	[tilespmem:$0x18200] =	vst v63  }
0x34: {  	s25 =	simm.s32 $0x1A00  }
0x35: {  	[tilespmem:s25], [sflag:$0x1] =	stream.indirect_vreg.gather [hbm4b:s1+s3], $0x80, v3, vm0, $0xb8;
	[tilespmem:$0x18200] =	vst v63  }
0x36: {  	v3 =	vld [tilespmem:$0x20];
	_ =	sdelay $0x4  }
0x37: {  	v26 =	vshll.u32 v3, $0x1  }
0x38: {  	v3 =	vand.u32 $0x7, v3;
	v4 =	vand.u32 $0xFFFFFFF0, v26  }
0x39: {  	v3 =	vor.u32 v3, v4  }
0x3a: {  	v4 =	vperm.xlane v3, v0;
	_ =	sdelay $0x1  }
0x3b: {  	v3 =	vperm.xlane v3, v2;
	v4 =	vadd.s32 v1, v4;
	_ =	sdelay $0x1  }
0x3c: {  	v3 =	vadd.s32 v1, v3;
	_ =	sdelay $0x1  }
0x3d: {  	s26 =	simm.s32 $0x2200  }
0x3e: {  	[tilespmem:s26], [sflag:$0x1] =	stream.indirect_vreg.gather [hbm4b:s1+s3], $0x80, v4, vm0, $0xb8;
	[tilespmem:$0x18200] =	vst v63  }
0x3f: {  	s28 =	simm.s32 $0x2A00  }
0x40: {  	[tilespmem:s28], [sflag:$0x1] =	stream.indirect_vreg.gather [hbm4b:s1+s3], $0x80, v3, vm0, $0xb8;
	[tilespmem:$0x18200] =	vst v63  }
0x41: {  	v3 =	vld [tilespmem:$0x30];
	_ =	sdelay $0x4  }
0x42: {  	v27 =	vshll.u32 v3, $0x1  }
0x43: {  	v3 =	vand.u32 $0x7, v3;
	v4 =	vand.u32 $0xFFFFFFF0, v27  }
0x44: {  	v3 =	vor.u32 v3, v4  }
0x45: {  	v4 =	vperm.xlane v3, v0;
	_ =	sdelay $0x1  }
0x46: {  	v3 =	vperm.xlane v3, v2;
	v4 =	vadd.s32 v1, v4;
	_ =	sdelay $0x1  }
0x47: {  	v3 =	vadd.s32 v1, v3;
	_ =	sdelay $0x1  }
0x48: {  	s30 =	simm.s32 $0x3200  }
0x49: {  	[tilespmem:s30], [sflag:$0x1] =	stream.indirect_vreg.gather [hbm4b:s1+s3], $0x80, v4, vm0, $0xb8;
	[tilespmem:$0x18200] =	vst v63  }
0x4a: {  	s31 =	simm.s32 $0x3A00  }
0x4b: {  	[tilespmem:s31], [sflag:$0x1] =	stream.indirect_vreg.gather [hbm4b:s1+s3], $0x80, v3, vm0, $0xb8;
	[tilespmem:$0x18200] =	vst v63  }
0x4c: {  	v3 =	vld [tilespmem:$0x40];
	_ =	sdelay $0x4  }
0x4d: {  	v28 =	vshll.u32 v3, $0x1  }
0x4e: {  	v3 =	vand.u32 $0x7, v3;
	v4 =	vand.u32 $0xFFFFFFF0, v28  }
0x4f: {  	v3 =	vor.u32 v3, v4  }
0x50: {  	v4 =	vperm.xlane v3, v0;
	_ =	sdelay $0x1  }
0x51: {  	v3 =	vperm.xlane v3, v2;
	v4 =	vadd.s32 v1, v4;
	_ =	sdelay $0x1  }
0x52: {  	v3 =	vadd.s32 v1, v3;
	_ =	sdelay $0x1  }
0x53: {  	s2 =	simm.s32 $0x4200  }
0x54: {  	[tilespmem:s2], [sflag:$0x1] =	stream.indirect_vreg.gather [hbm4b:s1+s3], $0x80, v4, vm0, $0xb8;
	[tilespmem:$0x18200] =	vst v63  }
0x55: {  	s4 =	simm.s32 $0x4A00  }
0x56: {  	[tilespmem:s4], [sflag:$0x1] =	stream.indirect_vreg.gather [hbm4b:s1+s3], $0x80, v3, vm0, $0xb8;
	[tilespmem:$0x18200] =	vst v63  }
0x57: {  	v3 =	vld [tilespmem:$0x50];
	_ =	sdelay $0x4  }
0x58: {  	v29 =	vshll.u32 v3, $0x1  }
0x59: {  	v3 =	vand.u32 $0x7, v3;
	v4 =	vand.u32 $0xFFFFFFF0, v29  }
0x5a: {  	v3 =	vor.u32 v3, v4  }
0x5b: {  	v4 =	vperm.xlane v3, v0;
	_ =	sdelay $0x1  }
0x5c: {  	v3 =	vperm.xlane v3, v2;
	v4 =	vadd.s32 v1, v4;
	_ =	sdelay $0x1  }
0x5d: {  	v3 =	vadd.s32 v1, v3;
	_ =	sdelay $0x1  }
0x5e: {  	s5 =	simm.s32 $0x5200  }
0x5f: {  	[tilespmem:s5], [sflag:$0x1] =	stream.indirect_vreg.gather [hbm4b:s1+s3], $0x80, v4, vm0, $0xb8;
	[tilespmem:$0x18200] =	vst v63  }
0x60: {  	s7 =	simm.s32 $0x5A00  }
0x61: {  	[tilespmem:s7], [sflag:$0x1] =	stream.indirect_vreg.gather [hbm4b:s1+s3], $0x80, v3, vm0, $0xb8;
	[tilespmem:$0x18200] =	vst v63  }
0x62: {  	v3 =	vld [tilespmem:$0x60];
	_ =	sdelay $0x4  }
0x63: {  	v30 =	vshll.u32 v3, $0x1  }
0x64: {  	v3 =	vand.u32 $0x7, v3;
	v4 =	vand.u32 $0xFFFFFFF0, v30  }
0x65: {  	v3 =	vor.u32 v3, v4  }
0x66: {  	v4 =	vperm.xlane v3, v0;
	_ =	sdelay $0x1  }
0x67: {  	v3 =	vperm.xlane v3, v2;
	v4 =	vadd.s32 v1, v4;
	_ =	sdelay $0x1  }
0x68: {  	v3 =	vadd.s32 v1, v3;
	_ =	sdelay $0x1  }
0x69: {  	s8 =	simm.s32 $0x6200  }
0x6a: {  	[tilespmem:s8], [sflag:$0x1] =	stream.indirect_vreg.gather [hbm4b:s1+s3], $0x80, v4, vm0, $0xb8;
	[tilespmem:$0x18200] =	vst v63  }
0x6b: {  	s9 =	simm.s32 $0x6A00  }
0x6c: {  	[tilespmem:s9], [sflag:$0x1] =	stream.indirect_vreg.gather [hbm4b:s1+s3], $0x80, v3, vm0, $0xb8;
	[tilespmem:$0x18200] =	vst v63  }
0x6d: {  	v3 =	vld [tilespmem:$0x70];
	_ =	sdelay $0x4  }
0x6e: {  	v31 =	vshll.u32 v3, $0x1  }
0x6f: {  	v3 =	vand.u32 $0x7, v3;
	v4 =	vand.u32 $0xFFFFFFF0, v31  }
0x70: {  	v3 =	vor.u32 v3, v4  }
0x71: {  	v4 =	vperm.xlane v3, v0;
	_ =	sdelay $0x1  }
0x72: {  	v3 =	vperm.xlane v3, v2;
	v4 =	vadd.s32 v1, v4;
	_ =	sdelay $0x1  }
0x73: {  	v3 =	vadd.s32 v1, v3;
	_ =	sdelay $0x1  }
0x74: {  	s10 =	simm.s32 $0x7200  }
0x75: {  	[tilespmem:s10], [sflag:$0x1] =	stream.indirect_vreg.gather [hbm4b:s1+s3], $0x80, v4, vm0, $0xb8;
	[tilespmem:$0x18200] =	vst v63  }
0x76: {  	s17 =	simm.s32 $0x7A00  }
0x77: {  	[tilespmem:s17], [sflag:$0x1] =	stream.indirect_vreg.gather [hbm4b:s1+s3], $0x80, v3, vm0, $0xb8;
	[tilespmem:$0x18200] =	vst v63  }
0x78: {  	v3 =	vld [tilespmem:$0x80];
	_ =	sdelay $0x4  }
0x79: {  	v32 =	vshll.u32 v3, $0x1  }
0x7a: {  	v3 =	vand.u32 $0x7, v3;
	v4 =	vand.u32 $0xFFFFFFF0, v32  }
0x7b: {  	v3 =	vor.u32 v3, v4  }
0x7c: {  	v4 =	vperm.xlane v3, v0;
	_ =	sdelay $0x1  }
0x7d: {  	v3 =	vperm.xlane v3, v2;
	v4 =	vadd.s32 v1, v4;
	_ =	sdelay $0x1  }
0x7e: {  	v3 =	vadd.s32 v1, v3;
	_ =	sdelay $0x1  }
0x7f: {  	s18 =	simm.s32 $0x8200  }
0x80: {  	[tilespmem:s18], [sflag:$0x1] =	stream.indirect_vreg.gather [hbm4b:s1+s3], $0x80, v4, vm0, $0xb8;
	[tilespmem:$0x18200] =	vst v63  }
0x81: {  	s4 =	simm.s32 $0x8A00  }
0x82: {  	[tilespmem:s4], [sflag:$0x1] =	stream.indirect_vreg.gather [hbm4b:s1+s3], $0x80, v3, vm0, $0xb8;
	[tilespmem:$0x18200] =	vst v63  }
0x83: {  	v3 =	vld [tilespmem:$0x90];
	_ =	sdelay $0x4  }
0x84: {  	v33 =	vshll.u32 v3, $0x1  }
0x85: {  	v3 =	vand.u32 $0x7, v3;
	v4 =	vand.u32 $0xFFFFFFF0, v33  }
0x86: {  	v3 =	vor.u32 v3, v4  }
0x87: {  	v4 =	vperm.xlane v3, v0;
	_ =	sdelay $0x1  }
0x88: {  	v3 =	vperm.xlane v3, v2;
	v4 =	vadd.s32 v1, v4;
	_ =	sdelay $0x1  }
0x89: {  	v3 =	vadd.s32 v1, v3;
	_ =	sdelay $0x1  }
0x8a: {  	s21 =	simm.s32 $0x9200  }
0x8b: {  	[tilespmem:s21], [sflag:$0x1] =	stream.indirect_vreg.gather [hbm4b:s1+s3], $0x80, v4, vm0, $0xb8;
	[tilespmem:$0x18200] =	vst v63  }
0x8c: {  	s23 =	simm.s32 $0x9A00  }
0x8d: {  	[tilespmem:s23], [sflag:$0x1] =	stream.indirect_vreg.gather [hbm4b:s1+s3], $0x80, v3, vm0, $0xb8;
	[tilespmem:$0x18200] =	vst v63  }
0x8e: {  	v3 =	vld [tilespmem:$0xA0];
	_ =	sdelay $0x4  }
0x8f: {  	v34 =	vshll.u32 v3, $0x1  }
0x90: {  	v3 =	vand.u32 $0x7, v3;
	v4 =	vand.u32 $0xFFFFFFF0, v34  }
0x91: {  	v3 =	vor.u32 v3, v4  }
0x92: {  	v4 =	vperm.xlane v3, v0;
	_ =	sdelay $0x1  }
0x93: {  	v3 =	vperm.xlane v3, v2;
	v4 =	vadd.s32 v1, v4;
	_ =	sdelay $0x1  }
0x94: {  	v3 =	vadd.s32 v1, v3;
	_ =	sdelay $0x1  }
0x95: {  	s26 =	simm.s32 $0xA200  }
0x96: {  	[tilespmem:s26], [sflag:$0x1] =	stream.indirect_vreg.gather [hbm4b:s1+s3], $0x80, v4, vm0, $0xb8;
	[tilespmem:$0x18200] =	vst v63  }
0x97: {  	s28 =	simm.s32 $0xAA00  }
0x98: {  	[tilespmem:s28], [sflag:$0x1] =	stream.indirect_vreg.gather [hbm4b:s1+s3], $0x80, v3, vm0, $0xb8;
	[tilespmem:$0x18200] =	vst v63  }
0x99: {  	v3 =	vld [tilespmem:$0xB0];
	_ =	sdelay $0x4  }
0x9a: {  	v35 =	vshll.u32 v3, $0x1  }
0x9b: {  	v3 =	vand.u32 $0x7, v3;
	v4 =	vand.u32 $0xFFFFFFF0, v35  }
0x9c: {  	v3 =	vor.u32 v3, v4  }
0x9d: {  	v4 =	vperm.xlane v3, v0;
	_ =	sdelay $0x1  }
0x9e: {  	v3 =	vperm.xlane v3, v2;
	v4 =	vadd.s32 v1, v4;
	_ =	sdelay $0x1  }
0x9f: {  	v3 =	vadd.s32 v1, v3;
	_ =	sdelay $0x1  }
0xa0: {  	s30 =	simm.s32 $0xB200  }
0xa1: {  	[tilespmem:s30], [sflag:$0x1] =	stream.indirect_vreg.gather [hbm4b:s1+s3], $0x80, v4, vm0, $0xb8;
	[tilespmem:$0x18200] =	vst v63  }
0xa2: {  	s0 =	simm.s32 $0xBA00  }
0xa3: {  	[tilespmem:s0], [sflag:$0x1] =	stream.indirect_vreg.gather [hbm4b:s1+s3], $0x80, v3, vm0, $0xb8;
	[tilespmem:$0x18200] =	vst v63  }
0xa4: {  	_ =	swait.ge [sflag:s24], $0x4000  }
0xa5: {  	[sflag:s24] =	ssyncset.done $0x0  }
0xa6: {  	s8 =	simm.s32 $0x200;
	[sflag:s24] =	ssyncadd.s32 $0xFFFFC000  }
0xa7: {  	[spmem:s12] =	stream.linear.scatter [tilespmem:s8], [sflag:$0x3], $0x4000, $0x38;
	[tilespmem:$0x18200] =	vst v63  }
0xa8: {  	_ =	swait.ge [sflag:s19], $0x4000  }
0xa9: {  	[sflag:s19] =	ssyncset.done $0x0  }
0xaa: {  	[sflag:s19] =	ssyncadd.s32 $0xFFFFC000  }
0xab: {  	v3 =	vld [tilespmem:$0xC0];
	_ =	sdelay $0x4  }
0xac: {  	v36 =	vshll.u32 v3, $0x1  }
0xad: {  	v3 =	vand.u32 $0x7, v3;
	v4 =	vand.u32 $0xFFFFFFF0, v36  }
0xae: {  	v3 =	vor.u32 v3, v4  }
0xaf: {  	v4 =	vperm.xlane v3, v0;
	_ =	sdelay $0x1  }
0xb0: {  	v3 =	vperm.xlane v3, v2;
	v4 =	vadd.s32 v1, v4;
	_ =	sdelay $0x1  }
0xb1: {  	v3 =	vadd.s32 v1, v3;
	_ =	sdelay $0x1  }
0xb2: {  	s4 =	simm.s32 $0xC200  }
0xb3: {  	[tilespmem:s4], [sflag:$0x1] =	stream.indirect_vreg.gather [hbm4b:s1+s3], $0x80, v4, vm0, $0xb8;
	[tilespmem:$0x18200] =	vst v63  }
0xb4: {  	s7 =	simm.s32 $0xCA00  }
0xb5: {  	[tilespmem:s7], [sflag:$0x1] =	stream.indirect_vreg.gather [hbm4b:s1+s3], $0x80, v3, vm0, $0xb8;
	[tilespmem:$0x18200] =	vst v63  }
0xb6: {  	v3 =	vld [tilespmem:$0xD0];
	_ =	sdelay $0x4  }
0xb7: {  	v37 =	vshll.u32 v3, $0x1  }
0xb8: {  	v3 =	vand.u32 $0x7, v3;
	v4 =	vand.u32 $0xFFFFFFF0, v37  }
0xb9: {  	v3 =	vor.u32 v3, v4  }
0xba: {  	v4 =	vperm.xlane v3, v0;
	_ =	sdelay $0x1  }
0xbb: {  	v3 =	vperm.xlane v3, v2;
	v4 =	vadd.s32 v1, v4;
	_ =	sdelay $0x1  }
0xbc: {  	v3 =	vadd.s32 v1, v3;
	_ =	sdelay $0x1  }
0xbd: {  	s9 =	simm.s32 $0xD200  }
0xbe: {  	[tilespmem:s9], [sflag:$0x1] =	stream.indirect_vreg.gather [hbm4b:s1+s3], $0x80, v4, vm0, $0xb8;
	[tilespmem:$0x18200] =	vst v63  }
0xbf: {  	s10 =	simm.s32 $0xDA00  }
0xc0: {  	[tilespmem:s10], [sflag:$0x1] =	stream.indirect_vreg.gather [hbm4b:s1+s3], $0x80, v3, vm0, $0xb8;
	[tilespmem:$0x18200] =	vst v63  }
0xc1: {  	v3 =	vld [tilespmem:$0xE0];
	_ =	sdelay $0x4  }
0xc2: {  	v38 =	vshll.u32 v3, $0x1  }
0xc3: {  	v3 =	vand.u32 $0x7, v3;
	v4 =	vand.u32 $0xFFFFFFF0, v38  }
0xc4: {  	v3 =	vor.u32 v3, v4  }
0xc5: {  	v4 =	vperm.xlane v3, v0;
	_ =	sdelay $0x1  }
0xc6: {  	v3 =	vperm.xlane v3, v2;
	v4 =	vadd.s32 v1, v4;
	_ =	sdelay $0x1  }
0xc7: {  	v3 =	vadd.s32 v1, v3;
	_ =	sdelay $0x1  }
0xc8: {  	s17 =	simm.s32 $0xE200  }
0xc9: {  	[tilespmem:s17], [sflag:$0x1] =	stream.indirect_vreg.gather [hbm4b:s1+s3], $0x80, v4, vm0, $0xb8;
	[tilespmem:$0x18200] =	vst v63  }
0xca: {  	s18 =	simm.s32 $0xEA00  }
0xcb: {  	[tilespmem:s18], [sflag:$0x1] =	stream.indirect_vreg.gather [hbm4b:s1+s3], $0x80, v3, vm0, $0xb8;
	[tilespmem:$0x18200] =	vst v63  }
0xcc: {  	v3 =	vld [tilespmem:$0xF0];
	_ =	sdelay $0x4  }
0xcd: {  	v39 =	vshll.u32 v3, $0x1  }
0xce: {  	v3 =	vand.u32 $0x7, v3;
	v4 =	vand.u32 $0xFFFFFFF0, v39  }
0xcf: {  	v3 =	vor.u32 v3, v4  }
0xd0: {  	v4 =	vperm.xlane v3, v0;
	_ =	sdelay $0x1  }
0xd1: {  	v3 =	vperm.xlane v3, v2;
	v4 =	vadd.s32 v1, v4;
	_ =	sdelay $0x1  }
0xd2: {  	v3 =	vadd.s32 v1, v3  }
0xd3: {  	s4 =	stileid.u32  }
0xd4: {  	s21 =	simm.s32 $0xF200;
	s0 =	simm.s32 $0xFA00;
	s7 =	sshll.u32 s4, $0x6  }
0xd5: {  	[tilespmem:s21], [sflag:$0x1] =	stream.indirect_vreg.gather [hbm4b:s1+s3], $0x80, v4, vm0, $0xb8;
	[tilespmem:$0x18200] =	vst v63  }
0xd6: {  	s7 =	sor.u32 $0x1C02, s7;
	s9 =	sshrl.u32 s12, $0x3;
	s10 =	rddreg [dreg:$0x6]  }
0xd7: {  	[tilespmem:s0], [sflag:$0x1] =	stream.indirect_vreg.gather [hbm4b:s1+s3], $0x80, v3, vm0, $0xb8;
	[tilespmem:$0x18200] =	vst v63  }
0xd8: {  	[hbm:s10], [sflag:s7] =	dma.local [spmem:s9], $0x800  }
0xd9: {  	_ =	swait.ge [sflag:s24], $0x4000  }
0xda: {  	[sflag:s24] =	ssyncset.done $0x0  }
0xdb: {  	s4 =	simm.s32 $0x4200;
	[sflag:s24] =	ssyncadd.s32 $0xFFFFC000  }
0xdc: {  	[spmem:s13] =	stream.linear.scatter [tilespmem:s4], [sflag:$0x3], $0x4000, $0x38;
	[tilespmem:$0x18200] =	vst v63  }
0xdd: {  	_ =	swait.ge [sflag:s19], $0x4000  }
0xde: {  	[sflag:s19] =	ssyncset.done $0x0  }
0xdf: {  	[sflag:s19] =	ssyncadd.s32 $0xFFFFC000  }
0xe0: {  	v3 =	vld [tilespmem:$0x100];
	_ =	sdelay $0x4  }
0xe1: {  	v40 =	vshll.u32 v3, $0x1  }
0xe2: {  	v3 =	vand.u32 $0x7, v3;
	v4 =	vand.u32 $0xFFFFFFF0, v40  }
0xe3: {  	v3 =	vor.u32 v3, v4  }
0xe4: {  	v4 =	vperm.xlane v3, v0;
	_ =	sdelay $0x1  }
0xe5: {  	v3 =	vperm.xlane v3, v2;
	v4 =	vadd.s32 v1, v4;
	_ =	sdelay $0x1  }
0xe6: {  	v3 =	vadd.s32 v1, v3;
	_ =	sdelay $0x2  }
0xe7: {  	[tilespmem:s8], [sflag:$0x1] =	stream.indirect_vreg.gather [hbm4b:s1+s3], $0x80, v4, vm0, $0xb8;
	[tilespmem:$0x18200] =	vst v63  }
0xe8: {  	s29 =	simm.s32 $0xA00  }
0xe9: {  	[tilespmem:s29], [sflag:$0x1] =	stream.indirect_vreg.gather [hbm4b:s1+s3], $0x80, v3, vm0, $0xb8;
	[tilespmem:$0x18200] =	vst v63  }
0xea: {  	v3 =	vld [tilespmem:$0x110];
	_ =	sdelay $0x4  }
0xeb: {  	v41 =	vshll.u32 v3, $0x1  }
0xec: {  	v3 =	vand.u32 $0x7, v3;
	v4 =	vand.u32 $0xFFFFFFF0, v41  }
0xed: {  	v3 =	vor.u32 v3, v4  }
0xee: {  	v4 =	vperm.xlane v3, v0;
	_ =	sdelay $0x1  }
0xef: {  	v3 =	vperm.xlane v3, v2;
	v4 =	vadd.s32 v1, v4;
	_ =	sdelay $0x1  }
0xf0: {  	v3 =	vadd.s32 v1, v3;
	_ =	sdelay $0x1  }
0xf1: {  	s11 =	simm.s32 $0x1200  }
0xf2: {  	[tilespmem:s11], [sflag:$0x1] =	stream.indirect_vreg.gather [hbm4b:s1+s3], $0x80, v4, vm0, $0xb8;
	[tilespmem:$0x18200] =	vst v63  }
0xf3: {  	s18 =	simm.s32 $0x1A00  }
0xf4: {  	[tilespmem:s18], [sflag:$0x1] =	stream.indirect_vreg.gather [hbm4b:s1+s3], $0x80, v3, vm0, $0xb8;
	[tilespmem:$0x18200] =	vst v63  }
0xf5: {  	v3 =	vld [tilespmem:$0x120];
	_ =	sdelay $0x4  }
0xf6: {  	v42 =	vshll.u32 v3, $0x1  }
0xf7: {  	v3 =	vand.u32 $0x7, v3;
	v4 =	vand.u32 $0xFFFFFFF0, v42  }
0xf8: {  	v3 =	vor.u32 v3, v4  }
0xf9: {  	v4 =	vperm.xlane v3, v0;
	_ =	sdelay $0x1  }
0xfa: {  	v3 =	vperm.xlane v3, v2;
	v4 =	vadd.s32 v1, v4;
	_ =	sdelay $0x1  }
0xfb: {  	v3 =	vadd.s32 v1, v3;
	_ =	sdelay $0x1  }
0xfc: {  	s15 =	simm.s32 $0x2200  }
0xfd: {  	[tilespmem:s15], [sflag:$0x1] =	stream.indirect_vreg.gather [hbm4b:s1+s3], $0x80, v4, vm0, $0xb8;
	[tilespmem:$0x18200] =	vst v63  }
0xfe: {  	s21 =	simm.s32 $0x2A00  }
0xff: {  	[tilespmem:s21], [sflag:$0x1] =	stream.indirect_vreg.gather [hbm4b:s1+s3], $0x80, v3, vm0, $0xb8;
	[tilespmem:$0x18200] =	vst v63  }
0x100: {  	v3 =	vld [tilespmem:$0x130];
	_ =	sdelay $0x4  }
0x101: {  	v43 =	vshll.u32 v3, $0x1  }
0x102: {  	v3 =	vand.u32 $0x7, v3;
	v4 =	vand.u32 $0xFFFFFFF0, v43  }
0x103: {  	v3 =	vor.u32 v3, v4  }
0x104: {  	v4 =	vperm.xlane v3, v0;
	_ =	sdelay $0x1  }
0x105: {  	v3 =	vperm.xlane v3, v2;
	v4 =	vadd.s32 v1, v4;
	_ =	sdelay $0x1  }
0x106: {  	v3 =	vadd.s32 v1, v3;
	_ =	sdelay $0x1  }
0x107: {  	s25 =	simm.s32 $0x3200  }
0x108: {  	[tilespmem:s25], [sflag:$0x1] =	stream.indirect_vreg.gather [hbm4b:s1+s3], $0x80, v4, vm0, $0xb8;
	[tilespmem:$0x18200] =	vst v63  }
0x109: {  	s10 =	sshrl.u32 s13, $0x3;
	s8 =	rddreg [dreg:$0x7];
	s15 =	simm.s32 $0x3A00  }
0x10a: {  	[tilespmem:s15], [sflag:$0x1] =	stream.indirect_vreg.gather [hbm4b:s1+s3], $0x80, v3, vm0, $0xb8;
	[tilespmem:$0x18200] =	vst v63  }
0x10b: {  	[hbm:s8], [sflag:s7] =	dma.local [spmem:s10], $0x800  }
0x10c: {  	_ =	swait.ge [sflag:s24], $0x4000  }
0x10d: {  	[sflag:s24] =	ssyncset.done $0x0  }
0x10e: {  	[sflag:s24] =	ssyncadd.s32 $0xFFFFC000  }
0x10f: {  	_ =	swait.ge [sflag:s6], $0x800  }
0x110: {  	[sflag:s6] =	ssyncset.done $0x0  }
0x111: {  	s0 =	simm.s32 $0x8200;
	[sflag:s6] =	ssyncadd.s32 $0xFFFFF800  }
0x112: {  	[spmem:s12] =	stream.linear.scatter [tilespmem:s0], [sflag:$0x3], $0x4000, $0x38;
	[tilespmem:$0x18200] =	vst v63  }
0x113: {  	_ =	swait.ge [sflag:s19], $0x4000  }
0x114: {  	[sflag:s19] =	ssyncset.done $0x0  }
0x115: {  	[sflag:s19] =	ssyncadd.s32 $0xFFFFC000  }
0x116: {  	v3 =	vld [tilespmem:$0x140];
	_ =	sdelay $0x4  }
0x117: {  	v44 =	vshll.u32 v3, $0x1  }
0x118: {  	v3 =	vand.u32 $0x7, v3;
	v4 =	vand.u32 $0xFFFFFFF0, v44  }
0x119: {  	v3 =	vor.u32 v3, v4  }
0x11a: {  	v4 =	vperm.xlane v3, v0;
	_ =	sdelay $0x1  }
0x11b: {  	v3 =	vperm.xlane v3, v2;
	v4 =	vadd.s32 v1, v4;
	_ =	sdelay $0x1  }
0x11c: {  	v3 =	vadd.s32 v1, v3;
	_ =	sdelay $0x2  }
0x11d: {  	[tilespmem:s4], [sflag:$0x1] =	stream.indirect_vreg.gather [hbm4b:s1+s3], $0x80, v4, vm0, $0xb8;
	[tilespmem:$0x18200] =	vst v63  }
0x11e: {  	s8 =	simm.s32 $0x4A00  }
0x11f: {  	[tilespmem:s8], [sflag:$0x1] =	stream.indirect_vreg.gather [hbm4b:s1+s3], $0x80, v3, vm0, $0xb8;
	[tilespmem:$0x18200] =	vst v63  }
0x120: {  	v3 =	vld [tilespmem:$0x150];
	_ =	sdelay $0x4  }
0x121: {  	v45 =	vshll.u32 v3, $0x1  }
0x122: {  	v3 =	vand.u32 $0x7, v3;
	v4 =	vand.u32 $0xFFFFFFF0, v45  }
0x123: {  	v3 =	vor.u32 v3, v4  }
0x124: {  	v4 =	vperm.xlane v3, v0;
	_ =	sdelay $0x1  }
0x125: {  	v3 =	vperm.xlane v3, v2;
	v4 =	vadd.s32 v1, v4;
	_ =	sdelay $0x1  }
0x126: {  	v3 =	vadd.s32 v1, v3;
	_ =	sdelay $0x1  }
0x127: {  	s2 =	simm.s32 $0x5200  }
0x128: {  	[tilespmem:s2], [sflag:$0x1] =	stream.indirect_vreg.gather [hbm4b:s1+s3], $0x80, v4, vm0, $0xb8;
	[tilespmem:$0x18200] =	vst v63  }
0x129: {  	s15 =	simm.s32 $0x5A00  }
0x12a: {  	[tilespmem:s15], [sflag:$0x1] =	stream.indirect_vreg.gather [hbm4b:s1+s3], $0x80, v3, vm0, $0xb8;
	[tilespmem:$0x18200] =	vst v63  }
0x12b: {  	v3 =	vld [tilespmem:$0x160];
	_ =	sdelay $0x4  }
0x12c: {  	v46 =	vshll.u32 v3, $0x1  }
0x12d: {  	v3 =	vand.u32 $0x7, v3;
	v4 =	vand.u32 $0xFFFFFFF0, v46  }
0x12e: {  	v3 =	vor.u32 v3, v4  }
0x12f: {  	v4 =	vperm.xlane v3, v0;
	_ =	sdelay $0x1  }
0x130: {  	v3 =	vperm.xlane v3, v2;
	v4 =	vadd.s32 v1, v4;
	_ =	sdelay $0x1  }
0x131: {  	v3 =	vadd.s32 v1, v3;
	_ =	sdelay $0x1  }
0x132: {  	s5 =	simm.s32 $0x6200  }
0x133: {  	[tilespmem:s5], [sflag:$0x1] =	stream.indirect_vreg.gather [hbm4b:s1+s3], $0x80, v4, vm0, $0xb8;
	[tilespmem:$0x18200] =	vst v63  }
0x134: {  	s29 =	simm.s32 $0x6A00  }
0x135: {  	[tilespmem:s29], [sflag:$0x1] =	stream.indirect_vreg.gather [hbm4b:s1+s3], $0x80, v3, vm0, $0xb8;
	[tilespmem:$0x18200] =	vst v63  }
0x136: {  	v3 =	vld [tilespmem:$0x170];
	_ =	sdelay $0x4  }
0x137: {  	v47 =	vshll.u32 v3, $0x1  }
0x138: {  	v3 =	vand.u32 $0x7, v3;
	v4 =	vand.u32 $0xFFFFFFF0, v47  }
0x139: {  	v3 =	vor.u32 v3, v4  }
0x13a: {  	v4 =	vperm.xlane v3, v0;
	_ =	sdelay $0x1  }
0x13b: {  	v3 =	vperm.xlane v3, v2;
	v4 =	vadd.s32 v1, v4;
	_ =	sdelay $0x1  }
0x13c: {  	v3 =	vadd.s32 v1, v3;
	_ =	sdelay $0x1  }
0x13d: {  	s20 =	simm.s32 $0x7200  }
0x13e: {  	[tilespmem:s20], [sflag:$0x1] =	stream.indirect_vreg.gather [hbm4b:s1+s3], $0x80, v4, vm0, $0xb8;
	[tilespmem:$0x18200] =	vst v63  }
0x13f: {  	s25 =	simm.s32 $0x7A00;
	s20 =	rddreg [dreg:$0x8]  }
0x140: {  	[tilespmem:s25], [sflag:$0x1] =	stream.indirect_vreg.gather [hbm4b:s1+s3], $0x80, v3, vm0, $0xb8;
	[tilespmem:$0x18200] =	vst v63  }
0x141: {  	[hbm:s20], [sflag:s7] =	dma.local [spmem:s9], $0x800  }
0x142: {  	_ =	swait.ge [sflag:s24], $0x4000  }
0x143: {  	[sflag:s24] =	ssyncset.done $0x0  }
0x144: {  	[sflag:s24] =	ssyncadd.s32 $0xFFFFC000  }
0x145: {  	_ =	swait.ge [sflag:s6], $0x800  }
0x146: {  	[sflag:s6] =	ssyncset.done $0x0  }
0x147: {  	s4 =	simm.s32 $0xC200;
	[sflag:s6] =	ssyncadd.s32 $0xFFFFF800  }
0x148: {  	[spmem:s13] =	stream.linear.scatter [tilespmem:s4], [sflag:$0x3], $0x4000, $0x38;
	[tilespmem:$0x18200] =	vst v63  }
0x149: {  	_ =	swait.ge [sflag:s19], $0x4000  }
0x14a: {  	[sflag:s19] =	ssyncset.done $0x0  }
0x14b: {  	[sflag:s19] =	ssyncadd.s32 $0xFFFFC000  }
0x14c: {  	v3 =	vld [tilespmem:$0x180];
	_ =	sdelay $0x4  }
0x14d: {  	v48 =	vshll.u32 v3, $0x1  }
0x14e: {  	v3 =	vand.u32 $0x7, v3;
	v4 =	vand.u32 $0xFFFFFFF0, v48  }
0x14f: {  	v3 =	vor.u32 v3, v4  }
0x150: {  	v4 =	vperm.xlane v3, v0;
	_ =	sdelay $0x1  }
0x151: {  	v3 =	vperm.xlane v3, v2;
	v4 =	vadd.s32 v1, v4;
	_ =	sdelay $0x1  }
0x152: {  	v3 =	vadd.s32 v1, v3;
	_ =	sdelay $0x2  }
0x153: {  	[tilespmem:s0], [sflag:$0x1] =	stream.indirect_vreg.gather [hbm4b:s1+s3], $0x80, v4, vm0, $0xb8;
	[tilespmem:$0x18200] =	vst v63  }
0x154: {  	s22 =	simm.s32 $0x8A00  }
0x155: {  	[tilespmem:s22], [sflag:$0x1] =	stream.indirect_vreg.gather [hbm4b:s1+s3], $0x80, v3, vm0, $0xb8;
	[tilespmem:$0x18200] =	vst v63  }
0x156: {  	v3 =	vld [tilespmem:$0x190];
	_ =	sdelay $0x4  }
0x157: {  	v49 =	vshll.u32 v3, $0x1  }
0x158: {  	v3 =	vand.u32 $0x7, v3;
	v4 =	vand.u32 $0xFFFFFFF0, v49  }
0x159: {  	v3 =	vor.u32 v3, v4  }
0x15a: {  	v4 =	vperm.xlane v3, v0;
	_ =	sdelay $0x1  }
0x15b: {  	v3 =	vperm.xlane v3, v2;
	v4 =	vadd.s32 v1, v4;
	_ =	sdelay $0x1  }
0x15c: {  	v3 =	vadd.s32 v1, v3;
	_ =	sdelay $0x1  }
0x15d: {  	s31 =	simm.s32 $0x9200  }
0x15e: {  	[tilespmem:s31], [sflag:$0x1] =	stream.indirect_vreg.gather [hbm4b:s1+s3], $0x80, v4, vm0, $0xb8;
	[tilespmem:$0x18200] =	vst v63  }
0x15f: {  	s20 =	simm.s32 $0x9A00  }
0x160: {  	[tilespmem:s20], [sflag:$0x1] =	stream.indirect_vreg.gather [hbm4b:s1+s3], $0x80, v3, vm0, $0xb8;
	[tilespmem:$0x18200] =	vst v63  }
0x161: {  	v3 =	vld [tilespmem:$0x1A0];
	_ =	sdelay $0x4  }
0x162: {  	v50 =	vshll.u32 v3, $0x1  }
0x163: {  	v3 =	vand.u32 $0x7, v3;
	v4 =	vand.u32 $0xFFFFFFF0, v50  }
0x164: {  	v3 =	vor.u32 v3, v4  }
0x165: {  	v4 =	vperm.xlane v3, v0;
	_ =	sdelay $0x1  }
0x166: {  	v3 =	vperm.xlane v3, v2;
	v4 =	vadd.s32 v1, v4;
	_ =	sdelay $0x1  }
0x167: {  	v3 =	vadd.s32 v1, v3;
	_ =	sdelay $0x1  }
0x168: {  	s31 =	simm.s32 $0xA200  }
0x169: {  	[tilespmem:s31], [sflag:$0x1] =	stream.indirect_vreg.gather [hbm4b:s1+s3], $0x80, v4, vm0, $0xb8;
	[tilespmem:$0x18200] =	vst v63  }
0x16a: {  	s2 =	simm.s32 $0xAA00  }
0x16b: {  	[tilespmem:s2], [sflag:$0x1] =	stream.indirect_vreg.gather [hbm4b:s1+s3], $0x80, v3, vm0, $0xb8;
	[tilespmem:$0x18200] =	vst v63  }
0x16c: {  	v3 =	vld [tilespmem:$0x1B0];
	_ =	sdelay $0x4  }
0x16d: {  	v51 =	vshll.u32 v3, $0x1  }
0x16e: {  	v3 =	vand.u32 $0x7, v3;
	v4 =	vand.u32 $0xFFFFFFF0, v51  }
0x16f: {  	v3 =	vor.u32 v3, v4  }
0x170: {  	v4 =	vperm.xlane v3, v0;
	_ =	sdelay $0x1  }
0x171: {  	v3 =	vperm.xlane v3, v2;
	v4 =	vadd.s32 v1, v4;
	_ =	sdelay $0x1  }
0x172: {  	v3 =	vadd.s32 v1, v3;
	_ =	sdelay $0x1  }
0x173: {  	s0 =	simm.s32 $0xB200  }
0x174: {  	[tilespmem:s0], [sflag:$0x1] =	stream.indirect_vreg.gather [hbm4b:s1+s3], $0x80, v4, vm0, $0xb8;
	[tilespmem:$0x18200] =	vst v63  }
0x175: {  	s5 =	simm.s32 $0xBA00;
	s22 =	rddreg [dreg:$0x9]  }
0x176: {  	[tilespmem:s5], [sflag:$0x1] =	stream.indirect_vreg.gather [hbm4b:s1+s3], $0x80, v3, vm0, $0xb8;
	[tilespmem:$0x18200] =	vst v63  }
0x177: {  	[hbm:s22], [sflag:s7] =	dma.local [spmem:s10], $0x800  }
0x178: {  	_ =	swait.ge [sflag:s24], $0x4000  }
0x179: {  	[sflag:s24] =	ssyncset.done $0x0  }
0x17a: {  	[sflag:s24] =	ssyncadd.s32 $0xFFFFC000  }
0x17b: {  	_ =	swait.ge [sflag:s6], $0x800  }
0x17c: {  	[sflag:s6] =	ssyncset.done $0x0  }
0x17d: {  	s22 =	simm.s32 $0x200;
	[sflag:s6] =	ssyncadd.s32 $0xFFFFF800  }
0x17e: {  	[spmem:s12] =	stream.linear.scatter [tilespmem:s22], [sflag:$0x3], $0x4000, $0x38;
	[tilespmem:$0x18200] =	vst v63  }
0x17f: {  	_ =	swait.ge [sflag:s19], $0x4000  }
0x180: {  	[sflag:s19] =	ssyncset.done $0x0  }
0x181: {  	[sflag:s19] =	ssyncadd.s32 $0xFFFFC000  }
0x182: {  	v3 =	vld [tilespmem:$0x1C0];
	_ =	sdelay $0x4  }
0x183: {  	v52 =	vshll.u32 v3, $0x1  }
0x184: {  	v3 =	vand.u32 $0x7, v3;
	v4 =	vand.u32 $0xFFFFFFF0, v52  }
0x185: {  	v3 =	vor.u32 v3, v4  }
0x186: {  	v4 =	vperm.xlane v3, v0;
	_ =	sdelay $0x1  }
0x187: {  	v3 =	vperm.xlane v3, v2;
	v4 =	vadd.s32 v1, v4;
	_ =	sdelay $0x1  }
0x188: {  	v3 =	vadd.s32 v1, v3;
	_ =	sdelay $0x2  }
0x189: {  	[tilespmem:s4], [sflag:$0x1] =	stream.indirect_vreg.gather [hbm4b:s1+s3], $0x80, v4, vm0, $0xb8;
	[tilespmem:$0x18200] =	vst v63  }
0x18a: {  	s23 =	simm.s32 $0xCA00  }
0x18b: {  	[tilespmem:s23], [sflag:$0x1] =	stream.indirect_vreg.gather [hbm4b:s1+s3], $0x80, v3, vm0, $0xb8;
	[tilespmem:$0x18200] =	vst v63  }
0x18c: {  	v3 =	vld [tilespmem:$0x1D0];
	_ =	sdelay $0x4  }
0x18d: {  	v53 =	vshll.u32 v3, $0x1  }
0x18e: {  	v3 =	vand.u32 $0x7, v3;
	v4 =	vand.u32 $0xFFFFFFF0, v53  }
0x18f: {  	v3 =	vor.u32 v3, v4  }
0x190: {  	v4 =	vperm.xlane v3, v0;
	_ =	sdelay $0x1  }
0x191: {  	v3 =	vperm.xlane v3, v2;
	v4 =	vadd.s32 v1, v4;
	_ =	sdelay $0x1  }
0x192: {  	v3 =	vadd.s32 v1, v3;
	_ =	sdelay $0x1  }
0x193: {  	s4 =	simm.s32 $0xD200  }
0x194: {  	[tilespmem:s4], [sflag:$0x1] =	stream.indirect_vreg.gather [hbm4b:s1+s3], $0x80, v4, vm0, $0xb8;
	[tilespmem:$0x18200] =	vst v63  }
0x195: {  	s26 =	simm.s32 $0xDA00  }
0x196: {  	[tilespmem:s26], [sflag:$0x1] =	stream.indirect_vreg.gather [hbm4b:s1+s3], $0x80, v3, vm0, $0xb8;
	[tilespmem:$0x18200] =	vst v63  }
0x197: {  	v3 =	vld [tilespmem:$0x1E0];
	_ =	sdelay $0x4  }
0x198: {  	v54 =	vshll.u32 v3, $0x1  }
0x199: {  	v3 =	vand.u32 $0x7, v3;
	v4 =	vand.u32 $0xFFFFFFF0, v54  }
0x19a: {  	v3 =	vor.u32 v3, v4  }
0x19b: {  	v4 =	vperm.xlane v3, v0;
	_ =	sdelay $0x1  }
0x19c: {  	v3 =	vperm.xlane v3, v2;
	v4 =	vadd.s32 v1, v4;
	_ =	sdelay $0x1  }
0x19d: {  	v3 =	vadd.s32 v1, v3;
	_ =	sdelay $0x1  }
0x19e: {  	s30 =	simm.s32 $0xE200  }
0x19f: {  	[tilespmem:s30], [sflag:$0x1] =	stream.indirect_vreg.gather [hbm4b:s1+s3], $0x80, v4, vm0, $0xb8;
	[tilespmem:$0x18200] =	vst v63  }
0x1a0: {  	s28 =	simm.s32 $0xEA00  }
0x1a1: {  	[tilespmem:s28], [sflag:$0x1] =	stream.indirect_vreg.gather [hbm4b:s1+s3], $0x80, v3, vm0, $0xb8;
	[tilespmem:$0x18200] =	vst v63  }
0x1a2: {  	v3 =	vld [tilespmem:$0x1F0];
	_ =	sdelay $0x4  }
0x1a3: {  	v55 =	vshll.u32 v3, $0x1  }
0x1a4: {  	v3 =	vand.u32 $0x7, v3;
	v4 =	vand.u32 $0xFFFFFFF0, v55  }
0x1a5: {  	v3 =	vor.u32 v3, v4  }
0x1a6: {  	v4 =	vperm.xlane v3, v0;
	_ =	sdelay $0x1  }
0x1a7: {  	v3 =	vperm.xlane v3, v2;
	v4 =	vadd.s32 v1, v4;
	_ =	sdelay $0x1  }
0x1a8: {  	v3 =	vadd.s32 v1, v3;
	_ =	sdelay $0x1  }
0x1a9: {  	s28 =	simm.s32 $0xF200  }
0x1aa: {  	[tilespmem:s28], [sflag:$0x1] =	stream.indirect_vreg.gather [hbm4b:s1+s3], $0x80, v4, vm0, $0xb8;
	[tilespmem:$0x18200] =	vst v63  }
0x1ab: {  	s17 =	simm.s32 $0xFA00;
	s30 =	rddreg [dreg:$0xa]  }
0x1ac: {  	[tilespmem:s17], [sflag:$0x1] =	stream.indirect_vreg.gather [hbm4b:s1+s3], $0x80, v3, vm0, $0xb8;
	[tilespmem:$0x18200] =	vst v63  }
0x1ad: {  	[hbm:s30], [sflag:s7] =	dma.local [spmem:s9], $0x800  }
0x1ae: {  	_ =	swait.ge [sflag:s24], $0x4000  }
0x1af: {  	[sflag:s24] =	ssyncset.done $0x0  }
0x1b0: {  	[sflag:s24] =	ssyncadd.s32 $0xFFFFC000  }
0x1b1: {  	_ =	swait.ge [sflag:s6], $0x800  }
0x1b2: {  	[sflag:s6] =	ssyncset.done $0x0  }
0x1b3: {  	s23 =	simm.s32 $0x4200;
	[sflag:s6] =	ssyncadd.s32 $0xFFFFF800  }
0x1b4: {  	[spmem:s13] =	stream.linear.scatter [tilespmem:s23], [sflag:$0x3], $0x4000, $0x38;
	[tilespmem:$0x18200] =	vst v63  }
0x1b5: {  	_ =	swait.ge [sflag:s19], $0x4000  }
0x1b6: {  	[sflag:s19] =	ssyncset.done $0x0  }
0x1b7: {  	[sflag:s19] =	ssyncadd.s32 $0xFFFFC000  }
0x1b8: {  	v3 =	vld [tilespmem:$0x0];
	_ =	sdelay $0x4  }
0x1b9: {  	v56 =	vshll.u32 v3, $0x1  }
0x1ba: {  	v3 =	vand.u32 $0x7, v3;
	v4 =	vand.u32 $0xFFFFFFF0, v56  }
0x1bb: {  	v3 =	vor.u32 v3, v4  }
0x1bc: {  	v4 =	vperm.xlane v3, v0;
	_ =	sdelay $0x1  }
0x1bd: {  	v3 =	vperm.xlane v3, v2;
	v4 =	vadd.s32 v1, v4;
	_ =	sdelay $0x1  }
0x1be: {  	v3 =	vadd.s32 v1, v3;
	_ =	sdelay $0x2  }
0x1bf: {  	[tilespmem:s22], [sflag:$0x1] =	stream.indirect_vreg.gather [hbm4b:s14+s3], $0x80, v4, vm0, $0xb8;
	[tilespmem:$0x18200] =	vst v63  }
0x1c0: {  	s17 =	simm.s32 $0xA00  }
0x1c1: {  	[tilespmem:s17], [sflag:$0x1] =	stream.indirect_vreg.gather [hbm4b:s14+s3], $0x80, v3, vm0, $0xb8;
	[tilespmem:$0x18200] =	vst v63  }
0x1c2: {  	v3 =	vld [tilespmem:$0x10];
	_ =	sdelay $0x4  }
0x1c3: {  	v57 =	vshll.u32 v3, $0x1  }
0x1c4: {  	v3 =	vand.u32 $0x7, v3;
	v4 =	vand.u32 $0xFFFFFFF0, v57  }
0x1c5: {  	v3 =	vor.u32 v3, v4  }
0x1c6: {  	v4 =	vperm.xlane v3, v0;
	_ =	sdelay $0x1  }
0x1c7: {  	v3 =	vperm.xlane v3, v2;
	v4 =	vadd.s32 v1, v4;
	_ =	sdelay $0x1  }
0x1c8: {  	v3 =	vadd.s32 v1, v3;
	_ =	sdelay $0x1  }
0x1c9: {  	s26 =	simm.s32 $0x1200  }
0x1ca: {  	[tilespmem:s26], [sflag:$0x1] =	stream.indirect_vreg.gather [hbm4b:s14+s3], $0x80, v4, vm0, $0xb8;
	[tilespmem:$0x18200] =	vst v63  }
0x1cb: {  	_ = 	snop  }
0x1cc: {  	[tilespmem:s18], [sflag:$0x1] =	stream.indirect_vreg.gather [hbm4b:s14+s3], $0x80, v3, vm0, $0xb8;
	[tilespmem:$0x18200] =	vst v63  }
0x1cd: {  	v3 =	vld [tilespmem:$0x20];
	_ =	sdelay $0x4  }
0x1ce: {  	v58 =	vshll.u32 v3, $0x1  }
0x1cf: {  	v3 =	vand.u32 $0x7, v3;
	v4 =	vand.u32 $0xFFFFFFF0, v58  }
0x1d0: {  	v3 =	vor.u32 v3, v4  }
0x1d1: {  	v4 =	vperm.xlane v3, v0;
	_ =	sdelay $0x1  }
0x1d2: {  	v3 =	vperm.xlane v3, v2;
	v4 =	vadd.s32 v1, v4;
	_ =	sdelay $0x1  }
0x1d3: {  	v3 =	vadd.s32 v1, v3;
	_ =	sdelay $0x1  }
0x1d4: {  	s28 =	simm.s32 $0x2200  }
0x1d5: {  	[tilespmem:s28], [sflag:$0x1] =	stream.indirect_vreg.gather [hbm4b:s14+s3], $0x80, v4, vm0, $0xb8;
	[tilespmem:$0x18200] =	vst v63  }
0x1d6: {  	_ = 	snop  }
0x1d7: {  	[tilespmem:s21], [sflag:$0x1] =	stream.indirect_vreg.gather [hbm4b:s14+s3], $0x80, v3, vm0, $0xb8;
	[tilespmem:$0x18200] =	vst v63  }
0x1d8: {  	v3 =	vld [tilespmem:$0x30];
	_ =	sdelay $0x4  }
0x1d9: {  	v59 =	vshll.u32 v3, $0x1  }
0x1da: {  	v3 =	vand.u32 $0x7, v3;
	v4 =	vand.u32 $0xFFFFFFF0, v59  }
0x1db: {  	v3 =	vor.u32 v3, v4  }
0x1dc: {  	v4 =	vperm.xlane v3, v0;
	_ =	sdelay $0x1  }
0x1dd: {  	v3 =	vperm.xlane v3, v2;
	v4 =	vadd.s32 v1, v4;
	_ =	sdelay $0x1  }
0x1de: {  	v3 =	vadd.s32 v1, v3;
	_ =	sdelay $0x1  }
0x1df: {  	s30 =	simm.s32 $0x3200  }
0x1e0: {  	[tilespmem:s30], [sflag:$0x1] =	stream.indirect_vreg.gather [hbm4b:s14+s3], $0x80, v4, vm0, $0xb8;
	[tilespmem:$0x18200] =	vst v63  }
0x1e1: {  	s22 =	simm.s32 $0x3A00;
	s21 =	rddreg [dreg:$0xb]  }
0x1e2: {  	[tilespmem:s22], [sflag:$0x1] =	stream.indirect_vreg.gather [hbm4b:s14+s3], $0x80, v3, vm0, $0xb8;
	[tilespmem:$0x18200] =	vst v63  }
0x1e3: {  	[hbm:s21], [sflag:s7] =	dma.local [spmem:s10], $0x800  }
0x1e4: {  	_ =	swait.ge [sflag:s24], $0x4000  }
0x1e5: {  	[sflag:s24] =	ssyncset.done $0x0  }
0x1e6: {  	[sflag:s24] =	ssyncadd.s32 $0xFFFFC000  }
0x1e7: {  	_ =	swait.ge [sflag:s6], $0x800  }
0x1e8: {  	[sflag:s6] =	ssyncset.done $0x0  }
0x1e9: {  	s21 =	simm.s32 $0x8200;
	[sflag:s6] =	ssyncadd.s32 $0xFFFFF800  }
0x1ea: {  	[spmem:s12] =	stream.linear.scatter [tilespmem:s21], [sflag:$0x3], $0x4000, $0x38;
	[tilespmem:$0x18200] =	vst v63  }
0x1eb: {  	_ =	swait.ge [sflag:s19], $0x4000  }
0x1ec: {  	[sflag:s19] =	ssyncset.done $0x0  }
0x1ed: {  	[sflag:s19] =	ssyncadd.s32 $0xFFFFC000  }
0x1ee: {  	v3 =	vld [tilespmem:$0x40];
	_ =	sdelay $0x4  }
0x1ef: {  	v60 =	vshll.u32 v3, $0x1  }
0x1f0: {  	v3 =	vand.u32 $0x7, v3;
	v4 =	vand.u32 $0xFFFFFFF0, v60  }
0x1f1: {  	v3 =	vor.u32 v3, v4  }
0x1f2: {  	v4 =	vperm.xlane v3, v0;
	_ =	sdelay $0x1  }
0x1f3: {  	v3 =	vperm.xlane v3, v2;
	v4 =	vadd.s32 v1, v4;
	_ =	sdelay $0x1  }
0x1f4: {  	v3 =	vadd.s32 v1, v3;
	_ =	sdelay $0x2  }
0x1f5: {  	[tilespmem:s23], [sflag:$0x1] =	stream.indirect_vreg.gather [hbm4b:s14+s3], $0x80, v4, vm0, $0xb8;
	[tilespmem:$0x18200] =	vst v63  }
0x1f6: {  	_ = 	snop  }
0x1f7: {  	[tilespmem:s8], [sflag:$0x1] =	stream.indirect_vreg.gather [hbm4b:s14+s3], $0x80, v3, vm0, $0xb8;
	[tilespmem:$0x18200] =	vst v63  }
0x1f8: {  	v3 =	vld [tilespmem:$0x50];
	_ =	sdelay $0x4  }
0x1f9: {  	v61 =	vshll.u32 v3, $0x1  }
0x1fa: {  	v3 =	vand.u32 $0x7, v3;
	v4 =	vand.u32 $0xFFFFFFF0, v61  }
0x1fb: {  	v3 =	vor.u32 v3, v4  }
0x1fc: {  	v4 =	vperm.xlane v3, v0;
	_ =	sdelay $0x1  }
0x1fd: {  	v3 =	vperm.xlane v3, v2;
	v4 =	vadd.s32 v1, v4;
	_ =	sdelay $0x1  }
0x1fe: {  	v3 =	vadd.s32 v1, v3;
	_ =	sdelay $0x1  }
0x1ff: {  	s18 =	simm.s32 $0x5200  }
0x200: {  	[tilespmem:s18], [sflag:$0x1] =	stream.indirect_vreg.gather [hbm4b:s14+s3], $0x80, v4, vm0, $0xb8;
	[tilespmem:$0x18200] =	vst v63  }
0x201: {  	_ = 	snop  }
0x202: {  	[tilespmem:s15], [sflag:$0x1] =	stream.indirect_vreg.gather [hbm4b:s14+s3], $0x80, v3, vm0, $0xb8;
	[tilespmem:$0x18200] =	vst v63  }
0x203: {  	v3 =	vld [tilespmem:$0x60];
	_ =	sdelay $0x4  }
0x204: {  	v62 =	vshll.u32 v3, $0x1  }
0x205: {  	v3 =	vand.u32 $0x7, v3;
	v4 =	vand.u32 $0xFFFFFFF0, v62  }
0x206: {  	v3 =	vor.u32 v3, v4  }
0x207: {  	v4 =	vperm.xlane v3, v0;
	_ =	sdelay $0x1  }
0x208: {  	v3 =	vperm.xlane v3, v2;
	v4 =	vadd.s32 v1, v4;
	_ =	sdelay $0x1  }
0x209: {  	v3 =	vadd.s32 v1, v3;
	_ =	sdelay $0x1  }
0x20a: {  	s22 =	simm.s32 $0x6200  }
0x20b: {  	[tilespmem:s22], [sflag:$0x1] =	stream.indirect_vreg.gather [hbm4b:s14+s3], $0x80, v4, vm0, $0xb8;
	[tilespmem:$0x18200] =	vst v63  }
0x20c: {  	_ = 	snop  }
0x20d: {  	[tilespmem:s29], [sflag:$0x1] =	stream.indirect_vreg.gather [hbm4b:s14+s3], $0x80, v3, vm0, $0xb8;
	[tilespmem:$0x18200] =	vst v63  }
0x20e: {  	v3 =	vld [tilespmem:$0x70];
	_ =	sdelay $0x4  }
0x20f: {  	v63 =	vshll.u32 v3, $0x1  }
0x210: {  	v3 =	vand.u32 $0x7, v3;
	v4 =	vand.u32 $0xFFFFFFF0, v63  }
0x211: {  	v3 =	vor.u32 v3, v4  }
0x212: {  	v4 =	vperm.xlane v3, v0;
	_ =	sdelay $0x1  }
0x213: {  	v3 =	vperm.xlane v3, v2;
	v4 =	vadd.s32 v1, v4;
	_ =	sdelay $0x1  }
0x214: {  	v3 =	vadd.s32 v1, v3;
	_ =	sdelay $0x1  }
0x215: {  	s29 =	simm.s32 $0x7200  }
0x216: {  	[tilespmem:s29], [sflag:$0x1] =	stream.indirect_vreg.gather [hbm4b:s14+s3], $0x80, v4, vm0, $0xb8;
	[tilespmem:$0x18200] =	vst v63  }
0x217: {  	s23 =	rddreg [dreg:$0xc]  }
0x218: {  	[tilespmem:s25], [sflag:$0x1] =	stream.indirect_vreg.gather [hbm4b:s14+s3], $0x80, v3, vm0, $0xb8;
	[tilespmem:$0x18200] =	vst v63  }
0x219: {  	[hbm:s23], [sflag:s7] =	dma.local [spmem:s9], $0x800  }
0x21a: {  	_ =	swait.ge [sflag:s24], $0x4000  }
0x21b: {  	[sflag:s24] =	ssyncset.done $0x0  }
0x21c: {  	[sflag:s24] =	ssyncadd.s32 $0xFFFFC000  }
0x21d: {  	_ =	swait.ge [sflag:s6], $0x800  }
0x21e: {  	[sflag:s6] =	ssyncset.done $0x0  }
0x21f: {  	s25 =	simm.s32 $0xC200;
	[sflag:s6] =	ssyncadd.s32 $0xFFFFF800  }
0x220: {  	[spmem:s13] =	stream.linear.scatter [tilespmem:s25], [sflag:$0x3], $0x4000, $0x38;
	[tilespmem:$0x18200] =	vst v63  }
0x221: {  	_ =	swait.ge [sflag:s19], $0x4000  }
0x222: {  	[sflag:s19] =	ssyncset.done $0x0  }
0x223: {  	[sflag:s19] =	ssyncadd.s32 $0xFFFFC000  }
0x224: {  	v3 =	vld [tilespmem:$0x80];
	_ =	sdelay $0x4  }
0x225: {  	v8 =	vshll.u32 v3, $0x1  }
0x226: {  	v3 =	vand.u32 $0x7, v3;
	v4 =	vand.u32 $0xFFFFFFF0, v8  }
0x227: {  	v3 =	vor.u32 v3, v4  }
0x228: {  	v4 =	vperm.xlane v3, v0;
	_ =	sdelay $0x1  }
0x229: {  	v3 =	vperm.xlane v3, v2;
	v4 =	vadd.s32 v1, v4;
	_ =	sdelay $0x1  }
0x22a: {  	v3 =	vadd.s32 v1, v3;
	_ =	sdelay $0x2  }
0x22b: {  	[tilespmem:s21], [sflag:$0x1] =	stream.indirect_vreg.gather [hbm4b:s14+s3], $0x80, v4, vm0, $0xb8;
	[tilespmem:$0x18200] =	vst v63  }
0x22c: {  	s8 =	simm.s32 $0x8A00  }
0x22d: {  	[tilespmem:s8], [sflag:$0x1] =	stream.indirect_vreg.gather [hbm4b:s14+s3], $0x80, v3, vm0, $0xb8;
	[tilespmem:$0x18200] =	vst v63  }
0x22e: {  	v3 =	vld [tilespmem:$0x90];
	_ =	sdelay $0x4  }
0x22f: {  	v9 =	vshll.u32 v3, $0x1  }
0x230: {  	v3 =	vand.u32 $0x7, v3;
	v4 =	vand.u32 $0xFFFFFFF0, v9  }
0x231: {  	v3 =	vor.u32 v3, v4  }
0x232: {  	v4 =	vperm.xlane v3, v0;
	_ =	sdelay $0x1  }
0x233: {  	v3 =	vperm.xlane v3, v2;
	v4 =	vadd.s32 v1, v4;
	_ =	sdelay $0x1  }
0x234: {  	v3 =	vadd.s32 v1, v3;
	_ =	sdelay $0x1  }
0x235: {  	s23 =	simm.s32 $0x9200  }
0x236: {  	[tilespmem:s23], [sflag:$0x1] =	stream.indirect_vreg.gather [hbm4b:s14+s3], $0x80, v4, vm0, $0xb8;
	[tilespmem:$0x18200] =	vst v63  }
0x237: {  	_ = 	snop  }
0x238: {  	[tilespmem:s20], [sflag:$0x1] =	stream.indirect_vreg.gather [hbm4b:s14+s3], $0x80, v3, vm0, $0xb8;
	[tilespmem:$0x18200] =	vst v63  }
0x239: {  	v3 =	vld [tilespmem:$0xA0];
	_ =	sdelay $0x4  }
0x23a: {  	v10 =	vshll.u32 v3, $0x1  }
0x23b: {  	v3 =	vand.u32 $0x7, v3;
	v4 =	vand.u32 $0xFFFFFFF0, v10  }
0x23c: {  	v3 =	vor.u32 v3, v4  }
0x23d: {  	v4 =	vperm.xlane v3, v0;
	_ =	sdelay $0x1  }
0x23e: {  	v3 =	vperm.xlane v3, v2;
	v4 =	vadd.s32 v1, v4;
	_ =	sdelay $0x1  }
0x23f: {  	v3 =	vadd.s32 v1, v3;
	_ =	sdelay $0x2  }
0x240: {  	[tilespmem:s31], [sflag:$0x1] =	stream.indirect_vreg.gather [hbm4b:s14+s3], $0x80, v4, vm0, $0xb8;
	[tilespmem:$0x18200] =	vst v63  }
0x241: {  	_ = 	snop  }
0x242: {  	[tilespmem:s2], [sflag:$0x1] =	stream.indirect_vreg.gather [hbm4b:s14+s3], $0x80, v3, vm0, $0xb8;
	[tilespmem:$0x18200] =	vst v63  }
0x243: {  	v3 =	vld [tilespmem:$0xB0];
	_ =	sdelay $0x4  }
0x244: {  	v11 =	vshll.u32 v3, $0x1  }
0x245: {  	v3 =	vand.u32 $0x7, v3;
	v4 =	vand.u32 $0xFFFFFFF0, v11  }
0x246: {  	v3 =	vor.u32 v3, v4  }
0x247: {  	v4 =	vperm.xlane v3, v0;
	_ =	sdelay $0x1  }
0x248: {  	v3 =	vperm.xlane v3, v2;
	v4 =	vadd.s32 v1, v4;
	_ =	sdelay $0x1  }
0x249: {  	v3 =	vadd.s32 v1, v3;
	_ =	sdelay $0x2  }
0x24a: {  	[tilespmem:s0], [sflag:$0x1] =	stream.indirect_vreg.gather [hbm4b:s14+s3], $0x80, v4, vm0, $0xb8;
	[tilespmem:$0x18200] =	vst v63  }
0x24b: {  	s2 =	rddreg [dreg:$0xd]  }
0x24c: {  	[tilespmem:s5], [sflag:$0x1] =	stream.indirect_vreg.gather [hbm4b:s14+s3], $0x80, v3, vm0, $0xb8;
	[tilespmem:$0x18200] =	vst v63  }
0x24d: {  	[hbm:s2], [sflag:s7] =	dma.local [spmem:s10], $0x800  }
0x24e: {  	_ =	swait.ge [sflag:s24], $0x4000  }
0x24f: {  	[sflag:s24] =	ssyncset.done $0x0  }
0x250: {  	[sflag:s24] =	ssyncadd.s32 $0xFFFFC000  }
0x251: {  	_ =	swait.ge [sflag:s6], $0x800  }
0x252: {  	[sflag:s6] =	ssyncset.done $0x0  }
0x253: {  	s21 =	simm.s32 $0x200;
	[sflag:s6] =	ssyncadd.s32 $0xFFFFF800  }
0x254: {  	[spmem:s12] =	stream.linear.scatter [tilespmem:s21], [sflag:$0x3], $0x4000, $0x38;
	[tilespmem:$0x18200] =	vst v63  }
0x255: {  	_ =	swait.ge [sflag:s19], $0x4000  }
0x256: {  	[sflag:s19] =	ssyncset.done $0x0  }
0x257: {  	[sflag:s19] =	ssyncadd.s32 $0xFFFFC000  }
0x258: {  	v3 =	vld [tilespmem:$0xC0];
	_ =	sdelay $0x4  }
0x259: {  	v12 =	vshll.u32 v3, $0x1  }
0x25a: {  	v3 =	vand.u32 $0x7, v3;
	v4 =	vand.u32 $0xFFFFFFF0, v12  }
0x25b: {  	v3 =	vor.u32 v3, v4  }
0x25c: {  	v4 =	vperm.xlane v3, v0;
	_ =	sdelay $0x1  }
0x25d: {  	v3 =	vperm.xlane v3, v2;
	v4 =	vadd.s32 v1, v4;
	_ =	sdelay $0x1  }
0x25e: {  	v3 =	vadd.s32 v1, v3;
	_ =	sdelay $0x2  }
0x25f: {  	[tilespmem:s25], [sflag:$0x1] =	stream.indirect_vreg.gather [hbm4b:s14+s3], $0x80, v4, vm0, $0xb8;
	[tilespmem:$0x18200] =	vst v63  }
0x260: {  	s31 =	simm.s32 $0xCA00  }
0x261: {  	[tilespmem:s31], [sflag:$0x1] =	stream.indirect_vreg.gather [hbm4b:s14+s3], $0x80, v3, vm0, $0xb8;
	[tilespmem:$0x18200] =	vst v63  }
0x262: {  	v3 =	vld [tilespmem:$0xD0];
	_ =	sdelay $0x4  }
0x263: {  	v13 =	vshll.u32 v3, $0x1  }
0x264: {  	v3 =	vand.u32 $0x7, v3;
	v4 =	vand.u32 $0xFFFFFFF0, v13  }
0x265: {  	v3 =	vor.u32 v3, v4  }
0x266: {  	v4 =	vperm.xlane v3, v0;
	_ =	sdelay $0x1  }
0x267: {  	v3 =	vperm.xlane v3, v2;
	v4 =	vadd.s32 v1, v4;
	_ =	sdelay $0x1  }
0x268: {  	v3 =	vadd.s32 v1, v3;
	_ =	sdelay $0x2  }
0x269: {  	[tilespmem:s4], [sflag:$0x1] =	stream.indirect_vreg.gather [hbm4b:s14+s3], $0x80, v4, vm0, $0xb8;
	[tilespmem:$0x18200] =	vst v63  }
0x26a: {  	s15 =	simm.s32 $0xDA00  }
0x26b: {  	[tilespmem:s15], [sflag:$0x1] =	stream.indirect_vreg.gather [hbm4b:s14+s3], $0x80, v3, vm0, $0xb8;
	[tilespmem:$0x18200] =	vst v63  }
0x26c: {  	v3 =	vld [tilespmem:$0xE0];
	_ =	sdelay $0x4  }
0x26d: {  	v14 =	vshll.u32 v3, $0x1  }
0x26e: {  	v3 =	vand.u32 $0x7, v3;
	v4 =	vand.u32 $0xFFFFFFF0, v14  }
0x26f: {  	v3 =	vor.u32 v3, v4  }
0x270: {  	v4 =	vperm.xlane v3, v0;
	_ =	sdelay $0x1  }
0x271: {  	v3 =	vperm.xlane v3, v2;
	v4 =	vadd.s32 v1, v4;
	_ =	sdelay $0x1  }
0x272: {  	v3 =	vadd.s32 v1, v3;
	_ =	sdelay $0x1  }
0x273: {  	s18 =	simm.s32 $0xE200  }
0x274: {  	[tilespmem:s18], [sflag:$0x1] =	stream.indirect_vreg.gather [hbm4b:s14+s3], $0x80, v4, vm0, $0xb8;
	[tilespmem:$0x18200] =	vst v63  }
0x275: {  	s20 =	simm.s32 $0xEA00  }
0x276: {  	[tilespmem:s20], [sflag:$0x1] =	stream.indirect_vreg.gather [hbm4b:s14+s3], $0x80, v3, vm0, $0xb8;
	[tilespmem:$0x18200] =	vst v63  }
0x277: {  	v3 =	vld [tilespmem:$0xF0];
	_ =	sdelay $0x4  }
0x278: {  	v15 =	vshll.u32 v3, $0x1  }
0x279: {  	v3 =	vand.u32 $0x7, v3;
	v4 =	vand.u32 $0xFFFFFFF0, v15  }
0x27a: {  	v3 =	vor.u32 v3, v4  }
0x27b: {  	v4 =	vperm.xlane v3, v0;
	_ =	sdelay $0x1  }
0x27c: {  	v3 =	vperm.xlane v3, v2;
	v4 =	vadd.s32 v1, v4;
	_ =	sdelay $0x1  }
0x27d: {  	v3 =	vadd.s32 v1, v3  }
0x27e: {  	s2 =	rddreg [dreg:$0x17]  }
0x27f: {  	s22 =	simm.s32 $0xF200;
	s4 =	rddreg [dreg:$0xe]  }
0x280: {  	[tilespmem:s22], [sflag:$0x1] =	stream.indirect_vreg.gather [hbm4b:s14+s3], $0x80, v4, vm0, $0xb8;
	[tilespmem:$0x18200] =	vst v63  }
0x281: {  	s25 =	simm.s32 $0xFA00;
	s0 =	sadd.s32 s4, s2  }
0x282: {  	[tilespmem:s25], [sflag:$0x1] =	stream.indirect_vreg.gather [hbm4b:s14+s3], $0x80, v3, vm0, $0xb8;
	[tilespmem:$0x18200] =	vst v63  }
0x283: {  	[hbm:s0], [sflag:s7] =	dma.local [spmem:s9], $0x800  }
0x284: {  	_ =	swait.ge [sflag:s24], $0x4000  }
0x285: {  	[sflag:s24] =	ssyncset.done $0x0  }
0x286: {  	[sflag:s24] =	ssyncadd.s32 $0xFFFFC000  }
0x287: {  	_ =	swait.ge [sflag:s6], $0x800  }
0x288: {  	[sflag:s6] =	ssyncset.done $0x0  }
0x289: {  	s5 =	simm.s32 $0x4200;
	[sflag:s6] =	ssyncadd.s32 $0xFFFFF800  }
0x28a: {  	[spmem:s13] =	stream.linear.scatter [tilespmem:s5], [sflag:$0x3], $0x4000, $0x38;
	[tilespmem:$0x18200] =	vst v63  }
0x28b: {  	_ =	swait.ge [sflag:s19], $0x4000  }
0x28c: {  	[sflag:s19] =	ssyncset.done $0x0  }
0x28d: {  	[sflag:s19] =	ssyncadd.s32 $0xFFFFC000  }
0x28e: {  	v3 =	vld [tilespmem:$0x100];
	_ =	sdelay $0x4  }
0x28f: {  	v16 =	vshll.u32 v3, $0x1  }
0x290: {  	v3 =	vand.u32 $0x7, v3;
	v4 =	vand.u32 $0xFFFFFFF0, v16  }
0x291: {  	v3 =	vor.u32 v3, v4  }
0x292: {  	v4 =	vperm.xlane v3, v0;
	_ =	sdelay $0x1  }
0x293: {  	v3 =	vperm.xlane v3, v2;
	v4 =	vadd.s32 v1, v4;
	_ =	sdelay $0x1  }
0x294: {  	v3 =	vadd.s32 v1, v3;
	_ =	sdelay $0x2  }
0x295: {  	[tilespmem:s21], [sflag:$0x1] =	stream.indirect_vreg.gather [hbm4b:s14+s3], $0x80, v4, vm0, $0xb8;
	[tilespmem:$0x18200] =	vst v63  }
0x296: {  	_ = 	snop  }
0x297: {  	[tilespmem:s17], [sflag:$0x1] =	stream.indirect_vreg.gather [hbm4b:s14+s3], $0x80, v3, vm0, $0xb8;
	[tilespmem:$0x18200] =	vst v63  }
0x298: {  	v3 =	vld [tilespmem:$0x110];
	_ =	sdelay $0x4  }
0x299: {  	v17 =	vshll.u32 v3, $0x1  }
0x29a: {  	v3 =	vand.u32 $0x7, v3;
	v4 =	vand.u32 $0xFFFFFFF0, v17  }
0x29b: {  	v3 =	vor.u32 v3, v4  }
0x29c: {  	v4 =	vperm.xlane v3, v0;
	_ =	sdelay $0x1  }
0x29d: {  	v3 =	vperm.xlane v3, v2;
	v4 =	vadd.s32 v1, v4;
	_ =	sdelay $0x1  }
0x29e: {  	v3 =	vadd.s32 v1, v3;
	_ =	sdelay $0x2  }
0x29f: {  	[tilespmem:s26], [sflag:$0x1] =	stream.indirect_vreg.gather [hbm4b:s14+s3], $0x80, v4, vm0, $0xb8;
	[tilespmem:$0x18200] =	vst v63  }
0x2a0: {  	s18 =	simm.s32 $0x1A00  }
0x2a1: {  	[tilespmem:s18], [sflag:$0x1] =	stream.indirect_vreg.gather [hbm4b:s14+s3], $0x80, v3, vm0, $0xb8;
	[tilespmem:$0x18200] =	vst v63  }
0x2a2: {  	v3 =	vld [tilespmem:$0x120];
	_ =	sdelay $0x4  }
0x2a3: {  	v18 =	vshll.u32 v3, $0x1  }
0x2a4: {  	v3 =	vand.u32 $0x7, v3;
	v4 =	vand.u32 $0xFFFFFFF0, v18  }
0x2a5: {  	v3 =	vor.u32 v3, v4  }
0x2a6: {  	v4 =	vperm.xlane v3, v0;
	_ =	sdelay $0x1  }
0x2a7: {  	v3 =	vperm.xlane v3, v2;
	v4 =	vadd.s32 v1, v4;
	_ =	sdelay $0x1  }
0x2a8: {  	v3 =	vadd.s32 v1, v3;
	_ =	sdelay $0x2  }
0x2a9: {  	[tilespmem:s28], [sflag:$0x1] =	stream.indirect_vreg.gather [hbm4b:s14+s3], $0x80, v4, vm0, $0xb8;
	[tilespmem:$0x18200] =	vst v63  }
0x2aa: {  	s20 =	simm.s32 $0x2A00  }
0x2ab: {  	[tilespmem:s20], [sflag:$0x1] =	stream.indirect_vreg.gather [hbm4b:s14+s3], $0x80, v3, vm0, $0xb8;
	[tilespmem:$0x18200] =	vst v63  }
0x2ac: {  	v3 =	vld [tilespmem:$0x130];
	_ =	sdelay $0x4  }
0x2ad: {  	v19 =	vshll.u32 v3, $0x1  }
0x2ae: {  	v3 =	vand.u32 $0x7, v3;
	v4 =	vand.u32 $0xFFFFFFF0, v19  }
0x2af: {  	v3 =	vor.u32 v3, v4  }
0x2b0: {  	v4 =	vperm.xlane v3, v0;
	_ =	sdelay $0x1  }
0x2b1: {  	v3 =	vperm.xlane v3, v2;
	v4 =	vadd.s32 v1, v4;
	_ =	sdelay $0x1  }
0x2b2: {  	v3 =	vadd.s32 v1, v3;
	_ =	sdelay $0x1  }
0x2b3: {  	s21 =	rddreg [dreg:$0xf]  }
0x2b4: {  	[tilespmem:s30], [sflag:$0x1] =	stream.indirect_vreg.gather [hbm4b:s14+s3], $0x80, v4, vm0, $0xb8;
	[tilespmem:$0x18200] =	vst v63  }
0x2b5: {  	s25 =	simm.s32 $0x3A00;
	s15 =	sadd.s32 s21, s2  }
0x2b6: {  	[tilespmem:s25], [sflag:$0x1] =	stream.indirect_vreg.gather [hbm4b:s14+s3], $0x80, v3, vm0, $0xb8;
	[tilespmem:$0x18200] =	vst v63  }
0x2b7: {  	[hbm:s15], [sflag:s7] =	dma.local [spmem:s10], $0x800  }
0x2b8: {  	_ =	swait.ge [sflag:s24], $0x4000  }
0x2b9: {  	[sflag:s24] =	ssyncset.done $0x0  }
0x2ba: {  	[sflag:s24] =	ssyncadd.s32 $0xFFFFC000  }
0x2bb: {  	_ =	swait.ge [sflag:s6], $0x800  }
0x2bc: {  	[sflag:s6] =	ssyncset.done $0x0  }
0x2bd: {  	s26 =	simm.s32 $0x8200;
	[sflag:s6] =	ssyncadd.s32 $0xFFFFF800  }
0x2be: {  	[spmem:s12] =	stream.linear.scatter [tilespmem:s26], [sflag:$0x3], $0x4000, $0x38;
	[tilespmem:$0x18200] =	vst v63  }
0x2bf: {  	_ =	swait.ge [sflag:s19], $0x4000  }
0x2c0: {  	[sflag:s19] =	ssyncset.done $0x0  }
0x2c1: {  	[sflag:s19] =	ssyncadd.s32 $0xFFFFC000  }
0x2c2: {  	v3 =	vld [tilespmem:$0x140];
	_ =	sdelay $0x4  }
0x2c3: {  	v20 =	vshll.u32 v3, $0x1  }
0x2c4: {  	v3 =	vand.u32 $0x7, v3;
	v4 =	vand.u32 $0xFFFFFFF0, v20  }
0x2c5: {  	v3 =	vor.u32 v3, v4  }
0x2c6: {  	v4 =	vperm.xlane v3, v0;
	_ =	sdelay $0x1  }
0x2c7: {  	v3 =	vperm.xlane v3, v2;
	v4 =	vadd.s32 v1, v4;
	_ =	sdelay $0x1  }
0x2c8: {  	v3 =	vadd.s32 v1, v3;
	_ =	sdelay $0x2  }
0x2c9: {  	[tilespmem:s5], [sflag:$0x1] =	stream.indirect_vreg.gather [hbm4b:s14+s3], $0x80, v4, vm0, $0xb8;
	[tilespmem:$0x18200] =	vst v63  }
0x2ca: {  	s30 =	simm.s32 $0x4A00  }
0x2cb: {  	[tilespmem:s30], [sflag:$0x1] =	stream.indirect_vreg.gather [hbm4b:s14+s3], $0x80, v3, vm0, $0xb8;
	[tilespmem:$0x18200] =	vst v63  }
0x2cc: {  	v3 =	vld [tilespmem:$0x150];
	_ =	sdelay $0x4  }
0x2cd: {  	v21 =	vshll.u32 v3, $0x1  }
0x2ce: {  	v3 =	vand.u32 $0x7, v3;
	v4 =	vand.u32 $0xFFFFFFF0, v21  }
0x2cf: {  	v3 =	vor.u32 v3, v4  }
0x2d0: {  	v4 =	vperm.xlane v3, v0;
	_ =	sdelay $0x1  }
0x2d1: {  	v3 =	vperm.xlane v3, v2;
	v4 =	vadd.s32 v1, v4;
	_ =	sdelay $0x1  }
0x2d2: {  	v3 =	vadd.s32 v1, v3;
	_ =	sdelay $0x1  }
0x2d3: {  	s17 =	simm.s32 $0x5200  }
0x2d4: {  	[tilespmem:s17], [sflag:$0x1] =	stream.indirect_vreg.gather [hbm4b:s14+s3], $0x80, v4, vm0, $0xb8;
	[tilespmem:$0x18200] =	vst v63  }
0x2d5: {  	s15 =	simm.s32 $0x5A00  }
0x2d6: {  	[tilespmem:s15], [sflag:$0x1] =	stream.indirect_vreg.gather [hbm4b:s14+s3], $0x80, v3, vm0, $0xb8;
	[tilespmem:$0x18200] =	vst v63  }
0x2d7: {  	v3 =	vld [tilespmem:$0x160];
	_ =	sdelay $0x4  }
0x2d8: {  	v22 =	vshll.u32 v3, $0x1  }
0x2d9: {  	v3 =	vand.u32 $0x7, v3;
	v4 =	vand.u32 $0xFFFFFFF0, v22  }
0x2da: {  	v3 =	vor.u32 v3, v4  }
0x2db: {  	v4 =	vperm.xlane v3, v0;
	_ =	sdelay $0x1  }
0x2dc: {  	v3 =	vperm.xlane v3, v2;
	v4 =	vadd.s32 v1, v4;
	_ =	sdelay $0x1  }
0x2dd: {  	v3 =	vadd.s32 v1, v3;
	_ =	sdelay $0x1  }
0x2de: {  	s22 =	simm.s32 $0x6200  }
0x2df: {  	[tilespmem:s22], [sflag:$0x1] =	stream.indirect_vreg.gather [hbm4b:s14+s3], $0x80, v4, vm0, $0xb8;
	[tilespmem:$0x18200] =	vst v63  }
0x2e0: {  	s17 =	simm.s32 $0x6A00  }
0x2e1: {  	[tilespmem:s17], [sflag:$0x1] =	stream.indirect_vreg.gather [hbm4b:s14+s3], $0x80, v3, vm0, $0xb8;
	[tilespmem:$0x18200] =	vst v63  }
0x2e2: {  	v3 =	vld [tilespmem:$0x170];
	_ =	sdelay $0x4  }
0x2e3: {  	v23 =	vshll.u32 v3, $0x1  }
0x2e4: {  	v3 =	vand.u32 $0x7, v3;
	v4 =	vand.u32 $0xFFFFFFF0, v23  }
0x2e5: {  	v3 =	vor.u32 v3, v4  }
0x2e6: {  	v4 =	vperm.xlane v3, v0;
	_ =	sdelay $0x1  }
0x2e7: {  	v3 =	vperm.xlane v3, v2;
	v4 =	vadd.s32 v1, v4;
	_ =	sdelay $0x1  }
0x2e8: {  	v3 =	vadd.s32 v1, v3;
	_ =	sdelay $0x1  }
0x2e9: {  	s22 =	rddreg [dreg:$0x10]  }
0x2ea: {  	[tilespmem:s29], [sflag:$0x1] =	stream.indirect_vreg.gather [hbm4b:s14+s3], $0x80, v4, vm0, $0xb8;
	[tilespmem:$0x18200] =	vst v63  }
0x2eb: {  	s28 =	simm.s32 $0x7A00;
	s29 =	sadd.s32 s22, s2  }
0x2ec: {  	[tilespmem:s28], [sflag:$0x1] =	stream.indirect_vreg.gather [hbm4b:s14+s3], $0x80, v3, vm0, $0xb8;
	[tilespmem:$0x18200] =	vst v63  }
0x2ed: {  	[hbm:s29], [sflag:s7] =	dma.local [spmem:s9], $0x800  }
0x2ee: {  	_ =	swait.ge [sflag:s24], $0x4000  }
0x2ef: {  	[sflag:s24] =	ssyncset.done $0x0  }
0x2f0: {  	[sflag:s24] =	ssyncadd.s32 $0xFFFFC000  }
0x2f1: {  	_ =	swait.ge [sflag:s6], $0x800  }
0x2f2: {  	[sflag:s6] =	ssyncset.done $0x0  }
0x2f3: {  	s28 =	simm.s32 $0xC200;
	[sflag:s6] =	ssyncadd.s32 $0xFFFFF800  }
0x2f4: {  	[spmem:s13] =	stream.linear.scatter [tilespmem:s28], [sflag:$0x3], $0x4000, $0x38;
	[tilespmem:$0x18200] =	vst v63  }
0x2f5: {  	_ =	swait.ge [sflag:s19], $0x4000  }
0x2f6: {  	[sflag:s19] =	ssyncset.done $0x0  }
0x2f7: {  	[sflag:s19] =	ssyncadd.s32 $0xFFFFC000  }
0x2f8: {  	v3 =	vld [tilespmem:$0x180];
	_ =	sdelay $0x4  }
0x2f9: {  	v24 =	vshll.u32 v3, $0x1  }
0x2fa: {  	v3 =	vand.u32 $0x7, v3;
	v4 =	vand.u32 $0xFFFFFFF0, v24  }
0x2fb: {  	v3 =	vor.u32 v3, v4  }
0x2fc: {  	v4 =	vperm.xlane v3, v0;
	_ =	sdelay $0x1  }
0x2fd: {  	v3 =	vperm.xlane v3, v2;
	v4 =	vadd.s32 v1, v4;
	_ =	sdelay $0x1  }
0x2fe: {  	v3 =	vadd.s32 v1, v3;
	_ =	sdelay $0x2  }
0x2ff: {  	[tilespmem:s26], [sflag:$0x1] =	stream.indirect_vreg.gather [hbm4b:s14+s3], $0x80, v4, vm0, $0xb8;
	[tilespmem:$0x18200] =	vst v63  }
0x300: {  	_ = 	snop  }
0x301: {  	[tilespmem:s8], [sflag:$0x1] =	stream.indirect_vreg.gather [hbm4b:s14+s3], $0x80, v3, vm0, $0xb8;
	[tilespmem:$0x18200] =	vst v63  }
0x302: {  	v3 =	vld [tilespmem:$0x190];
	_ =	sdelay $0x4  }
0x303: {  	v25 =	vshll.u32 v3, $0x1  }
0x304: {  	v3 =	vand.u32 $0x7, v3;
	v4 =	vand.u32 $0xFFFFFFF0, v25  }
0x305: {  	v3 =	vor.u32 v3, v4  }
0x306: {  	v4 =	vperm.xlane v3, v0;
	_ =	sdelay $0x1  }
0x307: {  	v3 =	vperm.xlane v3, v2;
	v4 =	vadd.s32 v1, v4;
	_ =	sdelay $0x1  }
0x308: {  	v3 =	vadd.s32 v1, v3;
	_ =	sdelay $0x2  }
0x309: {  	[tilespmem:s23], [sflag:$0x1] =	stream.indirect_vreg.gather [hbm4b:s14+s3], $0x80, v4, vm0, $0xb8;
	[tilespmem:$0x18200] =	vst v63  }
0x30a: {  	s29 =	simm.s32 $0x9A00  }
0x30b: {  	[tilespmem:s29], [sflag:$0x1] =	stream.indirect_vreg.gather [hbm4b:s14+s3], $0x80, v3, vm0, $0xb8;
	[tilespmem:$0x18200] =	vst v63  }
0x30c: {  	v3 =	vld [tilespmem:$0x1A0];
	_ =	sdelay $0x4  }
0x30d: {  	v26 =	vshll.u32 v3, $0x1  }
0x30e: {  	v3 =	vand.u32 $0x7, v3;
	v4 =	vand.u32 $0xFFFFFFF0, v26  }
0x30f: {  	v3 =	vor.u32 v3, v4  }
0x310: {  	v4 =	vperm.xlane v3, v0;
	_ =	sdelay $0x1  }
0x311: {  	v3 =	vperm.xlane v3, v2;
	v4 =	vadd.s32 v1, v4;
	_ =	sdelay $0x1  }
0x312: {  	v3 =	vadd.s32 v1, v3;
	_ =	sdelay $0x1  }
0x313: {  	s23 =	simm.s32 $0xA200  }
0x314: {  	[tilespmem:s23], [sflag:$0x1] =	stream.indirect_vreg.gather [hbm4b:s14+s3], $0x80, v4, vm0, $0xb8;
	[tilespmem:$0x18200] =	vst v63  }
0x315: {  	s26 =	simm.s32 $0xAA00  }
0x316: {  	[tilespmem:s26], [sflag:$0x1] =	stream.indirect_vreg.gather [hbm4b:s14+s3], $0x80, v3, vm0, $0xb8;
	[tilespmem:$0x18200] =	vst v63  }
0x317: {  	v3 =	vld [tilespmem:$0x1B0];
	_ =	sdelay $0x4  }
0x318: {  	v27 =	vshll.u32 v3, $0x1  }
0x319: {  	v3 =	vand.u32 $0x7, v3;
	v4 =	vand.u32 $0xFFFFFFF0, v27  }
0x31a: {  	v3 =	vor.u32 v3, v4  }
0x31b: {  	v4 =	vperm.xlane v3, v0;
	_ =	sdelay $0x1  }
0x31c: {  	v3 =	vperm.xlane v3, v2;
	v4 =	vadd.s32 v1, v4;
	_ =	sdelay $0x1  }
0x31d: {  	v3 =	vadd.s32 v1, v3;
	_ =	sdelay $0x1  }
0x31e: {  	s11 =	simm.s32 $0xB200  }
0x31f: {  	[tilespmem:s11], [sflag:$0x1] =	stream.indirect_vreg.gather [hbm4b:s14+s3], $0x80, v4, vm0, $0xb8;
	[tilespmem:$0x18200] =	vst v63  }
0x320: {  	s23 =	simm.s32 $0xBA00  }
0x321: {  	[tilespmem:s23], [sflag:$0x1] =	stream.indirect_vreg.gather [hbm4b:s14+s3], $0x80, v3, vm0, $0xb8;
	[tilespmem:$0x18200] =	vst v63  }
0x322: {  	s23 =	rddreg [dreg:$0x11]  }
0x323: {  	s26 =	sadd.s32 s23, s2  }
0x324: {  	[hbm:s26], [sflag:s7] =	dma.local [spmem:s10], $0x800  }
0x325: {  	_ =	swait.ge [sflag:s24], $0x4000  }
0x326: {  	[sflag:s24] =	ssyncset.done $0x0  }
0x327: {  	[sflag:s24] =	ssyncadd.s32 $0xFFFFC000  }
0x328: {  	_ =	swait.ge [sflag:s6], $0x800  }
0x329: {  	[sflag:s6] =	ssyncset.done $0x0  }
0x32a: {  	s0 =	simm.s32 $0x200;
	[sflag:s6] =	ssyncadd.s32 $0xFFFFF800  }
0x32b: {  	[spmem:s12] =	stream.linear.scatter [tilespmem:s0], [sflag:$0x3], $0x4000, $0x38;
	[tilespmem:$0x18200] =	vst v63  }
0x32c: {  	_ =	swait.ge [sflag:s19], $0x4000  }
0x32d: {  	[sflag:s19] =	ssyncset.done $0x0  }
0x32e: {  	[sflag:s19] =	ssyncadd.s32 $0xFFFFC000  }
0x32f: {  	v3 =	vld [tilespmem:$0x1C0];
	_ =	sdelay $0x4  }
0x330: {  	v28 =	vshll.u32 v3, $0x1  }
0x331: {  	v3 =	vand.u32 $0x7, v3;
	v4 =	vand.u32 $0xFFFFFFF0, v28  }
0x332: {  	v3 =	vor.u32 v3, v4  }
0x333: {  	v4 =	vperm.xlane v3, v0;
	_ =	sdelay $0x1  }
0x334: {  	v3 =	vperm.xlane v3, v2;
	v4 =	vadd.s32 v1, v4;
	_ =	sdelay $0x1  }
0x335: {  	v3 =	vadd.s32 v1, v3;
	_ =	sdelay $0x2  }
0x336: {  	[tilespmem:s28], [sflag:$0x1] =	stream.indirect_vreg.gather [hbm4b:s14+s3], $0x80, v4, vm0, $0xb8;
	[tilespmem:$0x18200] =	vst v63  }
0x337: {  	_ = 	snop  }
0x338: {  	[tilespmem:s31], [sflag:$0x1] =	stream.indirect_vreg.gather [hbm4b:s14+s3], $0x80, v3, vm0, $0xb8;
	[tilespmem:$0x18200] =	vst v63  }
0x339: {  	v3 =	vld [tilespmem:$0x1D0];
	_ =	sdelay $0x4  }
0x33a: {  	v29 =	vshll.u32 v3, $0x1  }
0x33b: {  	v3 =	vand.u32 $0x7, v3;
	v4 =	vand.u32 $0xFFFFFFF0, v29  }
0x33c: {  	v3 =	vor.u32 v3, v4  }
0x33d: {  	v4 =	vperm.xlane v3, v0;
	_ =	sdelay $0x1  }
0x33e: {  	v3 =	vperm.xlane v3, v2;
	v4 =	vadd.s32 v1, v4;
	_ =	sdelay $0x1  }
0x33f: {  	v3 =	vadd.s32 v1, v3;
	_ =	sdelay $0x1  }
0x340: {  	s8 =	simm.s32 $0xD200  }
0x341: {  	[tilespmem:s8], [sflag:$0x1] =	stream.indirect_vreg.gather [hbm4b:s14+s3], $0x80, v4, vm0, $0xb8;
	[tilespmem:$0x18200] =	vst v63  }
0x342: {  	s31 =	simm.s32 $0xDA00  }
0x343: {  	[tilespmem:s31], [sflag:$0x1] =	stream.indirect_vreg.gather [hbm4b:s14+s3], $0x80, v3, vm0, $0xb8;
	[tilespmem:$0x18200] =	vst v63  }
0x344: {  	v3 =	vld [tilespmem:$0x1E0];
	_ =	sdelay $0x4  }
0x345: {  	v30 =	vshll.u32 v3, $0x1  }
0x346: {  	v3 =	vand.u32 $0x7, v3;
	v4 =	vand.u32 $0xFFFFFFF0, v30  }
0x347: {  	v3 =	vor.u32 v3, v4  }
0x348: {  	v4 =	vperm.xlane v3, v0;
	_ =	sdelay $0x1  }
0x349: {  	v3 =	vperm.xlane v3, v2;
	v4 =	vadd.s32 v1, v4;
	_ =	sdelay $0x1  }
0x34a: {  	v3 =	vadd.s32 v1, v3;
	_ =	sdelay $0x1  }
0x34b: {  	s26 =	simm.s32 $0xE200  }
0x34c: {  	[tilespmem:s26], [sflag:$0x1] =	stream.indirect_vreg.gather [hbm4b:s14+s3], $0x80, v4, vm0, $0xb8;
	[tilespmem:$0x18200] =	vst v63  }
0x34d: {  	s28 =	simm.s32 $0xEA00  }
0x34e: {  	[tilespmem:s28], [sflag:$0x1] =	stream.indirect_vreg.gather [hbm4b:s14+s3], $0x80, v3, vm0, $0xb8;
	[tilespmem:$0x18200] =	vst v63  }
0x34f: {  	v3 =	vld [tilespmem:$0x1F0];
	_ =	sdelay $0x4  }
0x350: {  	v31 =	vshll.u32 v3, $0x1  }
0x351: {  	v3 =	vand.u32 $0x7, v3;
	v4 =	vand.u32 $0xFFFFFFF0, v31  }
0x352: {  	v3 =	vor.u32 v3, v4  }
0x353: {  	v4 =	vperm.xlane v3, v0;
	_ =	sdelay $0x1  }
0x354: {  	v3 =	vperm.xlane v3, v2;
	v4 =	vadd.s32 v1, v4;
	_ =	sdelay $0x1  }
0x355: {  	v3 =	vadd.s32 v1, v3;
	_ =	sdelay $0x1  }
0x356: {  	s31 =	simm.s32 $0xF200  }
0x357: {  	[tilespmem:s31], [sflag:$0x1] =	stream.indirect_vreg.gather [hbm4b:s14+s3], $0x80, v4, vm0, $0xb8;
	[tilespmem:$0x18200] =	vst v63  }
0x358: {  	s26 =	simm.s32 $0xFA00  }
0x359: {  	[tilespmem:s26], [sflag:$0x1] =	stream.indirect_vreg.gather [hbm4b:s14+s3], $0x80, v3, vm0, $0xb8;
	[tilespmem:$0x18200] =	vst v63  }
0x35a: {  	s26 =	rddreg [dreg:$0x12]  }
0x35b: {  	s28 =	sadd.s32 s26, s2  }
0x35c: {  	[hbm:s28], [sflag:s7] =	dma.local [spmem:s9], $0x800  }
0x35d: {  	_ =	swait.ge [sflag:s24], $0x4000  }
0x35e: {  	[sflag:s24] =	ssyncset.done $0x0  }
0x35f: {  	[sflag:s24] =	ssyncadd.s32 $0xFFFFC000  }
0x360: {  	_ =	swait.ge [sflag:s6], $0x800  }
0x361: {  	[sflag:s6] =	ssyncset.done $0x0  }
0x362: {  	s5 =	simm.s32 $0x4200;
	[sflag:s6] =	ssyncadd.s32 $0xFFFFF800  }
0x363: {  	[spmem:s13] =	stream.linear.scatter [tilespmem:s5], [sflag:$0x3], $0x4000, $0x38;
	[tilespmem:$0x18200] =	vst v63  }
0x364: {  	_ =	swait.ge [sflag:s19], $0x4000  }
0x365: {  	[sflag:s19] =	ssyncset.done $0x0  }
0x366: {  	[sflag:s19] =	ssyncadd.s32 $0xFFFFC000  }
0x367: {  	v3 =	vld [tilespmem:$0x0];
	_ =	sdelay $0x4  }
0x368: {  	v32 =	vshll.u32 v3, $0x1  }
0x369: {  	v3 =	vand.u32 $0x7, v3;
	v4 =	vand.u32 $0xFFFFFFF0, v32  }
0x36a: {  	v3 =	vor.u32 v3, v4  }
0x36b: {  	v4 =	vperm.xlane v3, v0;
	_ =	sdelay $0x1  }
0x36c: {  	v3 =	vperm.xlane v3, v2;
	v4 =	vadd.s32 v1, v4;
	_ =	sdelay $0x1  }
0x36d: {  	v3 =	vadd.s32 v1, v3;
	_ =	sdelay $0x2  }
0x36e: {  	[tilespmem:s0], [sflag:$0x1] =	stream.indirect_vreg.gather [hbm4b:s16+s3], $0x80, v4, vm0, $0xb8;
	[tilespmem:$0x18200] =	vst v63  }
0x36f: {  	s31 =	simm.s32 $0xA00  }
0x370: {  	[tilespmem:s31], [sflag:$0x1] =	stream.indirect_vreg.gather [hbm4b:s16+s3], $0x80, v3, vm0, $0xb8;
	[tilespmem:$0x18200] =	vst v63  }
0x371: {  	v3 =	vld [tilespmem:$0x10];
	_ =	sdelay $0x4  }
0x372: {  	v33 =	vshll.u32 v3, $0x1  }
0x373: {  	v3 =	vand.u32 $0x7, v3;
	v4 =	vand.u32 $0xFFFFFFF0, v33  }
0x374: {  	v3 =	vor.u32 v3, v4  }
0x375: {  	v4 =	vperm.xlane v3, v0;
	_ =	sdelay $0x1  }
0x376: {  	v3 =	vperm.xlane v3, v2;
	v4 =	vadd.s32 v1, v4;
	_ =	sdelay $0x1  }
0x377: {  	v3 =	vadd.s32 v1, v3;
	_ =	sdelay $0x1  }
0x378: {  	s11 =	simm.s32 $0x1200  }
0x379: {  	[tilespmem:s11], [sflag:$0x1] =	stream.indirect_vreg.gather [hbm4b:s16+s3], $0x80, v4, vm0, $0xb8;
	[tilespmem:$0x18200] =	vst v63  }
0x37a: {  	_ = 	snop  }
0x37b: {  	[tilespmem:s18], [sflag:$0x1] =	stream.indirect_vreg.gather [hbm4b:s16+s3], $0x80, v3, vm0, $0xb8;
	[tilespmem:$0x18200] =	vst v63  }
0x37c: {  	v3 =	vld [tilespmem:$0x20];
	_ =	sdelay $0x4  }
0x37d: {  	v34 =	vshll.u32 v3, $0x1  }
0x37e: {  	v3 =	vand.u32 $0x7, v3;
	v4 =	vand.u32 $0xFFFFFFF0, v34  }
0x37f: {  	v3 =	vor.u32 v3, v4  }
0x380: {  	v4 =	vperm.xlane v3, v0;
	_ =	sdelay $0x1  }
0x381: {  	v3 =	vperm.xlane v3, v2;
	v4 =	vadd.s32 v1, v4;
	_ =	sdelay $0x1  }
0x382: {  	v3 =	vadd.s32 v1, v3;
	_ =	sdelay $0x1  }
0x383: {  	s28 =	simm.s32 $0x2200  }
0x384: {  	[tilespmem:s28], [sflag:$0x1] =	stream.indirect_vreg.gather [hbm4b:s16+s3], $0x80, v4, vm0, $0xb8;
	[tilespmem:$0x18200] =	vst v63  }
0x385: {  	_ = 	snop  }
0x386: {  	[tilespmem:s20], [sflag:$0x1] =	stream.indirect_vreg.gather [hbm4b:s16+s3], $0x80, v3, vm0, $0xb8;
	[tilespmem:$0x18200] =	vst v63  }
0x387: {  	v3 =	vld [tilespmem:$0x30];
	_ =	sdelay $0x4  }
0x388: {  	v35 =	vshll.u32 v3, $0x1  }
0x389: {  	v3 =	vand.u32 $0x7, v3;
	v4 =	vand.u32 $0xFFFFFFF0, v35  }
0x38a: {  	v3 =	vor.u32 v3, v4  }
0x38b: {  	v4 =	vperm.xlane v3, v0;
	_ =	sdelay $0x1  }
0x38c: {  	v3 =	vperm.xlane v3, v2;
	v4 =	vadd.s32 v1, v4;
	_ =	sdelay $0x1  }
0x38d: {  	v3 =	vadd.s32 v1, v3;
	_ =	sdelay $0x1  }
0x38e: {  	s31 =	simm.s32 $0x3200;
	s28 =	rddreg [dreg:$0x13]  }
0x38f: {  	[tilespmem:s31], [sflag:$0x1] =	stream.indirect_vreg.gather [hbm4b:s16+s3], $0x80, v4, vm0, $0xb8;
	[tilespmem:$0x18200] =	vst v63  }
0x390: {  	s0 =	sadd.s32 s28, s2  }
0x391: {  	[tilespmem:s25], [sflag:$0x1] =	stream.indirect_vreg.gather [hbm4b:s16+s3], $0x80, v3, vm0, $0xb8;
	[tilespmem:$0x18200] =	vst v63  }
0x392: {  	[hbm:s0], [sflag:s7] =	dma.local [spmem:s10], $0x800  }
0x393: {  	_ =	swait.ge [sflag:s24], $0x4000  }
0x394: {  	[sflag:s24] =	ssyncset.done $0x0  }
0x395: {  	[sflag:s24] =	ssyncadd.s32 $0xFFFFC000  }
0x396: {  	_ =	swait.ge [sflag:s6], $0x800  }
0x397: {  	[sflag:s6] =	ssyncset.done $0x0  }
0x398: {  	s0 =	simm.s32 $0x8200;
	[sflag:s6] =	ssyncadd.s32 $0xFFFFF800  }
0x399: {  	[spmem:s12] =	stream.linear.scatter [tilespmem:s0], [sflag:$0x3], $0x4000, $0x38;
	[tilespmem:$0x18200] =	vst v63  }
0x39a: {  	_ =	swait.ge [sflag:s19], $0x4000  }
0x39b: {  	[sflag:s19] =	ssyncset.done $0x0  }
0x39c: {  	[sflag:s19] =	ssyncadd.s32 $0xFFFFC000  }
0x39d: {  	v3 =	vld [tilespmem:$0x40];
	_ =	sdelay $0x4  }
0x39e: {  	v36 =	vshll.u32 v3, $0x1  }
0x39f: {  	v3 =	vand.u32 $0x7, v3;
	v4 =	vand.u32 $0xFFFFFFF0, v36  }
0x3a0: {  	v3 =	vor.u32 v3, v4  }
0x3a1: {  	v4 =	vperm.xlane v3, v0;
	_ =	sdelay $0x1  }
0x3a2: {  	v3 =	vperm.xlane v3, v2;
	v4 =	vadd.s32 v1, v4;
	_ =	sdelay $0x1  }
0x3a3: {  	v3 =	vadd.s32 v1, v3;
	_ =	sdelay $0x2  }
0x3a4: {  	[tilespmem:s5], [sflag:$0x1] =	stream.indirect_vreg.gather [hbm4b:s16+s3], $0x80, v4, vm0, $0xb8;
	[tilespmem:$0x18200] =	vst v63  }
0x3a5: {  	_ = 	snop  }
0x3a6: {  	[tilespmem:s30], [sflag:$0x1] =	stream.indirect_vreg.gather [hbm4b:s16+s3], $0x80, v3, vm0, $0xb8;
	[tilespmem:$0x18200] =	vst v63  }
0x3a7: {  	v3 =	vld [tilespmem:$0x50];
	_ =	sdelay $0x4  }
0x3a8: {  	v37 =	vshll.u32 v3, $0x1  }
0x3a9: {  	v3 =	vand.u32 $0x7, v3;
	v4 =	vand.u32 $0xFFFFFFF0, v37  }
0x3aa: {  	v3 =	vor.u32 v3, v4  }
0x3ab: {  	v4 =	vperm.xlane v3, v0;
	_ =	sdelay $0x1  }
0x3ac: {  	v3 =	vperm.xlane v3, v2;
	v4 =	vadd.s32 v1, v4;
	_ =	sdelay $0x1  }
0x3ad: {  	v3 =	vadd.s32 v1, v3;
	_ =	sdelay $0x1  }
0x3ae: {  	s11 =	simm.s32 $0x5200  }
0x3af: {  	[tilespmem:s11], [sflag:$0x1] =	stream.indirect_vreg.gather [hbm4b:s16+s3], $0x80, v4, vm0, $0xb8;
	[tilespmem:$0x18200] =	vst v63  }
0x3b0: {  	_ = 	snop  }
0x3b1: {  	[tilespmem:s15], [sflag:$0x1] =	stream.indirect_vreg.gather [hbm4b:s16+s3], $0x80, v3, vm0, $0xb8;
	[tilespmem:$0x18200] =	vst v63  }
0x3b2: {  	v3 =	vld [tilespmem:$0x60];
	_ =	sdelay $0x4  }
0x3b3: {  	v38 =	vshll.u32 v3, $0x1  }
0x3b4: {  	v3 =	vand.u32 $0x7, v3;
	v4 =	vand.u32 $0xFFFFFFF0, v38  }
0x3b5: {  	v3 =	vor.u32 v3, v4  }
0x3b6: {  	v4 =	vperm.xlane v3, v0;
	_ =	sdelay $0x1  }
0x3b7: {  	v3 =	vperm.xlane v3, v2;
	v4 =	vadd.s32 v1, v4;
	_ =	sdelay $0x1  }
0x3b8: {  	v3 =	vadd.s32 v1, v3;
	_ =	sdelay $0x1  }
0x3b9: {  	s25 =	simm.s32 $0x6200  }
0x3ba: {  	[tilespmem:s25], [sflag:$0x1] =	stream.indirect_vreg.gather [hbm4b:s16+s3], $0x80, v4, vm0, $0xb8;
	[tilespmem:$0x18200] =	vst v63  }
0x3bb: {  	_ = 	snop  }
0x3bc: {  	[tilespmem:s17], [sflag:$0x1] =	stream.indirect_vreg.gather [hbm4b:s16+s3], $0x80, v3, vm0, $0xb8;
	[tilespmem:$0x18200] =	vst v63  }
0x3bd: {  	v3 =	vld [tilespmem:$0x70];
	_ =	sdelay $0x4  }
0x3be: {  	v39 =	vshll.u32 v3, $0x1  }
0x3bf: {  	v3 =	vand.u32 $0x7, v3;
	v4 =	vand.u32 $0xFFFFFFF0, v39  }
0x3c0: {  	v3 =	vor.u32 v3, v4  }
0x3c1: {  	v4 =	vperm.xlane v3, v0;
	_ =	sdelay $0x1  }
0x3c2: {  	v4 =	vadd.s32 v1, v4  }
0x3c3: {  	v3 =	vperm.xlane v3, v2;
	_ =	sdelay $0x1  }
0x3c4: {  	v3 =	vadd.s32 v1, v3  }
0x3c5: {  	s30 =	simm.s32 $0x7200  }
0x3c6: {  	[tilespmem:s30], [sflag:$0x1] =	stream.indirect_vreg.gather [hbm4b:s16+s3], $0x80, v4, vm0, $0xb8;
	[tilespmem:$0x18200] =	vst v63  }
0x3c7: {  	s30 =	rddreg [dreg:$0x14]  }
0x3c8: {  	s31 =	simm.s32 $0x7A00;
	s5 =	sadd.s32 s30, s2  }
0x3c9: {  	[tilespmem:s31], [sflag:$0x1] =	stream.indirect_vreg.gather [hbm4b:s16+s3], $0x80, v3, vm0, $0xb8;
	[tilespmem:$0x18200] =	vst v63  }
0x3ca: {  	[hbm:s5], [sflag:s7] =	dma.local [spmem:s9], $0x800  }
0x3cb: {  	_ =	swait.ge [sflag:s24], $0x4000  }
0x3cc: {  	[sflag:s24] =	ssyncset.done $0x0  }
0x3cd: {  	[sflag:s24] =	ssyncadd.s32 $0xFFFFC000  }
0x3ce: {  	_ =	swait.ge [sflag:s6], $0x800  }
0x3cf: {  	[sflag:s6] =	ssyncset.done $0x0  }
0x3d0: {  	s5 =	simm.s32 $0xC200;
	[sflag:s6] =	ssyncadd.s32 $0xFFFFF800  }
0x3d1: {  	[spmem:s13] =	stream.linear.scatter [tilespmem:s5], [sflag:$0x3], $0x4000, $0x38;
	[tilespmem:$0x18200] =	vst v63  }
0x3d2: {  	_ =	swait.ge [sflag:s19], $0x4000  }
0x3d3: {  	[sflag:s19] =	ssyncset.done $0x0  }
0x3d4: {  	[sflag:s19] =	ssyncadd.s32 $0xFFFFC000  }
0x3d5: {  	v3 =	vld [tilespmem:$0x80];
	_ =	sdelay $0x4  }
0x3d6: {  	v40 =	vshll.u32 v3, $0x1  }
0x3d7: {  	v3 =	vand.u32 $0x7, v3;
	v4 =	vand.u32 $0xFFFFFFF0, v40  }
0x3d8: {  	v3 =	vor.u32 v3, v4  }
0x3d9: {  	v4 =	vperm.xlane v3, v0;
	_ =	sdelay $0x1  }
0x3da: {  	v3 =	vperm.xlane v3, v2;
	v4 =	vadd.s32 v1, v4;
	_ =	sdelay $0x1  }
0x3db: {  	v3 =	vadd.s32 v1, v3;
	_ =	sdelay $0x2  }
0x3dc: {  	[tilespmem:s0], [sflag:$0x1] =	stream.indirect_vreg.gather [hbm4b:s16+s3], $0x80, v4, vm0, $0xb8;
	[tilespmem:$0x18200] =	vst v63  }
0x3dd: {  	s11 =	simm.s32 $0x8A00  }
0x3de: {  	[tilespmem:s11], [sflag:$0x1] =	stream.indirect_vreg.gather [hbm4b:s16+s3], $0x80, v3, vm0, $0xb8;
	[tilespmem:$0x18200] =	vst v63  }
0x3df: {  	v3 =	vld [tilespmem:$0x90];
	_ =	sdelay $0x4  }
0x3e0: {  	v41 =	vshll.u32 v3, $0x1  }
0x3e1: {  	v3 =	vand.u32 $0x7, v3;
	v4 =	vand.u32 $0xFFFFFFF0, v41  }
0x3e2: {  	v3 =	vor.u32 v3, v4  }
0x3e3: {  	v4 =	vperm.xlane v3, v0;
	_ =	sdelay $0x1  }
0x3e4: {  	v3 =	vperm.xlane v3, v2;
	v4 =	vadd.s32 v1, v4;
	_ =	sdelay $0x1  }
0x3e5: {  	v3 =	vadd.s32 v1, v3;
	_ =	sdelay $0x1  }
0x3e6: {  	s17 =	simm.s32 $0x9200  }
0x3e7: {  	[tilespmem:s17], [sflag:$0x1] =	stream.indirect_vreg.gather [hbm4b:s16+s3], $0x80, v4, vm0, $0xb8;
	[tilespmem:$0x18200] =	vst v63  }
0x3e8: {  	_ = 	snop  }
0x3e9: {  	[tilespmem:s29], [sflag:$0x1] =	stream.indirect_vreg.gather [hbm4b:s16+s3], $0x80, v3, vm0, $0xb8;
	[tilespmem:$0x18200] =	vst v63  }
0x3ea: {  	v3 =	vld [tilespmem:$0xA0];
	_ =	sdelay $0x4  }
0x3eb: {  	v42 =	vshll.u32 v3, $0x1  }
0x3ec: {  	v3 =	vand.u32 $0x7, v3;
	v4 =	vand.u32 $0xFFFFFFF0, v42  }
0x3ed: {  	v3 =	vor.u32 v3, v4  }
0x3ee: {  	v4 =	vperm.xlane v3, v0;
	_ =	sdelay $0x1  }
0x3ef: {  	v3 =	vperm.xlane v3, v2;
	v4 =	vadd.s32 v1, v4;
	_ =	sdelay $0x1  }
0x3f0: {  	v3 =	vadd.s32 v1, v3;
	_ =	sdelay $0x1  }
0x3f1: {  	s25 =	simm.s32 $0xA200  }
0x3f2: {  	[tilespmem:s25], [sflag:$0x1] =	stream.indirect_vreg.gather [hbm4b:s16+s3], $0x80, v4, vm0, $0xb8;
	[tilespmem:$0x18200] =	vst v63  }
0x3f3: {  	s29 =	simm.s32 $0xAA00  }
0x3f4: {  	[tilespmem:s29], [sflag:$0x1] =	stream.indirect_vreg.gather [hbm4b:s16+s3], $0x80, v3, vm0, $0xb8;
	[tilespmem:$0x18200] =	vst v63  }
0x3f5: {  	v3 =	vld [tilespmem:$0xB0];
	_ =	sdelay $0x4  }
0x3f6: {  	v43 =	vshll.u32 v3, $0x1  }
0x3f7: {  	v3 =	vand.u32 $0x7, v3;
	v4 =	vand.u32 $0xFFFFFFF0, v43  }
0x3f8: {  	v3 =	vor.u32 v3, v4  }
0x3f9: {  	v4 =	vperm.xlane v3, v0;
	_ =	sdelay $0x1  }
0x3fa: {  	v4 =	vadd.s32 v1, v4  }
0x3fb: {  	v3 =	vperm.xlane v3, v2;
	_ =	sdelay $0x1  }
0x3fc: {  	v3 =	vadd.s32 v1, v3  }
0x3fd: {  	s31 =	simm.s32 $0xB200  }
0x3fe: {  	[tilespmem:s31], [sflag:$0x1] =	stream.indirect_vreg.gather [hbm4b:s16+s3], $0x80, v4, vm0, $0xb8;
	[tilespmem:$0x18200] =	vst v63  }
0x3ff: {  	s31 =	rddreg [dreg:$0x15]  }
0x400: {  	s0 =	simm.s32 $0xBA00;
	s2 =	sadd.s32 s31, s2  }
0x401: {  	[tilespmem:s0], [sflag:$0x1] =	stream.indirect_vreg.gather [hbm4b:s16+s3], $0x80, v3, vm0, $0xb8;
	[tilespmem:$0x18200] =	vst v63  }
0x402: {  	[hbm:s2], [sflag:s7] =	dma.local [spmem:s10], $0x800  }
0x403: {  	_ =	swait.ge [sflag:s24], $0x4000  }
0x404: {  	[sflag:s24] =	ssyncset.done $0x0  }
0x405: {  	[sflag:s24] =	ssyncadd.s32 $0xFFFFC000  }
0x406: {  	_ =	swait.ge [sflag:s6], $0x800  }
0x407: {  	[sflag:s6] =	ssyncset.done $0x0  }
0x408: {  	s29 =	simm.s32 $0x200;
	[sflag:s6] =	ssyncadd.s32 $0xFFFFF800  }
0x409: {  	[spmem:s12] =	stream.linear.scatter [tilespmem:s29], [sflag:$0x3], $0x4000, $0x38;
	[tilespmem:$0x18200] =	vst v63  }
0x40a: {  	_ =	swait.ge [sflag:s19], $0x4000  }
0x40b: {  	[sflag:s19] =	ssyncset.done $0x0  }
0x40c: {  	[sflag:s19] =	ssyncadd.s32 $0xFFFFC000  }
0x40d: {  	v3 =	vld [tilespmem:$0xC0];
	_ =	sdelay $0x4  }
0x40e: {  	v44 =	vshll.u32 v3, $0x1  }
0x40f: {  	v3 =	vand.u32 $0x7, v3;
	v4 =	vand.u32 $0xFFFFFFF0, v44  }
0x410: {  	v3 =	vor.u32 v3, v4  }
0x411: {  	v4 =	vperm.xlane v3, v0;
	_ =	sdelay $0x1  }
0x412: {  	v3 =	vperm.xlane v3, v2;
	v4 =	vadd.s32 v1, v4;
	_ =	sdelay $0x1  }
0x413: {  	v3 =	vadd.s32 v1, v3;
	_ =	sdelay $0x2  }
0x414: {  	[tilespmem:s5], [sflag:$0x1] =	stream.indirect_vreg.gather [hbm4b:s16+s3], $0x80, v4, vm0, $0xb8;
	[tilespmem:$0x18200] =	vst v63  }
0x415: {  	s11 =	simm.s32 $0xCA00  }
0x416: {  	[tilespmem:s11], [sflag:$0x1] =	stream.indirect_vreg.gather [hbm4b:s16+s3], $0x80, v3, vm0, $0xb8;
	[tilespmem:$0x18200] =	vst v63  }
0x417: {  	v3 =	vld [tilespmem:$0xD0];
	_ =	sdelay $0x4  }
0x418: {  	v45 =	vshll.u32 v3, $0x1  }
0x419: {  	v3 =	vand.u32 $0x7, v3;
	v4 =	vand.u32 $0xFFFFFFF0, v45  }
0x41a: {  	v3 =	vor.u32 v3, v4  }
0x41b: {  	v4 =	vperm.xlane v3, v0;
	_ =	sdelay $0x1  }
0x41c: {  	v3 =	vperm.xlane v3, v2;
	v4 =	vadd.s32 v1, v4;
	_ =	sdelay $0x1  }
0x41d: {  	v3 =	vadd.s32 v1, v3;
	_ =	sdelay $0x2  }
0x41e: {  	[tilespmem:s8], [sflag:$0x1] =	stream.indirect_vreg.gather [hbm4b:s16+s3], $0x80, v4, vm0, $0xb8;
	[tilespmem:$0x18200] =	vst v63  }
0x41f: {  	s2 =	simm.s32 $0xDA00  }
0x420: {  	[tilespmem:s2], [sflag:$0x1] =	stream.indirect_vreg.gather [hbm4b:s16+s3], $0x80, v3, vm0, $0xb8;
	[tilespmem:$0x18200] =	vst v63  }
0x421: {  	v3 =	vld [tilespmem:$0xE0];
	_ =	sdelay $0x4  }
0x422: {  	v46 =	vshll.u32 v3, $0x1  }
0x423: {  	v3 =	vand.u32 $0x7, v3;
	v4 =	vand.u32 $0xFFFFFFF0, v46  }
0x424: {  	v3 =	vor.u32 v3, v4  }
0x425: {  	v4 =	vperm.xlane v3, v0;
	_ =	sdelay $0x1  }
0x426: {  	v3 =	vperm.xlane v3, v2;
	v4 =	vadd.s32 v1, v4;
	_ =	sdelay $0x1  }
0x427: {  	v3 =	vadd.s32 v1, v3;
	_ =	sdelay $0x1  }
0x428: {  	s11 =	simm.s32 $0xE200  }
0x429: {  	[tilespmem:s11], [sflag:$0x1] =	stream.indirect_vreg.gather [hbm4b:s16+s3], $0x80, v4, vm0, $0xb8;
	[tilespmem:$0x18200] =	vst v63  }
0x42a: {  	s2 =	simm.s32 $0xEA00  }
0x42b: {  	[tilespmem:s2], [sflag:$0x1] =	stream.indirect_vreg.gather [hbm4b:s16+s3], $0x80, v3, vm0, $0xb8;
	[tilespmem:$0x18200] =	vst v63  }
0x42c: {  	v3 =	vld [tilespmem:$0xF0];
	_ =	sdelay $0x4  }
0x42d: {  	v47 =	vshll.u32 v3, $0x1  }
0x42e: {  	v3 =	vand.u32 $0x7, v3;
	v4 =	vand.u32 $0xFFFFFFF0, v47  }
0x42f: {  	v3 =	vor.u32 v3, v4  }
0x430: {  	v4 =	vperm.xlane v3, v0;
	_ =	sdelay $0x1  }
0x431: {  	v3 =	vperm.xlane v3, v2;
	v4 =	vadd.s32 v1, v4;
	_ =	sdelay $0x1  }
0x432: {  	v3 =	vadd.s32 v1, v3;
	_ =	sdelay $0x1  }
0x433: {  	s11 =	simm.s32 $0xF200  }
0x434: {  	[tilespmem:s11], [sflag:$0x1] =	stream.indirect_vreg.gather [hbm4b:s16+s3], $0x80, v4, vm0, $0xb8;
	[tilespmem:$0x18200] =	vst v63  }
0x435: {  	s2 =	simm.s32 $0xFA00  }
0x436: {  	[tilespmem:s2], [sflag:$0x1] =	stream.indirect_vreg.gather [hbm4b:s16+s3], $0x80, v3, vm0, $0xb8;
	[tilespmem:$0x18200] =	vst v63  }
0x437: {  	s2 =	rddreg [dreg:$0x18]  }
0x438: {  	s4 =	sadd.s32 s4, s2  }
0x439: {  	[hbm:s4], [sflag:s7] =	dma.local [spmem:s9], $0x800  }
0x43a: {  	_ =	swait.ge [sflag:s24], $0x4000  }
0x43b: {  	[sflag:s24] =	ssyncset.done $0x0  }
0x43c: {  	[sflag:s24] =	ssyncadd.s32 $0xFFFFC000  }
0x43d: {  	_ =	swait.ge [sflag:s6], $0x800  }
0x43e: {  	[sflag:s6] =	ssyncset.done $0x0  }
0x43f: {  	s0 =	simm.s32 $0x4200;
	[sflag:s6] =	ssyncadd.s32 $0xFFFFF800  }
0x440: {  	[spmem:s13] =	stream.linear.scatter [tilespmem:s0], [sflag:$0x3], $0x4000, $0x38;
	[tilespmem:$0x18200] =	vst v63  }
0x441: {  	_ =	swait.ge [sflag:s19], $0x4000  }
0x442: {  	[sflag:s19] =	ssyncset.done $0x0  }
0x443: {  	[sflag:s19] =	ssyncadd.s32 $0xFFFFC000  }
0x444: {  	v3 =	vld [tilespmem:$0x100];
	_ =	sdelay $0x4  }
0x445: {  	v48 =	vshll.u32 v3, $0x1  }
0x446: {  	v3 =	vand.u32 $0x7, v3;
	v4 =	vand.u32 $0xFFFFFFF0, v48  }
0x447: {  	v3 =	vor.u32 v3, v4  }
0x448: {  	v4 =	vperm.xlane v3, v0;
	_ =	sdelay $0x1  }
0x449: {  	v3 =	vperm.xlane v3, v2;
	v4 =	vadd.s32 v1, v4;
	_ =	sdelay $0x1  }
0x44a: {  	v3 =	vadd.s32 v1, v3;
	_ =	sdelay $0x2  }
0x44b: {  	[tilespmem:s29], [sflag:$0x1] =	stream.indirect_vreg.gather [hbm4b:s16+s3], $0x80, v4, vm0, $0xb8;
	[tilespmem:$0x18200] =	vst v63  }
0x44c: {  	s29 =	simm.s32 $0xA00  }
0x44d: {  	[tilespmem:s29], [sflag:$0x1] =	stream.indirect_vreg.gather [hbm4b:s16+s3], $0x80, v3, vm0, $0xb8;
	[tilespmem:$0x18200] =	vst v63  }
0x44e: {  	v3 =	vld [tilespmem:$0x110];
	_ =	sdelay $0x4  }
0x44f: {  	v49 =	vshll.u32 v3, $0x1  }
0x450: {  	v3 =	vand.u32 $0x7, v3;
	v4 =	vand.u32 $0xFFFFFFF0, v49  }
0x451: {  	v3 =	vor.u32 v3, v4  }
0x452: {  	v4 =	vperm.xlane v3, v0;
	_ =	sdelay $0x1  }
0x453: {  	v3 =	vperm.xlane v3, v2;
	v4 =	vadd.s32 v1, v4;
	_ =	sdelay $0x1  }
0x454: {  	v3 =	vadd.s32 v1, v3;
	_ =	sdelay $0x1  }
0x455: {  	s29 =	simm.s32 $0x1200  }
0x456: {  	[tilespmem:s29], [sflag:$0x1] =	stream.indirect_vreg.gather [hbm4b:s16+s3], $0x80, v4, vm0, $0xb8;
	[tilespmem:$0x18200] =	vst v63  }
0x457: {  	s18 =	simm.s32 $0x1A00  }
0x458: {  	[tilespmem:s18], [sflag:$0x1] =	stream.indirect_vreg.gather [hbm4b:s16+s3], $0x80, v3, vm0, $0xb8;
	[tilespmem:$0x18200] =	vst v63  }
0x459: {  	v3 =	vld [tilespmem:$0x120];
	_ =	sdelay $0x4  }
0x45a: {  	v50 =	vshll.u32 v3, $0x1  }
0x45b: {  	v3 =	vand.u32 $0x7, v3;
	v4 =	vand.u32 $0xFFFFFFF0, v50  }
0x45c: {  	v3 =	vor.u32 v3, v4  }
0x45d: {  	v4 =	vperm.xlane v3, v0;
	_ =	sdelay $0x1  }
0x45e: {  	v3 =	vperm.xlane v3, v2;
	v4 =	vadd.s32 v1, v4;
	_ =	sdelay $0x1  }
0x45f: {  	v3 =	vadd.s32 v1, v3;
	_ =	sdelay $0x1  }
0x460: {  	s18 =	simm.s32 $0x2200  }
0x461: {  	[tilespmem:s18], [sflag:$0x1] =	stream.indirect_vreg.gather [hbm4b:s16+s3], $0x80, v4, vm0, $0xb8;
	[tilespmem:$0x18200] =	vst v63  }
0x462: {  	s29 =	simm.s32 $0x2A00  }
0x463: {  	[tilespmem:s29], [sflag:$0x1] =	stream.indirect_vreg.gather [hbm4b:s16+s3], $0x80, v3, vm0, $0xb8;
	[tilespmem:$0x18200] =	vst v63  }
0x464: {  	v3 =	vld [tilespmem:$0x130];
	_ =	sdelay $0x4  }
0x465: {  	v51 =	vshll.u32 v3, $0x1  }
0x466: {  	v3 =	vand.u32 $0x7, v3;
	v4 =	vand.u32 $0xFFFFFFF0, v51  }
0x467: {  	v3 =	vor.u32 v3, v4  }
0x468: {  	v4 =	vperm.xlane v3, v0;
	_ =	sdelay $0x1  }
0x469: {  	v3 =	vperm.xlane v3, v2;
	v4 =	vadd.s32 v1, v4;
	_ =	sdelay $0x1  }
0x46a: {  	v3 =	vadd.s32 v1, v3;
	_ =	sdelay $0x1  }
0x46b: {  	s18 =	simm.s32 $0x3200  }
0x46c: {  	[tilespmem:s18], [sflag:$0x1] =	stream.indirect_vreg.gather [hbm4b:s16+s3], $0x80, v4, vm0, $0xb8;
	[tilespmem:$0x18200] =	vst v63  }
0x46d: {  	s29 =	simm.s32 $0x3A00;
	s18 =	sadd.s32 s21, s2  }
0x46e: {  	[tilespmem:s29], [sflag:$0x1] =	stream.indirect_vreg.gather [hbm4b:s16+s3], $0x80, v3, vm0, $0xb8;
	[tilespmem:$0x18200] =	vst v63  }
0x46f: {  	[hbm:s18], [sflag:s7] =	dma.local [spmem:s10], $0x800  }
0x470: {  	_ =	swait.ge [sflag:s24], $0x4000  }
0x471: {  	[sflag:s24] =	ssyncset.done $0x0  }
0x472: {  	[sflag:s24] =	ssyncadd.s32 $0xFFFFC000  }
0x473: {  	_ =	swait.ge [sflag:s6], $0x800  }
0x474: {  	[sflag:s6] =	ssyncset.done $0x0  }
0x475: {  	s15 =	simm.s32 $0x8200;
	[sflag:s6] =	ssyncadd.s32 $0xFFFFF800  }
0x476: {  	[spmem:s12] =	stream.linear.scatter [tilespmem:s15], [sflag:$0x3], $0x4000, $0x38;
	[tilespmem:$0x18200] =	vst v63  }
0x477: {  	_ =	swait.ge [sflag:s19], $0x4000  }
0x478: {  	[sflag:s19] =	ssyncset.done $0x0  }
0x479: {  	[sflag:s19] =	ssyncadd.s32 $0xFFFFC000  }
0x47a: {  	v3 =	vld [tilespmem:$0x140];
	_ =	sdelay $0x4  }
0x47b: {  	v52 =	vshll.u32 v3, $0x1  }
0x47c: {  	v3 =	vand.u32 $0x7, v3;
	v4 =	vand.u32 $0xFFFFFFF0, v52  }
0x47d: {  	v3 =	vor.u32 v3, v4  }
0x47e: {  	v4 =	vperm.xlane v3, v0;
	_ =	sdelay $0x1  }
0x47f: {  	v3 =	vperm.xlane v3, v2;
	v4 =	vadd.s32 v1, v4;
	_ =	sdelay $0x1  }
0x480: {  	v3 =	vadd.s32 v1, v3;
	_ =	sdelay $0x2  }
0x481: {  	[tilespmem:s0], [sflag:$0x1] =	stream.indirect_vreg.gather [hbm4b:s16+s3], $0x80, v4, vm0, $0xb8;
	[tilespmem:$0x18200] =	vst v63  }
0x482: {  	s20 =	simm.s32 $0x4A00  }
0x483: {  	[tilespmem:s20], [sflag:$0x1] =	stream.indirect_vreg.gather [hbm4b:s16+s3], $0x80, v3, vm0, $0xb8;
	[tilespmem:$0x18200] =	vst v63  }
0x484: {  	v3 =	vld [tilespmem:$0x150];
	_ =	sdelay $0x4  }
0x485: {  	v53 =	vshll.u32 v3, $0x1  }
0x486: {  	v3 =	vand.u32 $0x7, v3;
	v4 =	vand.u32 $0xFFFFFFF0, v53  }
0x487: {  	v3 =	vor.u32 v3, v4  }
0x488: {  	v4 =	vperm.xlane v3, v0;
	_ =	sdelay $0x1  }
0x489: {  	v3 =	vperm.xlane v3, v2;
	v4 =	vadd.s32 v1, v4;
	_ =	sdelay $0x1  }
0x48a: {  	v3 =	vadd.s32 v1, v3;
	_ =	sdelay $0x1  }
0x48b: {  	s21 =	simm.s32 $0x5200  }
0x48c: {  	[tilespmem:s21], [sflag:$0x1] =	stream.indirect_vreg.gather [hbm4b:s16+s3], $0x80, v4, vm0, $0xb8;
	[tilespmem:$0x18200] =	vst v63  }
0x48d: {  	s29 =	simm.s32 $0x5A00  }
0x48e: {  	[tilespmem:s29], [sflag:$0x1] =	stream.indirect_vreg.gather [hbm4b:s16+s3], $0x80, v3, vm0, $0xb8;
	[tilespmem:$0x18200] =	vst v63  }
0x48f: {  	v3 =	vld [tilespmem:$0x160];
	_ =	sdelay $0x4  }
0x490: {  	v54 =	vshll.u32 v3, $0x1  }
0x491: {  	v3 =	vand.u32 $0x7, v3;
	v4 =	vand.u32 $0xFFFFFFF0, v54  }
0x492: {  	v3 =	vor.u32 v3, v4  }
0x493: {  	v4 =	vperm.xlane v3, v0;
	_ =	sdelay $0x1  }
0x494: {  	v3 =	vperm.xlane v3, v2;
	v4 =	vadd.s32 v1, v4;
	_ =	sdelay $0x1  }
0x495: {  	v3 =	vadd.s32 v1, v3;
	_ =	sdelay $0x1  }
0x496: {  	s11 =	simm.s32 $0x6200  }
0x497: {  	[tilespmem:s11], [sflag:$0x1] =	stream.indirect_vreg.gather [hbm4b:s16+s3], $0x80, v4, vm0, $0xb8;
	[tilespmem:$0x18200] =	vst v63  }
0x498: {  	s20 =	simm.s32 $0x6A00  }
0x499: {  	[tilespmem:s20], [sflag:$0x1] =	stream.indirect_vreg.gather [hbm4b:s16+s3], $0x80, v3, vm0, $0xb8;
	[tilespmem:$0x18200] =	vst v63  }
0x49a: {  	v3 =	vld [tilespmem:$0x170];
	_ =	sdelay $0x4  }
0x49b: {  	v55 =	vshll.u32 v3, $0x1  }
0x49c: {  	v3 =	vand.u32 $0x7, v3;
	v4 =	vand.u32 $0xFFFFFFF0, v55  }
0x49d: {  	v3 =	vor.u32 v3, v4  }
0x49e: {  	v4 =	vperm.xlane v3, v0;
	_ =	sdelay $0x1  }
0x49f: {  	v3 =	vperm.xlane v3, v2;
	v4 =	vadd.s32 v1, v4;
	_ =	sdelay $0x1  }
0x4a0: {  	v3 =	vadd.s32 v1, v3;
	_ =	sdelay $0x1  }
0x4a1: {  	s21 =	simm.s32 $0x7200  }
0x4a2: {  	[tilespmem:s21], [sflag:$0x1] =	stream.indirect_vreg.gather [hbm4b:s16+s3], $0x80, v4, vm0, $0xb8;
	[tilespmem:$0x18200] =	vst v63  }
0x4a3: {  	s0 =	sadd.s32 s22, s2;
	s29 =	simm.s32 $0x7A00  }
0x4a4: {  	[tilespmem:s29], [sflag:$0x1] =	stream.indirect_vreg.gather [hbm4b:s16+s3], $0x80, v3, vm0, $0xb8;
	[tilespmem:$0x18200] =	vst v63  }
0x4a5: {  	[hbm:s0], [sflag:s7] =	dma.local [spmem:s9], $0x800  }
0x4a6: {  	_ =	swait.ge [sflag:s24], $0x4000  }
0x4a7: {  	[sflag:s24] =	ssyncset.done $0x0  }
0x4a8: {  	[sflag:s24] =	ssyncadd.s32 $0xFFFFC000  }
0x4a9: {  	_ =	swait.ge [sflag:s6], $0x800  }
0x4aa: {  	[sflag:s6] =	ssyncset.done $0x0  }
0x4ab: {  	s5 =	simm.s32 $0xC200;
	[sflag:s6] =	ssyncadd.s32 $0xFFFFF800  }
0x4ac: {  	[spmem:s13] =	stream.linear.scatter [tilespmem:s5], [sflag:$0x3], $0x4000, $0x38;
	[tilespmem:$0x18200] =	vst v63  }
0x4ad: {  	_ =	swait.ge [sflag:s19], $0x4000  }
0x4ae: {  	[sflag:s19] =	ssyncset.done $0x0  }
0x4af: {  	[sflag:s19] =	ssyncadd.s32 $0xFFFFC000  }
0x4b0: {  	v3 =	vld [tilespmem:$0x180];
	_ =	sdelay $0x4  }
0x4b1: {  	v56 =	vshll.u32 v3, $0x1  }
0x4b2: {  	v3 =	vand.u32 $0x7, v3;
	v4 =	vand.u32 $0xFFFFFFF0, v56  }
0x4b3: {  	v3 =	vor.u32 v3, v4  }
0x4b4: {  	v4 =	vperm.xlane v3, v0;
	_ =	sdelay $0x1  }
0x4b5: {  	v3 =	vperm.xlane v3, v2;
	v4 =	vadd.s32 v1, v4;
	_ =	sdelay $0x1  }
0x4b6: {  	v3 =	vadd.s32 v1, v3;
	_ =	sdelay $0x2  }
0x4b7: {  	[tilespmem:s15], [sflag:$0x1] =	stream.indirect_vreg.gather [hbm4b:s16+s3], $0x80, v4, vm0, $0xb8;
	[tilespmem:$0x18200] =	vst v63  }
0x4b8: {  	s11 =	simm.s32 $0x8A00  }
0x4b9: {  	[tilespmem:s11], [sflag:$0x1] =	stream.indirect_vreg.gather [hbm4b:s16+s3], $0x80, v3, vm0, $0xb8;
	[tilespmem:$0x18200] =	vst v63  }
0x4ba: {  	v3 =	vld [tilespmem:$0x190];
	_ =	sdelay $0x4  }
0x4bb: {  	v57 =	vshll.u32 v3, $0x1  }
0x4bc: {  	v3 =	vand.u32 $0x7, v3;
	v4 =	vand.u32 $0xFFFFFFF0, v57  }
0x4bd: {  	v3 =	vor.u32 v3, v4  }
0x4be: {  	v4 =	vperm.xlane v3, v0;
	_ =	sdelay $0x1  }
0x4bf: {  	v3 =	vperm.xlane v3, v2;
	v4 =	vadd.s32 v1, v4;
	_ =	sdelay $0x1  }
0x4c0: {  	v3 =	vadd.s32 v1, v3;
	_ =	sdelay $0x1  }
0x4c1: {  	s20 =	simm.s32 $0x9200  }
0x4c2: {  	[tilespmem:s20], [sflag:$0x1] =	stream.indirect_vreg.gather [hbm4b:s16+s3], $0x80, v4, vm0, $0xb8;
	[tilespmem:$0x18200] =	vst v63  }
0x4c3: {  	s21 =	simm.s32 $0x9A00  }
0x4c4: {  	[tilespmem:s21], [sflag:$0x1] =	stream.indirect_vreg.gather [hbm4b:s16+s3], $0x80, v3, vm0, $0xb8;
	[tilespmem:$0x18200] =	vst v63  }
0x4c5: {  	v3 =	vld [tilespmem:$0x1A0];
	_ =	sdelay $0x4  }
0x4c6: {  	v58 =	vshll.u32 v3, $0x1  }
0x4c7: {  	v3 =	vand.u32 $0x7, v3;
	v4 =	vand.u32 $0xFFFFFFF0, v58  }
0x4c8: {  	v3 =	vor.u32 v3, v4  }
0x4c9: {  	v4 =	vperm.xlane v3, v0;
	_ =	sdelay $0x1  }
0x4ca: {  	v3 =	vperm.xlane v3, v2;
	v4 =	vadd.s32 v1, v4;
	_ =	sdelay $0x1  }
0x4cb: {  	v3 =	vadd.s32 v1, v3;
	_ =	sdelay $0x1  }
0x4cc: {  	s22 =	simm.s32 $0xA200  }
0x4cd: {  	[tilespmem:s22], [sflag:$0x1] =	stream.indirect_vreg.gather [hbm4b:s16+s3], $0x80, v4, vm0, $0xb8;
	[tilespmem:$0x18200] =	vst v63  }
0x4ce: {  	s25 =	simm.s32 $0xAA00  }
0x4cf: {  	[tilespmem:s25], [sflag:$0x1] =	stream.indirect_vreg.gather [hbm4b:s16+s3], $0x80, v3, vm0, $0xb8;
	[tilespmem:$0x18200] =	vst v63  }
0x4d0: {  	v3 =	vld [tilespmem:$0x1B0];
	_ =	sdelay $0x4  }
0x4d1: {  	v59 =	vshll.u32 v3, $0x1  }
0x4d2: {  	v3 =	vand.u32 $0x7, v3;
	v4 =	vand.u32 $0xFFFFFFF0, v59  }
0x4d3: {  	v3 =	vor.u32 v3, v4  }
0x4d4: {  	v4 =	vperm.xlane v3, v0;
	_ =	sdelay $0x1  }
0x4d5: {  	v3 =	vperm.xlane v3, v2;
	v4 =	vadd.s32 v1, v4;
	_ =	sdelay $0x1  }
0x4d6: {  	v3 =	vadd.s32 v1, v3;
	_ =	sdelay $0x1  }
0x4d7: {  	s17 =	simm.s32 $0xB200  }
0x4d8: {  	[tilespmem:s17], [sflag:$0x1] =	stream.indirect_vreg.gather [hbm4b:s16+s3], $0x80, v4, vm0, $0xb8;
	[tilespmem:$0x18200] =	vst v63  }
0x4d9: {  	s29 =	sadd.s32 s23, s2;
	s0 =	rddreg [dreg:$0x16];
	s25 =	simm.s32 $0xBA00  }
0x4da: {  	[tilespmem:s25], [sflag:$0x1] =	stream.indirect_vreg.gather [hbm4b:s16+s3], $0x80, v3, vm0, $0xb8;
	[tilespmem:$0x18200] =	vst v63  }
0x4db: {  	[hbm:s29], [sflag:s7] =	dma.local [spmem:s10], $0x800  }
0x4dc: {  	_ =	swait.ge [sflag:s24], $0x4000  }
0x4dd: {  	[sflag:s24] =	ssyncset.done $0x0  }
0x4de: {  	[sflag:s24] =	ssyncadd.s32 $0xFFFFC000  }
0x4df: {  	_ =	swait.ge [sflag:s6], $0x800  }
0x4e0: {  	[sflag:s6] =	ssyncset.done $0x0  }
0x4e1: {  	s4 =	simm.s32 $0x200;
	[sflag:s6] =	ssyncadd.s32 $0xFFFFF800  }
0x4e2: {  	[spmem:s12] =	stream.linear.scatter [tilespmem:s4], [sflag:$0x3], $0x4000, $0x38;
	[tilespmem:$0x18200] =	vst v63  }
0x4e3: {  	_ =	swait.ge [sflag:s19], $0x4000  }
0x4e4: {  	[sflag:s19] =	ssyncset.done $0x0  }
0x4e5: {  	[sflag:s19] =	ssyncadd.s32 $0xFFFFC000  }
0x4e6: {  	v3 =	vld [tilespmem:$0x1C0];
	_ =	sdelay $0x4  }
0x4e7: {  	v60 =	vshll.u32 v3, $0x1  }
0x4e8: {  	v3 =	vand.u32 $0x7, v3;
	v4 =	vand.u32 $0xFFFFFFF0, v60  }
0x4e9: {  	v3 =	vor.u32 v3, v4  }
0x4ea: {  	v4 =	vperm.xlane v3, v0;
	_ =	sdelay $0x1  }
0x4eb: {  	v3 =	vperm.xlane v3, v2;
	v4 =	vadd.s32 v1, v4;
	_ =	sdelay $0x1  }
0x4ec: {  	v3 =	vadd.s32 v1, v3;
	_ =	sdelay $0x2  }
0x4ed: {  	[tilespmem:s5], [sflag:$0x1] =	stream.indirect_vreg.gather [hbm4b:s16+s3], $0x80, v4, vm0, $0xb8;
	[tilespmem:$0x18200] =	vst v63  }
0x4ee: {  	s17 =	simm.s32 $0xCA00  }
0x4ef: {  	[tilespmem:s17], [sflag:$0x1] =	stream.indirect_vreg.gather [hbm4b:s16+s3], $0x80, v3, vm0, $0xb8;
	[tilespmem:$0x18200] =	vst v63  }
0x4f0: {  	v3 =	vld [tilespmem:$0x1D0];
	_ =	sdelay $0x4  }
0x4f1: {  	v61 =	vshll.u32 v3, $0x1  }
0x4f2: {  	v3 =	vand.u32 $0x7, v3;
	v4 =	vand.u32 $0xFFFFFFF0, v61  }
0x4f3: {  	v3 =	vor.u32 v3, v4  }
0x4f4: {  	v4 =	vperm.xlane v3, v0;
	_ =	sdelay $0x1  }
0x4f5: {  	v3 =	vperm.xlane v3, v2;
	v4 =	vadd.s32 v1, v4;
	_ =	sdelay $0x1  }
0x4f6: {  	v3 =	vadd.s32 v1, v3;
	_ =	sdelay $0x1  }
0x4f7: {  	s8 =	simm.s32 $0xD200  }
0x4f8: {  	[tilespmem:s8], [sflag:$0x1] =	stream.indirect_vreg.gather [hbm4b:s16+s3], $0x80, v4, vm0, $0xb8;
	[tilespmem:$0x18200] =	vst v63  }
0x4f9: {  	s20 =	simm.s32 $0xDA00  }
0x4fa: {  	[tilespmem:s20], [sflag:$0x1] =	stream.indirect_vreg.gather [hbm4b:s16+s3], $0x80, v3, vm0, $0xb8;
	[tilespmem:$0x18200] =	vst v63  }
0x4fb: {  	v3 =	vld [tilespmem:$0x1E0];
	_ =	sdelay $0x4  }
0x4fc: {  	v62 =	vshll.u32 v3, $0x1  }
0x4fd: {  	v3 =	vand.u32 $0x7, v3;
	v4 =	vand.u32 $0xFFFFFFF0, v62  }
0x4fe: {  	v3 =	vor.u32 v3, v4  }
0x4ff: {  	v4 =	vperm.xlane v3, v0;
	_ =	sdelay $0x1  }
0x500: {  	v3 =	vperm.xlane v3, v2;
	v4 =	vadd.s32 v1, v4;
	_ =	sdelay $0x1  }
0x501: {  	v3 =	vadd.s32 v1, v3;
	_ =	sdelay $0x1  }
0x502: {  	s21 =	simm.s32 $0xE200  }
0x503: {  	[tilespmem:s21], [sflag:$0x1] =	stream.indirect_vreg.gather [hbm4b:s16+s3], $0x80, v4, vm0, $0xb8;
	[tilespmem:$0x18200] =	vst v63  }
0x504: {  	s22 =	simm.s32 $0xEA00  }
0x505: {  	[tilespmem:s22], [sflag:$0x1] =	stream.indirect_vreg.gather [hbm4b:s16+s3], $0x80, v3, vm0, $0xb8;
	[tilespmem:$0x18200] =	vst v63  }
0x506: {  	v3 =	vld [tilespmem:$0x1F0];
	_ =	sdelay $0x4  }
0x507: {  	v63 =	vshll.u32 v3, $0x1  }
0x508: {  	v3 =	vand.u32 $0x7, v3;
	v4 =	vand.u32 $0xFFFFFFF0, v63  }
0x509: {  	v3 =	vor.u32 v3, v4  }
0x50a: {  	v4 =	vperm.xlane v3, v0;
	_ =	sdelay $0x1  }
0x50b: {  	v3 =	vperm.xlane v3, v2;
	v4 =	vadd.s32 v1, v4;
	_ =	sdelay $0x1  }
0x50c: {  	v3 =	vadd.s32 v1, v3;
	_ =	sdelay $0x1  }
0x50d: {  	s23 =	simm.s32 $0xF200  }
0x50e: {  	[tilespmem:s23], [sflag:$0x1] =	stream.indirect_vreg.gather [hbm4b:s16+s3], $0x80, v4, vm0, $0xb8;
	[tilespmem:$0x18200] =	vst v63  }
0x50f: {  	s26 =	sadd.s32 s26, s2;
	s25 =	simm.s32 $0xFA00  }
0x510: {  	[tilespmem:s25], [sflag:$0x1] =	stream.indirect_vreg.gather [hbm4b:s16+s3], $0x80, v3, vm0, $0xb8;
	[tilespmem:$0x18200] =	vst v63  }
0x511: {  	[hbm:s26], [sflag:s7] =	dma.local [spmem:s9], $0x800  }
0x512: {  	_ =	swait.ge [sflag:s24], $0x4000  }
0x513: {  	[sflag:s24] =	ssyncset.done $0x0  }
0x514: {  	[sflag:s24] =	ssyncadd.s32 $0xFFFFC000  }
0x515: {  	_ =	swait.ge [sflag:s6], $0x800  }
0x516: {  	[sflag:s6] =	ssyncset.done $0x0  }
0x517: {  	s18 =	simm.s32 $0x4200;
	[sflag:s6] =	ssyncadd.s32 $0xFFFFF800  }
0x518: {  	[spmem:s13] =	stream.linear.scatter [tilespmem:s18], [sflag:$0x3], $0x4000, $0x38;
	[tilespmem:$0x18200] =	vst v63  }
0x519: {  	_ =	swait.ge [sflag:s19], $0x4000  }
0x51a: {  	[sflag:s19] =	ssyncset.done $0x0  }
0x51b: {  	s29 =	sadd.s32 s28, s2;
	[sflag:s19] =	ssyncadd.s32 $0xFFFFC000  }
0x51c: {  	[hbm:s29], [sflag:s7] =	dma.local [spmem:s10], $0x800  }
0x51d: {  	_ =	swait.ge [sflag:s24], $0x4000  }
0x51e: {  	[sflag:s24] =	ssyncset.done $0x0  }
0x51f: {  	[sflag:s24] =	ssyncadd.s32 $0xFFFFC000  }
0x520: {  	_ =	swait.ge [sflag:s6], $0x800  }
0x521: {  	[sflag:s6] =	ssyncset.done $0x0  }
0x522: {  	[sflag:s6] =	ssyncadd.s32 $0xFFFFF800  }
0x523: {  	[spmem:s12] =	stream.linear.scatter [tilespmem:s15], [sflag:$0x3], $0x4000, $0x38;
	[tilespmem:$0x18200] =	vst v63  }
0x524: {  	_ =	swait.ge [sflag:s19], $0x4000  }
0x525: {  	[sflag:s19] =	ssyncset.done $0x0  }
0x526: {  	s30 =	sadd.s32 s30, s2;
	[sflag:s19] =	ssyncadd.s32 $0xFFFFC000  }
0x527: {  	[hbm:s30], [sflag:s7] =	dma.local [spmem:s9], $0x800  }
0x528: {  	_ =	swait.ge [sflag:s24], $0x4000  }
0x529: {  	[sflag:s24] =	ssyncset.done $0x0  }
0x52a: {  	[sflag:s24] =	ssyncadd.s32 $0xFFFFC000  }
0x52b: {  	_ =	swait.ge [sflag:s6], $0x800  }
0x52c: {  	[sflag:s6] =	ssyncset.done $0x0  }
0x52d: {  	[sflag:s6] =	ssyncadd.s32 $0xFFFFF800  }
0x52e: {  	[spmem:s13] =	stream.linear.scatter [tilespmem:s5], [sflag:$0x3], $0x4000, $0x38;
	[tilespmem:$0x18200] =	vst v63  }
0x52f: {  	_ =	swait.ge [sflag:s19], $0x4000  }
0x530: {  	[sflag:s19] =	ssyncset.done $0x0  }
0x531: {  	s31 =	sadd.s32 s31, s2;
	[sflag:s19] =	ssyncadd.s32 $0xFFFFC000  }
0x532: {  	[hbm:s31], [sflag:s7] =	dma.local [spmem:s10], $0x800  }
0x533: {  	p0 =	sne.s32 s0, $0x1;
	_ =	swait.ge [sflag:s6], $0x800  }
.Ltmp0:
0x534: {  	[sflag:s6] =	ssyncset.done $0x0;
	(pc) =	sbr.rel @p0 .LBB2_1-.Ltmp0, $4  }
0x535: {  	[sflag:s6] =	ssyncadd.s32 $0xFFFFF800  }
0x536: {  	_ =	swait.ge [sflag:s6], $0x800  }
0x537: {  	[sflag:s6] =	ssyncset.done $0x0  }
0x538: {  	s0 =	sadd.s32 $0xFFFFFFFF, s0;
	[sflag:s6] =	ssyncadd.s32 $0xFFFFF800  }
0x539: {  	_ =	sfence.sel $0x180000  }
0x53a: {  	[bflag:$0x0] =	sbarrier.arrive $0xFFFF  }
0x53b: {  	_ =	strace $0x90000047  }
0x53c: {  	s0 =	stileid.u32;
	[bflag:$0x2] =	sbarrier.arrive $0xFFFF  }
0x53d: {  	p0 =	sne.s32 s0, $0x0;
	s0 =	rddreg [dreg:$0x4]  }
0x53e: {  	s0 =	sadd.s32 @!p0 $0x100000, s0  }
0x53f: {  	[sflag:s0] =	ssyncadd.tile.s32 @!p0 $0x1;
	_ =	shalt  }
.Lfunc_end2:
_tile_overlayer_lowered:
.L_overlay_start_2:
0x540: {  	(tag) =	ssettag $0x2  }
0x541: {  	s0 =	rddreg [dreg:$0x0];
	s2 =	stileid.u32  }
0x542: {  	s1 =	rddreg [dreg:$0x1];
	p0 =	sne.s32 s2, $0x0  }
0x543: {  	s3 =	rddreg [dreg:$0x2];
	[bflag:$0x3] =	sbarrier.arrive $0xFFFF;
	s2 =	simm.s32 @!p0 $0x1C03  }
0x544: {  	[timem:s3], [sflag:s2] =	dma.local @!p0 [hbm:s0], s1  }
0x545: {  	s0 =	simm.s32 @!p0 $0x3  }
0x546: {  	_ =	swait.ge @!p0 [sflag:s0], s1  }
0x547: {  	s1 =	ssub.s32 @!p0 $0x0, s1;
	[sflag:s0] =	ssyncset.done @!p0 $0x0  }
0x548: {  	[sflag:s0] =	ssyncadd.s32 @!p0 s1  }
0x549: {  	[bflag:$0x3] =	sbarrier.arrive $0xFFFF  }
0x54a: {  	_ =	shalt  }

</sc_bundles>
